<compile_context>
chip_gen: v7x
topology: tpu7x:2x2x1
jax: 0.10.2.dev20260603
libtpu: 0.0.44.dev20260713+nightly
codegen_flags: <defaults>
</compile_context>

<pallas_src>
import functools

import numpy as np
import jax
import jax.numpy as jnp
from jax import lax
from jax.experimental import pallas as pl
from jax.experimental.pallas import tpu as pltpu
from jax.experimental.pallas import tpu_sc as plsc

NF = 26
VOCAB = 1000
TOTAL = NF * VOCAB
EMB = 16
B = 1024
ND = 13
NPAIRS = (NF * (NF - 1)) // 2
NPOS = NF * NF
NPOSP = 704
NREAL = 680
WCOLS = NREAL * EMB
RCH = 85
SROWS = NPOSP * EMB // 128

_pairs = [(i, j) for i in range(NF) for j in range(i + 1, NF)]
_order = []
for _i, _j in _pairs:
    _order.append((_i, _j))
    _order.append((_j, _i))
_order += [(d, d) for d in range(NF)]
_order += [(0, 0)] * (NPOSP - NPOS)
_PI = np.array([p[0] for p in _order], dtype=np.int32)
_PJ = np.array([p[1] for p in _order], dtype=np.int32)
_OLD = (_PI * NF + _PJ)[:NREAL]
_COLBASE = _PJ * VOCAB * NF + _PI

NW = 32
NROWS = B * NPOSP
RPW = NROWS // NW
CH = 128
NCH = RPW // CH
GRP = 11
NGRP = NCH // GRP
FROWS = B * NF
FRPW = FROWS // NW
FCH = 64
FNCH = FRPW // FCH


def _sc_gather(emb_flat, idx3, f16, idxf3):
    mesh = plsc.VectorSubcoreMesh(core_axis_name="c", subcore_axis_name="s")
    nc = mesh.num_cores

    @functools.partial(
        pl.kernel,
        out_type=[
            jax.ShapeDtypeStruct((NROWS, EMB), jnp.float32),
            jax.ShapeDtypeStruct((FROWS, EMB), jnp.float32),
        ],
        mesh=mesh,
        compiler_params=pltpu.CompilerParams(use_tc_tiling_on_sc=False),
        scratch_types=(
            [pltpu.VMEM((NCH, CH), jnp.int32),
             pltpu.VMEM((FNCH, FCH), jnp.int32)]
            + [pltpu.VMEM((CH, EMB), jnp.float32) for _ in range(GRP)]
            + [pltpu.VMEM((FCH, EMB), jnp.float32) for _ in range(FNCH)]
            + [pltpu.SemaphoreType.DMA, pltpu.SemaphoreType.DMA]
        ),
    )
    def k(emb_hbm, idx_hbm, f_hbm, idxf_hbm, gout, fout, idx_v, idxf_v, *rest):
        bufs = rest[:GRP]
        fbufs = rest[GRP:GRP + FNCH]
        sem_g = rest[GRP + FNCH]
        sem_o = rest[GRP + FNCH + 1]
        wid = lax.axis_index("s") * nc + lax.axis_index("c")
        pltpu.sync_copy(idx_hbm.at[wid], idx_v)
        pltpu.sync_copy(idxf_hbm.at[wid], idxf_v)

        fbase = wid * FRPW
        fdescs = [pltpu.async_copy(f_hbm.at[idxf_v.at[c]], fbufs[c], sem_g)
                  for c in range(FNCH)]
        for d in fdescs:
            d.wait()
        odescs = [pltpu.async_copy(
            fbufs[c], fout.at[pl.ds(fbase + c * FCH, FCH)], sem_o)
            for c in range(FNCH)]
        for d in odescs:
            d.wait()

        base = wid * RPW

        def grp_body(g, carry):
            off = g * GRP
            descs = [pltpu.async_copy(
                emb_hbm.at[idx_v.at[off + c]], bufs[c], sem_g)
                for c in range(GRP)]
            for d in descs:
                d.wait()
            outs = [pltpu.async_copy(
                bufs[c], gout.at[pl.ds(base + (off + c) * CH, CH)], sem_o)
                for c in range(GRP)]
            for d in outs:
                d.wait()
            return carry

        lax.fori_loop(0, NGRP, grp_body, 0)

    return k(emb_flat, idx3, f16, idxf3)



def _tc0_body(t_ref, out_ref):
    out_ref[...] = jnp.swapaxes(t_ref[...], 0, 1)


def _tc0(tin):
    vch = 2048
    return pl.pallas_call(
        _tc0_body,
        grid=((TOTAL + vch - 1) // vch,),
        in_specs=[pl.BlockSpec((NF * EMB, vch), lambda k: (0, k))],
        out_specs=pl.BlockSpec((vch, NF * EMB), lambda k: (k, 0)),
        out_shape=jax.ShapeDtypeStruct((TOTAL, NF * EMB), jnp.float32),
    )(tin)



def _tc1_body(g_ref, xd_ref, wd_ref, bd_ref, w1_ref, b1_ref, out_ref, fm2_ref):
    xd = xd_ref[...]
    li = lax.broadcasted_iota(jnp.int32, (128, 128), 1)
    mask_left = (li % 32) < 16
    acc = jnp.zeros((128, 256), jnp.float32)
    fm = jnp.zeros((128, 1), jnp.float32)
    for r in range(RCH):
        c0 = r * 128
        g = g_ref[:, r, :]
        dense = lax.dot_general(xd, wd_ref[:, c0:c0 + 128],
                                (((1,), (0,)), ((), ())),
                                preferred_element_type=jnp.float32)
        dense = jnp.maximum(dense + bd_ref[c0:c0 + 128][None, :], 0.0)
        z = g + dense
        if r == RCH - 1:
            z = jnp.where(li < 64, z, 0.0)
        acc = acc + lax.dot_general(z, w1_ref[:, c0:c0 + 128],
                                    (((1,), (1,)), ((), ())),
                                    preferred_element_type=jnp.float32)
        if r <= 80:
            prod = jnp.where(mask_left, g * jnp.roll(g, -16, axis=1), 0.0)
            fm = fm + jnp.sum(prod, axis=1, keepdims=True)
        elif r == 81:
            m = mask_left & (li < 32)
            prod = jnp.where(m, g * jnp.roll(g, -16, axis=1), 0.0)
            fm = fm + jnp.sum(prod, axis=1, keepdims=True)
    out_ref[...] = acc + b1_ref[...][None, :]
    fm2_ref[...] = jnp.broadcast_to(fm, (128, 128))


def _tc1(g3, xd, wdT, bdp, w1p, b1):
    return pl.pallas_call(
        _tc1_body,
        grid=(B // 128,),
        in_specs=[
            pl.BlockSpec((128, SROWS, 128), lambda b: (b, 0, 0)),
            pl.BlockSpec((128, ND), lambda b: (b, 0)),
            pl.BlockSpec((ND, WCOLS), lambda b: (0, 0)),
            pl.BlockSpec((WCOLS,), lambda b: (0,)),
            pl.BlockSpec((256, WCOLS), lambda b: (0, 0)),
            pl.BlockSpec((256,), lambda b: (0,)),
        ],
        out_specs=[
            pl.BlockSpec((128, 256), lambda b: (b, 0)),
            pl.BlockSpec((128, 128), lambda b: (b, 0)),
        ],
        out_shape=[
            jax.ShapeDtypeStruct((B, 256), jnp.float32),
            jax.ShapeDtypeStruct((B, 128), jnp.float32),
        ],
    )(g3, xd, wdT, bdp, w1p, b1)



def _tc2_body(x_ref, fm2_ref, fg_ref, xd_ref, wfm_ref, bfm_ref, bias_ref,
              g1_ref, be1_ref, w2t_ref, b2_ref, g2_ref, be2_ref,
              wo_ref, bo_ref, out_ref):
    eps = 1e-5
    x = x_ref[...]
    m1 = jnp.mean(x, axis=0)
    v1 = jnp.mean(x * x, axis=0) - m1 * m1
    h1 = (x - m1[None, :]) * lax.rsqrt(v1[None, :] + eps)
    h1 = jnp.maximum(h1 * g1_ref[...][None, :] + be1_ref[...][None, :], 0.0)
    h2 = lax.dot_general(h1, w2t_ref[...], (((1,), (1,)), ((), ())),
                         preferred_element_type=jnp.float32)
    h2 = h2 + b2_ref[...][None, :]
    m2 = jnp.mean(h2, axis=0)
    v2 = jnp.mean(h2 * h2, axis=0) - m2 * m2
    h2 = (h2 - m2[None, :]) * lax.rsqrt(v2[None, :] + eps)
    h2 = jnp.maximum(h2 * g2_ref[...][None, :] + be2_ref[...][None, :], 0.0)
    d = jnp.sum(h2 * wo_ref[...], axis=1, keepdims=True) + bo_ref[...][None, :]
    fm1 = (jnp.sum(fg_ref[...], axis=1, keepdims=True)
           + bias_ref[...][None, :]
           + jnp.sum(xd_ref[...] * wfm_ref[...], axis=1, keepdims=True)
           + bfm_ref[...][None, :])
    fm2 = fm2_ref[:, :1]
    out_ref[...] = jax.nn.sigmoid(fm1 + fm2 + d)


def _tc2(out1, fm2, fg, xd, wfm, bfm, bias, g1, be1, w2t, b2, g2, be2, wo, bo):
    return pl.pallas_call(
        _tc2_body,
        out_shape=jax.ShapeDtypeStruct((B, 1), jnp.float32),
    )(out1, fm2, fg, xd, wfm, bfm, bias, g1, be1, w2t, b2, g2, be2, wo, bo)


def kernel(X_sparse, X_dense, fm1_emb, bias, w_fm1_dense, b_fm1_dense,
           emb_tables, w_dense, b_dense, w1, b1, g1, be1, w2, b2, g2, be2,
           w_out, b_out):
    pj = jnp.asarray(_PJ)
    colbase = jnp.asarray(_COLBASE)
    old = jnp.asarray(_OLD)
    idx = colbase[None, :] + X_sparse[:, pj] * NF
    idx3 = idx.reshape(NW, NCH, CH)
    offs = jnp.arange(NF, dtype=X_sparse.dtype) * VOCAB
    idxf = (X_sparse + offs[None, :]).reshape(NW, FNCH, FCH)

    tin = jnp.transpose(emb_tables, (0, 2, 1)).reshape(NF * EMB, TOTAL)
    emb_flat = _tc0(tin).reshape(NF * TOTAL, EMB)
    f16 = jnp.pad(fm1_emb, ((0, 0), (0, EMB - 1)))

    w1p = w1.reshape(256, NPOS, EMB)[:, old, :].reshape(256, WCOLS)
    wdT = jnp.swapaxes(w_dense, 0, 1).reshape(ND, NPOS, EMB)[:, old, :]
    wdT = wdT.reshape(ND, WCOLS)
    bdp = b_dense.reshape(NPOS, EMB)[old].reshape(WCOLS)

    gflat, fflat = _sc_gather(emb_flat, idx3, f16, idxf)
    g3 = gflat.reshape(B, SROWS, 128)
    fg = fflat.reshape(B, NF * EMB)

    out1, fm2 = _tc1(g3, X_dense, wdT, bdp, w1p, b1)
    return _tc2(out1, fm2, fg, X_dense, w_fm1_dense, b_fm1_dense, bias,
                g1, be1, w2, b2, g2, be2, w_out, b_out)

# --- scband reference (transcript-rebuilt; emitter-appended) ---
"""Pipeline reference for scband-deep-fm-3066606649824 (READ-ONLY COPY).

The authoritative reference and input builder live on the scoring server;
editing this copy changes nothing except your own understanding.
"""

import jax, jax.numpy as jnp
import numpy as np

NUM_FIELDS = 26
VOCAB = 1000
TOTAL = NUM_FIELDS * VOCAB
EMB = 16
B = 1024
NDENSE = 13
DNN_IN = NUM_FIELDS * NUM_FIELDS * EMB


def _xavier(k, shape):
    fan = shape[-2] + shape[-1]
    lim = np.sqrt(6.0 / fan)
    return jax.random.uniform(k, shape, jnp.float32, -lim, lim)


def setup_inputs(seed: int = 0):
    key = jax.random.key(seed)
    ks = jax.random.split(key, 16)
    inp = {}
    inp['X_sparse'] = jax.random.randint(ks[0], (B, NUM_FIELDS), 0, VOCAB, dtype=jnp.int32)
    inp['X_dense'] = jax.random.normal(ks[1], (B, NDENSE), jnp.float32)
    inp['fm1_emb'] = jax.random.normal(ks[2], (TOTAL, 1), jnp.float32) * 0.01
    inp['bias'] = jnp.zeros((1,), jnp.float32)
    inp['w_fm1_dense'] = _xavier(ks[3], (1, NDENSE))
    inp['b_fm1_dense'] = jnp.zeros((1,), jnp.float32)
    inp['emb_tables'] = _xavier(ks[4], (NUM_FIELDS, TOTAL, EMB))
    inp['w_dense'] = _xavier(ks[5], (DNN_IN, NDENSE))
    inp['b_dense'] = jnp.zeros((DNN_IN,), jnp.float32)
    inp['w1'] = _xavier(ks[6], (256, DNN_IN))
    inp['b1'] = jnp.zeros((256,), jnp.float32)
    inp['g1'] = jnp.ones((256,), jnp.float32)
    inp['be1'] = jnp.zeros((256,), jnp.float32)
    inp['w2'] = _xavier(ks[7], (128, 256))
    inp['b2'] = jnp.zeros((128,), jnp.float32)
    inp['g2'] = jnp.ones((128,), jnp.float32)
    inp['be2'] = jnp.zeros((128,), jnp.float32)
    inp['w_out'] = _xavier(ks[8], (1, 128))
    inp['b_out'] = jnp.zeros((1,), jnp.float32)
    return inp


def _batchnorm(x, g, b, eps=1e-5):
    m = jnp.mean(x, axis=0)
    v = jnp.var(x, axis=0)
    return (x - m) / jnp.sqrt(v + eps) * g + b


def reference(X_sparse, X_dense, fm1_emb, bias, w_fm1_dense, b_fm1_dense, emb_tables, w_dense, b_dense, w1, b1, g1, be1, w2, b2, g2, be2, w_out, b_out):
    offsets = jnp.arange(NUM_FIELDS, dtype=X_sparse.dtype) * VOCAB
    X = X_sparse + offsets[None, :]
    # FM first order
    fm_1st_sparse = jnp.sum(jnp.take(fm1_emb, X, axis=0), axis=1) + bias
    fm_1st = fm_1st_sparse + X_dense @ w_fm1_dense.T + b_fm1_dense
    # FFM second order: field-aware embeddings
    xs = [jnp.take(emb_tables[i], X, axis=0) for i in range(NUM_FIELDS)]  # each [B, 26, 16]
    ix = []
    for i in range(NUM_FIELDS - 1):
        for j in range(i + 1, NUM_FIELDS):
            ix.append(xs[j][:, i] * xs[i][:, j])
    ix = jnp.stack(ix, axis=1)
    fm_2nd = jnp.sum(jnp.sum(ix, axis=1), axis=1, keepdims=True)
    # DNN part
    dnn = jnp.concatenate(xs, axis=1).reshape(X.shape[0], -1)
    dense_out = jax.nn.relu(X_dense @ w_dense.T + b_dense)
    dnn = dnn + dense_out
    dnn = jax.nn.relu(_batchnorm(dnn @ w1.T + b1, g1, be1))
    dnn = jax.nn.relu(_batchnorm(dnn @ w2.T + b2, g2, be2))
    dnn = dnn @ w_out.T + b_out
    return jax.nn.sigmoid(fm_1st + fm_2nd + dnn)

if __name__ == "__main__":
    import jax
    _d = setup_inputs()
    print(jax.jit(kernel)(*tuple(_d.values())))

</pallas_src>

<mosaic_0001>
#map = affine_map<(d0, d1) -> (0, 0)>
#map1 = affine_map<(d0, d1) -> (0, 0, 0)>
module attributes {stable_mosaic.version = 14 : i64} {
  func.func @k(%arg0: i32, %arg1: i32, %arg2: memref<676000x16xf32, #tpu.memory_space<hbm>>, %arg3: memref<32x176x128xi32, #tpu.memory_space<hbm>>, %arg4: memref<26000x16xf32, #tpu.memory_space<hbm>>, %arg5: memref<32x13x64xi32, #tpu.memory_space<hbm>>, %arg6: memref<720896x16xf32, #tpu.memory_space<hbm>>, %arg7: memref<26624x16xf32, #tpu.memory_space<hbm>>, %arg8: memref<176x128xi32, #tpu.memory_space<vmem>>, %arg9: memref<13x64xi32, #tpu.memory_space<vmem>>, %arg10: memref<128x16xf32, #tpu.memory_space<vmem>>, %arg11: memref<128x16xf32, #tpu.memory_space<vmem>>, %arg12: memref<128x16xf32, #tpu.memory_space<vmem>>, %arg13: memref<128x16xf32, #tpu.memory_space<vmem>>, %arg14: memref<128x16xf32, #tpu.memory_space<vmem>>, %arg15: memref<128x16xf32, #tpu.memory_space<vmem>>, %arg16: memref<128x16xf32, #tpu.memory_space<vmem>>, %arg17: memref<128x16xf32, #tpu.memory_space<vmem>>, %arg18: memref<128x16xf32, #tpu.memory_space<vmem>>, %arg19: memref<128x16xf32, #tpu.memory_space<vmem>>, %arg20: memref<128x16xf32, #tpu.memory_space<vmem>>, %arg21: memref<64x16xf32, #tpu.memory_space<vmem>>, %arg22: memref<64x16xf32, #tpu.memory_space<vmem>>, %arg23: memref<64x16xf32, #tpu.memory_space<vmem>>, %arg24: memref<64x16xf32, #tpu.memory_space<vmem>>, %arg25: memref<64x16xf32, #tpu.memory_space<vmem>>, %arg26: memref<64x16xf32, #tpu.memory_space<vmem>>, %arg27: memref<64x16xf32, #tpu.memory_space<vmem>>, %arg28: memref<64x16xf32, #tpu.memory_space<vmem>>, %arg29: memref<64x16xf32, #tpu.memory_space<vmem>>, %arg30: memref<64x16xf32, #tpu.memory_space<vmem>>, %arg31: memref<64x16xf32, #tpu.memory_space<vmem>>, %arg32: memref<64x16xf32, #tpu.memory_space<vmem>>, %arg33: memref<64x16xf32, #tpu.memory_space<vmem>>, %arg34: memref<!tpu.dma_semaphore, #tpu.memory_space<semaphore_mem>>, %arg35: memref<!tpu.dma_semaphore, #tpu.memory_space<semaphore_mem>>) attributes {dimension_semantics = [#tpu.dimension_semantics<core_parallel>, #tpu.dimension_semantics<subcore_parallel>], iteration_bounds = array<i64: 2, 16>, scalar_prefetch = 0 : i64, scratch_operands = 28 : i64, tpu.core_type = #tpu.core_type<sc_vector_subcore>, window_params = [{transform_indices = #map}, {transform_indices = #map1}, {transform_indices = #map}, {transform_indices = #map1}, {transform_indices = #map}, {transform_indices = #map}]} {
    %mul3A = arith.constant 2 : i32
    %mul3A_0 = arith.muli %arg1, %mul3A : i32
    %add3A = arith.addi %mul3A_0, %arg0 : i32
    "tpu.region"() ({
      %run_scoped3A = tpu.sem_alloc : memref<!tpu.dma_semaphore, #tpu.memory_space<semaphore_mem>>
      %dma_start3A_320 = arith.constant 0 : i32
      %dma_start3A_321 = arith.constant 0 : i32
      %dma_start3A_322 = tpu.memref_slice %arg3[%add3A, %dma_start3A_320, %dma_start3A_321] : memref<32x176x128xi32, #tpu.memory_space<hbm>> -> memref<1x176x128xi32, #tpu.memory_space<hbm>>
      %dma_start3A_323 = tpu.memref_squeeze %dma_start3A_322 : memref<1x176x128xi32, #tpu.memory_space<hbm>> -> memref<176x128xi32, #tpu.memory_space<hbm>>
      %dma_start3A_324 = arith.constant 0 : i32
      %dma_start3A_325 = arith.constant 0 : i32
      %dma_start3A_326 = tpu.memref_slice %arg3[%add3A, %dma_start3A_324, %dma_start3A_325] : memref<32x176x128xi32, #tpu.memory_space<hbm>> -> memref<1x176x128xi32, #tpu.memory_space<hbm>>
      %dma_start3A_327 = tpu.memref_squeeze %dma_start3A_326 : memref<1x176x128xi32, #tpu.memory_space<hbm>> -> memref<176x128xi32, #tpu.memory_space<hbm>>
      tpu.enqueue_dma source(%dma_start3A_327 : memref<176x128xi32, #tpu.memory_space<hbm>>) target(%arg8 : memref<176x128xi32, #tpu.memory_space<vmem>>) target_semaphore(%run_scoped3A : memref<!tpu.dma_semaphore, #tpu.memory_space<semaphore_mem>>)
      %dma_wait3A_328 = arith.constant 0 : i32
      %dma_wait3A_329 = arith.constant 0 : i32
      %dma_wait3A_330 = tpu.memref_slice %arg3[%add3A, %dma_wait3A_328, %dma_wait3A_329] : memref<32x176x128xi32, #tpu.memory_space<hbm>> -> memref<1x176x128xi32, #tpu.memory_space<hbm>>
      %dma_wait3A_331 = tpu.memref_squeeze %dma_wait3A_330 : memref<1x176x128xi32, #tpu.memory_space<hbm>> -> memref<176x128xi32, #tpu.memory_space<hbm>>
      %dma_wait3A_332 = arith.constant 0 : i32
      %dma_wait3A_333 = arith.constant 0 : i32
      %dma_wait3A_334 = tpu.memref_slice %arg3[%add3A, %dma_wait3A_332, %dma_wait3A_333] : memref<32x176x128xi32, #tpu.memory_space<hbm>> -> memref<1x176x128xi32, #tpu.memory_space<hbm>>
      %dma_wait3A_335 = tpu.memref_squeeze %dma_wait3A_334 : memref<1x176x128xi32, #tpu.memory_space<hbm>> -> memref<176x128xi32, #tpu.memory_space<hbm>>
      tpu.wait_dma2 semaphore(%run_scoped3A : memref<!tpu.dma_semaphore, #tpu.memory_space<semaphore_mem>>) src(%dma_wait3A_335 : memref<176x128xi32, #tpu.memory_space<hbm>>) dst(%arg8 : memref<176x128xi32, #tpu.memory_space<vmem>>)
      tpu.yield
    }) : () -> ()
    "tpu.region"() ({
      %run_scoped3A = tpu.sem_alloc : memref<!tpu.dma_semaphore, #tpu.memory_space<semaphore_mem>>
      %dma_start3A_320 = arith.constant 0 : i32
      %dma_start3A_321 = arith.constant 0 : i32
      %dma_start3A_322 = tpu.memref_slice %arg5[%add3A, %dma_start3A_320, %dma_start3A_321] : memref<32x13x64xi32, #tpu.memory_space<hbm>> -> memref<1x13x64xi32, #tpu.memory_space<hbm>>
      %dma_start3A_323 = tpu.memref_squeeze %dma_start3A_322 : memref<1x13x64xi32, #tpu.memory_space<hbm>> -> memref<13x64xi32, #tpu.memory_space<hbm>>
      %dma_start3A_324 = arith.constant 0 : i32
      %dma_start3A_325 = arith.constant 0 : i32
      %dma_start3A_326 = tpu.memref_slice %arg5[%add3A, %dma_start3A_324, %dma_start3A_325] : memref<32x13x64xi32, #tpu.memory_space<hbm>> -> memref<1x13x64xi32, #tpu.memory_space<hbm>>
      %dma_start3A_327 = tpu.memref_squeeze %dma_start3A_326 : memref<1x13x64xi32, #tpu.memory_space<hbm>> -> memref<13x64xi32, #tpu.memory_space<hbm>>
      tpu.enqueue_dma source(%dma_start3A_327 : memref<13x64xi32, #tpu.memory_space<hbm>>) target(%arg9 : memref<13x64xi32, #tpu.memory_space<vmem>>) target_semaphore(%run_scoped3A : memref<!tpu.dma_semaphore, #tpu.memory_space<semaphore_mem>>)
      %dma_wait3A_328 = arith.constant 0 : i32
      %dma_wait3A_329 = arith.constant 0 : i32
      %dma_wait3A_330 = tpu.memref_slice %arg5[%add3A, %dma_wait3A_328, %dma_wait3A_329] : memref<32x13x64xi32, #tpu.memory_space<hbm>> -> memref<1x13x64xi32, #tpu.memory_space<hbm>>
      %dma_wait3A_331 = tpu.memref_squeeze %dma_wait3A_330 : memref<1x13x64xi32, #tpu.memory_space<hbm>> -> memref<13x64xi32, #tpu.memory_space<hbm>>
      %dma_wait3A_332 = arith.constant 0 : i32
      %dma_wait3A_333 = arith.constant 0 : i32
      %dma_wait3A_334 = tpu.memref_slice %arg5[%add3A, %dma_wait3A_332, %dma_wait3A_333] : memref<32x13x64xi32, #tpu.memory_space<hbm>> -> memref<1x13x64xi32, #tpu.memory_space<hbm>>
      %dma_wait3A_335 = tpu.memref_squeeze %dma_wait3A_334 : memref<1x13x64xi32, #tpu.memory_space<hbm>> -> memref<13x64xi32, #tpu.memory_space<hbm>>
      tpu.wait_dma2 semaphore(%run_scoped3A : memref<!tpu.dma_semaphore, #tpu.memory_space<semaphore_mem>>) src(%dma_wait3A_335 : memref<13x64xi32, #tpu.memory_space<hbm>>) dst(%arg9 : memref<13x64xi32, #tpu.memory_space<vmem>>)
      tpu.yield
    }) : () -> ()
    %mul3A_1 = arith.constant 832 : i32
    %mul3A_2 = arith.muli %add3A, %mul3A_1 : i32
    %dma_start3A = arith.constant 0 : i32
    %dma_start3A_3 = arith.constant 0 : i32
    %dma_start3A_4 = tpu.memref_slice %arg9[%dma_start3A, %dma_start3A_3] : memref<13x64xi32, #tpu.memory_space<vmem>> -> memref<1x64xi32, #tpu.memory_space<vmem>>
    %dma_start3A_5 = tpu.memref_squeeze %dma_start3A_4 : memref<1x64xi32, #tpu.memory_space<vmem>> -> memref<64xi32, #tpu.memory_space<vmem>>
    %dma_start3A_6 = arith.constant 0 : i32
    %dma_start3A_7 = arith.constant 0 : i32
    %dma_start3A_8 = tpu.memref_slice %arg4[%dma_start3A_6, %dma_start3A_7] : memref<26000x16xf32, #tpu.memory_space<hbm>> -> memref<26000x16xf32, #tpu.memory_space<hbm>>
    tpu.enqueue_indirect_dma source(%dma_start3A_8 : memref<26000x16xf32, #tpu.memory_space<hbm>>) target(%arg21 : memref<64x16xf32, #tpu.memory_space<vmem>>) offsets(%dma_start3A_5 : memref<64xi32, #tpu.memory_space<vmem>>) semaphore(%arg34 : memref<!tpu.dma_semaphore, #tpu.memory_space<semaphore_mem>>)
    %dma_start3A_9 = arith.constant 1 : i32
    %dma_start3A_10 = arith.constant 0 : i32
    %dma_start3A_11 = tpu.memref_slice %arg9[%dma_start3A_9, %dma_start3A_10] : memref<13x64xi32, #tpu.memory_space<vmem>> -> memref<1x64xi32, #tpu.memory_space<vmem>>
    %dma_start3A_12 = tpu.memref_squeeze %dma_start3A_11 : memref<1x64xi32, #tpu.memory_space<vmem>> -> memref<64xi32, #tpu.memory_space<vmem>>
    %dma_start3A_13 = arith.constant 0 : i32
    %dma_start3A_14 = arith.constant 0 : i32
    %dma_start3A_15 = tpu.memref_slice %arg4[%dma_start3A_13, %dma_start3A_14] : memref<26000x16xf32, #tpu.memory_space<hbm>> -> memref<26000x16xf32, #tpu.memory_space<hbm>>
    tpu.enqueue_indirect_dma source(%dma_start3A_15 : memref<26000x16xf32, #tpu.memory_space<hbm>>) target(%arg22 : memref<64x16xf32, #tpu.memory_space<vmem>>) offsets(%dma_start3A_12 : memref<64xi32, #tpu.memory_space<vmem>>) semaphore(%arg34 : memref<!tpu.dma_semaphore, #tpu.memory_space<semaphore_mem>>)
    %dma_start3A_16 = arith.constant 2 : i32
    %dma_start3A_17 = arith.constant 0 : i32
    %dma_start3A_18 = tpu.memref_slice %arg9[%dma_start3A_16, %dma_start3A_17] : memref<13x64xi32, #tpu.memory_space<vmem>> -> memref<1x64xi32, #tpu.memory_space<vmem>>
    %dma_start3A_19 = tpu.memref_squeeze %dma_start3A_18 : memref<1x64xi32, #tpu.memory_space<vmem>> -> memref<64xi32, #tpu.memory_space<vmem>>
    %dma_start3A_20 = arith.constant 0 : i32
    %dma_start3A_21 = arith.constant 0 : i32
    %dma_start3A_22 = tpu.memref_slice %arg4[%dma_start3A_20, %dma_start3A_21] : memref<26000x16xf32, #tpu.memory_space<hbm>> -> memref<26000x16xf32, #tpu.memory_space<hbm>>
    tpu.enqueue_indirect_dma source(%dma_start3A_22 : memref<26000x16xf32, #tpu.memory_space<hbm>>) target(%arg23 : memref<64x16xf32, #tpu.memory_space<vmem>>) offsets(%dma_start3A_19 : memref<64xi32, #tpu.memory_space<vmem>>) semaphore(%arg34 : memref<!tpu.dma_semaphore, #tpu.memory_space<semaphore_mem>>)
    %dma_start3A_23 = arith.constant 3 : i32
    %dma_start3A_24 = arith.constant 0 : i32
    %dma_start3A_25 = tpu.memref_slice %arg9[%dma_start3A_23, %dma_start3A_24] : memref<13x64xi32, #tpu.memory_space<vmem>> -> memref<1x64xi32, #tpu.memory_space<vmem>>
    %dma_start3A_26 = tpu.memref_squeeze %dma_start3A_25 : memref<1x64xi32, #tpu.memory_space<vmem>> -> memref<64xi32, #tpu.memory_space<vmem>>
    %dma_start3A_27 = arith.constant 0 : i32
    %dma_start3A_28 = arith.constant 0 : i32
    %dma_start3A_29 = tpu.memref_slice %arg4[%dma_start3A_27, %dma_start3A_28] : memref<26000x16xf32, #tpu.memory_space<hbm>> -> memref<26000x16xf32, #tpu.memory_space<hbm>>
    tpu.enqueue_indirect_dma source(%dma_start3A_29 : memref<26000x16xf32, #tpu.memory_space<hbm>>) target(%arg24 : memref<64x16xf32, #tpu.memory_space<vmem>>) offsets(%dma_start3A_26 : memref<64xi32, #tpu.memory_space<vmem>>) semaphore(%arg34 : memref<!tpu.dma_semaphore, #tpu.memory_space<semaphore_mem>>)
    %dma_start3A_30 = arith.constant 4 : i32
    %dma_start3A_31 = arith.constant 0 : i32
    %dma_start3A_32 = tpu.memref_slice %arg9[%dma_start3A_30, %dma_start3A_31] : memref<13x64xi32, #tpu.memory_space<vmem>> -> memref<1x64xi32, #tpu.memory_space<vmem>>
    %dma_start3A_33 = tpu.memref_squeeze %dma_start3A_32 : memref<1x64xi32, #tpu.memory_space<vmem>> -> memref<64xi32, #tpu.memory_space<vmem>>
    %dma_start3A_34 = arith.constant 0 : i32
    %dma_start3A_35 = arith.constant 0 : i32
    %dma_start3A_36 = tpu.memref_slice %arg4[%dma_start3A_34, %dma_start3A_35] : memref<26000x16xf32, #tpu.memory_space<hbm>> -> memref<26000x16xf32, #tpu.memory_space<hbm>>
    tpu.enqueue_indirect_dma source(%dma_start3A_36 : memref<26000x16xf32, #tpu.memory_space<hbm>>) target(%arg25 : memref<64x16xf32, #tpu.memory_space<vmem>>) offsets(%dma_start3A_33 : memref<64xi32, #tpu.memory_space<vmem>>) semaphore(%arg34 : memref<!tpu.dma_semaphore, #tpu.memory_space<semaphore_mem>>)
    %dma_start3A_37 = arith.constant 5 : i32
    %dma_start3A_38 = arith.constant 0 : i32
    %dma_start3A_39 = tpu.memref_slice %arg9[%dma_start3A_37, %dma_start3A_38] : memref<13x64xi32, #tpu.memory_space<vmem>> -> memref<1x64xi32, #tpu.memory_space<vmem>>
    %dma_start3A_40 = tpu.memref_squeeze %dma_start3A_39 : memref<1x64xi32, #tpu.memory_space<vmem>> -> memref<64xi32, #tpu.memory_space<vmem>>
    %dma_start3A_41 = arith.constant 0 : i32
    %dma_start3A_42 = arith.constant 0 : i32
    %dma_start3A_43 = tpu.memref_slice %arg4[%dma_start3A_41, %dma_start3A_42] : memref<26000x16xf32, #tpu.memory_space<hbm>> -> memref<26000x16xf32, #tpu.memory_space<hbm>>
    tpu.enqueue_indirect_dma source(%dma_start3A_43 : memref<26000x16xf32, #tpu.memory_space<hbm>>) target(%arg26 : memref<64x16xf32, #tpu.memory_space<vmem>>) offsets(%dma_start3A_40 : memref<64xi32, #tpu.memory_space<vmem>>) semaphore(%arg34 : memref<!tpu.dma_semaphore, #tpu.memory_space<semaphore_mem>>)
    %dma_start3A_44 = arith.constant 6 : i32
    %dma_start3A_45 = arith.constant 0 : i32
    %dma_start3A_46 = tpu.memref_slice %arg9[%dma_start3A_44, %dma_start3A_45] : memref<13x64xi32, #tpu.memory_space<vmem>> -> memref<1x64xi32, #tpu.memory_space<vmem>>
    %dma_start3A_47 = tpu.memref_squeeze %dma_start3A_46 : memref<1x64xi32, #tpu.memory_space<vmem>> -> memref<64xi32, #tpu.memory_space<vmem>>
    %dma_start3A_48 = arith.constant 0 : i32
    %dma_start3A_49 = arith.constant 0 : i32
    %dma_start3A_50 = tpu.memref_slice %arg4[%dma_start3A_48, %dma_start3A_49] : memref<26000x16xf32, #tpu.memory_space<hbm>> -> memref<26000x16xf32, #tpu.memory_space<hbm>>
    tpu.enqueue_indirect_dma source(%dma_start3A_50 : memref<26000x16xf32, #tpu.memory_space<hbm>>) target(%arg27 : memref<64x16xf32, #tpu.memory_space<vmem>>) offsets(%dma_start3A_47 : memref<64xi32, #tpu.memory_space<vmem>>) semaphore(%arg34 : memref<!tpu.dma_semaphore, #tpu.memory_space<semaphore_mem>>)
    %dma_start3A_51 = arith.constant 7 : i32
    %dma_start3A_52 = arith.constant 0 : i32
    %dma_start3A_53 = tpu.memref_slice %arg9[%dma_start3A_51, %dma_start3A_52] : memref<13x64xi32, #tpu.memory_space<vmem>> -> memref<1x64xi32, #tpu.memory_space<vmem>>
    %dma_start3A_54 = tpu.memref_squeeze %dma_start3A_53 : memref<1x64xi32, #tpu.memory_space<vmem>> -> memref<64xi32, #tpu.memory_space<vmem>>
    %dma_start3A_55 = arith.constant 0 : i32
    %dma_start3A_56 = arith.constant 0 : i32
    %dma_start3A_57 = tpu.memref_slice %arg4[%dma_start3A_55, %dma_start3A_56] : memref<26000x16xf32, #tpu.memory_space<hbm>> -> memref<26000x16xf32, #tpu.memory_space<hbm>>
    tpu.enqueue_indirect_dma source(%dma_start3A_57 : memref<26000x16xf32, #tpu.memory_space<hbm>>) target(%arg28 : memref<64x16xf32, #tpu.memory_space<vmem>>) offsets(%dma_start3A_54 : memref<64xi32, #tpu.memory_space<vmem>>) semaphore(%arg34 : memref<!tpu.dma_semaphore, #tpu.memory_space<semaphore_mem>>)
    %dma_start3A_58 = arith.constant 8 : i32
    %dma_start3A_59 = arith.constant 0 : i32
    %dma_start3A_60 = tpu.memref_slice %arg9[%dma_start3A_58, %dma_start3A_59] : memref<13x64xi32, #tpu.memory_space<vmem>> -> memref<1x64xi32, #tpu.memory_space<vmem>>
    %dma_start3A_61 = tpu.memref_squeeze %dma_start3A_60 : memref<1x64xi32, #tpu.memory_space<vmem>> -> memref<64xi32, #tpu.memory_space<vmem>>
    %dma_start3A_62 = arith.constant 0 : i32
    %dma_start3A_63 = arith.constant 0 : i32
    %dma_start3A_64 = tpu.memref_slice %arg4[%dma_start3A_62, %dma_start3A_63] : memref<26000x16xf32, #tpu.memory_space<hbm>> -> memref<26000x16xf32, #tpu.memory_space<hbm>>
    tpu.enqueue_indirect_dma source(%dma_start3A_64 : memref<26000x16xf32, #tpu.memory_space<hbm>>) target(%arg29 : memref<64x16xf32, #tpu.memory_space<vmem>>) offsets(%dma_start3A_61 : memref<64xi32, #tpu.memory_space<vmem>>) semaphore(%arg34 : memref<!tpu.dma_semaphore, #tpu.memory_space<semaphore_mem>>)
    %dma_start3A_65 = arith.constant 9 : i32
    %dma_start3A_66 = arith.constant 0 : i32
    %dma_start3A_67 = tpu.memref_slice %arg9[%dma_start3A_65, %dma_start3A_66] : memref<13x64xi32, #tpu.memory_space<vmem>> -> memref<1x64xi32, #tpu.memory_space<vmem>>
    %dma_start3A_68 = tpu.memref_squeeze %dma_start3A_67 : memref<1x64xi32, #tpu.memory_space<vmem>> -> memref<64xi32, #tpu.memory_space<vmem>>
    %dma_start3A_69 = arith.constant 0 : i32
    %dma_start3A_70 = arith.constant 0 : i32
    %dma_start3A_71 = tpu.memref_slice %arg4[%dma_start3A_69, %dma_start3A_70] : memref<26000x16xf32, #tpu.memory_space<hbm>> -> memref<26000x16xf32, #tpu.memory_space<hbm>>
    tpu.enqueue_indirect_dma source(%dma_start3A_71 : memref<26000x16xf32, #tpu.memory_space<hbm>>) target(%arg30 : memref<64x16xf32, #tpu.memory_space<vmem>>) offsets(%dma_start3A_68 : memref<64xi32, #tpu.memory_space<vmem>>) semaphore(%arg34 : memref<!tpu.dma_semaphore, #tpu.memory_space<semaphore_mem>>)
    %dma_start3A_72 = arith.constant 10 : i32
    %dma_start3A_73 = arith.constant 0 : i32
    %dma_start3A_74 = tpu.memref_slice %arg9[%dma_start3A_72, %dma_start3A_73] : memref<13x64xi32, #tpu.memory_space<vmem>> -> memref<1x64xi32, #tpu.memory_space<vmem>>
    %dma_start3A_75 = tpu.memref_squeeze %dma_start3A_74 : memref<1x64xi32, #tpu.memory_space<vmem>> -> memref<64xi32, #tpu.memory_space<vmem>>
    %dma_start3A_76 = arith.constant 0 : i32
    %dma_start3A_77 = arith.constant 0 : i32
    %dma_start3A_78 = tpu.memref_slice %arg4[%dma_start3A_76, %dma_start3A_77] : memref<26000x16xf32, #tpu.memory_space<hbm>> -> memref<26000x16xf32, #tpu.memory_space<hbm>>
    tpu.enqueue_indirect_dma source(%dma_start3A_78 : memref<26000x16xf32, #tpu.memory_space<hbm>>) target(%arg31 : memref<64x16xf32, #tpu.memory_space<vmem>>) offsets(%dma_start3A_75 : memref<64xi32, #tpu.memory_space<vmem>>) semaphore(%arg34 : memref<!tpu.dma_semaphore, #tpu.memory_space<semaphore_mem>>)
    %dma_start3A_79 = arith.constant 11 : i32
    %dma_start3A_80 = arith.constant 0 : i32
    %dma_start3A_81 = tpu.memref_slice %arg9[%dma_start3A_79, %dma_start3A_80] : memref<13x64xi32, #tpu.memory_space<vmem>> -> memref<1x64xi32, #tpu.memory_space<vmem>>
    %dma_start3A_82 = tpu.memref_squeeze %dma_start3A_81 : memref<1x64xi32, #tpu.memory_space<vmem>> -> memref<64xi32, #tpu.memory_space<vmem>>
    %dma_start3A_83 = arith.constant 0 : i32
    %dma_start3A_84 = arith.constant 0 : i32
    %dma_start3A_85 = tpu.memref_slice %arg4[%dma_start3A_83, %dma_start3A_84] : memref<26000x16xf32, #tpu.memory_space<hbm>> -> memref<26000x16xf32, #tpu.memory_space<hbm>>
    tpu.enqueue_indirect_dma source(%dma_start3A_85 : memref<26000x16xf32, #tpu.memory_space<hbm>>) target(%arg32 : memref<64x16xf32, #tpu.memory_space<vmem>>) offsets(%dma_start3A_82 : memref<64xi32, #tpu.memory_space<vmem>>) semaphore(%arg34 : memref<!tpu.dma_semaphore, #tpu.memory_space<semaphore_mem>>)
    %dma_start3A_86 = arith.constant 12 : i32
    %dma_start3A_87 = arith.constant 0 : i32
    %dma_start3A_88 = tpu.memref_slice %arg9[%dma_start3A_86, %dma_start3A_87] : memref<13x64xi32, #tpu.memory_space<vmem>> -> memref<1x64xi32, #tpu.memory_space<vmem>>
    %dma_start3A_89 = tpu.memref_squeeze %dma_start3A_88 : memref<1x64xi32, #tpu.memory_space<vmem>> -> memref<64xi32, #tpu.memory_space<vmem>>
    %dma_start3A_90 = arith.constant 0 : i32
    %dma_start3A_91 = arith.constant 0 : i32
    %dma_start3A_92 = tpu.memref_slice %arg4[%dma_start3A_90, %dma_start3A_91] : memref<26000x16xf32, #tpu.memory_space<hbm>> -> memref<26000x16xf32, #tpu.memory_space<hbm>>
    tpu.enqueue_indirect_dma source(%dma_start3A_92 : memref<26000x16xf32, #tpu.memory_space<hbm>>) target(%arg33 : memref<64x16xf32, #tpu.memory_space<vmem>>) offsets(%dma_start3A_89 : memref<64xi32, #tpu.memory_space<vmem>>) semaphore(%arg34 : memref<!tpu.dma_semaphore, #tpu.memory_space<semaphore_mem>>)
    %dma_wait3A = arith.constant 0 : i32
    %dma_wait3A_93 = arith.constant 0 : i32
    %dma_wait3A_94 = tpu.memref_slice %arg9[%dma_wait3A, %dma_wait3A_93] : memref<13x64xi32, #tpu.memory_space<vmem>> -> memref<1x64xi32, #tpu.memory_space<vmem>>
    %dma_wait3A_95 = tpu.memref_squeeze %dma_wait3A_94 : memref<1x64xi32, #tpu.memory_space<vmem>> -> memref<64xi32, #tpu.memory_space<vmem>>
    %dma_wait3A_96 = arith.constant 0 : i32
    %dma_wait3A_97 = arith.constant 0 : i32
    %dma_wait3A_98 = tpu.memref_slice %arg4[%dma_wait3A_96, %dma_wait3A_97] : memref<26000x16xf32, #tpu.memory_space<hbm>> -> memref<26000x16xf32, #tpu.memory_space<hbm>>
    tpu.wait_indirect_dma semaphore(%arg34 : memref<!tpu.dma_semaphore, #tpu.memory_space<semaphore_mem>>) src(%dma_wait3A_98 : memref<26000x16xf32, #tpu.memory_space<hbm>>) dst(%arg21 : memref<64x16xf32, #tpu.memory_space<vmem>>)
    %dma_wait3A_99 = arith.constant 1 : i32
    %dma_wait3A_100 = arith.constant 0 : i32
    %dma_wait3A_101 = tpu.memref_slice %arg9[%dma_wait3A_99, %dma_wait3A_100] : memref<13x64xi32, #tpu.memory_space<vmem>> -> memref<1x64xi32, #tpu.memory_space<vmem>>
    %dma_wait3A_102 = tpu.memref_squeeze %dma_wait3A_101 : memref<1x64xi32, #tpu.memory_space<vmem>> -> memref<64xi32, #tpu.memory_space<vmem>>
    %dma_wait3A_103 = arith.constant 0 : i32
    %dma_wait3A_104 = arith.constant 0 : i32
    %dma_wait3A_105 = tpu.memref_slice %arg4[%dma_wait3A_103, %dma_wait3A_104] : memref<26000x16xf32, #tpu.memory_space<hbm>> -> memref<26000x16xf32, #tpu.memory_space<hbm>>
    tpu.wait_indirect_dma semaphore(%arg34 : memref<!tpu.dma_semaphore, #tpu.memory_space<semaphore_mem>>) src(%dma_wait3A_105 : memref<26000x16xf32, #tpu.memory_space<hbm>>) dst(%arg22 : memref<64x16xf32, #tpu.memory_space<vmem>>)
    %dma_wait3A_106 = arith.constant 2 : i32
    %dma_wait3A_107 = arith.constant 0 : i32
    %dma_wait3A_108 = tpu.memref_slice %arg9[%dma_wait3A_106, %dma_wait3A_107] : memref<13x64xi32, #tpu.memory_space<vmem>> -> memref<1x64xi32, #tpu.memory_space<vmem>>
    %dma_wait3A_109 = tpu.memref_squeeze %dma_wait3A_108 : memref<1x64xi32, #tpu.memory_space<vmem>> -> memref<64xi32, #tpu.memory_space<vmem>>
    %dma_wait3A_110 = arith.constant 0 : i32
    %dma_wait3A_111 = arith.constant 0 : i32
    %dma_wait3A_112 = tpu.memref_slice %arg4[%dma_wait3A_110, %dma_wait3A_111] : memref<26000x16xf32, #tpu.memory_space<hbm>> -> memref<26000x16xf32, #tpu.memory_space<hbm>>
    tpu.wait_indirect_dma semaphore(%arg34 : memref<!tpu.dma_semaphore, #tpu.memory_space<semaphore_mem>>) src(%dma_wait3A_112 : memref<26000x16xf32, #tpu.memory_space<hbm>>) dst(%arg23 : memref<64x16xf32, #tpu.memory_space<vmem>>)
    %dma_wait3A_113 = arith.constant 3 : i32
    %dma_wait3A_114 = arith.constant 0 : i32
    %dma_wait3A_115 = tpu.memref_slice %arg9[%dma_wait3A_113, %dma_wait3A_114] : memref<13x64xi32, #tpu.memory_space<vmem>> -> memref<1x64xi32, #tpu.memory_space<vmem>>
    %dma_wait3A_116 = tpu.memref_squeeze %dma_wait3A_115 : memref<1x64xi32, #tpu.memory_space<vmem>> -> memref<64xi32, #tpu.memory_space<vmem>>
    %dma_wait3A_117 = arith.constant 0 : i32
    %dma_wait3A_118 = arith.constant 0 : i32
    %dma_wait3A_119 = tpu.memref_slice %arg4[%dma_wait3A_117, %dma_wait3A_118] : memref<26000x16xf32, #tpu.memory_space<hbm>> -> memref<26000x16xf32, #tpu.memory_space<hbm>>
    tpu.wait_indirect_dma semaphore(%arg34 : memref<!tpu.dma_semaphore, #tpu.memory_space<semaphore_mem>>) src(%dma_wait3A_119 : memref<26000x16xf32, #tpu.memory_space<hbm>>) dst(%arg24 : memref<64x16xf32, #tpu.memory_space<vmem>>)
    %dma_wait3A_120 = arith.constant 4 : i32
    %dma_wait3A_121 = arith.constant 0 : i32
    %dma_wait3A_122 = tpu.memref_slice %arg9[%dma_wait3A_120, %dma_wait3A_121] : memref<13x64xi32, #tpu.memory_space<vmem>> -> memref<1x64xi32, #tpu.memory_space<vmem>>
    %dma_wait3A_123 = tpu.memref_squeeze %dma_wait3A_122 : memref<1x64xi32, #tpu.memory_space<vmem>> -> memref<64xi32, #tpu.memory_space<vmem>>
    %dma_wait3A_124 = arith.constant 0 : i32
    %dma_wait3A_125 = arith.constant 0 : i32
    %dma_wait3A_126 = tpu.memref_slice %arg4[%dma_wait3A_124, %dma_wait3A_125] : memref<26000x16xf32, #tpu.memory_space<hbm>> -> memref<26000x16xf32, #tpu.memory_space<hbm>>
    tpu.wait_indirect_dma semaphore(%arg34 : memref<!tpu.dma_semaphore, #tpu.memory_space<semaphore_mem>>) src(%dma_wait3A_126 : memref<26000x16xf32, #tpu.memory_space<hbm>>) dst(%arg25 : memref<64x16xf32, #tpu.memory_space<vmem>>)
    %dma_wait3A_127 = arith.constant 5 : i32
    %dma_wait3A_128 = arith.constant 0 : i32
    %dma_wait3A_129 = tpu.memref_slice %arg9[%dma_wait3A_127, %dma_wait3A_128] : memref<13x64xi32, #tpu.memory_space<vmem>> -> memref<1x64xi32, #tpu.memory_space<vmem>>
    %dma_wait3A_130 = tpu.memref_squeeze %dma_wait3A_129 : memref<1x64xi32, #tpu.memory_space<vmem>> -> memref<64xi32, #tpu.memory_space<vmem>>
    %dma_wait3A_131 = arith.constant 0 : i32
    %dma_wait3A_132 = arith.constant 0 : i32
    %dma_wait3A_133 = tpu.memref_slice %arg4[%dma_wait3A_131, %dma_wait3A_132] : memref<26000x16xf32, #tpu.memory_space<hbm>> -> memref<26000x16xf32, #tpu.memory_space<hbm>>
    tpu.wait_indirect_dma semaphore(%arg34 : memref<!tpu.dma_semaphore, #tpu.memory_space<semaphore_mem>>) src(%dma_wait3A_133 : memref<26000x16xf32, #tpu.memory_space<hbm>>) dst(%arg26 : memref<64x16xf32, #tpu.memory_space<vmem>>)
    %dma_wait3A_134 = arith.constant 6 : i32
    %dma_wait3A_135 = arith.constant 0 : i32
    %dma_wait3A_136 = tpu.memref_slice %arg9[%dma_wait3A_134, %dma_wait3A_135] : memref<13x64xi32, #tpu.memory_space<vmem>> -> memref<1x64xi32, #tpu.memory_space<vmem>>
    %dma_wait3A_137 = tpu.memref_squeeze %dma_wait3A_136 : memref<1x64xi32, #tpu.memory_space<vmem>> -> memref<64xi32, #tpu.memory_space<vmem>>
    %dma_wait3A_138 = arith.constant 0 : i32
    %dma_wait3A_139 = arith.constant 0 : i32
    %dma_wait3A_140 = tpu.memref_slice %arg4[%dma_wait3A_138, %dma_wait3A_139] : memref<26000x16xf32, #tpu.memory_space<hbm>> -> memref<26000x16xf32, #tpu.memory_space<hbm>>
    tpu.wait_indirect_dma semaphore(%arg34 : memref<!tpu.dma_semaphore, #tpu.memory_space<semaphore_mem>>) src(%dma_wait3A_140 : memref<26000x16xf32, #tpu.memory_space<hbm>>) dst(%arg27 : memref<64x16xf32, #tpu.memory_space<vmem>>)
    %dma_wait3A_141 = arith.constant 7 : i32
    %dma_wait3A_142 = arith.constant 0 : i32
    %dma_wait3A_143 = tpu.memref_slice %arg9[%dma_wait3A_141, %dma_wait3A_142] : memref<13x64xi32, #tpu.memory_space<vmem>> -> memref<1x64xi32, #tpu.memory_space<vmem>>
    %dma_wait3A_144 = tpu.memref_squeeze %dma_wait3A_143 : memref<1x64xi32, #tpu.memory_space<vmem>> -> memref<64xi32, #tpu.memory_space<vmem>>
    %dma_wait3A_145 = arith.constant 0 : i32
    %dma_wait3A_146 = arith.constant 0 : i32
    %dma_wait3A_147 = tpu.memref_slice %arg4[%dma_wait3A_145, %dma_wait3A_146] : memref<26000x16xf32, #tpu.memory_space<hbm>> -> memref<26000x16xf32, #tpu.memory_space<hbm>>
    tpu.wait_indirect_dma semaphore(%arg34 : memref<!tpu.dma_semaphore, #tpu.memory_space<semaphore_mem>>) src(%dma_wait3A_147 : memref<26000x16xf32, #tpu.memory_space<hbm>>) dst(%arg28 : memref<64x16xf32, #tpu.memory_space<vmem>>)
    %dma_wait3A_148 = arith.constant 8 : i32
    %dma_wait3A_149 = arith.constant 0 : i32
    %dma_wait3A_150 = tpu.memref_slice %arg9[%dma_wait3A_148, %dma_wait3A_149] : memref<13x64xi32, #tpu.memory_space<vmem>> -> memref<1x64xi32, #tpu.memory_space<vmem>>
    %dma_wait3A_151 = tpu.memref_squeeze %dma_wait3A_150 : memref<1x64xi32, #tpu.memory_space<vmem>> -> memref<64xi32, #tpu.memory_space<vmem>>
    %dma_wait3A_152 = arith.constant 0 : i32
    %dma_wait3A_153 = arith.constant 0 : i32
    %dma_wait3A_154 = tpu.memref_slice %arg4[%dma_wait3A_152, %dma_wait3A_153] : memref<26000x16xf32, #tpu.memory_space<hbm>> -> memref<26000x16xf32, #tpu.memory_space<hbm>>
    tpu.wait_indirect_dma semaphore(%arg34 : memref<!tpu.dma_semaphore, #tpu.memory_space<semaphore_mem>>) src(%dma_wait3A_154 : memref<26000x16xf32, #tpu.memory_space<hbm>>) dst(%arg29 : memref<64x16xf32, #tpu.memory_space<vmem>>)
    %dma_wait3A_155 = arith.constant 9 : i32
    %dma_wait3A_156 = arith.constant 0 : i32
    %dma_wait3A_157 = tpu.memref_slice %arg9[%dma_wait3A_155, %dma_wait3A_156] : memref<13x64xi32, #tpu.memory_space<vmem>> -> memref<1x64xi32, #tpu.memory_space<vmem>>
    %dma_wait3A_158 = tpu.memref_squeeze %dma_wait3A_157 : memref<1x64xi32, #tpu.memory_space<vmem>> -> memref<64xi32, #tpu.memory_space<vmem>>
    %dma_wait3A_159 = arith.constant 0 : i32
    %dma_wait3A_160 = arith.constant 0 : i32
    %dma_wait3A_161 = tpu.memref_slice %arg4[%dma_wait3A_159, %dma_wait3A_160] : memref<26000x16xf32, #tpu.memory_space<hbm>> -> memref<26000x16xf32, #tpu.memory_space<hbm>>
    tpu.wait_indirect_dma semaphore(%arg34 : memref<!tpu.dma_semaphore, #tpu.memory_space<semaphore_mem>>) src(%dma_wait3A_161 : memref<26000x16xf32, #tpu.memory_space<hbm>>) dst(%arg30 : memref<64x16xf32, #tpu.memory_space<vmem>>)
    %dma_wait3A_162 = arith.constant 10 : i32
    %dma_wait3A_163 = arith.constant 0 : i32
    %dma_wait3A_164 = tpu.memref_slice %arg9[%dma_wait3A_162, %dma_wait3A_163] : memref<13x64xi32, #tpu.memory_space<vmem>> -> memref<1x64xi32, #tpu.memory_space<vmem>>
    %dma_wait3A_165 = tpu.memref_squeeze %dma_wait3A_164 : memref<1x64xi32, #tpu.memory_space<vmem>> -> memref<64xi32, #tpu.memory_space<vmem>>
    %dma_wait3A_166 = arith.constant 0 : i32
    %dma_wait3A_167 = arith.constant 0 : i32
    %dma_wait3A_168 = tpu.memref_slice %arg4[%dma_wait3A_166, %dma_wait3A_167] : memref<26000x16xf32, #tpu.memory_space<hbm>> -> memref<26000x16xf32, #tpu.memory_space<hbm>>
    tpu.wait_indirect_dma semaphore(%arg34 : memref<!tpu.dma_semaphore, #tpu.memory_space<semaphore_mem>>) src(%dma_wait3A_168 : memref<26000x16xf32, #tpu.memory_space<hbm>>) dst(%arg31 : memref<64x16xf32, #tpu.memory_space<vmem>>)
    %dma_wait3A_169 = arith.constant 11 : i32
    %dma_wait3A_170 = arith.constant 0 : i32
    %dma_wait3A_171 = tpu.memref_slice %arg9[%dma_wait3A_169, %dma_wait3A_170] : memref<13x64xi32, #tpu.memory_space<vmem>> -> memref<1x64xi32, #tpu.memory_space<vmem>>
    %dma_wait3A_172 = tpu.memref_squeeze %dma_wait3A_171 : memref<1x64xi32, #tpu.memory_space<vmem>> -> memref<64xi32, #tpu.memory_space<vmem>>
    %dma_wait3A_173 = arith.constant 0 : i32
    %dma_wait3A_174 = arith.constant 0 : i32
    %dma_wait3A_175 = tpu.memref_slice %arg4[%dma_wait3A_173, %dma_wait3A_174] : memref<26000x16xf32, #tpu.memory_space<hbm>> -> memref<26000x16xf32, #tpu.memory_space<hbm>>
    tpu.wait_indirect_dma semaphore(%arg34 : memref<!tpu.dma_semaphore, #tpu.memory_space<semaphore_mem>>) src(%dma_wait3A_175 : memref<26000x16xf32, #tpu.memory_space<hbm>>) dst(%arg32 : memref<64x16xf32, #tpu.memory_space<vmem>>)
    %dma_wait3A_176 = arith.constant 12 : i32
    %dma_wait3A_177 = arith.constant 0 : i32
    %dma_wait3A_178 = tpu.memref_slice %arg9[%dma_wait3A_176, %dma_wait3A_177] : memref<13x64xi32, #tpu.memory_space<vmem>> -> memref<1x64xi32, #tpu.memory_space<vmem>>
    %dma_wait3A_179 = tpu.memref_squeeze %dma_wait3A_178 : memref<1x64xi32, #tpu.memory_space<vmem>> -> memref<64xi32, #tpu.memory_space<vmem>>
    %dma_wait3A_180 = arith.constant 0 : i32
    %dma_wait3A_181 = arith.constant 0 : i32
    %dma_wait3A_182 = tpu.memref_slice %arg4[%dma_wait3A_180, %dma_wait3A_181] : memref<26000x16xf32, #tpu.memory_space<hbm>> -> memref<26000x16xf32, #tpu.memory_space<hbm>>
    tpu.wait_indirect_dma semaphore(%arg34 : memref<!tpu.dma_semaphore, #tpu.memory_space<semaphore_mem>>) src(%dma_wait3A_182 : memref<26000x16xf32, #tpu.memory_space<hbm>>) dst(%arg33 : memref<64x16xf32, #tpu.memory_space<vmem>>)
    %add3A_183 = arith.constant 0 : i32
    %add3A_184 = arith.addi %mul3A_2, %add3A_183 : i32
    %dma_start3A_185 = arith.constant 0 : i32
    %dma_start3A_186 = tpu.memref_slice %arg7[%add3A_184, %dma_start3A_185] : memref<26624x16xf32, #tpu.memory_space<hbm>> -> memref<64x16xf32, #tpu.memory_space<hbm>>
    %dma_start3A_187 = arith.constant 0 : i32
    %dma_start3A_188 = tpu.memref_slice %arg7[%add3A_184, %dma_start3A_187] : memref<26624x16xf32, #tpu.memory_space<hbm>> -> memref<64x16xf32, #tpu.memory_space<hbm>>
    tpu.enqueue_dma source(%arg21 : memref<64x16xf32, #tpu.memory_space<vmem>>) target(%dma_start3A_188 : memref<64x16xf32, #tpu.memory_space<hbm>>) target_semaphore(%arg35 : memref<!tpu.dma_semaphore, #tpu.memory_space<semaphore_mem>>)
    %add3A_189 = arith.constant 64 : i32
    %add3A_190 = arith.addi %mul3A_2, %add3A_189 : i32
    %dma_start3A_191 = arith.constant 0 : i32
    %dma_start3A_192 = tpu.memref_slice %arg7[%add3A_190, %dma_start3A_191] : memref<26624x16xf32, #tpu.memory_space<hbm>> -> memref<64x16xf32, #tpu.memory_space<hbm>>
    %dma_start3A_193 = arith.constant 0 : i32
    %dma_start3A_194 = tpu.memref_slice %arg7[%add3A_190, %dma_start3A_193] : memref<26624x16xf32, #tpu.memory_space<hbm>> -> memref<64x16xf32, #tpu.memory_space<hbm>>
    tpu.enqueue_dma source(%arg22 : memref<64x16xf32, #tpu.memory_space<vmem>>) target(%dma_start3A_194 : memref<64x16xf32, #tpu.memory_space<hbm>>) target_semaphore(%arg35 : memref<!tpu.dma_semaphore, #tpu.memory_space<semaphore_mem>>)
    %add3A_195 = arith.constant 128 : i32
    %add3A_196 = arith.addi %mul3A_2, %add3A_195 : i32
    %dma_start3A_197 = arith.constant 0 : i32
    %dma_start3A_198 = tpu.memref_slice %arg7[%add3A_196, %dma_start3A_197] : memref<26624x16xf32, #tpu.memory_space<hbm>> -> memref<64x16xf32, #tpu.memory_space<hbm>>
    %dma_start3A_199 = arith.constant 0 : i32
    %dma_start3A_200 = tpu.memref_slice %arg7[%add3A_196, %dma_start3A_199] : memref<26624x16xf32, #tpu.memory_space<hbm>> -> memref<64x16xf32, #tpu.memory_space<hbm>>
    tpu.enqueue_dma source(%arg23 : memref<64x16xf32, #tpu.memory_space<vmem>>) target(%dma_start3A_200 : memref<64x16xf32, #tpu.memory_space<hbm>>) target_semaphore(%arg35 : memref<!tpu.dma_semaphore, #tpu.memory_space<semaphore_mem>>)
    %add3A_201 = arith.constant 192 : i32
    %add3A_202 = arith.addi %mul3A_2, %add3A_201 : i32
    %dma_start3A_203 = arith.constant 0 : i32
    %dma_start3A_204 = tpu.memref_slice %arg7[%add3A_202, %dma_start3A_203] : memref<26624x16xf32, #tpu.memory_space<hbm>> -> memref<64x16xf32, #tpu.memory_space<hbm>>
    %dma_start3A_205 = arith.constant 0 : i32
    %dma_start3A_206 = tpu.memref_slice %arg7[%add3A_202, %dma_start3A_205] : memref<26624x16xf32, #tpu.memory_space<hbm>> -> memref<64x16xf32, #tpu.memory_space<hbm>>
    tpu.enqueue_dma source(%arg24 : memref<64x16xf32, #tpu.memory_space<vmem>>) target(%dma_start3A_206 : memref<64x16xf32, #tpu.memory_space<hbm>>) target_semaphore(%arg35 : memref<!tpu.dma_semaphore, #tpu.memory_space<semaphore_mem>>)
    %add3A_207 = arith.constant 256 : i32
    %add3A_208 = arith.addi %mul3A_2, %add3A_207 : i32
    %dma_start3A_209 = arith.constant 0 : i32
    %dma_start3A_210 = tpu.memref_slice %arg7[%add3A_208, %dma_start3A_209] : memref<26624x16xf32, #tpu.memory_space<hbm>> -> memref<64x16xf32, #tpu.memory_space<hbm>>
    %dma_start3A_211 = arith.constant 0 : i32
    %dma_start3A_212 = tpu.memref_slice %arg7[%add3A_208, %dma_start3A_211] : memref<26624x16xf32, #tpu.memory_space<hbm>> -> memref<64x16xf32, #tpu.memory_space<hbm>>
    tpu.enqueue_dma source(%arg25 : memref<64x16xf32, #tpu.memory_space<vmem>>) target(%dma_start3A_212 : memref<64x16xf32, #tpu.memory_space<hbm>>) target_semaphore(%arg35 : memref<!tpu.dma_semaphore, #tpu.memory_space<semaphore_mem>>)
    %add3A_213 = arith.constant 320 : i32
    %add3A_214 = arith.addi %mul3A_2, %add3A_213 : i32
    %dma_start3A_215 = arith.constant 0 : i32
    %dma_start3A_216 = tpu.memref_slice %arg7[%add3A_214, %dma_start3A_215] : memref<26624x16xf32, #tpu.memory_space<hbm>> -> memref<64x16xf32, #tpu.memory_space<hbm>>
    %dma_start3A_217 = arith.constant 0 : i32
    %dma_start3A_218 = tpu.memref_slice %arg7[%add3A_214, %dma_start3A_217] : memref<26624x16xf32, #tpu.memory_space<hbm>> -> memref<64x16xf32, #tpu.memory_space<hbm>>
    tpu.enqueue_dma source(%arg26 : memref<64x16xf32, #tpu.memory_space<vmem>>) target(%dma_start3A_218 : memref<64x16xf32, #tpu.memory_space<hbm>>) target_semaphore(%arg35 : memref<!tpu.dma_semaphore, #tpu.memory_space<semaphore_mem>>)
    %add3A_219 = arith.constant 384 : i32
    %add3A_220 = arith.addi %mul3A_2, %add3A_219 : i32
    %dma_start3A_221 = arith.constant 0 : i32
    %dma_start3A_222 = tpu.memref_slice %arg7[%add3A_220, %dma_start3A_221] : memref<26624x16xf32, #tpu.memory_space<hbm>> -> memref<64x16xf32, #tpu.memory_space<hbm>>
    %dma_start3A_223 = arith.constant 0 : i32
    %dma_start3A_224 = tpu.memref_slice %arg7[%add3A_220, %dma_start3A_223] : memref<26624x16xf32, #tpu.memory_space<hbm>> -> memref<64x16xf32, #tpu.memory_space<hbm>>
    tpu.enqueue_dma source(%arg27 : memref<64x16xf32, #tpu.memory_space<vmem>>) target(%dma_start3A_224 : memref<64x16xf32, #tpu.memory_space<hbm>>) target_semaphore(%arg35 : memref<!tpu.dma_semaphore, #tpu.memory_space<semaphore_mem>>)
    %add3A_225 = arith.constant 448 : i32
    %add3A_226 = arith.addi %mul3A_2, %add3A_225 : i32
    %dma_start3A_227 = arith.constant 0 : i32
    %dma_start3A_228 = tpu.memref_slice %arg7[%add3A_226, %dma_start3A_227] : memref<26624x16xf32, #tpu.memory_space<hbm>> -> memref<64x16xf32, #tpu.memory_space<hbm>>
    %dma_start3A_229 = arith.constant 0 : i32
    %dma_start3A_230 = tpu.memref_slice %arg7[%add3A_226, %dma_start3A_229] : memref<26624x16xf32, #tpu.memory_space<hbm>> -> memref<64x16xf32, #tpu.memory_space<hbm>>
    tpu.enqueue_dma source(%arg28 : memref<64x16xf32, #tpu.memory_space<vmem>>) target(%dma_start3A_230 : memref<64x16xf32, #tpu.memory_space<hbm>>) target_semaphore(%arg35 : memref<!tpu.dma_semaphore, #tpu.memory_space<semaphore_mem>>)
    %add3A_231 = arith.constant 512 : i32
    %add3A_232 = arith.addi %mul3A_2, %add3A_231 : i32
    %dma_start3A_233 = arith.constant 0 : i32
    %dma_start3A_234 = tpu.memref_slice %arg7[%add3A_232, %dma_start3A_233] : memref<26624x16xf32, #tpu.memory_space<hbm>> -> memref<64x16xf32, #tpu.memory_space<hbm>>
    %dma_start3A_235 = arith.constant 0 : i32
    %dma_start3A_236 = tpu.memref_slice %arg7[%add3A_232, %dma_start3A_235] : memref<26624x16xf32, #tpu.memory_space<hbm>> -> memref<64x16xf32, #tpu.memory_space<hbm>>
    tpu.enqueue_dma source(%arg29 : memref<64x16xf32, #tpu.memory_space<vmem>>) target(%dma_start3A_236 : memref<64x16xf32, #tpu.memory_space<hbm>>) target_semaphore(%arg35 : memref<!tpu.dma_semaphore, #tpu.memory_space<semaphore_mem>>)
    %add3A_237 = arith.constant 576 : i32
    %add3A_238 = arith.addi %mul3A_2, %add3A_237 : i32
    %dma_start3A_239 = arith.constant 0 : i32
    %dma_start3A_240 = tpu.memref_slice %arg7[%add3A_238, %dma_start3A_239] : memref<26624x16xf32, #tpu.memory_space<hbm>> -> memref<64x16xf32, #tpu.memory_space<hbm>>
    %dma_start3A_241 = arith.constant 0 : i32
    %dma_start3A_242 = tpu.memref_slice %arg7[%add3A_238, %dma_start3A_241] : memref<26624x16xf32, #tpu.memory_space<hbm>> -> memref<64x16xf32, #tpu.memory_space<hbm>>
    tpu.enqueue_dma source(%arg30 : memref<64x16xf32, #tpu.memory_space<vmem>>) target(%dma_start3A_242 : memref<64x16xf32, #tpu.memory_space<hbm>>) target_semaphore(%arg35 : memref<!tpu.dma_semaphore, #tpu.memory_space<semaphore_mem>>)
    %add3A_243 = arith.constant 640 : i32
    %add3A_244 = arith.addi %mul3A_2, %add3A_243 : i32
    %dma_start3A_245 = arith.constant 0 : i32
    %dma_start3A_246 = tpu.memref_slice %arg7[%add3A_244, %dma_start3A_245] : memref<26624x16xf32, #tpu.memory_space<hbm>> -> memref<64x16xf32, #tpu.memory_space<hbm>>
    %dma_start3A_247 = arith.constant 0 : i32
    %dma_start3A_248 = tpu.memref_slice %arg7[%add3A_244, %dma_start3A_247] : memref<26624x16xf32, #tpu.memory_space<hbm>> -> memref<64x16xf32, #tpu.memory_space<hbm>>
    tpu.enqueue_dma source(%arg31 : memref<64x16xf32, #tpu.memory_space<vmem>>) target(%dma_start3A_248 : memref<64x16xf32, #tpu.memory_space<hbm>>) target_semaphore(%arg35 : memref<!tpu.dma_semaphore, #tpu.memory_space<semaphore_mem>>)
    %add3A_249 = arith.constant 704 : i32
    %add3A_250 = arith.addi %mul3A_2, %add3A_249 : i32
    %dma_start3A_251 = arith.constant 0 : i32
    %dma_start3A_252 = tpu.memref_slice %arg7[%add3A_250, %dma_start3A_251] : memref<26624x16xf32, #tpu.memory_space<hbm>> -> memref<64x16xf32, #tpu.memory_space<hbm>>
    %dma_start3A_253 = arith.constant 0 : i32
    %dma_start3A_254 = tpu.memref_slice %arg7[%add3A_250, %dma_start3A_253] : memref<26624x16xf32, #tpu.memory_space<hbm>> -> memref<64x16xf32, #tpu.memory_space<hbm>>
    tpu.enqueue_dma source(%arg32 : memref<64x16xf32, #tpu.memory_space<vmem>>) target(%dma_start3A_254 : memref<64x16xf32, #tpu.memory_space<hbm>>) target_semaphore(%arg35 : memref<!tpu.dma_semaphore, #tpu.memory_space<semaphore_mem>>)
    %add3A_255 = arith.constant 768 : i32
    %add3A_256 = arith.addi %mul3A_2, %add3A_255 : i32
    %dma_start3A_257 = arith.constant 0 : i32
    %dma_start3A_258 = tpu.memref_slice %arg7[%add3A_256, %dma_start3A_257] : memref<26624x16xf32, #tpu.memory_space<hbm>> -> memref<64x16xf32, #tpu.memory_space<hbm>>
    %dma_start3A_259 = arith.constant 0 : i32
    %dma_start3A_260 = tpu.memref_slice %arg7[%add3A_256, %dma_start3A_259] : memref<26624x16xf32, #tpu.memory_space<hbm>> -> memref<64x16xf32, #tpu.memory_space<hbm>>
    tpu.enqueue_dma source(%arg33 : memref<64x16xf32, #tpu.memory_space<vmem>>) target(%dma_start3A_260 : memref<64x16xf32, #tpu.memory_space<hbm>>) target_semaphore(%arg35 : memref<!tpu.dma_semaphore, #tpu.memory_space<semaphore_mem>>)
    %dma_wait3A_261 = arith.constant 0 : i32
    %dma_wait3A_262 = tpu.memref_slice %arg7[%add3A_184, %dma_wait3A_261] : memref<26624x16xf32, #tpu.memory_space<hbm>> -> memref<64x16xf32, #tpu.memory_space<hbm>>
    %dma_wait3A_263 = arith.constant 0 : i32
    %dma_wait3A_264 = tpu.memref_slice %arg7[%add3A_184, %dma_wait3A_263] : memref<26624x16xf32, #tpu.memory_space<hbm>> -> memref<64x16xf32, #tpu.memory_space<hbm>>
    tpu.wait_dma2 semaphore(%arg35 : memref<!tpu.dma_semaphore, #tpu.memory_space<semaphore_mem>>) src(%arg21 : memref<64x16xf32, #tpu.memory_space<vmem>>) dst(%dma_wait3A_264 : memref<64x16xf32, #tpu.memory_space<hbm>>)
    %dma_wait3A_265 = arith.constant 0 : i32
    %dma_wait3A_266 = tpu.memref_slice %arg7[%add3A_190, %dma_wait3A_265] : memref<26624x16xf32, #tpu.memory_space<hbm>> -> memref<64x16xf32, #tpu.memory_space<hbm>>
    %dma_wait3A_267 = arith.constant 0 : i32
    %dma_wait3A_268 = tpu.memref_slice %arg7[%add3A_190, %dma_wait3A_267] : memref<26624x16xf32, #tpu.memory_space<hbm>> -> memref<64x16xf32, #tpu.memory_space<hbm>>
    tpu.wait_dma2 semaphore(%arg35 : memref<!tpu.dma_semaphore, #tpu.memory_space<semaphore_mem>>) src(%arg22 : memref<64x16xf32, #tpu.memory_space<vmem>>) dst(%dma_wait3A_268 : memref<64x16xf32, #tpu.memory_space<hbm>>)
    %dma_wait3A_269 = arith.constant 0 : i32
    %dma_wait3A_270 = tpu.memref_slice %arg7[%add3A_196, %dma_wait3A_269] : memref<26624x16xf32, #tpu.memory_space<hbm>> -> memref<64x16xf32, #tpu.memory_space<hbm>>
    %dma_wait3A_271 = arith.constant 0 : i32
    %dma_wait3A_272 = tpu.memref_slice %arg7[%add3A_196, %dma_wait3A_271] : memref<26624x16xf32, #tpu.memory_space<hbm>> -> memref<64x16xf32, #tpu.memory_space<hbm>>
    tpu.wait_dma2 semaphore(%arg35 : memref<!tpu.dma_semaphore, #tpu.memory_space<semaphore_mem>>) src(%arg23 : memref<64x16xf32, #tpu.memory_space<vmem>>) dst(%dma_wait3A_272 : memref<64x16xf32, #tpu.memory_space<hbm>>)
    %dma_wait3A_273 = arith.constant 0 : i32
    %dma_wait3A_274 = tpu.memref_slice %arg7[%add3A_202, %dma_wait3A_273] : memref<26624x16xf32, #tpu.memory_space<hbm>> -> memref<64x16xf32, #tpu.memory_space<hbm>>
    %dma_wait3A_275 = arith.constant 0 : i32
    %dma_wait3A_276 = tpu.memref_slice %arg7[%add3A_202, %dma_wait3A_275] : memref<26624x16xf32, #tpu.memory_space<hbm>> -> memref<64x16xf32, #tpu.memory_space<hbm>>
    tpu.wait_dma2 semaphore(%arg35 : memref<!tpu.dma_semaphore, #tpu.memory_space<semaphore_mem>>) src(%arg24 : memref<64x16xf32, #tpu.memory_space<vmem>>) dst(%dma_wait3A_276 : memref<64x16xf32, #tpu.memory_space<hbm>>)
    %dma_wait3A_277 = arith.constant 0 : i32
    %dma_wait3A_278 = tpu.memref_slice %arg7[%add3A_208, %dma_wait3A_277] : memref<26624x16xf32, #tpu.memory_space<hbm>> -> memref<64x16xf32, #tpu.memory_space<hbm>>
    %dma_wait3A_279 = arith.constant 0 : i32
    %dma_wait3A_280 = tpu.memref_slice %arg7[%add3A_208, %dma_wait3A_279] : memref<26624x16xf32, #tpu.memory_space<hbm>> -> memref<64x16xf32, #tpu.memory_space<hbm>>
    tpu.wait_dma2 semaphore(%arg35 : memref<!tpu.dma_semaphore, #tpu.memory_space<semaphore_mem>>) src(%arg25 : memref<64x16xf32, #tpu.memory_space<vmem>>) dst(%dma_wait3A_280 : memref<64x16xf32, #tpu.memory_space<hbm>>)
    %dma_wait3A_281 = arith.constant 0 : i32
    %dma_wait3A_282 = tpu.memref_slice %arg7[%add3A_214, %dma_wait3A_281] : memref<26624x16xf32, #tpu.memory_space<hbm>> -> memref<64x16xf32, #tpu.memory_space<hbm>>
    %dma_wait3A_283 = arith.constant 0 : i32
    %dma_wait3A_284 = tpu.memref_slice %arg7[%add3A_214, %dma_wait3A_283] : memref<26624x16xf32, #tpu.memory_space<hbm>> -> memref<64x16xf32, #tpu.memory_space<hbm>>
    tpu.wait_dma2 semaphore(%arg35 : memref<!tpu.dma_semaphore, #tpu.memory_space<semaphore_mem>>) src(%arg26 : memref<64x16xf32, #tpu.memory_space<vmem>>) dst(%dma_wait3A_284 : memref<64x16xf32, #tpu.memory_space<hbm>>)
    %dma_wait3A_285 = arith.constant 0 : i32
    %dma_wait3A_286 = tpu.memref_slice %arg7[%add3A_220, %dma_wait3A_285] : memref<26624x16xf32, #tpu.memory_space<hbm>> -> memref<64x16xf32, #tpu.memory_space<hbm>>
    %dma_wait3A_287 = arith.constant 0 : i32
    %dma_wait3A_288 = tpu.memref_slice %arg7[%add3A_220, %dma_wait3A_287] : memref<26624x16xf32, #tpu.memory_space<hbm>> -> memref<64x16xf32, #tpu.memory_space<hbm>>
    tpu.wait_dma2 semaphore(%arg35 : memref<!tpu.dma_semaphore, #tpu.memory_space<semaphore_mem>>) src(%arg27 : memref<64x16xf32, #tpu.memory_space<vmem>>) dst(%dma_wait3A_288 : memref<64x16xf32, #tpu.memory_space<hbm>>)
    %dma_wait3A_289 = arith.constant 0 : i32
    %dma_wait3A_290 = tpu.memref_slice %arg7[%add3A_226, %dma_wait3A_289] : memref<26624x16xf32, #tpu.memory_space<hbm>> -> memref<64x16xf32, #tpu.memory_space<hbm>>
    %dma_wait3A_291 = arith.constant 0 : i32
    %dma_wait3A_292 = tpu.memref_slice %arg7[%add3A_226, %dma_wait3A_291] : memref<26624x16xf32, #tpu.memory_space<hbm>> -> memref<64x16xf32, #tpu.memory_space<hbm>>
    tpu.wait_dma2 semaphore(%arg35 : memref<!tpu.dma_semaphore, #tpu.memory_space<semaphore_mem>>) src(%arg28 : memref<64x16xf32, #tpu.memory_space<vmem>>) dst(%dma_wait3A_292 : memref<64x16xf32, #tpu.memory_space<hbm>>)
    %dma_wait3A_293 = arith.constant 0 : i32
    %dma_wait3A_294 = tpu.memref_slice %arg7[%add3A_232, %dma_wait3A_293] : memref<26624x16xf32, #tpu.memory_space<hbm>> -> memref<64x16xf32, #tpu.memory_space<hbm>>
    %dma_wait3A_295 = arith.constant 0 : i32
    %dma_wait3A_296 = tpu.memref_slice %arg7[%add3A_232, %dma_wait3A_295] : memref<26624x16xf32, #tpu.memory_space<hbm>> -> memref<64x16xf32, #tpu.memory_space<hbm>>
    tpu.wait_dma2 semaphore(%arg35 : memref<!tpu.dma_semaphore, #tpu.memory_space<semaphore_mem>>) src(%arg29 : memref<64x16xf32, #tpu.memory_space<vmem>>) dst(%dma_wait3A_296 : memref<64x16xf32, #tpu.memory_space<hbm>>)
    %dma_wait3A_297 = arith.constant 0 : i32
    %dma_wait3A_298 = tpu.memref_slice %arg7[%add3A_238, %dma_wait3A_297] : memref<26624x16xf32, #tpu.memory_space<hbm>> -> memref<64x16xf32, #tpu.memory_space<hbm>>
    %dma_wait3A_299 = arith.constant 0 : i32
    %dma_wait3A_300 = tpu.memref_slice %arg7[%add3A_238, %dma_wait3A_299] : memref<26624x16xf32, #tpu.memory_space<hbm>> -> memref<64x16xf32, #tpu.memory_space<hbm>>
    tpu.wait_dma2 semaphore(%arg35 : memref<!tpu.dma_semaphore, #tpu.memory_space<semaphore_mem>>) src(%arg30 : memref<64x16xf32, #tpu.memory_space<vmem>>) dst(%dma_wait3A_300 : memref<64x16xf32, #tpu.memory_space<hbm>>)
    %dma_wait3A_301 = arith.constant 0 : i32
    %dma_wait3A_302 = tpu.memref_slice %arg7[%add3A_244, %dma_wait3A_301] : memref<26624x16xf32, #tpu.memory_space<hbm>> -> memref<64x16xf32, #tpu.memory_space<hbm>>
    %dma_wait3A_303 = arith.constant 0 : i32
    %dma_wait3A_304 = tpu.memref_slice %arg7[%add3A_244, %dma_wait3A_303] : memref<26624x16xf32, #tpu.memory_space<hbm>> -> memref<64x16xf32, #tpu.memory_space<hbm>>
    tpu.wait_dma2 semaphore(%arg35 : memref<!tpu.dma_semaphore, #tpu.memory_space<semaphore_mem>>) src(%arg31 : memref<64x16xf32, #tpu.memory_space<vmem>>) dst(%dma_wait3A_304 : memref<64x16xf32, #tpu.memory_space<hbm>>)
    %dma_wait3A_305 = arith.constant 0 : i32
    %dma_wait3A_306 = tpu.memref_slice %arg7[%add3A_250, %dma_wait3A_305] : memref<26624x16xf32, #tpu.memory_space<hbm>> -> memref<64x16xf32, #tpu.memory_space<hbm>>
    %dma_wait3A_307 = arith.constant 0 : i32
    %dma_wait3A_308 = tpu.memref_slice %arg7[%add3A_250, %dma_wait3A_307] : memref<26624x16xf32, #tpu.memory_space<hbm>> -> memref<64x16xf32, #tpu.memory_space<hbm>>
    tpu.wait_dma2 semaphore(%arg35 : memref<!tpu.dma_semaphore, #tpu.memory_space<semaphore_mem>>) src(%arg32 : memref<64x16xf32, #tpu.memory_space<vmem>>) dst(%dma_wait3A_308 : memref<64x16xf32, #tpu.memory_space<hbm>>)
    %dma_wait3A_309 = arith.constant 0 : i32
    %dma_wait3A_310 = tpu.memref_slice %arg7[%add3A_256, %dma_wait3A_309] : memref<26624x16xf32, #tpu.memory_space<hbm>> -> memref<64x16xf32, #tpu.memory_space<hbm>>
    %dma_wait3A_311 = arith.constant 0 : i32
    %dma_wait3A_312 = tpu.memref_slice %arg7[%add3A_256, %dma_wait3A_311] : memref<26624x16xf32, #tpu.memory_space<hbm>> -> memref<64x16xf32, #tpu.memory_space<hbm>>
    tpu.wait_dma2 semaphore(%arg35 : memref<!tpu.dma_semaphore, #tpu.memory_space<semaphore_mem>>) src(%arg33 : memref<64x16xf32, #tpu.memory_space<vmem>>) dst(%dma_wait3A_312 : memref<64x16xf32, #tpu.memory_space<hbm>>)
    %mul3A_313 = arith.constant 22528 : i32
    %mul3A_314 = arith.muli %add3A, %mul3A_313 : i32
    %scan3A = arith.constant 0 : i32
    %scan3A_315 = arith.constant 0 : i32
    %scan3A_316 = arith.constant 16 : i32
    %scan3A_317 = arith.addi %scan3A_315, %scan3A_316 : i32
    %scan3A_318 = arith.constant 1 : i32
    scf.for %scan3A_320 = %scan3A_315 to %scan3A_317 step %scan3A_318  : i32 {
      %mul3A_321 = arith.constant 11 : i32
      %mul3A_322 = arith.muli %scan3A_320, %mul3A_321 : i32
      %add3A_323 = arith.constant 0 : i32
      %add3A_324 = arith.addi %mul3A_322, %add3A_323 : i32
      %dma_start3A_325 = arith.constant 0 : i32
      %dma_start3A_326 = tpu.memref_slice %arg8[%add3A_324, %dma_start3A_325] : memref<176x128xi32, #tpu.memory_space<vmem>> -> memref<1x128xi32, #tpu.memory_space<vmem>>
      %dma_start3A_327 = tpu.memref_squeeze %dma_start3A_326 : memref<1x128xi32, #tpu.memory_space<vmem>> -> memref<128xi32, #tpu.memory_space<vmem>>
      %dma_start3A_328 = arith.constant 0 : i32
      %dma_start3A_329 = arith.constant 0 : i32
      %dma_start3A_330 = tpu.memref_slice %arg2[%dma_start3A_328, %dma_start3A_329] : memref<676000x16xf32, #tpu.memory_space<hbm>> -> memref<676000x16xf32, #tpu.memory_space<hbm>>
      tpu.enqueue_indirect_dma source(%dma_start3A_330 : memref<676000x16xf32, #tpu.memory_space<hbm>>) target(%arg10 : memref<128x16xf32, #tpu.memory_space<vmem>>) offsets(%dma_start3A_327 : memref<128xi32, #tpu.memory_space<vmem>>) semaphore(%arg34 : memref<!tpu.dma_semaphore, #tpu.memory_space<semaphore_mem>>)
      %add3A_331 = arith.constant 1 : i32
      %add3A_332 = arith.addi %mul3A_322, %add3A_331 : i32
      %dma_start3A_333 = arith.constant 0 : i32
      %dma_start3A_334 = tpu.memref_slice %arg8[%add3A_332, %dma_start3A_333] : memref<176x128xi32, #tpu.memory_space<vmem>> -> memref<1x128xi32, #tpu.memory_space<vmem>>
      %dma_start3A_335 = tpu.memref_squeeze %dma_start3A_334 : memref<1x128xi32, #tpu.memory_space<vmem>> -> memref<128xi32, #tpu.memory_space<vmem>>
      %dma_start3A_336 = arith.constant 0 : i32
      %dma_start3A_337 = arith.constant 0 : i32
      %dma_start3A_338 = tpu.memref_slice %arg2[%dma_start3A_336, %dma_start3A_337] : memref<676000x16xf32, #tpu.memory_space<hbm>> -> memref<676000x16xf32, #tpu.memory_space<hbm>>
      tpu.enqueue_indirect_dma source(%dma_start3A_338 : memref<676000x16xf32, #tpu.memory_space<hbm>>) target(%arg11 : memref<128x16xf32, #tpu.memory_space<vmem>>) offsets(%dma_start3A_335 : memref<128xi32, #tpu.memory_space<vmem>>) semaphore(%arg34 : memref<!tpu.dma_semaphore, #tpu.memory_space<semaphore_mem>>)
      %add3A_339 = arith.constant 2 : i32
      %add3A_340 = arith.addi %mul3A_322, %add3A_339 : i32
      %dma_start3A_341 = arith.constant 0 : i32
      %dma_start3A_342 = tpu.memref_slice %arg8[%add3A_340, %dma_start3A_341] : memref<176x128xi32, #tpu.memory_space<vmem>> -> memref<1x128xi32, #tpu.memory_space<vmem>>
      %dma_start3A_343 = tpu.memref_squeeze %dma_start3A_342 : memref<1x128xi32, #tpu.memory_space<vmem>> -> memref<128xi32, #tpu.memory_space<vmem>>
      %dma_start3A_344 = arith.constant 0 : i32
      %dma_start3A_345 = arith.constant 0 : i32
      %dma_start3A_346 = tpu.memref_slice %arg2[%dma_start3A_344, %dma_start3A_345] : memref<676000x16xf32, #tpu.memory_space<hbm>> -> memref<676000x16xf32, #tpu.memory_space<hbm>>
      tpu.enqueue_indirect_dma source(%dma_start3A_346 : memref<676000x16xf32, #tpu.memory_space<hbm>>) target(%arg12 : memref<128x16xf32, #tpu.memory_space<vmem>>) offsets(%dma_start3A_343 : memref<128xi32, #tpu.memory_space<vmem>>) semaphore(%arg34 : memref<!tpu.dma_semaphore, #tpu.memory_space<semaphore_mem>>)
      %add3A_347 = arith.constant 3 : i32
      %add3A_348 = arith.addi %mul3A_322, %add3A_347 : i32
      %dma_start3A_349 = arith.constant 0 : i32
      %dma_start3A_350 = tpu.memref_slice %arg8[%add3A_348, %dma_start3A_349] : memref<176x128xi32, #tpu.memory_space<vmem>> -> memref<1x128xi32, #tpu.memory_space<vmem>>
      %dma_start3A_351 = tpu.memref_squeeze %dma_start3A_350 : memref<1x128xi32, #tpu.memory_space<vmem>> -> memref<128xi32, #tpu.memory_space<vmem>>
      %dma_start3A_352 = arith.constant 0 : i32
      %dma_start3A_353 = arith.constant 0 : i32
      %dma_start3A_354 = tpu.memref_slice %arg2[%dma_start3A_352, %dma_start3A_353] : memref<676000x16xf32, #tpu.memory_space<hbm>> -> memref<676000x16xf32, #tpu.memory_space<hbm>>
      tpu.enqueue_indirect_dma source(%dma_start3A_354 : memref<676000x16xf32, #tpu.memory_space<hbm>>) target(%arg13 : memref<128x16xf32, #tpu.memory_space<vmem>>) offsets(%dma_start3A_351 : memref<128xi32, #tpu.memory_space<vmem>>) semaphore(%arg34 : memref<!tpu.dma_semaphore, #tpu.memory_space<semaphore_mem>>)
      %add3A_355 = arith.constant 4 : i32
      %add3A_356 = arith.addi %mul3A_322, %add3A_355 : i32
      %dma_start3A_357 = arith.constant 0 : i32
      %dma_start3A_358 = tpu.memref_slice %arg8[%add3A_356, %dma_start3A_357] : memref<176x128xi32, #tpu.memory_space<vmem>> -> memref<1x128xi32, #tpu.memory_space<vmem>>
      %dma_start3A_359 = tpu.memref_squeeze %dma_start3A_358 : memref<1x128xi32, #tpu.memory_space<vmem>> -> memref<128xi32, #tpu.memory_space<vmem>>
      %dma_start3A_360 = arith.constant 0 : i32
      %dma_start3A_361 = arith.constant 0 : i32
      %dma_start3A_362 = tpu.memref_slice %arg2[%dma_start3A_360, %dma_start3A_361] : memref<676000x16xf32, #tpu.memory_space<hbm>> -> memref<676000x16xf32, #tpu.memory_space<hbm>>
      tpu.enqueue_indirect_dma source(%dma_start3A_362 : memref<676000x16xf32, #tpu.memory_space<hbm>>) target(%arg14 : memref<128x16xf32, #tpu.memory_space<vmem>>) offsets(%dma_start3A_359 : memref<128xi32, #tpu.memory_space<vmem>>) semaphore(%arg34 : memref<!tpu.dma_semaphore, #tpu.memory_space<semaphore_mem>>)
      %add3A_363 = arith.constant 5 : i32
      %add3A_364 = arith.addi %mul3A_322, %add3A_363 : i32
      %dma_start3A_365 = arith.constant 0 : i32
      %dma_start3A_366 = tpu.memref_slice %arg8[%add3A_364, %dma_start3A_365] : memref<176x128xi32, #tpu.memory_space<vmem>> -> memref<1x128xi32, #tpu.memory_space<vmem>>
      %dma_start3A_367 = tpu.memref_squeeze %dma_start3A_366 : memref<1x128xi32, #tpu.memory_space<vmem>> -> memref<128xi32, #tpu.memory_space<vmem>>
      %dma_start3A_368 = arith.constant 0 : i32
      %dma_start3A_369 = arith.constant 0 : i32
      %dma_start3A_370 = tpu.memref_slice %arg2[%dma_start3A_368, %dma_start3A_369] : memref<676000x16xf32, #tpu.memory_space<hbm>> -> memref<676000x16xf32, #tpu.memory_space<hbm>>
      tpu.enqueue_indirect_dma source(%dma_start3A_370 : memref<676000x16xf32, #tpu.memory_space<hbm>>) target(%arg15 : memref<128x16xf32, #tpu.memory_space<vmem>>) offsets(%dma_start3A_367 : memref<128xi32, #tpu.memory_space<vmem>>) semaphore(%arg34 : memref<!tpu.dma_semaphore, #tpu.memory_space<semaphore_mem>>)
      %add3A_371 = arith.constant 6 : i32
      %add3A_372 = arith.addi %mul3A_322, %add3A_371 : i32
      %dma_start3A_373 = arith.constant 0 : i32
      %dma_start3A_374 = tpu.memref_slice %arg8[%add3A_372, %dma_start3A_373] : memref<176x128xi32, #tpu.memory_space<vmem>> -> memref<1x128xi32, #tpu.memory_space<vmem>>
      %dma_start3A_375 = tpu.memref_squeeze %dma_start3A_374 : memref<1x128xi32, #tpu.memory_space<vmem>> -> memref<128xi32, #tpu.memory_space<vmem>>
      %dma_start3A_376 = arith.constant 0 : i32
      %dma_start3A_377 = arith.constant 0 : i32
      %dma_start3A_378 = tpu.memref_slice %arg2[%dma_start3A_376, %dma_start3A_377] : memref<676000x16xf32, #tpu.memory_space<hbm>> -> memref<676000x16xf32, #tpu.memory_space<hbm>>
      tpu.enqueue_indirect_dma source(%dma_start3A_378 : memref<676000x16xf32, #tpu.memory_space<hbm>>) target(%arg16 : memref<128x16xf32, #tpu.memory_space<vmem>>) offsets(%dma_start3A_375 : memref<128xi32, #tpu.memory_space<vmem>>) semaphore(%arg34 : memref<!tpu.dma_semaphore, #tpu.memory_space<semaphore_mem>>)
      %add3A_379 = arith.constant 7 : i32
      %add3A_380 = arith.addi %mul3A_322, %add3A_379 : i32
      %dma_start3A_381 = arith.constant 0 : i32
      %dma_start3A_382 = tpu.memref_slice %arg8[%add3A_380, %dma_start3A_381] : memref<176x128xi32, #tpu.memory_space<vmem>> -> memref<1x128xi32, #tpu.memory_space<vmem>>
      %dma_start3A_383 = tpu.memref_squeeze %dma_start3A_382 : memref<1x128xi32, #tpu.memory_space<vmem>> -> memref<128xi32, #tpu.memory_space<vmem>>
      %dma_start3A_384 = arith.constant 0 : i32
      %dma_start3A_385 = arith.constant 0 : i32
      %dma_start3A_386 = tpu.memref_slice %arg2[%dma_start3A_384, %dma_start3A_385] : memref<676000x16xf32, #tpu.memory_space<hbm>> -> memref<676000x16xf32, #tpu.memory_space<hbm>>
      tpu.enqueue_indirect_dma source(%dma_start3A_386 : memref<676000x16xf32, #tpu.memory_space<hbm>>) target(%arg17 : memref<128x16xf32, #tpu.memory_space<vmem>>) offsets(%dma_start3A_383 : memref<128xi32, #tpu.memory_space<vmem>>) semaphore(%arg34 : memref<!tpu.dma_semaphore, #tpu.memory_space<semaphore_mem>>)
      %add3A_387 = arith.constant 8 : i32
      %add3A_388 = arith.addi %mul3A_322, %add3A_387 : i32
      %dma_start3A_389 = arith.constant 0 : i32
      %dma_start3A_390 = tpu.memref_slice %arg8[%add3A_388, %dma_start3A_389] : memref<176x128xi32, #tpu.memory_space<vmem>> -> memref<1x128xi32, #tpu.memory_space<vmem>>
      %dma_start3A_391 = tpu.memref_squeeze %dma_start3A_390 : memref<1x128xi32, #tpu.memory_space<vmem>> -> memref<128xi32, #tpu.memory_space<vmem>>
      %dma_start3A_392 = arith.constant 0 : i32
      %dma_start3A_393 = arith.constant 0 : i32
      %dma_start3A_394 = tpu.memref_slice %arg2[%dma_start3A_392, %dma_start3A_393] : memref<676000x16xf32, #tpu.memory_space<hbm>> -> memref<676000x16xf32, #tpu.memory_space<hbm>>
      tpu.enqueue_indirect_dma source(%dma_start3A_394 : memref<676000x16xf32, #tpu.memory_space<hbm>>) target(%arg18 : memref<128x16xf32, #tpu.memory_space<vmem>>) offsets(%dma_start3A_391 : memref<128xi32, #tpu.memory_space<vmem>>) semaphore(%arg34 : memref<!tpu.dma_semaphore, #tpu.memory_space<semaphore_mem>>)
      %add3A_395 = arith.constant 9 : i32
      %add3A_396 = arith.addi %mul3A_322, %add3A_395 : i32
      %dma_start3A_397 = arith.constant 0 : i32
      %dma_start3A_398 = tpu.memref_slice %arg8[%add3A_396, %dma_start3A_397] : memref<176x128xi32, #tpu.memory_space<vmem>> -> memref<1x128xi32, #tpu.memory_space<vmem>>
      %dma_start3A_399 = tpu.memref_squeeze %dma_start3A_398 : memref<1x128xi32, #tpu.memory_space<vmem>> -> memref<128xi32, #tpu.memory_space<vmem>>
      %dma_start3A_400 = arith.constant 0 : i32
      %dma_start3A_401 = arith.constant 0 : i32
      %dma_start3A_402 = tpu.memref_slice %arg2[%dma_start3A_400, %dma_start3A_401] : memref<676000x16xf32, #tpu.memory_space<hbm>> -> memref<676000x16xf32, #tpu.memory_space<hbm>>
      tpu.enqueue_indirect_dma source(%dma_start3A_402 : memref<676000x16xf32, #tpu.memory_space<hbm>>) target(%arg19 : memref<128x16xf32, #tpu.memory_space<vmem>>) offsets(%dma_start3A_399 : memref<128xi32, #tpu.memory_space<vmem>>) semaphore(%arg34 : memref<!tpu.dma_semaphore, #tpu.memory_space<semaphore_mem>>)
      %add3A_403 = arith.constant 10 : i32
      %add3A_404 = arith.addi %mul3A_322, %add3A_403 : i32
      %dma_start3A_405 = arith.constant 0 : i32
      %dma_start3A_406 = tpu.memref_slice %arg8[%add3A_404, %dma_start3A_405] : memref<176x128xi32, #tpu.memory_space<vmem>> -> memref<1x128xi32, #tpu.memory_space<vmem>>
      %dma_start3A_407 = tpu.memref_squeeze %dma_start3A_406 : memref<1x128xi32, #tpu.memory_space<vmem>> -> memref<128xi32, #tpu.memory_space<vmem>>
      %dma_start3A_408 = arith.constant 0 : i32
      %dma_start3A_409 = arith.constant 0 : i32
      %dma_start3A_410 = tpu.memref_slice %arg2[%dma_start3A_408, %dma_start3A_409] : memref<676000x16xf32, #tpu.memory_space<hbm>> -> memref<676000x16xf32, #tpu.memory_space<hbm>>
      tpu.enqueue_indirect_dma source(%dma_start3A_410 : memref<676000x16xf32, #tpu.memory_space<hbm>>) target(%arg20 : memref<128x16xf32, #tpu.memory_space<vmem>>) offsets(%dma_start3A_407 : memref<128xi32, #tpu.memory_space<vmem>>) semaphore(%arg34 : memref<!tpu.dma_semaphore, #tpu.memory_space<semaphore_mem>>)
      %dma_wait3A_411 = arith.constant 0 : i32
      %dma_wait3A_412 = tpu.memref_slice %arg8[%add3A_324, %dma_wait3A_411] : memref<176x128xi32, #tpu.memory_space<vmem>> -> memref<1x128xi32, #tpu.memory_space<vmem>>
      %dma_wait3A_413 = tpu.memref_squeeze %dma_wait3A_412 : memref<1x128xi32, #tpu.memory_space<vmem>> -> memref<128xi32, #tpu.memory_space<vmem>>
      %dma_wait3A_414 = arith.constant 0 : i32
      %dma_wait3A_415 = arith.constant 0 : i32
      %dma_wait3A_416 = tpu.memref_slice %arg2[%dma_wait3A_414, %dma_wait3A_415] : memref<676000x16xf32, #tpu.memory_space<hbm>> -> memref<676000x16xf32, #tpu.memory_space<hbm>>
      tpu.wait_indirect_dma semaphore(%arg34 : memref<!tpu.dma_semaphore, #tpu.memory_space<semaphore_mem>>) src(%dma_wait3A_416 : memref<676000x16xf32, #tpu.memory_space<hbm>>) dst(%arg10 : memref<128x16xf32, #tpu.memory_space<vmem>>)
      %dma_wait3A_417 = arith.constant 0 : i32
      %dma_wait3A_418 = tpu.memref_slice %arg8[%add3A_332, %dma_wait3A_417] : memref<176x128xi32, #tpu.memory_space<vmem>> -> memref<1x128xi32, #tpu.memory_space<vmem>>
      %dma_wait3A_419 = tpu.memref_squeeze %dma_wait3A_418 : memref<1x128xi32, #tpu.memory_space<vmem>> -> memref<128xi32, #tpu.memory_space<vmem>>
      %dma_wait3A_420 = arith.constant 0 : i32
      %dma_wait3A_421 = arith.constant 0 : i32
      %dma_wait3A_422 = tpu.memref_slice %arg2[%dma_wait3A_420, %dma_wait3A_421] : memref<676000x16xf32, #tpu.memory_space<hbm>> -> memref<676000x16xf32, #tpu.memory_space<hbm>>
      tpu.wait_indirect_dma semaphore(%arg34 : memref<!tpu.dma_semaphore, #tpu.memory_space<semaphore_mem>>) src(%dma_wait3A_422 : memref<676000x16xf32, #tpu.memory_space<hbm>>) dst(%arg11 : memref<128x16xf32, #tpu.memory_space<vmem>>)
      %dma_wait3A_423 = arith.constant 0 : i32
      %dma_wait3A_424 = tpu.memref_slice %arg8[%add3A_340, %dma_wait3A_423] : memref<176x128xi32, #tpu.memory_space<vmem>> -> memref<1x128xi32, #tpu.memory_space<vmem>>
      %dma_wait3A_425 = tpu.memref_squeeze %dma_wait3A_424 : memref<1x128xi32, #tpu.memory_space<vmem>> -> memref<128xi32, #tpu.memory_space<vmem>>
      %dma_wait3A_426 = arith.constant 0 : i32
      %dma_wait3A_427 = arith.constant 0 : i32
      %dma_wait3A_428 = tpu.memref_slice %arg2[%dma_wait3A_426, %dma_wait3A_427] : memref<676000x16xf32, #tpu.memory_space<hbm>> -> memref<676000x16xf32, #tpu.memory_space<hbm>>
      tpu.wait_indirect_dma semaphore(%arg34 : memref<!tpu.dma_semaphore, #tpu.memory_space<semaphore_mem>>) src(%dma_wait3A_428 : memref<676000x16xf32, #tpu.memory_space<hbm>>) dst(%arg12 : memref<128x16xf32, #tpu.memory_space<vmem>>)
      %dma_wait3A_429 = arith.constant 0 : i32
      %dma_wait3A_430 = tpu.memref_slice %arg8[%add3A_348, %dma_wait3A_429] : memref<176x128xi32, #tpu.memory_space<vmem>> -> memref<1x128xi32, #tpu.memory_space<vmem>>
      %dma_wait3A_431 = tpu.memref_squeeze %dma_wait3A_430 : memref<1x128xi32, #tpu.memory_space<vmem>> -> memref<128xi32, #tpu.memory_space<vmem>>
      %dma_wait3A_432 = arith.constant 0 : i32
      %dma_wait3A_433 = arith.constant 0 : i32
      %dma_wait3A_434 = tpu.memref_slice %arg2[%dma_wait3A_432, %dma_wait3A_433] : memref<676000x16xf32, #tpu.memory_space<hbm>> -> memref<676000x16xf32, #tpu.memory_space<hbm>>
      tpu.wait_indirect_dma semaphore(%arg34 : memref<!tpu.dma_semaphore, #tpu.memory_space<semaphore_mem>>) src(%dma_wait3A_434 : memref<676000x16xf32, #tpu.memory_space<hbm>>) dst(%arg13 : memref<128x16xf32, #tpu.memory_space<vmem>>)
      %dma_wait3A_435 = arith.constant 0 : i32
      %dma_wait3A_436 = tpu.memref_slice %arg8[%add3A_356, %dma_wait3A_435] : memref<176x128xi32, #tpu.memory_space<vmem>> -> memref<1x128xi32, #tpu.memory_space<vmem>>
      %dma_wait3A_437 = tpu.memref_squeeze %dma_wait3A_436 : memref<1x128xi32, #tpu.memory_space<vmem>> -> memref<128xi32, #tpu.memory_space<vmem>>
      %dma_wait3A_438 = arith.constant 0 : i32
      %dma_wait3A_439 = arith.constant 0 : i32
      %dma_wait3A_440 = tpu.memref_slice %arg2[%dma_wait3A_438, %dma_wait3A_439] : memref<676000x16xf32, #tpu.memory_space<hbm>> -> memref<676000x16xf32, #tpu.memory_space<hbm>>
      tpu.wait_indirect_dma semaphore(%arg34 : memref<!tpu.dma_semaphore, #tpu.memory_space<semaphore_mem>>) src(%dma_wait3A_440 : memref<676000x16xf32, #tpu.memory_space<hbm>>) dst(%arg14 : memref<128x16xf32, #tpu.memory_space<vmem>>)
      %dma_wait3A_441 = arith.constant 0 : i32
      %dma_wait3A_442 = tpu.memref_slice %arg8[%add3A_364, %dma_wait3A_441] : memref<176x128xi32, #tpu.memory_space<vmem>> -> memref<1x128xi32, #tpu.memory_space<vmem>>
      %dma_wait3A_443 = tpu.memref_squeeze %dma_wait3A_442 : memref<1x128xi32, #tpu.memory_space<vmem>> -> memref<128xi32, #tpu.memory_space<vmem>>
      %dma_wait3A_444 = arith.constant 0 : i32
      %dma_wait3A_445 = arith.constant 0 : i32
      %dma_wait3A_446 = tpu.memref_slice %arg2[%dma_wait3A_444, %dma_wait3A_445] : memref<676000x16xf32, #tpu.memory_space<hbm>> -> memref<676000x16xf32, #tpu.memory_space<hbm>>
      tpu.wait_indirect_dma semaphore(%arg34 : memref<!tpu.dma_semaphore, #tpu.memory_space<semaphore_mem>>) src(%dma_wait3A_446 : memref<676000x16xf32, #tpu.memory_space<hbm>>) dst(%arg15 : memref<128x16xf32, #tpu.memory_space<vmem>>)
      %dma_wait3A_447 = arith.constant 0 : i32
      %dma_wait3A_448 = tpu.memref_slice %arg8[%add3A_372, %dma_wait3A_447] : memref<176x128xi32, #tpu.memory_space<vmem>> -> memref<1x128xi32, #tpu.memory_space<vmem>>
      %dma_wait3A_449 = tpu.memref_squeeze %dma_wait3A_448 : memref<1x128xi32, #tpu.memory_space<vmem>> -> memref<128xi32, #tpu.memory_space<vmem>>
      %dma_wait3A_450 = arith.constant 0 : i32
      %dma_wait3A_451 = arith.constant 0 : i32
      %dma_wait3A_452 = tpu.memref_slice %arg2[%dma_wait3A_450, %dma_wait3A_451] : memref<676000x16xf32, #tpu.memory_space<hbm>> -> memref<676000x16xf32, #tpu.memory_space<hbm>>
      tpu.wait_indirect_dma semaphore(%arg34 : memref<!tpu.dma_semaphore, #tpu.memory_space<semaphore_mem>>) src(%dma_wait3A_452 : memref<676000x16xf32, #tpu.memory_space<hbm>>) dst(%arg16 : memref<128x16xf32, #tpu.memory_space<vmem>>)
      %dma_wait3A_453 = arith.constant 0 : i32
      %dma_wait3A_454 = tpu.memref_slice %arg8[%add3A_380, %dma_wait3A_453] : memref<176x128xi32, #tpu.memory_space<vmem>> -> memref<1x128xi32, #tpu.memory_space<vmem>>
      %dma_wait3A_455 = tpu.memref_squeeze %dma_wait3A_454 : memref<1x128xi32, #tpu.memory_space<vmem>> -> memref<128xi32, #tpu.memory_space<vmem>>
      %dma_wait3A_456 = arith.constant 0 : i32
      %dma_wait3A_457 = arith.constant 0 : i32
      %dma_wait3A_458 = tpu.memref_slice %arg2[%dma_wait3A_456, %dma_wait3A_457] : memref<676000x16xf32, #tpu.memory_space<hbm>> -> memref<676000x16xf32, #tpu.memory_space<hbm>>
      tpu.wait_indirect_dma semaphore(%arg34 : memref<!tpu.dma_semaphore, #tpu.memory_space<semaphore_mem>>) src(%dma_wait3A_458 : memref<676000x16xf32, #tpu.memory_space<hbm>>) dst(%arg17 : memref<128x16xf32, #tpu.memory_space<vmem>>)
      %dma_wait3A_459 = arith.constant 0 : i32
      %dma_wait3A_460 = tpu.memref_slice %arg8[%add3A_388, %dma_wait3A_459] : memref<176x128xi32, #tpu.memory_space<vmem>> -> memref<1x128xi32, #tpu.memory_space<vmem>>
      %dma_wait3A_461 = tpu.memref_squeeze %dma_wait3A_460 : memref<1x128xi32, #tpu.memory_space<vmem>> -> memref<128xi32, #tpu.memory_space<vmem>>
      %dma_wait3A_462 = arith.constant 0 : i32
      %dma_wait3A_463 = arith.constant 0 : i32
      %dma_wait3A_464 = tpu.memref_slice %arg2[%dma_wait3A_462, %dma_wait3A_463] : memref<676000x16xf32, #tpu.memory_space<hbm>> -> memref<676000x16xf32, #tpu.memory_space<hbm>>
      tpu.wait_indirect_dma semaphore(%arg34 : memref<!tpu.dma_semaphore, #tpu.memory_space<semaphore_mem>>) src(%dma_wait3A_464 : memref<676000x16xf32, #tpu.memory_space<hbm>>) dst(%arg18 : memref<128x16xf32, #tpu.memory_space<vmem>>)
      %dma_wait3A_465 = arith.constant 0 : i32
      %dma_wait3A_466 = tpu.memref_slice %arg8[%add3A_396, %dma_wait3A_465] : memref<176x128xi32, #tpu.memory_space<vmem>> -> memref<1x128xi32, #tpu.memory_space<vmem>>
      %dma_wait3A_467 = tpu.memref_squeeze %dma_wait3A_466 : memref<1x128xi32, #tpu.memory_space<vmem>> -> memref<128xi32, #tpu.memory_space<vmem>>
      %dma_wait3A_468 = arith.constant 0 : i32
      %dma_wait3A_469 = arith.constant 0 : i32
      %dma_wait3A_470 = tpu.memref_slice %arg2[%dma_wait3A_468, %dma_wait3A_469] : memref<676000x16xf32, #tpu.memory_space<hbm>> -> memref<676000x16xf32, #tpu.memory_space<hbm>>
      tpu.wait_indirect_dma semaphore(%arg34 : memref<!tpu.dma_semaphore, #tpu.memory_space<semaphore_mem>>) src(%dma_wait3A_470 : memref<676000x16xf32, #tpu.memory_space<hbm>>) dst(%arg19 : memref<128x16xf32, #tpu.memory_space<vmem>>)
      %dma_wait3A_471 = arith.constant 0 : i32
      %dma_wait3A_472 = tpu.memref_slice %arg8[%add3A_404, %dma_wait3A_471] : memref<176x128xi32, #tpu.memory_space<vmem>> -> memref<1x128xi32, #tpu.memory_space<vmem>>
      %dma_wait3A_473 = tpu.memref_squeeze %dma_wait3A_472 : memref<1x128xi32, #tpu.memory_space<vmem>> -> memref<128xi32, #tpu.memory_space<vmem>>
      %dma_wait3A_474 = arith.constant 0 : i32
      %dma_wait3A_475 = arith.constant 0 : i32
      %dma_wait3A_476 = tpu.memref_slice %arg2[%dma_wait3A_474, %dma_wait3A_475] : memref<676000x16xf32, #tpu.memory_space<hbm>> -> memref<676000x16xf32, #tpu.memory_space<hbm>>
      tpu.wait_indirect_dma semaphore(%arg34 : memref<!tpu.dma_semaphore, #tpu.memory_space<semaphore_mem>>) src(%dma_wait3A_476 : memref<676000x16xf32, #tpu.memory_space<hbm>>) dst(%arg20 : memref<128x16xf32, #tpu.memory_space<vmem>>)
      %add3A_477 = arith.constant 0 : i32
      %add3A_478 = arith.addi %mul3A_322, %add3A_477 : i32
      %mul3A_479 = arith.constant 128 : i32
      %mul3A_480 = arith.muli %add3A_478, %mul3A_479 : i32
      %add3A_481 = arith.addi %mul3A_314, %mul3A_480 : i32
      %dma_start3A_482 = arith.constant 0 : i32
      %dma_start3A_483 = tpu.memref_slice %arg6[%add3A_481, %dma_start3A_482] : memref<720896x16xf32, #tpu.memory_space<hbm>> -> memref<128x16xf32, #tpu.memory_space<hbm>>
      %dma_start3A_484 = arith.constant 0 : i32
      %dma_start3A_485 = tpu.memref_slice %arg6[%add3A_481, %dma_start3A_484] : memref<720896x16xf32, #tpu.memory_space<hbm>> -> memref<128x16xf32, #tpu.memory_space<hbm>>
      tpu.enqueue_dma source(%arg10 : memref<128x16xf32, #tpu.memory_space<vmem>>) target(%dma_start3A_485 : memref<128x16xf32, #tpu.memory_space<hbm>>) target_semaphore(%arg35 : memref<!tpu.dma_semaphore, #tpu.memory_space<semaphore_mem>>)
      %add3A_486 = arith.constant 1 : i32
      %add3A_487 = arith.addi %mul3A_322, %add3A_486 : i32
      %mul3A_488 = arith.constant 128 : i32
      %mul3A_489 = arith.muli %add3A_487, %mul3A_488 : i32
      %add3A_490 = arith.addi %mul3A_314, %mul3A_489 : i32
      %dma_start3A_491 = arith.constant 0 : i32
      %dma_start3A_492 = tpu.memref_slice %arg6[%add3A_490, %dma_start3A_491] : memref<720896x16xf32, #tpu.memory_space<hbm>> -> memref<128x16xf32, #tpu.memory_space<hbm>>
      %dma_start3A_493 = arith.constant 0 : i32
      %dma_start3A_494 = tpu.memref_slice %arg6[%add3A_490, %dma_start3A_493] : memref<720896x16xf32, #tpu.memory_space<hbm>> -> memref<128x16xf32, #tpu.memory_space<hbm>>
      tpu.enqueue_dma source(%arg11 : memref<128x16xf32, #tpu.memory_space<vmem>>) target(%dma_start3A_494 : memref<128x16xf32, #tpu.memory_space<hbm>>) target_semaphore(%arg35 : memref<!tpu.dma_semaphore, #tpu.memory_space<semaphore_mem>>)
      %add3A_495 = arith.constant 2 : i32
      %add3A_496 = arith.addi %mul3A_322, %add3A_495 : i32
      %mul3A_497 = arith.constant 128 : i32
      %mul3A_498 = arith.muli %add3A_496, %mul3A_497 : i32
      %add3A_499 = arith.addi %mul3A_314, %mul3A_498 : i32
      %dma_start3A_500 = arith.constant 0 : i32
      %dma_start3A_501 = tpu.memref_slice %arg6[%add3A_499, %dma_start3A_500] : memref<720896x16xf32, #tpu.memory_space<hbm>> -> memref<128x16xf32, #tpu.memory_space<hbm>>
      %dma_start3A_502 = arith.constant 0 : i32
      %dma_start3A_503 = tpu.memref_slice %arg6[%add3A_499, %dma_start3A_502] : memref<720896x16xf32, #tpu.memory_space<hbm>> -> memref<128x16xf32, #tpu.memory_space<hbm>>
      tpu.enqueue_dma source(%arg12 : memref<128x16xf32, #tpu.memory_space<vmem>>) target(%dma_start3A_503 : memref<128x16xf32, #tpu.memory_space<hbm>>) target_semaphore(%arg35 : memref<!tpu.dma_semaphore, #tpu.memory_space<semaphore_mem>>)
      %add3A_504 = arith.constant 3 : i32
      %add3A_505 = arith.addi %mul3A_322, %add3A_504 : i32
      %mul3A_506 = arith.constant 128 : i32
      %mul3A_507 = arith.muli %add3A_505, %mul3A_506 : i32
      %add3A_508 = arith.addi %mul3A_314, %mul3A_507 : i32
      %dma_start3A_509 = arith.constant 0 : i32
      %dma_start3A_510 = tpu.memref_slice %arg6[%add3A_508, %dma_start3A_509] : memref<720896x16xf32, #tpu.memory_space<hbm>> -> memref<128x16xf32, #tpu.memory_space<hbm>>
      %dma_start3A_511 = arith.constant 0 : i32
      %dma_start3A_512 = tpu.memref_slice %arg6[%add3A_508, %dma_start3A_511] : memref<720896x16xf32, #tpu.memory_space<hbm>> -> memref<128x16xf32, #tpu.memory_space<hbm>>
      tpu.enqueue_dma source(%arg13 : memref<128x16xf32, #tpu.memory_space<vmem>>) target(%dma_start3A_512 : memref<128x16xf32, #tpu.memory_space<hbm>>) target_semaphore(%arg35 : memref<!tpu.dma_semaphore, #tpu.memory_space<semaphore_mem>>)
      %add3A_513 = arith.constant 4 : i32
      %add3A_514 = arith.addi %mul3A_322, %add3A_513 : i32
      %mul3A_515 = arith.constant 128 : i32
      %mul3A_516 = arith.muli %add3A_514, %mul3A_515 : i32
      %add3A_517 = arith.addi %mul3A_314, %mul3A_516 : i32
      %dma_start3A_518 = arith.constant 0 : i32
      %dma_start3A_519 = tpu.memref_slice %arg6[%add3A_517, %dma_start3A_518] : memref<720896x16xf32, #tpu.memory_space<hbm>> -> memref<128x16xf32, #tpu.memory_space<hbm>>
      %dma_start3A_520 = arith.constant 0 : i32
      %dma_start3A_521 = tpu.memref_slice %arg6[%add3A_517, %dma_start3A_520] : memref<720896x16xf32, #tpu.memory_space<hbm>> -> memref<128x16xf32, #tpu.memory_space<hbm>>
      tpu.enqueue_dma source(%arg14 : memref<128x16xf32, #tpu.memory_space<vmem>>) target(%dma_start3A_521 : memref<128x16xf32, #tpu.memory_space<hbm>>) target_semaphore(%arg35 : memref<!tpu.dma_semaphore, #tpu.memory_space<semaphore_mem>>)
      %add3A_522 = arith.constant 5 : i32
      %add3A_523 = arith.addi %mul3A_322, %add3A_522 : i32
      %mul3A_524 = arith.constant 128 : i32
      %mul3A_525 = arith.muli %add3A_523, %mul3A_524 : i32
      %add3A_526 = arith.addi %mul3A_314, %mul3A_525 : i32
      %dma_start3A_527 = arith.constant 0 : i32
      %dma_start3A_528 = tpu.memref_slice %arg6[%add3A_526, %dma_start3A_527] : memref<720896x16xf32, #tpu.memory_space<hbm>> -> memref<128x16xf32, #tpu.memory_space<hbm>>
      %dma_start3A_529 = arith.constant 0 : i32
      %dma_start3A_530 = tpu.memref_slice %arg6[%add3A_526, %dma_start3A_529] : memref<720896x16xf32, #tpu.memory_space<hbm>> -> memref<128x16xf32, #tpu.memory_space<hbm>>
      tpu.enqueue_dma source(%arg15 : memref<128x16xf32, #tpu.memory_space<vmem>>) target(%dma_start3A_530 : memref<128x16xf32, #tpu.memory_space<hbm>>) target_semaphore(%arg35 : memref<!tpu.dma_semaphore, #tpu.memory_space<semaphore_mem>>)
      %add3A_531 = arith.constant 6 : i32
      %add3A_532 = arith.addi %mul3A_322, %add3A_531 : i32
      %mul3A_533 = arith.constant 128 : i32
      %mul3A_534 = arith.muli %add3A_532, %mul3A_533 : i32
      %add3A_535 = arith.addi %mul3A_314, %mul3A_534 : i32
      %dma_start3A_536 = arith.constant 0 : i32
      %dma_start3A_537 = tpu.memref_slice %arg6[%add3A_535, %dma_start3A_536] : memref<720896x16xf32, #tpu.memory_space<hbm>> -> memref<128x16xf32, #tpu.memory_space<hbm>>
      %dma_start3A_538 = arith.constant 0 : i32
      %dma_start3A_539 = tpu.memref_slice %arg6[%add3A_535, %dma_start3A_538] : memref<720896x16xf32, #tpu.memory_space<hbm>> -> memref<128x16xf32, #tpu.memory_space<hbm>>
      tpu.enqueue_dma source(%arg16 : memref<128x16xf32, #tpu.memory_space<vmem>>) target(%dma_start3A_539 : memref<128x16xf32, #tpu.memory_space<hbm>>) target_semaphore(%arg35 : memref<!tpu.dma_semaphore, #tpu.memory_space<semaphore_mem>>)
      %add3A_540 = arith.constant 7 : i32
      %add3A_541 = arith.addi %mul3A_322, %add3A_540 : i32
      %mul3A_542 = arith.constant 128 : i32
      %mul3A_543 = arith.muli %add3A_541, %mul3A_542 : i32
      %add3A_544 = arith.addi %mul3A_314, %mul3A_543 : i32
      %dma_start3A_545 = arith.constant 0 : i32
      %dma_start3A_546 = tpu.memref_slice %arg6[%add3A_544, %dma_start3A_545] : memref<720896x16xf32, #tpu.memory_space<hbm>> -> memref<128x16xf32, #tpu.memory_space<hbm>>
      %dma_start3A_547 = arith.constant 0 : i32
      %dma_start3A_548 = tpu.memref_slice %arg6[%add3A_544, %dma_start3A_547] : memref<720896x16xf32, #tpu.memory_space<hbm>> -> memref<128x16xf32, #tpu.memory_space<hbm>>
      tpu.enqueue_dma source(%arg17 : memref<128x16xf32, #tpu.memory_space<vmem>>) target(%dma_start3A_548 : memref<128x16xf32, #tpu.memory_space<hbm>>) target_semaphore(%arg35 : memref<!tpu.dma_semaphore, #tpu.memory_space<semaphore_mem>>)
      %add3A_549 = arith.constant 8 : i32
      %add3A_550 = arith.addi %mul3A_322, %add3A_549 : i32
      %mul3A_551 = arith.constant 128 : i32
      %mul3A_552 = arith.muli %add3A_550, %mul3A_551 : i32
      %add3A_553 = arith.addi %mul3A_314, %mul3A_552 : i32
      %dma_start3A_554 = arith.constant 0 : i32
      %dma_start3A_555 = tpu.memref_slice %arg6[%add3A_553, %dma_start3A_554] : memref<720896x16xf32, #tpu.memory_space<hbm>> -> memref<128x16xf32, #tpu.memory_space<hbm>>
      %dma_start3A_556 = arith.constant 0 : i32
      %dma_start3A_557 = tpu.memref_slice %arg6[%add3A_553, %dma_start3A_556] : memref<720896x16xf32, #tpu.memory_space<hbm>> -> memref<128x16xf32, #tpu.memory_space<hbm>>
      tpu.enqueue_dma source(%arg18 : memref<128x16xf32, #tpu.memory_space<vmem>>) target(%dma_start3A_557 : memref<128x16xf32, #tpu.memory_space<hbm>>) target_semaphore(%arg35 : memref<!tpu.dma_semaphore, #tpu.memory_space<semaphore_mem>>)
      %add3A_558 = arith.constant 9 : i32
      %add3A_559 = arith.addi %mul3A_322, %add3A_558 : i32
      %mul3A_560 = arith.constant 128 : i32
      %mul3A_561 = arith.muli %add3A_559, %mul3A_560 : i32
      %add3A_562 = arith.addi %mul3A_314, %mul3A_561 : i32
      %dma_start3A_563 = arith.constant 0 : i32
      %dma_start3A_564 = tpu.memref_slice %arg6[%add3A_562, %dma_start3A_563] : memref<720896x16xf32, #tpu.memory_space<hbm>> -> memref<128x16xf32, #tpu.memory_space<hbm>>
      %dma_start3A_565 = arith.constant 0 : i32
      %dma_start3A_566 = tpu.memref_slice %arg6[%add3A_562, %dma_start3A_565] : memref<720896x16xf32, #tpu.memory_space<hbm>> -> memref<128x16xf32, #tpu.memory_space<hbm>>
      tpu.enqueue_dma source(%arg19 : memref<128x16xf32, #tpu.memory_space<vmem>>) target(%dma_start3A_566 : memref<128x16xf32, #tpu.memory_space<hbm>>) target_semaphore(%arg35 : memref<!tpu.dma_semaphore, #tpu.memory_space<semaphore_mem>>)
      %add3A_567 = arith.constant 10 : i32
      %add3A_568 = arith.addi %mul3A_322, %add3A_567 : i32
      %mul3A_569 = arith.constant 128 : i32
      %mul3A_570 = arith.muli %add3A_568, %mul3A_569 : i32
      %add3A_571 = arith.addi %mul3A_314, %mul3A_570 : i32
      %dma_start3A_572 = arith.constant 0 : i32
      %dma_start3A_573 = tpu.memref_slice %arg6[%add3A_571, %dma_start3A_572] : memref<720896x16xf32, #tpu.memory_space<hbm>> -> memref<128x16xf32, #tpu.memory_space<hbm>>
      %dma_start3A_574 = arith.constant 0 : i32
      %dma_start3A_575 = tpu.memref_slice %arg6[%add3A_571, %dma_start3A_574] : memref<720896x16xf32, #tpu.memory_space<hbm>> -> memref<128x16xf32, #tpu.memory_space<hbm>>
      tpu.enqueue_dma source(%arg20 : memref<128x16xf32, #tpu.memory_space<vmem>>) target(%dma_start3A_575 : memref<128x16xf32, #tpu.memory_space<hbm>>) target_semaphore(%arg35 : memref<!tpu.dma_semaphore, #tpu.memory_space<semaphore_mem>>)
      %dma_wait3A_576 = arith.constant 0 : i32
      %dma_wait3A_577 = tpu.memref_slice %arg6[%add3A_481, %dma_wait3A_576] : memref<720896x16xf32, #tpu.memory_space<hbm>> -> memref<128x16xf32, #tpu.memory_space<hbm>>
      %dma_wait3A_578 = arith.constant 0 : i32
      %dma_wait3A_579 = tpu.memref_slice %arg6[%add3A_481, %dma_wait3A_578] : memref<720896x16xf32, #tpu.memory_space<hbm>> -> memref<128x16xf32, #tpu.memory_space<hbm>>
      tpu.wait_dma2 semaphore(%arg35 : memref<!tpu.dma_semaphore, #tpu.memory_space<semaphore_mem>>) src(%arg10 : memref<128x16xf32, #tpu.memory_space<vmem>>) dst(%dma_wait3A_579 : memref<128x16xf32, #tpu.memory_space<hbm>>)
      %dma_wait3A_580 = arith.constant 0 : i32
      %dma_wait3A_581 = tpu.memref_slice %arg6[%add3A_490, %dma_wait3A_580] : memref<720896x16xf32, #tpu.memory_space<hbm>> -> memref<128x16xf32, #tpu.memory_space<hbm>>
      %dma_wait3A_582 = arith.constant 0 : i32
      %dma_wait3A_583 = tpu.memref_slice %arg6[%add3A_490, %dma_wait3A_582] : memref<720896x16xf32, #tpu.memory_space<hbm>> -> memref<128x16xf32, #tpu.memory_space<hbm>>
      tpu.wait_dma2 semaphore(%arg35 : memref<!tpu.dma_semaphore, #tpu.memory_space<semaphore_mem>>) src(%arg11 : memref<128x16xf32, #tpu.memory_space<vmem>>) dst(%dma_wait3A_583 : memref<128x16xf32, #tpu.memory_space<hbm>>)
      %dma_wait3A_584 = arith.constant 0 : i32
      %dma_wait3A_585 = tpu.memref_slice %arg6[%add3A_499, %dma_wait3A_584] : memref<720896x16xf32, #tpu.memory_space<hbm>> -> memref<128x16xf32, #tpu.memory_space<hbm>>
      %dma_wait3A_586 = arith.constant 0 : i32
      %dma_wait3A_587 = tpu.memref_slice %arg6[%add3A_499, %dma_wait3A_586] : memref<720896x16xf32, #tpu.memory_space<hbm>> -> memref<128x16xf32, #tpu.memory_space<hbm>>
      tpu.wait_dma2 semaphore(%arg35 : memref<!tpu.dma_semaphore, #tpu.memory_space<semaphore_mem>>) src(%arg12 : memref<128x16xf32, #tpu.memory_space<vmem>>) dst(%dma_wait3A_587 : memref<128x16xf32, #tpu.memory_space<hbm>>)
      %dma_wait3A_588 = arith.constant 0 : i32
      %dma_wait3A_589 = tpu.memref_slice %arg6[%add3A_508, %dma_wait3A_588] : memref<720896x16xf32, #tpu.memory_space<hbm>> -> memref<128x16xf32, #tpu.memory_space<hbm>>
      %dma_wait3A_590 = arith.constant 0 : i32
      %dma_wait3A_591 = tpu.memref_slice %arg6[%add3A_508, %dma_wait3A_590] : memref<720896x16xf32, #tpu.memory_space<hbm>> -> memref<128x16xf32, #tpu.memory_space<hbm>>
      tpu.wait_dma2 semaphore(%arg35 : memref<!tpu.dma_semaphore, #tpu.memory_space<semaphore_mem>>) src(%arg13 : memref<128x16xf32, #tpu.memory_space<vmem>>) dst(%dma_wait3A_591 : memref<128x16xf32, #tpu.memory_space<hbm>>)
      %dma_wait3A_592 = arith.constant 0 : i32
      %dma_wait3A_593 = tpu.memref_slice %arg6[%add3A_517, %dma_wait3A_592] : memref<720896x16xf32, #tpu.memory_space<hbm>> -> memref<128x16xf32, #tpu.memory_space<hbm>>
      %dma_wait3A_594 = arith.constant 0 : i32
      %dma_wait3A_595 = tpu.memref_slice %arg6[%add3A_517, %dma_wait3A_594] : memref<720896x16xf32, #tpu.memory_space<hbm>> -> memref<128x16xf32, #tpu.memory_space<hbm>>
      tpu.wait_dma2 semaphore(%arg35 : memref<!tpu.dma_semaphore, #tpu.memory_space<semaphore_mem>>) src(%arg14 : memref<128x16xf32, #tpu.memory_space<vmem>>) dst(%dma_wait3A_595 : memref<128x16xf32, #tpu.memory_space<hbm>>)
      %dma_wait3A_596 = arith.constant 0 : i32
      %dma_wait3A_597 = tpu.memref_slice %arg6[%add3A_526, %dma_wait3A_596] : memref<720896x16xf32, #tpu.memory_space<hbm>> -> memref<128x16xf32, #tpu.memory_space<hbm>>
      %dma_wait3A_598 = arith.constant 0 : i32
      %dma_wait3A_599 = tpu.memref_slice %arg6[%add3A_526, %dma_wait3A_598] : memref<720896x16xf32, #tpu.memory_space<hbm>> -> memref<128x16xf32, #tpu.memory_space<hbm>>
      tpu.wait_dma2 semaphore(%arg35 : memref<!tpu.dma_semaphore, #tpu.memory_space<semaphore_mem>>) src(%arg15 : memref<128x16xf32, #tpu.memory_space<vmem>>) dst(%dma_wait3A_599 : memref<128x16xf32, #tpu.memory_space<hbm>>)
      %dma_wait3A_600 = arith.constant 0 : i32
      %dma_wait3A_601 = tpu.memref_slice %arg6[%add3A_535, %dma_wait3A_600] : memref<720896x16xf32, #tpu.memory_space<hbm>> -> memref<128x16xf32, #tpu.memory_space<hbm>>
      %dma_wait3A_602 = arith.constant 0 : i32
      %dma_wait3A_603 = tpu.memref_slice %arg6[%add3A_535, %dma_wait3A_602] : memref<720896x16xf32, #tpu.memory_space<hbm>> -> memref<128x16xf32, #tpu.memory_space<hbm>>
      tpu.wait_dma2 semaphore(%arg35 : memref<!tpu.dma_semaphore, #tpu.memory_space<semaphore_mem>>) src(%arg16 : memref<128x16xf32, #tpu.memory_space<vmem>>) dst(%dma_wait3A_603 : memref<128x16xf32, #tpu.memory_space<hbm>>)
      %dma_wait3A_604 = arith.constant 0 : i32
      %dma_wait3A_605 = tpu.memref_slice %arg6[%add3A_544, %dma_wait3A_604] : memref<720896x16xf32, #tpu.memory_space<hbm>> -> memref<128x16xf32, #tpu.memory_space<hbm>>
      %dma_wait3A_606 = arith.constant 0 : i32
      %dma_wait3A_607 = tpu.memref_slice %arg6[%add3A_544, %dma_wait3A_606] : memref<720896x16xf32, #tpu.memory_space<hbm>> -> memref<128x16xf32, #tpu.memory_space<hbm>>
      tpu.wait_dma2 semaphore(%arg35 : memref<!tpu.dma_semaphore, #tpu.memory_space<semaphore_mem>>) src(%arg17 : memref<128x16xf32, #tpu.memory_space<vmem>>) dst(%dma_wait3A_607 : memref<128x16xf32, #tpu.memory_space<hbm>>)
      %dma_wait3A_608 = arith.constant 0 : i32
      %dma_wait3A_609 = tpu.memref_slice %arg6[%add3A_553, %dma_wait3A_608] : memref<720896x16xf32, #tpu.memory_space<hbm>> -> memref<128x16xf32, #tpu.memory_space<hbm>>
      %dma_wait3A_610 = arith.constant 0 : i32
      %dma_wait3A_611 = tpu.memref_slice %arg6[%add3A_553, %dma_wait3A_610] : memref<720896x16xf32, #tpu.memory_space<hbm>> -> memref<128x16xf32, #tpu.memory_space<hbm>>
      tpu.wait_dma2 semaphore(%arg35 : memref<!tpu.dma_semaphore, #tpu.memory_space<semaphore_mem>>) src(%arg18 : memref<128x16xf32, #tpu.memory_space<vmem>>) dst(%dma_wait3A_611 : memref<128x16xf32, #tpu.memory_space<hbm>>)
      %dma_wait3A_612 = arith.constant 0 : i32
      %dma_wait3A_613 = tpu.memref_slice %arg6[%add3A_562, %dma_wait3A_612] : memref<720896x16xf32, #tpu.memory_space<hbm>> -> memref<128x16xf32, #tpu.memory_space<hbm>>
      %dma_wait3A_614 = arith.constant 0 : i32
      %dma_wait3A_615 = tpu.memref_slice %arg6[%add3A_562, %dma_wait3A_614] : memref<720896x16xf32, #tpu.memory_space<hbm>> -> memref<128x16xf32, #tpu.memory_space<hbm>>
      tpu.wait_dma2 semaphore(%arg35 : memref<!tpu.dma_semaphore, #tpu.memory_space<semaphore_mem>>) src(%arg19 : memref<128x16xf32, #tpu.memory_space<vmem>>) dst(%dma_wait3A_615 : memref<128x16xf32, #tpu.memory_space<hbm>>)
      %dma_wait3A_616 = arith.constant 0 : i32
      %dma_wait3A_617 = tpu.memref_slice %arg6[%add3A_571, %dma_wait3A_616] : memref<720896x16xf32, #tpu.memory_space<hbm>> -> memref<128x16xf32, #tpu.memory_space<hbm>>
      %dma_wait3A_618 = arith.constant 0 : i32
      %dma_wait3A_619 = tpu.memref_slice %arg6[%add3A_571, %dma_wait3A_618] : memref<720896x16xf32, #tpu.memory_space<hbm>> -> memref<128x16xf32, #tpu.memory_space<hbm>>
      tpu.wait_dma2 semaphore(%arg35 : memref<!tpu.dma_semaphore, #tpu.memory_space<semaphore_mem>>) src(%arg20 : memref<128x16xf32, #tpu.memory_space<vmem>>) dst(%dma_wait3A_619 : memref<128x16xf32, #tpu.memory_space<hbm>>)
    }
    %scan3A_319 = arith.constant 16 : i32
    return
  }
}

module attributes {stable_mosaic.version = 14 : i64} {
  func.func @_tc0_body(%arg0: i32, %arg1: memref<416x2048xf32, #tpu.memory_space<vmem>>, %arg2: memref<2048x416xf32, #tpu.memory_space<vmem>>) attributes {dimension_semantics = [#tpu.dimension_semantics<arbitrary>], iteration_bounds = array<i64: 13>, scalar_prefetch = 0 : i64, scratch_operands = 0 : i64, tpu.core_type = #tpu.core_type<tc>, window_params = [{transform_indices = @transform_0, window_bounds = array<i64: 416, 2048>}, {transform_indices = @transform_1, window_bounds = array<i64: 2048, 416>}]} {
    %get3A = arith.constant 0 : index
    %get3A_0 = arith.constant 0 : index
    %get3A_1 = vector.load %arg1[%get3A, %get3A_0] : memref<416x2048xf32, #tpu.memory_space<vmem>>, vector<416x2048xf32>
    %transpose3A = tpu.transpose %get3A_1, [1, 0] : vector<416x2048xf32> -> vector<2048x416xf32>
    %swap3A = arith.constant 0 : index
    %swap3A_2 = arith.constant 0 : index
    %swap3A_3 = vector.load %arg2[%swap3A, %swap3A_2] : memref<2048x416xf32, #tpu.memory_space<vmem>>, vector<2048x416xf32>
    tpu.vector_store %arg2[%swap3A, %swap3A_2], %transpose3A {strides = array<i32>} : memref<2048x416xf32, #tpu.memory_space<vmem>>, vector<2048x416xf32>,
    return
  }
  func.func @transform_0(%arg0: i32) -> (i32, i32) {
    %c0_i32 = arith.constant 0 : i32
    %c0_i32_0 = arith.constant 0 : i32
    return %c0_i32, %arg0 : i32, i32
  }
  func.func @transform_1(%arg0: i32) -> (i32, i32) {
    %c0_i32 = arith.constant 0 : i32
    %c0_i32_0 = arith.constant 0 : i32
    return %arg0, %c0_i32 : i32, i32
  }
}

module attributes {stable_mosaic.version = 14 : i64} {
  func.func @_tc1_body(%arg0: i32, %arg1: memref<128x88x128xf32, #tpu.memory_space<vmem>>, %arg2: memref<128x13xf32, #tpu.memory_space<vmem>>, %arg3: memref<13x10880xf32, #tpu.memory_space<vmem>>, %arg4: memref<10880xf32, #tpu.memory_space<vmem>>, %arg5: memref<256x10880xf32, #tpu.memory_space<vmem>>, %arg6: memref<256xf32, #tpu.memory_space<vmem>>, %arg7: memref<128x256xf32, #tpu.memory_space<vmem>>, %arg8: memref<128x128xf32, #tpu.memory_space<vmem>>) attributes {dimension_semantics = [#tpu.dimension_semantics<arbitrary>], iteration_bounds = array<i64: 8>, scalar_prefetch = 0 : i64, scratch_operands = 0 : i64, tpu.core_type = #tpu.core_type<tc>, window_params = [{transform_indices = @transform_0, window_bounds = array<i64: 128, 88, 128>}, {transform_indices = @transform_1, window_bounds = array<i64: 128, 13>}, {pipeline_mode = #tpu.pipeline_mode<synchronous>, transform_indices = @transform_2, window_bounds = array<i64: 13, 10880>}, {pipeline_mode = #tpu.pipeline_mode<synchronous>, transform_indices = @transform_3, window_bounds = array<i64: 10880>}, {pipeline_mode = #tpu.pipeline_mode<synchronous>, transform_indices = @transform_4, window_bounds = array<i64: 256, 10880>}, {pipeline_mode = #tpu.pipeline_mode<synchronous>, transform_indices = @transform_5, window_bounds = array<i64: 256>}, {transform_indices = @transform_6, window_bounds = array<i64: 128, 256>}, {transform_indices = @transform_7, window_bounds = array<i64: 128, 128>}]} {
    %get3A = arith.constant 0 : index
    %get3A_0 = arith.constant 0 : index
    %get3A_1 = vector.load %arg2[%get3A, %get3A_0] : memref<128x13xf32, #tpu.memory_space<vmem>>, vector<128x13xf32>
    %iota3A = tpu.iota {dimensions = array<i32: 1>} : vector<128x128xi32>
    %jit3A = arith.constant 32 : i32
    %eq3A = arith.constant 0 : i32
    %eq3A_2 = arith.cmpi eq, %jit3A, %eq3A : i32
    %jit3A_3 = arith.constant 1 : i32
    %select_n3A = arith.select %eq3A_2, %jit3A_3, %jit3A : i32
    %rem3A = vector.broadcast %select_n3A : i32 to vector<128x128xi32>
    %rem3A_4 = arith.remsi %iota3A, %rem3A : vector<128x128xi32>
    %ne3A = arith.constant 0 : i32
    %ne3A_5 = vector.broadcast %ne3A : i32 to vector<128x128xi32>
    %ne3A_6 = arith.cmpi ne, %rem3A_4, %ne3A_5 : vector<128x128xi32>
    %lt3A = arith.constant 0 : i32
    %lt3A_7 = vector.broadcast %lt3A : i32 to vector<128x128xi32>
    %lt3A_8 = arith.cmpi slt, %rem3A_4, %lt3A_7 : vector<128x128xi32>
    %lt3A_9 = arith.constant 0 : i32
    %lt3A_10 = arith.cmpi slt, %select_n3A, %lt3A_9 : i32
    %ne3A_11 = vector.broadcast %lt3A_10 : i1 to vector<128x128xi1>
    %ne3A_12 = vector.broadcast %ne3A_11 : vector<128x128xi1> to vector<128x128xi1>
    %ne3A_13 = arith.xori %lt3A_8, %ne3A_12 : vector<128x128xi1>
    %and3A = arith.andi %ne3A_13, %ne3A_6 : vector<128x128xi1>
    %add3A = vector.broadcast %select_n3A : i32 to vector<128x128xi32>
    %add3A_14 = arith.addi %rem3A_4, %add3A : vector<128x128xi32>
    %select_n3A_15 = arith.select %and3A, %add3A_14, %rem3A_4 : vector<128x128xi1>, vector<128x128xi32>
    %lt3A_16 = arith.constant 16 : i32
    %lt3A_17 = vector.broadcast %lt3A_16 : i32 to vector<128x128xi32>
    %lt3A_18 = arith.cmpi slt, %select_n3A_15, %lt3A_17 : vector<128x128xi32>
    %broadcast_in_dim3A = arith.constant 0.000000e+00 : f32
    %broadcast_in_dim3A_19 = vector.broadcast %broadcast_in_dim3A : f32 to vector<128x256xf32>
    %broadcast_in_dim3A_20 = arith.constant 0.000000e+00 : f32
    %broadcast_in_dim3A_21 = vector.broadcast %broadcast_in_dim3A_20 : f32 to vector<128x1xf32>
    %get3A_22 = arith.constant 0 : index
    %get3A_23 = arith.constant 0 : index
    %get3A_24 = arith.constant 0 : index
    %get3A_25 = vector.load %arg1[%get3A_22, %get3A_23, %get3A_24] : memref<128x88x128xf32, #tpu.memory_space<vmem>>, vector<128x1x128xf32>
    %get3A_26 = vector.shape_cast %get3A_25 : vector<128x1x128xf32> to vector<128x128xf32>
    %get3A_27 = arith.constant 0 : index
    %get3A_28 = arith.constant 0 : index
    %get3A_29 = vector.load %arg3[%get3A_27, %get3A_28] : memref<13x10880xf32, #tpu.memory_space<vmem>>, vector<13x128xf32>
    %dot_general3A = arith.constant dense<0.000000e+00> : vector<128x128xf32>
    %dot_general3A_30 = tpu.matmul %get3A_1, %get3A_29, %dot_general3A {dimension_numbers = #tpu.dot_dimension_numbers<[1], [0], [0], [1], [0, 0, 1, 1], [], []>, transpose_lhs_hint = false} : vector<128x13xf32>, vector<13x128xf32>, vector<128x128xf32> -> vector<128x128xf32>
    %get3A_31 = arith.constant 0 : index
    %get3A_32 = vector.load %arg4[%get3A_31] : memref<10880xf32, #tpu.memory_space<vmem>>, vector<128xf32>
    %broadcast_in_dim3A_33 = vector.shape_cast %get3A_32 : vector<128xf32> to vector<1x128xf32>
    %add3A_34 = vector.broadcast %broadcast_in_dim3A_33 : vector<1x128xf32> to vector<128x128xf32>
    %add3A_35 = arith.addf %dot_general3A_30, %add3A_34 : vector<128x128xf32>
    %max3A = arith.constant 0.000000e+00 : f32
    %max3A_36 = vector.broadcast %max3A : f32 to vector<128x128xf32>
    %max3A_37 = arith.maximumf %add3A_35, %max3A_36 : vector<128x128xf32>
    %add3A_38 = arith.addf %get3A_26, %max3A_37 : vector<128x128xf32>
    %get3A_39 = arith.constant 0 : index
    %get3A_40 = arith.constant 0 : index
    %get3A_41 = vector.load %arg5[%get3A_39, %get3A_40] : memref<256x10880xf32, #tpu.memory_space<vmem>>, vector<256x128xf32>
    %dot_general3A_42 = arith.constant dense<0.000000e+00> : vector<128x256xf32>
    %dot_general3A_43 = tpu.matmul %add3A_38, %get3A_41, %dot_general3A_42 {dimension_numbers = #tpu.dot_dimension_numbers<[1], [1], [0], [0], [0, 0, 1, 0], [], []>, transpose_lhs_hint = false} : vector<128x128xf32>, vector<256x128xf32>, vector<128x256xf32> -> vector<128x256xf32>
    %add3A_44 = arith.addf %broadcast_in_dim3A_19, %dot_general3A_43 : vector<128x256xf32>
    %slice3A = vector.extract_strided_slice %get3A_26 {offsets = [0, 16], sizes = [128, 112], strides = [1, 1]} : vector<128x128xf32> to vector<128x112xf32>
    %slice3A_45 = vector.extract_strided_slice %get3A_26 {offsets = [0, 0], sizes = [128, 16], strides = [1, 1]} : vector<128x128xf32> to vector<128x16xf32>
    %concatenate3A = tpu.concatenate %slice3A, %slice3A_45 in 1 : vector<128x112xf32>, vector<128x16xf32> -> vector<128x128xf32>
    %mul3A = arith.mulf %get3A_26, %concatenate3A : vector<128x128xf32>
    %jit3A_46 = arith.constant 0.000000e+00 : f32
    %broadcast_in_dim3A_47 = vector.broadcast %jit3A_46 : f32 to vector<128x128xf32>
    %select_n3A_48 = arith.select %lt3A_18, %mul3A, %broadcast_in_dim3A_47 : vector<128x128xi1>, vector<128x128xf32>
    %reduce_sum3A = arith.constant dense<0.000000e+00> : vector<128xf32>
    %reduce_sum3A_49 = vector.multi_reduction <add>, %select_n3A_48, %reduce_sum3A [1] : vector<128x128xf32> to vector<128xf32>
    %broadcast_in_dim3A_50 = vector.shape_cast %reduce_sum3A_49 : vector<128xf32> to vector<128x1xf32>
    %add3A_51 = arith.addf %broadcast_in_dim3A_21, %broadcast_in_dim3A_50 : vector<128x1xf32>
    %get3A_52 = arith.constant 0 : index
    %get3A_53 = arith.constant 1 : index
    %get3A_54 = arith.constant 0 : index
    %get3A_55 = vector.load %arg1[%get3A_52, %get3A_53, %get3A_54] : memref<128x88x128xf32, #tpu.memory_space<vmem>>, vector<128x1x128xf32>
    %get3A_56 = vector.shape_cast %get3A_55 : vector<128x1x128xf32> to vector<128x128xf32>
    %get3A_57 = arith.constant 0 : index
    %get3A_58 = arith.constant 128 : index
    %get3A_59 = vector.load %arg3[%get3A_57, %get3A_58] : memref<13x10880xf32, #tpu.memory_space<vmem>>, vector<13x128xf32>
    %dot_general3A_60 = arith.constant dense<0.000000e+00> : vector<128x128xf32>
    %dot_general3A_61 = tpu.matmul %get3A_1, %get3A_59, %dot_general3A_60 {dimension_numbers = #tpu.dot_dimension_numbers<[1], [0], [0], [1], [0, 0, 1, 1], [], []>, transpose_lhs_hint = false} : vector<128x13xf32>, vector<13x128xf32>, vector<128x128xf32> -> vector<128x128xf32>
    %get3A_62 = arith.constant 128 : index
    %get3A_63 = vector.load %arg4[%get3A_62] : memref<10880xf32, #tpu.memory_space<vmem>>, vector<128xf32>
    %broadcast_in_dim3A_64 = vector.shape_cast %get3A_63 : vector<128xf32> to vector<1x128xf32>
    %add3A_65 = vector.broadcast %broadcast_in_dim3A_64 : vector<1x128xf32> to vector<128x128xf32>
    %add3A_66 = arith.addf %dot_general3A_61, %add3A_65 : vector<128x128xf32>
    %max3A_67 = arith.constant 0.000000e+00 : f32
    %max3A_68 = vector.broadcast %max3A_67 : f32 to vector<128x128xf32>
    %max3A_69 = arith.maximumf %add3A_66, %max3A_68 : vector<128x128xf32>
    %add3A_70 = arith.addf %get3A_56, %max3A_69 : vector<128x128xf32>
    %get3A_71 = arith.constant 0 : index
    %get3A_72 = arith.constant 128 : index
    %get3A_73 = vector.load %arg5[%get3A_71, %get3A_72] : memref<256x10880xf32, #tpu.memory_space<vmem>>, vector<256x128xf32>
    %dot_general3A_74 = arith.constant dense<0.000000e+00> : vector<128x256xf32>
    %dot_general3A_75 = tpu.matmul %add3A_70, %get3A_73, %dot_general3A_74 {dimension_numbers = #tpu.dot_dimension_numbers<[1], [1], [0], [0], [0, 0, 1, 0], [], []>, transpose_lhs_hint = false} : vector<128x128xf32>, vector<256x128xf32>, vector<128x256xf32> -> vector<128x256xf32>
    %add3A_76 = arith.addf %add3A_44, %dot_general3A_75 : vector<128x256xf32>
    %slice3A_77 = vector.extract_strided_slice %get3A_56 {offsets = [0, 16], sizes = [128, 112], strides = [1, 1]} : vector<128x128xf32> to vector<128x112xf32>
    %slice3A_78 = vector.extract_strided_slice %get3A_56 {offsets = [0, 0], sizes = [128, 16], strides = [1, 1]} : vector<128x128xf32> to vector<128x16xf32>
    %concatenate3A_79 = tpu.concatenate %slice3A_77, %slice3A_78 in 1 : vector<128x112xf32>, vector<128x16xf32> -> vector<128x128xf32>
    %mul3A_80 = arith.mulf %get3A_56, %concatenate3A_79 : vector<128x128xf32>
    %jit3A_81 = arith.constant 0.000000e+00 : f32
    %broadcast_in_dim3A_82 = vector.broadcast %jit3A_81 : f32 to vector<128x128xf32>
    %select_n3A_83 = arith.select %lt3A_18, %mul3A_80, %broadcast_in_dim3A_82 : vector<128x128xi1>, vector<128x128xf32>
    %reduce_sum3A_84 = arith.constant dense<0.000000e+00> : vector<128xf32>
    %reduce_sum3A_85 = vector.multi_reduction <add>, %select_n3A_83, %reduce_sum3A_84 [1] : vector<128x128xf32> to vector<128xf32>
    %broadcast_in_dim3A_86 = vector.shape_cast %reduce_sum3A_85 : vector<128xf32> to vector<128x1xf32>
    %add3A_87 = arith.addf %add3A_51, %broadcast_in_dim3A_86 : vector<128x1xf32>
    %get3A_88 = arith.constant 0 : index
    %get3A_89 = arith.constant 2 : index
    %get3A_90 = arith.constant 0 : index
    %get3A_91 = vector.load %arg1[%get3A_88, %get3A_89, %get3A_90] : memref<128x88x128xf32, #tpu.memory_space<vmem>>, vector<128x1x128xf32>
    %get3A_92 = vector.shape_cast %get3A_91 : vector<128x1x128xf32> to vector<128x128xf32>
    %get3A_93 = arith.constant 0 : index
    %get3A_94 = arith.constant 256 : index
    %get3A_95 = vector.load %arg3[%get3A_93, %get3A_94] : memref<13x10880xf32, #tpu.memory_space<vmem>>, vector<13x128xf32>
    %dot_general3A_96 = arith.constant dense<0.000000e+00> : vector<128x128xf32>
    %dot_general3A_97 = tpu.matmul %get3A_1, %get3A_95, %dot_general3A_96 {dimension_numbers = #tpu.dot_dimension_numbers<[1], [0], [0], [1], [0, 0, 1, 1], [], []>, transpose_lhs_hint = false} : vector<128x13xf32>, vector<13x128xf32>, vector<128x128xf32> -> vector<128x128xf32>
    %get3A_98 = arith.constant 256 : index
    %get3A_99 = vector.load %arg4[%get3A_98] : memref<10880xf32, #tpu.memory_space<vmem>>, vector<128xf32>
    %broadcast_in_dim3A_100 = vector.shape_cast %get3A_99 : vector<128xf32> to vector<1x128xf32>
    %add3A_101 = vector.broadcast %broadcast_in_dim3A_100 : vector<1x128xf32> to vector<128x128xf32>
    %add3A_102 = arith.addf %dot_general3A_97, %add3A_101 : vector<128x128xf32>
    %max3A_103 = arith.constant 0.000000e+00 : f32
    %max3A_104 = vector.broadcast %max3A_103 : f32 to vector<128x128xf32>
    %max3A_105 = arith.maximumf %add3A_102, %max3A_104 : vector<128x128xf32>
    %add3A_106 = arith.addf %get3A_92, %max3A_105 : vector<128x128xf32>
    %get3A_107 = arith.constant 0 : index
    %get3A_108 = arith.constant 256 : index
    %get3A_109 = vector.load %arg5[%get3A_107, %get3A_108] : memref<256x10880xf32, #tpu.memory_space<vmem>>, vector<256x128xf32>
    %dot_general3A_110 = arith.constant dense<0.000000e+00> : vector<128x256xf32>
    %dot_general3A_111 = tpu.matmul %add3A_106, %get3A_109, %dot_general3A_110 {dimension_numbers = #tpu.dot_dimension_numbers<[1], [1], [0], [0], [0, 0, 1, 0], [], []>, transpose_lhs_hint = false} : vector<128x128xf32>, vector<256x128xf32>, vector<128x256xf32> -> vector<128x256xf32>
    %add3A_112 = arith.addf %add3A_76, %dot_general3A_111 : vector<128x256xf32>
    %slice3A_113 = vector.extract_strided_slice %get3A_92 {offsets = [0, 16], sizes = [128, 112], strides = [1, 1]} : vector<128x128xf32> to vector<128x112xf32>
    %slice3A_114 = vector.extract_strided_slice %get3A_92 {offsets = [0, 0], sizes = [128, 16], strides = [1, 1]} : vector<128x128xf32> to vector<128x16xf32>
    %concatenate3A_115 = tpu.concatenate %slice3A_113, %slice3A_114 in 1 : vector<128x112xf32>, vector<128x16xf32> -> vector<128x128xf32>
    %mul3A_116 = arith.mulf %get3A_92, %concatenate3A_115 : vector<128x128xf32>
    %jit3A_117 = arith.constant 0.000000e+00 : f32
    %broadcast_in_dim3A_118 = vector.broadcast %jit3A_117 : f32 to vector<128x128xf32>
    %select_n3A_119 = arith.select %lt3A_18, %mul3A_116, %broadcast_in_dim3A_118 : vector<128x128xi1>, vector<128x128xf32>
    %reduce_sum3A_120 = arith.constant dense<0.000000e+00> : vector<128xf32>
    %reduce_sum3A_121 = vector.multi_reduction <add>, %select_n3A_119, %reduce_sum3A_120 [1] : vector<128x128xf32> to vector<128xf32>
    %broadcast_in_dim3A_122 = vector.shape_cast %reduce_sum3A_121 : vector<128xf32> to vector<128x1xf32>
    %add3A_123 = arith.addf %add3A_87, %broadcast_in_dim3A_122 : vector<128x1xf32>
    %get3A_124 = arith.constant 0 : index
    %get3A_125 = arith.constant 3 : index
    %get3A_126 = arith.constant 0 : index
    %get3A_127 = vector.load %arg1[%get3A_124, %get3A_125, %get3A_126] : memref<128x88x128xf32, #tpu.memory_space<vmem>>, vector<128x1x128xf32>
    %get3A_128 = vector.shape_cast %get3A_127 : vector<128x1x128xf32> to vector<128x128xf32>
    %get3A_129 = arith.constant 0 : index
    %get3A_130 = arith.constant 384 : index
    %get3A_131 = vector.load %arg3[%get3A_129, %get3A_130] : memref<13x10880xf32, #tpu.memory_space<vmem>>, vector<13x128xf32>
    %dot_general3A_132 = arith.constant dense<0.000000e+00> : vector<128x128xf32>
    %dot_general3A_133 = tpu.matmul %get3A_1, %get3A_131, %dot_general3A_132 {dimension_numbers = #tpu.dot_dimension_numbers<[1], [0], [0], [1], [0, 0, 1, 1], [], []>, transpose_lhs_hint = false} : vector<128x13xf32>, vector<13x128xf32>, vector<128x128xf32> -> vector<128x128xf32>
    %get3A_134 = arith.constant 384 : index
    %get3A_135 = vector.load %arg4[%get3A_134] : memref<10880xf32, #tpu.memory_space<vmem>>, vector<128xf32>
    %broadcast_in_dim3A_136 = vector.shape_cast %get3A_135 : vector<128xf32> to vector<1x128xf32>
    %add3A_137 = vector.broadcast %broadcast_in_dim3A_136 : vector<1x128xf32> to vector<128x128xf32>
    %add3A_138 = arith.addf %dot_general3A_133, %add3A_137 : vector<128x128xf32>
    %max3A_139 = arith.constant 0.000000e+00 : f32
    %max3A_140 = vector.broadcast %max3A_139 : f32 to vector<128x128xf32>
    %max3A_141 = arith.maximumf %add3A_138, %max3A_140 : vector<128x128xf32>
    %add3A_142 = arith.addf %get3A_128, %max3A_141 : vector<128x128xf32>
    %get3A_143 = arith.constant 0 : index
    %get3A_144 = arith.constant 384 : index
    %get3A_145 = vector.load %arg5[%get3A_143, %get3A_144] : memref<256x10880xf32, #tpu.memory_space<vmem>>, vector<256x128xf32>
    %dot_general3A_146 = arith.constant dense<0.000000e+00> : vector<128x256xf32>
    %dot_general3A_147 = tpu.matmul %add3A_142, %get3A_145, %dot_general3A_146 {dimension_numbers = #tpu.dot_dimension_numbers<[1], [1], [0], [0], [0, 0, 1, 0], [], []>, transpose_lhs_hint = false} : vector<128x128xf32>, vector<256x128xf32>, vector<128x256xf32> -> vector<128x256xf32>
    %add3A_148 = arith.addf %add3A_112, %dot_general3A_147 : vector<128x256xf32>
    %slice3A_149 = vector.extract_strided_slice %get3A_128 {offsets = [0, 16], sizes = [128, 112], strides = [1, 1]} : vector<128x128xf32> to vector<128x112xf32>
    %slice3A_150 = vector.extract_strided_slice %get3A_128 {offsets = [0, 0], sizes = [128, 16], strides = [1, 1]} : vector<128x128xf32> to vector<128x16xf32>
    %concatenate3A_151 = tpu.concatenate %slice3A_149, %slice3A_150 in 1 : vector<128x112xf32>, vector<128x16xf32> -> vector<128x128xf32>
    %mul3A_152 = arith.mulf %get3A_128, %concatenate3A_151 : vector<128x128xf32>
    %jit3A_153 = arith.constant 0.000000e+00 : f32
    %broadcast_in_dim3A_154 = vector.broadcast %jit3A_153 : f32 to vector<128x128xf32>
    %select_n3A_155 = arith.select %lt3A_18, %mul3A_152, %broadcast_in_dim3A_154 : vector<128x128xi1>, vector<128x128xf32>
    %reduce_sum3A_156 = arith.constant dense<0.000000e+00> : vector<128xf32>
    %reduce_sum3A_157 = vector.multi_reduction <add>, %select_n3A_155, %reduce_sum3A_156 [1] : vector<128x128xf32> to vector<128xf32>
    %broadcast_in_dim3A_158 = vector.shape_cast %reduce_sum3A_157 : vector<128xf32> to vector<128x1xf32>
    %add3A_159 = arith.addf %add3A_123, %broadcast_in_dim3A_158 : vector<128x1xf32>
    %get3A_160 = arith.constant 0 : index
    %get3A_161 = arith.constant 4 : index
    %get3A_162 = arith.constant 0 : index
    %get3A_163 = vector.load %arg1[%get3A_160, %get3A_161, %get3A_162] : memref<128x88x128xf32, #tpu.memory_space<vmem>>, vector<128x1x128xf32>
    %get3A_164 = vector.shape_cast %get3A_163 : vector<128x1x128xf32> to vector<128x128xf32>
    %get3A_165 = arith.constant 0 : index
    %get3A_166 = arith.constant 512 : index
    %get3A_167 = vector.load %arg3[%get3A_165, %get3A_166] : memref<13x10880xf32, #tpu.memory_space<vmem>>, vector<13x128xf32>
    %dot_general3A_168 = arith.constant dense<0.000000e+00> : vector<128x128xf32>
    %dot_general3A_169 = tpu.matmul %get3A_1, %get3A_167, %dot_general3A_168 {dimension_numbers = #tpu.dot_dimension_numbers<[1], [0], [0], [1], [0, 0, 1, 1], [], []>, transpose_lhs_hint = false} : vector<128x13xf32>, vector<13x128xf32>, vector<128x128xf32> -> vector<128x128xf32>
    %get3A_170 = arith.constant 512 : index
    %get3A_171 = vector.load %arg4[%get3A_170] : memref<10880xf32, #tpu.memory_space<vmem>>, vector<128xf32>
    %broadcast_in_dim3A_172 = vector.shape_cast %get3A_171 : vector<128xf32> to vector<1x128xf32>
    %add3A_173 = vector.broadcast %broadcast_in_dim3A_172 : vector<1x128xf32> to vector<128x128xf32>
    %add3A_174 = arith.addf %dot_general3A_169, %add3A_173 : vector<128x128xf32>
    %max3A_175 = arith.constant 0.000000e+00 : f32
    %max3A_176 = vector.broadcast %max3A_175 : f32 to vector<128x128xf32>
    %max3A_177 = arith.maximumf %add3A_174, %max3A_176 : vector<128x128xf32>
    %add3A_178 = arith.addf %get3A_164, %max3A_177 : vector<128x128xf32>
    %get3A_179 = arith.constant 0 : index
    %get3A_180 = arith.constant 512 : index
    %get3A_181 = vector.load %arg5[%get3A_179, %get3A_180] : memref<256x10880xf32, #tpu.memory_space<vmem>>, vector<256x128xf32>
    %dot_general3A_182 = arith.constant dense<0.000000e+00> : vector<128x256xf32>
    %dot_general3A_183 = tpu.matmul %add3A_178, %get3A_181, %dot_general3A_182 {dimension_numbers = #tpu.dot_dimension_numbers<[1], [1], [0], [0], [0, 0, 1, 0], [], []>, transpose_lhs_hint = false} : vector<128x128xf32>, vector<256x128xf32>, vector<128x256xf32> -> vector<128x256xf32>
    %add3A_184 = arith.addf %add3A_148, %dot_general3A_183 : vector<128x256xf32>
    %slice3A_185 = vector.extract_strided_slice %get3A_164 {offsets = [0, 16], sizes = [128, 112], strides = [1, 1]} : vector<128x128xf32> to vector<128x112xf32>
    %slice3A_186 = vector.extract_strided_slice %get3A_164 {offsets = [0, 0], sizes = [128, 16], strides = [1, 1]} : vector<128x128xf32> to vector<128x16xf32>
    %concatenate3A_187 = tpu.concatenate %slice3A_185, %slice3A_186 in 1 : vector<128x112xf32>, vector<128x16xf32> -> vector<128x128xf32>
    %mul3A_188 = arith.mulf %get3A_164, %concatenate3A_187 : vector<128x128xf32>
    %jit3A_189 = arith.constant 0.000000e+00 : f32
    %broadcast_in_dim3A_190 = vector.broadcast %jit3A_189 : f32 to vector<128x128xf32>
    %select_n3A_191 = arith.select %lt3A_18, %mul3A_188, %broadcast_in_dim3A_190 : vector<128x128xi1>, vector<128x128xf32>
    %reduce_sum3A_192 = arith.constant dense<0.000000e+00> : vector<128xf32>
    %reduce_sum3A_193 = vector.multi_reduction <add>, %select_n3A_191, %reduce_sum3A_192 [1] : vector<128x128xf32> to vector<128xf32>
    %broadcast_in_dim3A_194 = vector.shape_cast %reduce_sum3A_193 : vector<128xf32> to vector<128x1xf32>
    %add3A_195 = arith.addf %add3A_159, %broadcast_in_dim3A_194 : vector<128x1xf32>
    %get3A_196 = arith.constant 0 : index
    %get3A_197 = arith.constant 5 : index
    %get3A_198 = arith.constant 0 : index
    %get3A_199 = vector.load %arg1[%get3A_196, %get3A_197, %get3A_198] : memref<128x88x128xf32, #tpu.memory_space<vmem>>, vector<128x1x128xf32>
    %get3A_200 = vector.shape_cast %get3A_199 : vector<128x1x128xf32> to vector<128x128xf32>
    %get3A_201 = arith.constant 0 : index
    %get3A_202 = arith.constant 640 : index
    %get3A_203 = vector.load %arg3[%get3A_201, %get3A_202] : memref<13x10880xf32, #tpu.memory_space<vmem>>, vector<13x128xf32>
    %dot_general3A_204 = arith.constant dense<0.000000e+00> : vector<128x128xf32>
    %dot_general3A_205 = tpu.matmul %get3A_1, %get3A_203, %dot_general3A_204 {dimension_numbers = #tpu.dot_dimension_numbers<[1], [0], [0], [1], [0, 0, 1, 1], [], []>, transpose_lhs_hint = false} : vector<128x13xf32>, vector<13x128xf32>, vector<128x128xf32> -> vector<128x128xf32>
    %get3A_206 = arith.constant 640 : index
    %get3A_207 = vector.load %arg4[%get3A_206] : memref<10880xf32, #tpu.memory_space<vmem>>, vector<128xf32>
    %broadcast_in_dim3A_208 = vector.shape_cast %get3A_207 : vector<128xf32> to vector<1x128xf32>
    %add3A_209 = vector.broadcast %broadcast_in_dim3A_208 : vector<1x128xf32> to vector<128x128xf32>
    %add3A_210 = arith.addf %dot_general3A_205, %add3A_209 : vector<128x128xf32>
    %max3A_211 = arith.constant 0.000000e+00 : f32
    %max3A_212 = vector.broadcast %max3A_211 : f32 to vector<128x128xf32>
    %max3A_213 = arith.maximumf %add3A_210, %max3A_212 : vector<128x128xf32>
    %add3A_214 = arith.addf %get3A_200, %max3A_213 : vector<128x128xf32>
    %get3A_215 = arith.constant 0 : index
    %get3A_216 = arith.constant 640 : index
    %get3A_217 = vector.load %arg5[%get3A_215, %get3A_216] : memref<256x10880xf32, #tpu.memory_space<vmem>>, vector<256x128xf32>
    %dot_general3A_218 = arith.constant dense<0.000000e+00> : vector<128x256xf32>
    %dot_general3A_219 = tpu.matmul %add3A_214, %get3A_217, %dot_general3A_218 {dimension_numbers = #tpu.dot_dimension_numbers<[1], [1], [0], [0], [0, 0, 1, 0], [], []>, transpose_lhs_hint = false} : vector<128x128xf32>, vector<256x128xf32>, vector<128x256xf32> -> vector<128x256xf32>
    %add3A_220 = arith.addf %add3A_184, %dot_general3A_219 : vector<128x256xf32>
    %slice3A_221 = vector.extract_strided_slice %get3A_200 {offsets = [0, 16], sizes = [128, 112], strides = [1, 1]} : vector<128x128xf32> to vector<128x112xf32>
    %slice3A_222 = vector.extract_strided_slice %get3A_200 {offsets = [0, 0], sizes = [128, 16], strides = [1, 1]} : vector<128x128xf32> to vector<128x16xf32>
    %concatenate3A_223 = tpu.concatenate %slice3A_221, %slice3A_222 in 1 : vector<128x112xf32>, vector<128x16xf32> -> vector<128x128xf32>
    %mul3A_224 = arith.mulf %get3A_200, %concatenate3A_223 : vector<128x128xf32>
    %jit3A_225 = arith.constant 0.000000e+00 : f32
    %broadcast_in_dim3A_226 = vector.broadcast %jit3A_225 : f32 to vector<128x128xf32>
    %select_n3A_227 = arith.select %lt3A_18, %mul3A_224, %broadcast_in_dim3A_226 : vector<128x128xi1>, vector<128x128xf32>
    %reduce_sum3A_228 = arith.constant dense<0.000000e+00> : vector<128xf32>
    %reduce_sum3A_229 = vector.multi_reduction <add>, %select_n3A_227, %reduce_sum3A_228 [1] : vector<128x128xf32> to vector<128xf32>
    %broadcast_in_dim3A_230 = vector.shape_cast %reduce_sum3A_229 : vector<128xf32> to vector<128x1xf32>
    %add3A_231 = arith.addf %add3A_195, %broadcast_in_dim3A_230 : vector<128x1xf32>
    %get3A_232 = arith.constant 0 : index
    %get3A_233 = arith.constant 6 : index
    %get3A_234 = arith.constant 0 : index
    %get3A_235 = vector.load %arg1[%get3A_232, %get3A_233, %get3A_234] : memref<128x88x128xf32, #tpu.memory_space<vmem>>, vector<128x1x128xf32>
    %get3A_236 = vector.shape_cast %get3A_235 : vector<128x1x128xf32> to vector<128x128xf32>
    %get3A_237 = arith.constant 0 : index
    %get3A_238 = arith.constant 768 : index
    %get3A_239 = vector.load %arg3[%get3A_237, %get3A_238] : memref<13x10880xf32, #tpu.memory_space<vmem>>, vector<13x128xf32>
    %dot_general3A_240 = arith.constant dense<0.000000e+00> : vector<128x128xf32>
    %dot_general3A_241 = tpu.matmul %get3A_1, %get3A_239, %dot_general3A_240 {dimension_numbers = #tpu.dot_dimension_numbers<[1], [0], [0], [1], [0, 0, 1, 1], [], []>, transpose_lhs_hint = false} : vector<128x13xf32>, vector<13x128xf32>, vector<128x128xf32> -> vector<128x128xf32>
    %get3A_242 = arith.constant 768 : index
    %get3A_243 = vector.load %arg4[%get3A_242] : memref<10880xf32, #tpu.memory_space<vmem>>, vector<128xf32>
    %broadcast_in_dim3A_244 = vector.shape_cast %get3A_243 : vector<128xf32> to vector<1x128xf32>
    %add3A_245 = vector.broadcast %broadcast_in_dim3A_244 : vector<1x128xf32> to vector<128x128xf32>
    %add3A_246 = arith.addf %dot_general3A_241, %add3A_245 : vector<128x128xf32>
    %max3A_247 = arith.constant 0.000000e+00 : f32
    %max3A_248 = vector.broadcast %max3A_247 : f32 to vector<128x128xf32>
    %max3A_249 = arith.maximumf %add3A_246, %max3A_248 : vector<128x128xf32>
    %add3A_250 = arith.addf %get3A_236, %max3A_249 : vector<128x128xf32>
    %get3A_251 = arith.constant 0 : index
    %get3A_252 = arith.constant 768 : index
    %get3A_253 = vector.load %arg5[%get3A_251, %get3A_252] : memref<256x10880xf32, #tpu.memory_space<vmem>>, vector<256x128xf32>
    %dot_general3A_254 = arith.constant dense<0.000000e+00> : vector<128x256xf32>
    %dot_general3A_255 = tpu.matmul %add3A_250, %get3A_253, %dot_general3A_254 {dimension_numbers = #tpu.dot_dimension_numbers<[1], [1], [0], [0], [0, 0, 1, 0], [], []>, transpose_lhs_hint = false} : vector<128x128xf32>, vector<256x128xf32>, vector<128x256xf32> -> vector<128x256xf32>
    %add3A_256 = arith.addf %add3A_220, %dot_general3A_255 : vector<128x256xf32>
    %slice3A_257 = vector.extract_strided_slice %get3A_236 {offsets = [0, 16], sizes = [128, 112], strides = [1, 1]} : vector<128x128xf32> to vector<128x112xf32>
    %slice3A_258 = vector.extract_strided_slice %get3A_236 {offsets = [0, 0], sizes = [128, 16], strides = [1, 1]} : vector<128x128xf32> to vector<128x16xf32>
    %concatenate3A_259 = tpu.concatenate %slice3A_257, %slice3A_258 in 1 : vector<128x112xf32>, vector<128x16xf32> -> vector<128x128xf32>
    %mul3A_260 = arith.mulf %get3A_236, %concatenate3A_259 : vector<128x128xf32>
    %jit3A_261 = arith.constant 0.000000e+00 : f32
    %broadcast_in_dim3A_262 = vector.broadcast %jit3A_261 : f32 to vector<128x128xf32>
    %select_n3A_263 = arith.select %lt3A_18, %mul3A_260, %broadcast_in_dim3A_262 : vector<128x128xi1>, vector<128x128xf32>
    %reduce_sum3A_264 = arith.constant dense<0.000000e+00> : vector<128xf32>
    %reduce_sum3A_265 = vector.multi_reduction <add>, %select_n3A_263, %reduce_sum3A_264 [1] : vector<128x128xf32> to vector<128xf32>
    %broadcast_in_dim3A_266 = vector.shape_cast %reduce_sum3A_265 : vector<128xf32> to vector<128x1xf32>
    %add3A_267 = arith.addf %add3A_231, %broadcast_in_dim3A_266 : vector<128x1xf32>
    %get3A_268 = arith.constant 0 : index
    %get3A_269 = arith.constant 7 : index
    %get3A_270 = arith.constant 0 : index
    %get3A_271 = vector.load %arg1[%get3A_268, %get3A_269, %get3A_270] : memref<128x88x128xf32, #tpu.memory_space<vmem>>, vector<128x1x128xf32>
    %get3A_272 = vector.shape_cast %get3A_271 : vector<128x1x128xf32> to vector<128x128xf32>
    %get3A_273 = arith.constant 0 : index
    %get3A_274 = arith.constant 896 : index
    %get3A_275 = vector.load %arg3[%get3A_273, %get3A_274] : memref<13x10880xf32, #tpu.memory_space<vmem>>, vector<13x128xf32>
    %dot_general3A_276 = arith.constant dense<0.000000e+00> : vector<128x128xf32>
    %dot_general3A_277 = tpu.matmul %get3A_1, %get3A_275, %dot_general3A_276 {dimension_numbers = #tpu.dot_dimension_numbers<[1], [0], [0], [1], [0, 0, 1, 1], [], []>, transpose_lhs_hint = false} : vector<128x13xf32>, vector<13x128xf32>, vector<128x128xf32> -> vector<128x128xf32>
    %get3A_278 = arith.constant 896 : index
    %get3A_279 = vector.load %arg4[%get3A_278] : memref<10880xf32, #tpu.memory_space<vmem>>, vector<128xf32>
    %broadcast_in_dim3A_280 = vector.shape_cast %get3A_279 : vector<128xf32> to vector<1x128xf32>
    %add3A_281 = vector.broadcast %broadcast_in_dim3A_280 : vector<1x128xf32> to vector<128x128xf32>
    %add3A_282 = arith.addf %dot_general3A_277, %add3A_281 : vector<128x128xf32>
    %max3A_283 = arith.constant 0.000000e+00 : f32
    %max3A_284 = vector.broadcast %max3A_283 : f32 to vector<128x128xf32>
    %max3A_285 = arith.maximumf %add3A_282, %max3A_284 : vector<128x128xf32>
    %add3A_286 = arith.addf %get3A_272, %max3A_285 : vector<128x128xf32>
    %get3A_287 = arith.constant 0 : index
    %get3A_288 = arith.constant 896 : index
    %get3A_289 = vector.load %arg5[%get3A_287, %get3A_288] : memref<256x10880xf32, #tpu.memory_space<vmem>>, vector<256x128xf32>
    %dot_general3A_290 = arith.constant dense<0.000000e+00> : vector<128x256xf32>
    %dot_general3A_291 = tpu.matmul %add3A_286, %get3A_289, %dot_general3A_290 {dimension_numbers = #tpu.dot_dimension_numbers<[1], [1], [0], [0], [0, 0, 1, 0], [], []>, transpose_lhs_hint = false} : vector<128x128xf32>, vector<256x128xf32>, vector<128x256xf32> -> vector<128x256xf32>
    %add3A_292 = arith.addf %add3A_256, %dot_general3A_291 : vector<128x256xf32>
    %slice3A_293 = vector.extract_strided_slice %get3A_272 {offsets = [0, 16], sizes = [128, 112], strides = [1, 1]} : vector<128x128xf32> to vector<128x112xf32>
    %slice3A_294 = vector.extract_strided_slice %get3A_272 {offsets = [0, 0], sizes = [128, 16], strides = [1, 1]} : vector<128x128xf32> to vector<128x16xf32>
    %concatenate3A_295 = tpu.concatenate %slice3A_293, %slice3A_294 in 1 : vector<128x112xf32>, vector<128x16xf32> -> vector<128x128xf32>
    %mul3A_296 = arith.mulf %get3A_272, %concatenate3A_295 : vector<128x128xf32>
    %jit3A_297 = arith.constant 0.000000e+00 : f32
    %broadcast_in_dim3A_298 = vector.broadcast %jit3A_297 : f32 to vector<128x128xf32>
    %select_n3A_299 = arith.select %lt3A_18, %mul3A_296, %broadcast_in_dim3A_298 : vector<128x128xi1>, vector<128x128xf32>
    %reduce_sum3A_300 = arith.constant dense<0.000000e+00> : vector<128xf32>
    %reduce_sum3A_301 = vector.multi_reduction <add>, %select_n3A_299, %reduce_sum3A_300 [1] : vector<128x128xf32> to vector<128xf32>
    %broadcast_in_dim3A_302 = vector.shape_cast %reduce_sum3A_301 : vector<128xf32> to vector<128x1xf32>
    %add3A_303 = arith.addf %add3A_267, %broadcast_in_dim3A_302 : vector<128x1xf32>
    %get3A_304 = arith.constant 0 : index
    %get3A_305 = arith.constant 8 : index
    %get3A_306 = arith.constant 0 : index
    %get3A_307 = vector.load %arg1[%get3A_304, %get3A_305, %get3A_306] : memref<128x88x128xf32, #tpu.memory_space<vmem>>, vector<128x1x128xf32>
    %get3A_308 = vector.shape_cast %get3A_307 : vector<128x1x128xf32> to vector<128x128xf32>
    %get3A_309 = arith.constant 0 : index
    %get3A_310 = arith.constant 1024 : index
    %get3A_311 = vector.load %arg3[%get3A_309, %get3A_310] : memref<13x10880xf32, #tpu.memory_space<vmem>>, vector<13x128xf32>
    %dot_general3A_312 = arith.constant dense<0.000000e+00> : vector<128x128xf32>
    %dot_general3A_313 = tpu.matmul %get3A_1, %get3A_311, %dot_general3A_312 {dimension_numbers = #tpu.dot_dimension_numbers<[1], [0], [0], [1], [0, 0, 1, 1], [], []>, transpose_lhs_hint = false} : vector<128x13xf32>, vector<13x128xf32>, vector<128x128xf32> -> vector<128x128xf32>
    %get3A_314 = arith.constant 1024 : index
    %get3A_315 = vector.load %arg4[%get3A_314] : memref<10880xf32, #tpu.memory_space<vmem>>, vector<128xf32>
    %broadcast_in_dim3A_316 = vector.shape_cast %get3A_315 : vector<128xf32> to vector<1x128xf32>
    %add3A_317 = vector.broadcast %broadcast_in_dim3A_316 : vector<1x128xf32> to vector<128x128xf32>
    %add3A_318 = arith.addf %dot_general3A_313, %add3A_317 : vector<128x128xf32>
    %max3A_319 = arith.constant 0.000000e+00 : f32
    %max3A_320 = vector.broadcast %max3A_319 : f32 to vector<128x128xf32>
    %max3A_321 = arith.maximumf %add3A_318, %max3A_320 : vector<128x128xf32>
    %add3A_322 = arith.addf %get3A_308, %max3A_321 : vector<128x128xf32>
    %get3A_323 = arith.constant 0 : index
    %get3A_324 = arith.constant 1024 : index
    %get3A_325 = vector.load %arg5[%get3A_323, %get3A_324] : memref<256x10880xf32, #tpu.memory_space<vmem>>, vector<256x128xf32>
    %dot_general3A_326 = arith.constant dense<0.000000e+00> : vector<128x256xf32>
    %dot_general3A_327 = tpu.matmul %add3A_322, %get3A_325, %dot_general3A_326 {dimension_numbers = #tpu.dot_dimension_numbers<[1], [1], [0], [0], [0, 0, 1, 0], [], []>, transpose_lhs_hint = false} : vector<128x128xf32>, vector<256x128xf32>, vector<128x256xf32> -> vector<128x256xf32>
    %add3A_328 = arith.addf %add3A_292, %dot_general3A_327 : vector<128x256xf32>
    %slice3A_329 = vector.extract_strided_slice %get3A_308 {offsets = [0, 16], sizes = [128, 112], strides = [1, 1]} : vector<128x128xf32> to vector<128x112xf32>
    %slice3A_330 = vector.extract_strided_slice %get3A_308 {offsets = [0, 0], sizes = [128, 16], strides = [1, 1]} : vector<128x128xf32> to vector<128x16xf32>
    %concatenate3A_331 = tpu.concatenate %slice3A_329, %slice3A_330 in 1 : vector<128x112xf32>, vector<128x16xf32> -> vector<128x128xf32>
    %mul3A_332 = arith.mulf %get3A_308, %concatenate3A_331 : vector<128x128xf32>
    %jit3A_333 = arith.constant 0.000000e+00 : f32
    %broadcast_in_dim3A_334 = vector.broadcast %jit3A_333 : f32 to vector<128x128xf32>
    %select_n3A_335 = arith.select %lt3A_18, %mul3A_332, %broadcast_in_dim3A_334 : vector<128x128xi1>, vector<128x128xf32>
    %reduce_sum3A_336 = arith.constant dense<0.000000e+00> : vector<128xf32>
    %reduce_sum3A_337 = vector.multi_reduction <add>, %select_n3A_335, %reduce_sum3A_336 [1] : vector<128x128xf32> to vector<128xf32>
    %broadcast_in_dim3A_338 = vector.shape_cast %reduce_sum3A_337 : vector<128xf32> to vector<128x1xf32>
    %add3A_339 = arith.addf %add3A_303, %broadcast_in_dim3A_338 : vector<128x1xf32>
    %get3A_340 = arith.constant 0 : index
    %get3A_341 = arith.constant 9 : index
    %get3A_342 = arith.constant 0 : index
    %get3A_343 = vector.load %arg1[%get3A_340, %get3A_341, %get3A_342] : memref<128x88x128xf32, #tpu.memory_space<vmem>>, vector<128x1x128xf32>
    %get3A_344 = vector.shape_cast %get3A_343 : vector<128x1x128xf32> to vector<128x128xf32>
    %get3A_345 = arith.constant 0 : index
    %get3A_346 = arith.constant 1152 : index
    %get3A_347 = vector.load %arg3[%get3A_345, %get3A_346] : memref<13x10880xf32, #tpu.memory_space<vmem>>, vector<13x128xf32>
    %dot_general3A_348 = arith.constant dense<0.000000e+00> : vector<128x128xf32>
    %dot_general3A_349 = tpu.matmul %get3A_1, %get3A_347, %dot_general3A_348 {dimension_numbers = #tpu.dot_dimension_numbers<[1], [0], [0], [1], [0, 0, 1, 1], [], []>, transpose_lhs_hint = false} : vector<128x13xf32>, vector<13x128xf32>, vector<128x128xf32> -> vector<128x128xf32>
    %get3A_350 = arith.constant 1152 : index
    %get3A_351 = vector.load %arg4[%get3A_350] : memref<10880xf32, #tpu.memory_space<vmem>>, vector<128xf32>
    %broadcast_in_dim3A_352 = vector.shape_cast %get3A_351 : vector<128xf32> to vector<1x128xf32>
    %add3A_353 = vector.broadcast %broadcast_in_dim3A_352 : vector<1x128xf32> to vector<128x128xf32>
    %add3A_354 = arith.addf %dot_general3A_349, %add3A_353 : vector<128x128xf32>
    %max3A_355 = arith.constant 0.000000e+00 : f32
    %max3A_356 = vector.broadcast %max3A_355 : f32 to vector<128x128xf32>
    %max3A_357 = arith.maximumf %add3A_354, %max3A_356 : vector<128x128xf32>
    %add3A_358 = arith.addf %get3A_344, %max3A_357 : vector<128x128xf32>
    %get3A_359 = arith.constant 0 : index
    %get3A_360 = arith.constant 1152 : index
    %get3A_361 = vector.load %arg5[%get3A_359, %get3A_360] : memref<256x10880xf32, #tpu.memory_space<vmem>>, vector<256x128xf32>
    %dot_general3A_362 = arith.constant dense<0.000000e+00> : vector<128x256xf32>
    %dot_general3A_363 = tpu.matmul %add3A_358, %get3A_361, %dot_general3A_362 {dimension_numbers = #tpu.dot_dimension_numbers<[1], [1], [0], [0], [0, 0, 1, 0], [], []>, transpose_lhs_hint = false} : vector<128x128xf32>, vector<256x128xf32>, vector<128x256xf32> -> vector<128x256xf32>
    %add3A_364 = arith.addf %add3A_328, %dot_general3A_363 : vector<128x256xf32>
    %slice3A_365 = vector.extract_strided_slice %get3A_344 {offsets = [0, 16], sizes = [128, 112], strides = [1, 1]} : vector<128x128xf32> to vector<128x112xf32>
    %slice3A_366 = vector.extract_strided_slice %get3A_344 {offsets = [0, 0], sizes = [128, 16], strides = [1, 1]} : vector<128x128xf32> to vector<128x16xf32>
    %concatenate3A_367 = tpu.concatenate %slice3A_365, %slice3A_366 in 1 : vector<128x112xf32>, vector<128x16xf32> -> vector<128x128xf32>
    %mul3A_368 = arith.mulf %get3A_344, %concatenate3A_367 : vector<128x128xf32>
    %jit3A_369 = arith.constant 0.000000e+00 : f32
    %broadcast_in_dim3A_370 = vector.broadcast %jit3A_369 : f32 to vector<128x128xf32>
    %select_n3A_371 = arith.select %lt3A_18, %mul3A_368, %broadcast_in_dim3A_370 : vector<128x128xi1>, vector<128x128xf32>
    %reduce_sum3A_372 = arith.constant dense<0.000000e+00> : vector<128xf32>
    %reduce_sum3A_373 = vector.multi_reduction <add>, %select_n3A_371, %reduce_sum3A_372 [1] : vector<128x128xf32> to vector<128xf32>
    %broadcast_in_dim3A_374 = vector.shape_cast %reduce_sum3A_373 : vector<128xf32> to vector<128x1xf32>
    %add3A_375 = arith.addf %add3A_339, %broadcast_in_dim3A_374 : vector<128x1xf32>
    %get3A_376 = arith.constant 0 : index
    %get3A_377 = arith.constant 10 : index
    %get3A_378 = arith.constant 0 : index
    %get3A_379 = vector.load %arg1[%get3A_376, %get3A_377, %get3A_378] : memref<128x88x128xf32, #tpu.memory_space<vmem>>, vector<128x1x128xf32>
    %get3A_380 = vector.shape_cast %get3A_379 : vector<128x1x128xf32> to vector<128x128xf32>
    %get3A_381 = arith.constant 0 : index
    %get3A_382 = arith.constant 1280 : index
    %get3A_383 = vector.load %arg3[%get3A_381, %get3A_382] : memref<13x10880xf32, #tpu.memory_space<vmem>>, vector<13x128xf32>
    %dot_general3A_384 = arith.constant dense<0.000000e+00> : vector<128x128xf32>
    %dot_general3A_385 = tpu.matmul %get3A_1, %get3A_383, %dot_general3A_384 {dimension_numbers = #tpu.dot_dimension_numbers<[1], [0], [0], [1], [0, 0, 1, 1], [], []>, transpose_lhs_hint = false} : vector<128x13xf32>, vector<13x128xf32>, vector<128x128xf32> -> vector<128x128xf32>
    %get3A_386 = arith.constant 1280 : index
    %get3A_387 = vector.load %arg4[%get3A_386] : memref<10880xf32, #tpu.memory_space<vmem>>, vector<128xf32>
    %broadcast_in_dim3A_388 = vector.shape_cast %get3A_387 : vector<128xf32> to vector<1x128xf32>
    %add3A_389 = vector.broadcast %broadcast_in_dim3A_388 : vector<1x128xf32> to vector<128x128xf32>
    %add3A_390 = arith.addf %dot_general3A_385, %add3A_389 : vector<128x128xf32>
    %max3A_391 = arith.constant 0.000000e+00 : f32
    %max3A_392 = vector.broadcast %max3A_391 : f32 to vector<128x128xf32>
    %max3A_393 = arith.maximumf %add3A_390, %max3A_392 : vector<128x128xf32>
    %add3A_394 = arith.addf %get3A_380, %max3A_393 : vector<128x128xf32>
    %get3A_395 = arith.constant 0 : index
    %get3A_396 = arith.constant 1280 : index
    %get3A_397 = vector.load %arg5[%get3A_395, %get3A_396] : memref<256x10880xf32, #tpu.memory_space<vmem>>, vector<256x128xf32>
    %dot_general3A_398 = arith.constant dense<0.000000e+00> : vector<128x256xf32>
    %dot_general3A_399 = tpu.matmul %add3A_394, %get3A_397, %dot_general3A_398 {dimension_numbers = #tpu.dot_dimension_numbers<[1], [1], [0], [0], [0, 0, 1, 0], [], []>, transpose_lhs_hint = false} : vector<128x128xf32>, vector<256x128xf32>, vector<128x256xf32> -> vector<128x256xf32>
    %add3A_400 = arith.addf %add3A_364, %dot_general3A_399 : vector<128x256xf32>
    %slice3A_401 = vector.extract_strided_slice %get3A_380 {offsets = [0, 16], sizes = [128, 112], strides = [1, 1]} : vector<128x128xf32> to vector<128x112xf32>
    %slice3A_402 = vector.extract_strided_slice %get3A_380 {offsets = [0, 0], sizes = [128, 16], strides = [1, 1]} : vector<128x128xf32> to vector<128x16xf32>
    %concatenate3A_403 = tpu.concatenate %slice3A_401, %slice3A_402 in 1 : vector<128x112xf32>, vector<128x16xf32> -> vector<128x128xf32>
    %mul3A_404 = arith.mulf %get3A_380, %concatenate3A_403 : vector<128x128xf32>
    %jit3A_405 = arith.constant 0.000000e+00 : f32
    %broadcast_in_dim3A_406 = vector.broadcast %jit3A_405 : f32 to vector<128x128xf32>
    %select_n3A_407 = arith.select %lt3A_18, %mul3A_404, %broadcast_in_dim3A_406 : vector<128x128xi1>, vector<128x128xf32>
    %reduce_sum3A_408 = arith.constant dense<0.000000e+00> : vector<128xf32>
    %reduce_sum3A_409 = vector.multi_reduction <add>, %select_n3A_407, %reduce_sum3A_408 [1] : vector<128x128xf32> to vector<128xf32>
    %broadcast_in_dim3A_410 = vector.shape_cast %reduce_sum3A_409 : vector<128xf32> to vector<128x1xf32>
    %add3A_411 = arith.addf %add3A_375, %broadcast_in_dim3A_410 : vector<128x1xf32>
    %get3A_412 = arith.constant 0 : index
    %get3A_413 = arith.constant 11 : index
    %get3A_414 = arith.constant 0 : index
    %get3A_415 = vector.load %arg1[%get3A_412, %get3A_413, %get3A_414] : memref<128x88x128xf32, #tpu.memory_space<vmem>>, vector<128x1x128xf32>
    %get3A_416 = vector.shape_cast %get3A_415 : vector<128x1x128xf32> to vector<128x128xf32>
    %get3A_417 = arith.constant 0 : index
    %get3A_418 = arith.constant 1408 : index
    %get3A_419 = vector.load %arg3[%get3A_417, %get3A_418] : memref<13x10880xf32, #tpu.memory_space<vmem>>, vector<13x128xf32>
    %dot_general3A_420 = arith.constant dense<0.000000e+00> : vector<128x128xf32>
    %dot_general3A_421 = tpu.matmul %get3A_1, %get3A_419, %dot_general3A_420 {dimension_numbers = #tpu.dot_dimension_numbers<[1], [0], [0], [1], [0, 0, 1, 1], [], []>, transpose_lhs_hint = false} : vector<128x13xf32>, vector<13x128xf32>, vector<128x128xf32> -> vector<128x128xf32>
    %get3A_422 = arith.constant 1408 : index
    %get3A_423 = vector.load %arg4[%get3A_422] : memref<10880xf32, #tpu.memory_space<vmem>>, vector<128xf32>
    %broadcast_in_dim3A_424 = vector.shape_cast %get3A_423 : vector<128xf32> to vector<1x128xf32>
    %add3A_425 = vector.broadcast %broadcast_in_dim3A_424 : vector<1x128xf32> to vector<128x128xf32>
    %add3A_426 = arith.addf %dot_general3A_421, %add3A_425 : vector<128x128xf32>
    %max3A_427 = arith.constant 0.000000e+00 : f32
    %max3A_428 = vector.broadcast %max3A_427 : f32 to vector<128x128xf32>
    %max3A_429 = arith.maximumf %add3A_426, %max3A_428 : vector<128x128xf32>
    %add3A_430 = arith.addf %get3A_416, %max3A_429 : vector<128x128xf32>
    %get3A_431 = arith.constant 0 : index
    %get3A_432 = arith.constant 1408 : index
    %get3A_433 = vector.load %arg5[%get3A_431, %get3A_432] : memref<256x10880xf32, #tpu.memory_space<vmem>>, vector<256x128xf32>
    %dot_general3A_434 = arith.constant dense<0.000000e+00> : vector<128x256xf32>
    %dot_general3A_435 = tpu.matmul %add3A_430, %get3A_433, %dot_general3A_434 {dimension_numbers = #tpu.dot_dimension_numbers<[1], [1], [0], [0], [0, 0, 1, 0], [], []>, transpose_lhs_hint = false} : vector<128x128xf32>, vector<256x128xf32>, vector<128x256xf32> -> vector<128x256xf32>
    %add3A_436 = arith.addf %add3A_400, %dot_general3A_435 : vector<128x256xf32>
    %slice3A_437 = vector.extract_strided_slice %get3A_416 {offsets = [0, 16], sizes = [128, 112], strides = [1, 1]} : vector<128x128xf32> to vector<128x112xf32>
    %slice3A_438 = vector.extract_strided_slice %get3A_416 {offsets = [0, 0], sizes = [128, 16], strides = [1, 1]} : vector<128x128xf32> to vector<128x16xf32>
    %concatenate3A_439 = tpu.concatenate %slice3A_437, %slice3A_438 in 1 : vector<128x112xf32>, vector<128x16xf32> -> vector<128x128xf32>
    %mul3A_440 = arith.mulf %get3A_416, %concatenate3A_439 : vector<128x128xf32>
    %jit3A_441 = arith.constant 0.000000e+00 : f32
    %broadcast_in_dim3A_442 = vector.broadcast %jit3A_441 : f32 to vector<128x128xf32>
    %select_n3A_443 = arith.select %lt3A_18, %mul3A_440, %broadcast_in_dim3A_442 : vector<128x128xi1>, vector<128x128xf32>
    %reduce_sum3A_444 = arith.constant dense<0.000000e+00> : vector<128xf32>
    %reduce_sum3A_445 = vector.multi_reduction <add>, %select_n3A_443, %reduce_sum3A_444 [1] : vector<128x128xf32> to vector<128xf32>
    %broadcast_in_dim3A_446 = vector.shape_cast %reduce_sum3A_445 : vector<128xf32> to vector<128x1xf32>
    %add3A_447 = arith.addf %add3A_411, %broadcast_in_dim3A_446 : vector<128x1xf32>
    %get3A_448 = arith.constant 0 : index
    %get3A_449 = arith.constant 12 : index
    %get3A_450 = arith.constant 0 : index
    %get3A_451 = vector.load %arg1[%get3A_448, %get3A_449, %get3A_450] : memref<128x88x128xf32, #tpu.memory_space<vmem>>, vector<128x1x128xf32>
    %get3A_452 = vector.shape_cast %get3A_451 : vector<128x1x128xf32> to vector<128x128xf32>
    %get3A_453 = arith.constant 0 : index
    %get3A_454 = arith.constant 1536 : index
    %get3A_455 = vector.load %arg3[%get3A_453, %get3A_454] : memref<13x10880xf32, #tpu.memory_space<vmem>>, vector<13x128xf32>
    %dot_general3A_456 = arith.constant dense<0.000000e+00> : vector<128x128xf32>
    %dot_general3A_457 = tpu.matmul %get3A_1, %get3A_455, %dot_general3A_456 {dimension_numbers = #tpu.dot_dimension_numbers<[1], [0], [0], [1], [0, 0, 1, 1], [], []>, transpose_lhs_hint = false} : vector<128x13xf32>, vector<13x128xf32>, vector<128x128xf32> -> vector<128x128xf32>
    %get3A_458 = arith.constant 1536 : index
    %get3A_459 = vector.load %arg4[%get3A_458] : memref<10880xf32, #tpu.memory_space<vmem>>, vector<128xf32>
    %broadcast_in_dim3A_460 = vector.shape_cast %get3A_459 : vector<128xf32> to vector<1x128xf32>
    %add3A_461 = vector.broadcast %broadcast_in_dim3A_460 : vector<1x128xf32> to vector<128x128xf32>
    %add3A_462 = arith.addf %dot_general3A_457, %add3A_461 : vector<128x128xf32>
    %max3A_463 = arith.constant 0.000000e+00 : f32
    %max3A_464 = vector.broadcast %max3A_463 : f32 to vector<128x128xf32>
    %max3A_465 = arith.maximumf %add3A_462, %max3A_464 : vector<128x128xf32>
    %add3A_466 = arith.addf %get3A_452, %max3A_465 : vector<128x128xf32>
    %get3A_467 = arith.constant 0 : index
    %get3A_468 = arith.constant 1536 : index
    %get3A_469 = vector.load %arg5[%get3A_467, %get3A_468] : memref<256x10880xf32, #tpu.memory_space<vmem>>, vector<256x128xf32>
    %dot_general3A_470 = arith.constant dense<0.000000e+00> : vector<128x256xf32>
    %dot_general3A_471 = tpu.matmul %add3A_466, %get3A_469, %dot_general3A_470 {dimension_numbers = #tpu.dot_dimension_numbers<[1], [1], [0], [0], [0, 0, 1, 0], [], []>, transpose_lhs_hint = false} : vector<128x128xf32>, vector<256x128xf32>, vector<128x256xf32> -> vector<128x256xf32>
    %add3A_472 = arith.addf %add3A_436, %dot_general3A_471 : vector<128x256xf32>
    %slice3A_473 = vector.extract_strided_slice %get3A_452 {offsets = [0, 16], sizes = [128, 112], strides = [1, 1]} : vector<128x128xf32> to vector<128x112xf32>
    %slice3A_474 = vector.extract_strided_slice %get3A_452 {offsets = [0, 0], sizes = [128, 16], strides = [1, 1]} : vector<128x128xf32> to vector<128x16xf32>
    %concatenate3A_475 = tpu.concatenate %slice3A_473, %slice3A_474 in 1 : vector<128x112xf32>, vector<128x16xf32> -> vector<128x128xf32>
    %mul3A_476 = arith.mulf %get3A_452, %concatenate3A_475 : vector<128x128xf32>
    %jit3A_477 = arith.constant 0.000000e+00 : f32
    %broadcast_in_dim3A_478 = vector.broadcast %jit3A_477 : f32 to vector<128x128xf32>
    %select_n3A_479 = arith.select %lt3A_18, %mul3A_476, %broadcast_in_dim3A_478 : vector<128x128xi1>, vector<128x128xf32>
    %reduce_sum3A_480 = arith.constant dense<0.000000e+00> : vector<128xf32>
    %reduce_sum3A_481 = vector.multi_reduction <add>, %select_n3A_479, %reduce_sum3A_480 [1] : vector<128x128xf32> to vector<128xf32>
    %broadcast_in_dim3A_482 = vector.shape_cast %reduce_sum3A_481 : vector<128xf32> to vector<128x1xf32>
    %add3A_483 = arith.addf %add3A_447, %broadcast_in_dim3A_482 : vector<128x1xf32>
    %get3A_484 = arith.constant 0 : index
    %get3A_485 = arith.constant 13 : index
    %get3A_486 = arith.constant 0 : index
    %get3A_487 = vector.load %arg1[%get3A_484, %get3A_485, %get3A_486] : memref<128x88x128xf32, #tpu.memory_space<vmem>>, vector<128x1x128xf32>
    %get3A_488 = vector.shape_cast %get3A_487 : vector<128x1x128xf32> to vector<128x128xf32>
    %get3A_489 = arith.constant 0 : index
    %get3A_490 = arith.constant 1664 : index
    %get3A_491 = vector.load %arg3[%get3A_489, %get3A_490] : memref<13x10880xf32, #tpu.memory_space<vmem>>, vector<13x128xf32>
    %dot_general3A_492 = arith.constant dense<0.000000e+00> : vector<128x128xf32>
    %dot_general3A_493 = tpu.matmul %get3A_1, %get3A_491, %dot_general3A_492 {dimension_numbers = #tpu.dot_dimension_numbers<[1], [0], [0], [1], [0, 0, 1, 1], [], []>, transpose_lhs_hint = false} : vector<128x13xf32>, vector<13x128xf32>, vector<128x128xf32> -> vector<128x128xf32>
    %get3A_494 = arith.constant 1664 : index
    %get3A_495 = vector.load %arg4[%get3A_494] : memref<10880xf32, #tpu.memory_space<vmem>>, vector<128xf32>
    %broadcast_in_dim3A_496 = vector.shape_cast %get3A_495 : vector<128xf32> to vector<1x128xf32>
    %add3A_497 = vector.broadcast %broadcast_in_dim3A_496 : vector<1x128xf32> to vector<128x128xf32>
    %add3A_498 = arith.addf %dot_general3A_493, %add3A_497 : vector<128x128xf32>
    %max3A_499 = arith.constant 0.000000e+00 : f32
    %max3A_500 = vector.broadcast %max3A_499 : f32 to vector<128x128xf32>
    %max3A_501 = arith.maximumf %add3A_498, %max3A_500 : vector<128x128xf32>
    %add3A_502 = arith.addf %get3A_488, %max3A_501 : vector<128x128xf32>
    %get3A_503 = arith.constant 0 : index
    %get3A_504 = arith.constant 1664 : index
    %get3A_505 = vector.load %arg5[%get3A_503, %get3A_504] : memref<256x10880xf32, #tpu.memory_space<vmem>>, vector<256x128xf32>
    %dot_general3A_506 = arith.constant dense<0.000000e+00> : vector<128x256xf32>
    %dot_general3A_507 = tpu.matmul %add3A_502, %get3A_505, %dot_general3A_506 {dimension_numbers = #tpu.dot_dimension_numbers<[1], [1], [0], [0], [0, 0, 1, 0], [], []>, transpose_lhs_hint = false} : vector<128x128xf32>, vector<256x128xf32>, vector<128x256xf32> -> vector<128x256xf32>
    %add3A_508 = arith.addf %add3A_472, %dot_general3A_507 : vector<128x256xf32>
    %slice3A_509 = vector.extract_strided_slice %get3A_488 {offsets = [0, 16], sizes = [128, 112], strides = [1, 1]} : vector<128x128xf32> to vector<128x112xf32>
    %slice3A_510 = vector.extract_strided_slice %get3A_488 {offsets = [0, 0], sizes = [128, 16], strides = [1, 1]} : vector<128x128xf32> to vector<128x16xf32>
    %concatenate3A_511 = tpu.concatenate %slice3A_509, %slice3A_510 in 1 : vector<128x112xf32>, vector<128x16xf32> -> vector<128x128xf32>
    %mul3A_512 = arith.mulf %get3A_488, %concatenate3A_511 : vector<128x128xf32>
    %jit3A_513 = arith.constant 0.000000e+00 : f32
    %broadcast_in_dim3A_514 = vector.broadcast %jit3A_513 : f32 to vector<128x128xf32>
    %select_n3A_515 = arith.select %lt3A_18, %mul3A_512, %broadcast_in_dim3A_514 : vector<128x128xi1>, vector<128x128xf32>
    %reduce_sum3A_516 = arith.constant dense<0.000000e+00> : vector<128xf32>
    %reduce_sum3A_517 = vector.multi_reduction <add>, %select_n3A_515, %reduce_sum3A_516 [1] : vector<128x128xf32> to vector<128xf32>
    %broadcast_in_dim3A_518 = vector.shape_cast %reduce_sum3A_517 : vector<128xf32> to vector<128x1xf32>
    %add3A_519 = arith.addf %add3A_483, %broadcast_in_dim3A_518 : vector<128x1xf32>
    %get3A_520 = arith.constant 0 : index
    %get3A_521 = arith.constant 14 : index
    %get3A_522 = arith.constant 0 : index
    %get3A_523 = vector.load %arg1[%get3A_520, %get3A_521, %get3A_522] : memref<128x88x128xf32, #tpu.memory_space<vmem>>, vector<128x1x128xf32>
    %get3A_524 = vector.shape_cast %get3A_523 : vector<128x1x128xf32> to vector<128x128xf32>
    %get3A_525 = arith.constant 0 : index
    %get3A_526 = arith.constant 1792 : index
    %get3A_527 = vector.load %arg3[%get3A_525, %get3A_526] : memref<13x10880xf32, #tpu.memory_space<vmem>>, vector<13x128xf32>
    %dot_general3A_528 = arith.constant dense<0.000000e+00> : vector<128x128xf32>
    %dot_general3A_529 = tpu.matmul %get3A_1, %get3A_527, %dot_general3A_528 {dimension_numbers = #tpu.dot_dimension_numbers<[1], [0], [0], [1], [0, 0, 1, 1], [], []>, transpose_lhs_hint = false} : vector<128x13xf32>, vector<13x128xf32>, vector<128x128xf32> -> vector<128x128xf32>
    %get3A_530 = arith.constant 1792 : index
    %get3A_531 = vector.load %arg4[%get3A_530] : memref<10880xf32, #tpu.memory_space<vmem>>, vector<128xf32>
    %broadcast_in_dim3A_532 = vector.shape_cast %get3A_531 : vector<128xf32> to vector<1x128xf32>
    %add3A_533 = vector.broadcast %broadcast_in_dim3A_532 : vector<1x128xf32> to vector<128x128xf32>
    %add3A_534 = arith.addf %dot_general3A_529, %add3A_533 : vector<128x128xf32>
    %max3A_535 = arith.constant 0.000000e+00 : f32
    %max3A_536 = vector.broadcast %max3A_535 : f32 to vector<128x128xf32>
    %max3A_537 = arith.maximumf %add3A_534, %max3A_536 : vector<128x128xf32>
    %add3A_538 = arith.addf %get3A_524, %max3A_537 : vector<128x128xf32>
    %get3A_539 = arith.constant 0 : index
    %get3A_540 = arith.constant 1792 : index
    %get3A_541 = vector.load %arg5[%get3A_539, %get3A_540] : memref<256x10880xf32, #tpu.memory_space<vmem>>, vector<256x128xf32>
    %dot_general3A_542 = arith.constant dense<0.000000e+00> : vector<128x256xf32>
    %dot_general3A_543 = tpu.matmul %add3A_538, %get3A_541, %dot_general3A_542 {dimension_numbers = #tpu.dot_dimension_numbers<[1], [1], [0], [0], [0, 0, 1, 0], [], []>, transpose_lhs_hint = false} : vector<128x128xf32>, vector<256x128xf32>, vector<128x256xf32> -> vector<128x256xf32>
    %add3A_544 = arith.addf %add3A_508, %dot_general3A_543 : vector<128x256xf32>
    %slice3A_545 = vector.extract_strided_slice %get3A_524 {offsets = [0, 16], sizes = [128, 112], strides = [1, 1]} : vector<128x128xf32> to vector<128x112xf32>
    %slice3A_546 = vector.extract_strided_slice %get3A_524 {offsets = [0, 0], sizes = [128, 16], strides = [1, 1]} : vector<128x128xf32> to vector<128x16xf32>
    %concatenate3A_547 = tpu.concatenate %slice3A_545, %slice3A_546 in 1 : vector<128x112xf32>, vector<128x16xf32> -> vector<128x128xf32>
    %mul3A_548 = arith.mulf %get3A_524, %concatenate3A_547 : vector<128x128xf32>
    %jit3A_549 = arith.constant 0.000000e+00 : f32
    %broadcast_in_dim3A_550 = vector.broadcast %jit3A_549 : f32 to vector<128x128xf32>
    %select_n3A_551 = arith.select %lt3A_18, %mul3A_548, %broadcast_in_dim3A_550 : vector<128x128xi1>, vector<128x128xf32>
    %reduce_sum3A_552 = arith.constant dense<0.000000e+00> : vector<128xf32>
    %reduce_sum3A_553 = vector.multi_reduction <add>, %select_n3A_551, %reduce_sum3A_552 [1] : vector<128x128xf32> to vector<128xf32>
    %broadcast_in_dim3A_554 = vector.shape_cast %reduce_sum3A_553 : vector<128xf32> to vector<128x1xf32>
    %add3A_555 = arith.addf %add3A_519, %broadcast_in_dim3A_554 : vector<128x1xf32>
    %get3A_556 = arith.constant 0 : index
    %get3A_557 = arith.constant 15 : index
    %get3A_558 = arith.constant 0 : index
    %get3A_559 = vector.load %arg1[%get3A_556, %get3A_557, %get3A_558] : memref<128x88x128xf32, #tpu.memory_space<vmem>>, vector<128x1x128xf32>
    %get3A_560 = vector.shape_cast %get3A_559 : vector<128x1x128xf32> to vector<128x128xf32>
    %get3A_561 = arith.constant 0 : index
    %get3A_562 = arith.constant 1920 : index
    %get3A_563 = vector.load %arg3[%get3A_561, %get3A_562] : memref<13x10880xf32, #tpu.memory_space<vmem>>, vector<13x128xf32>
    %dot_general3A_564 = arith.constant dense<0.000000e+00> : vector<128x128xf32>
    %dot_general3A_565 = tpu.matmul %get3A_1, %get3A_563, %dot_general3A_564 {dimension_numbers = #tpu.dot_dimension_numbers<[1], [0], [0], [1], [0, 0, 1, 1], [], []>, transpose_lhs_hint = false} : vector<128x13xf32>, vector<13x128xf32>, vector<128x128xf32> -> vector<128x128xf32>
    %get3A_566 = arith.constant 1920 : index
    %get3A_567 = vector.load %arg4[%get3A_566] : memref<10880xf32, #tpu.memory_space<vmem>>, vector<128xf32>
    %broadcast_in_dim3A_568 = vector.shape_cast %get3A_567 : vector<128xf32> to vector<1x128xf32>
    %add3A_569 = vector.broadcast %broadcast_in_dim3A_568 : vector<1x128xf32> to vector<128x128xf32>
    %add3A_570 = arith.addf %dot_general3A_565, %add3A_569 : vector<128x128xf32>
    %max3A_571 = arith.constant 0.000000e+00 : f32
    %max3A_572 = vector.broadcast %max3A_571 : f32 to vector<128x128xf32>
    %max3A_573 = arith.maximumf %add3A_570, %max3A_572 : vector<128x128xf32>
    %add3A_574 = arith.addf %get3A_560, %max3A_573 : vector<128x128xf32>
    %get3A_575 = arith.constant 0 : index
    %get3A_576 = arith.constant 1920 : index
    %get3A_577 = vector.load %arg5[%get3A_575, %get3A_576] : memref<256x10880xf32, #tpu.memory_space<vmem>>, vector<256x128xf32>
    %dot_general3A_578 = arith.constant dense<0.000000e+00> : vector<128x256xf32>
    %dot_general3A_579 = tpu.matmul %add3A_574, %get3A_577, %dot_general3A_578 {dimension_numbers = #tpu.dot_dimension_numbers<[1], [1], [0], [0], [0, 0, 1, 0], [], []>, transpose_lhs_hint = false} : vector<128x128xf32>, vector<256x128xf32>, vector<128x256xf32> -> vector<128x256xf32>
    %add3A_580 = arith.addf %add3A_544, %dot_general3A_579 : vector<128x256xf32>
    %slice3A_581 = vector.extract_strided_slice %get3A_560 {offsets = [0, 16], sizes = [128, 112], strides = [1, 1]} : vector<128x128xf32> to vector<128x112xf32>
    %slice3A_582 = vector.extract_strided_slice %get3A_560 {offsets = [0, 0], sizes = [128, 16], strides = [1, 1]} : vector<128x128xf32> to vector<128x16xf32>
    %concatenate3A_583 = tpu.concatenate %slice3A_581, %slice3A_582 in 1 : vector<128x112xf32>, vector<128x16xf32> -> vector<128x128xf32>
    %mul3A_584 = arith.mulf %get3A_560, %concatenate3A_583 : vector<128x128xf32>
    %jit3A_585 = arith.constant 0.000000e+00 : f32
    %broadcast_in_dim3A_586 = vector.broadcast %jit3A_585 : f32 to vector<128x128xf32>
    %select_n3A_587 = arith.select %lt3A_18, %mul3A_584, %broadcast_in_dim3A_586 : vector<128x128xi1>, vector<128x128xf32>
    %reduce_sum3A_588 = arith.constant dense<0.000000e+00> : vector<128xf32>
    %reduce_sum3A_589 = vector.multi_reduction <add>, %select_n3A_587, %reduce_sum3A_588 [1] : vector<128x128xf32> to vector<128xf32>
    %broadcast_in_dim3A_590 = vector.shape_cast %reduce_sum3A_589 : vector<128xf32> to vector<128x1xf32>
    %add3A_591 = arith.addf %add3A_555, %broadcast_in_dim3A_590 : vector<128x1xf32>
    %get3A_592 = arith.constant 0 : index
    %get3A_593 = arith.constant 16 : index
    %get3A_594 = arith.constant 0 : index
    %get3A_595 = vector.load %arg1[%get3A_592, %get3A_593, %get3A_594] : memref<128x88x128xf32, #tpu.memory_space<vmem>>, vector<128x1x128xf32>
    %get3A_596 = vector.shape_cast %get3A_595 : vector<128x1x128xf32> to vector<128x128xf32>
    %get3A_597 = arith.constant 0 : index
    %get3A_598 = arith.constant 2048 : index
    %get3A_599 = vector.load %arg3[%get3A_597, %get3A_598] : memref<13x10880xf32, #tpu.memory_space<vmem>>, vector<13x128xf32>
    %dot_general3A_600 = arith.constant dense<0.000000e+00> : vector<128x128xf32>
    %dot_general3A_601 = tpu.matmul %get3A_1, %get3A_599, %dot_general3A_600 {dimension_numbers = #tpu.dot_dimension_numbers<[1], [0], [0], [1], [0, 0, 1, 1], [], []>, transpose_lhs_hint = false} : vector<128x13xf32>, vector<13x128xf32>, vector<128x128xf32> -> vector<128x128xf32>
    %get3A_602 = arith.constant 2048 : index
    %get3A_603 = vector.load %arg4[%get3A_602] : memref<10880xf32, #tpu.memory_space<vmem>>, vector<128xf32>
    %broadcast_in_dim3A_604 = vector.shape_cast %get3A_603 : vector<128xf32> to vector<1x128xf32>
    %add3A_605 = vector.broadcast %broadcast_in_dim3A_604 : vector<1x128xf32> to vector<128x128xf32>
    %add3A_606 = arith.addf %dot_general3A_601, %add3A_605 : vector<128x128xf32>
    %max3A_607 = arith.constant 0.000000e+00 : f32
    %max3A_608 = vector.broadcast %max3A_607 : f32 to vector<128x128xf32>
    %max3A_609 = arith.maximumf %add3A_606, %max3A_608 : vector<128x128xf32>
    %add3A_610 = arith.addf %get3A_596, %max3A_609 : vector<128x128xf32>
    %get3A_611 = arith.constant 0 : index
    %get3A_612 = arith.constant 2048 : index
    %get3A_613 = vector.load %arg5[%get3A_611, %get3A_612] : memref<256x10880xf32, #tpu.memory_space<vmem>>, vector<256x128xf32>
    %dot_general3A_614 = arith.constant dense<0.000000e+00> : vector<128x256xf32>
    %dot_general3A_615 = tpu.matmul %add3A_610, %get3A_613, %dot_general3A_614 {dimension_numbers = #tpu.dot_dimension_numbers<[1], [1], [0], [0], [0, 0, 1, 0], [], []>, transpose_lhs_hint = false} : vector<128x128xf32>, vector<256x128xf32>, vector<128x256xf32> -> vector<128x256xf32>
    %add3A_616 = arith.addf %add3A_580, %dot_general3A_615 : vector<128x256xf32>
    %slice3A_617 = vector.extract_strided_slice %get3A_596 {offsets = [0, 16], sizes = [128, 112], strides = [1, 1]} : vector<128x128xf32> to vector<128x112xf32>
    %slice3A_618 = vector.extract_strided_slice %get3A_596 {offsets = [0, 0], sizes = [128, 16], strides = [1, 1]} : vector<128x128xf32> to vector<128x16xf32>
    %concatenate3A_619 = tpu.concatenate %slice3A_617, %slice3A_618 in 1 : vector<128x112xf32>, vector<128x16xf32> -> vector<128x128xf32>
    %mul3A_620 = arith.mulf %get3A_596, %concatenate3A_619 : vector<128x128xf32>
    %jit3A_621 = arith.constant 0.000000e+00 : f32
    %broadcast_in_dim3A_622 = vector.broadcast %jit3A_621 : f32 to vector<128x128xf32>
    %select_n3A_623 = arith.select %lt3A_18, %mul3A_620, %broadcast_in_dim3A_622 : vector<128x128xi1>, vector<128x128xf32>
    %reduce_sum3A_624 = arith.constant dense<0.000000e+00> : vector<128xf32>
    %reduce_sum3A_625 = vector.multi_reduction <add>, %select_n3A_623, %reduce_sum3A_624 [1] : vector<128x128xf32> to vector<128xf32>
    %broadcast_in_dim3A_626 = vector.shape_cast %reduce_sum3A_625 : vector<128xf32> to vector<128x1xf32>
    %add3A_627 = arith.addf %add3A_591, %broadcast_in_dim3A_626 : vector<128x1xf32>
    %get3A_628 = arith.constant 0 : index
    %get3A_629 = arith.constant 17 : index
    %get3A_630 = arith.constant 0 : index
    %get3A_631 = vector.load %arg1[%get3A_628, %get3A_629, %get3A_630] : memref<128x88x128xf32, #tpu.memory_space<vmem>>, vector<128x1x128xf32>
    %get3A_632 = vector.shape_cast %get3A_631 : vector<128x1x128xf32> to vector<128x128xf32>
    %get3A_633 = arith.constant 0 : index
    %get3A_634 = arith.constant 2176 : index
    %get3A_635 = vector.load %arg3[%get3A_633, %get3A_634] : memref<13x10880xf32, #tpu.memory_space<vmem>>, vector<13x128xf32>
    %dot_general3A_636 = arith.constant dense<0.000000e+00> : vector<128x128xf32>
    %dot_general3A_637 = tpu.matmul %get3A_1, %get3A_635, %dot_general3A_636 {dimension_numbers = #tpu.dot_dimension_numbers<[1], [0], [0], [1], [0, 0, 1, 1], [], []>, transpose_lhs_hint = false} : vector<128x13xf32>, vector<13x128xf32>, vector<128x128xf32> -> vector<128x128xf32>
    %get3A_638 = arith.constant 2176 : index
    %get3A_639 = vector.load %arg4[%get3A_638] : memref<10880xf32, #tpu.memory_space<vmem>>, vector<128xf32>
    %broadcast_in_dim3A_640 = vector.shape_cast %get3A_639 : vector<128xf32> to vector<1x128xf32>
    %add3A_641 = vector.broadcast %broadcast_in_dim3A_640 : vector<1x128xf32> to vector<128x128xf32>
    %add3A_642 = arith.addf %dot_general3A_637, %add3A_641 : vector<128x128xf32>
    %max3A_643 = arith.constant 0.000000e+00 : f32
    %max3A_644 = vector.broadcast %max3A_643 : f32 to vector<128x128xf32>
    %max3A_645 = arith.maximumf %add3A_642, %max3A_644 : vector<128x128xf32>
    %add3A_646 = arith.addf %get3A_632, %max3A_645 : vector<128x128xf32>
    %get3A_647 = arith.constant 0 : index
    %get3A_648 = arith.constant 2176 : index
    %get3A_649 = vector.load %arg5[%get3A_647, %get3A_648] : memref<256x10880xf32, #tpu.memory_space<vmem>>, vector<256x128xf32>
    %dot_general3A_650 = arith.constant dense<0.000000e+00> : vector<128x256xf32>
    %dot_general3A_651 = tpu.matmul %add3A_646, %get3A_649, %dot_general3A_650 {dimension_numbers = #tpu.dot_dimension_numbers<[1], [1], [0], [0], [0, 0, 1, 0], [], []>, transpose_lhs_hint = false} : vector<128x128xf32>, vector<256x128xf32>, vector<128x256xf32> -> vector<128x256xf32>
    %add3A_652 = arith.addf %add3A_616, %dot_general3A_651 : vector<128x256xf32>
    %slice3A_653 = vector.extract_strided_slice %get3A_632 {offsets = [0, 16], sizes = [128, 112], strides = [1, 1]} : vector<128x128xf32> to vector<128x112xf32>
    %slice3A_654 = vector.extract_strided_slice %get3A_632 {offsets = [0, 0], sizes = [128, 16], strides = [1, 1]} : vector<128x128xf32> to vector<128x16xf32>
    %concatenate3A_655 = tpu.concatenate %slice3A_653, %slice3A_654 in 1 : vector<128x112xf32>, vector<128x16xf32> -> vector<128x128xf32>
    %mul3A_656 = arith.mulf %get3A_632, %concatenate3A_655 : vector<128x128xf32>
    %jit3A_657 = arith.constant 0.000000e+00 : f32
    %broadcast_in_dim3A_658 = vector.broadcast %jit3A_657 : f32 to vector<128x128xf32>
    %select_n3A_659 = arith.select %lt3A_18, %mul3A_656, %broadcast_in_dim3A_658 : vector<128x128xi1>, vector<128x128xf32>
    %reduce_sum3A_660 = arith.constant dense<0.000000e+00> : vector<128xf32>
    %reduce_sum3A_661 = vector.multi_reduction <add>, %select_n3A_659, %reduce_sum3A_660 [1] : vector<128x128xf32> to vector<128xf32>
    %broadcast_in_dim3A_662 = vector.shape_cast %reduce_sum3A_661 : vector<128xf32> to vector<128x1xf32>
    %add3A_663 = arith.addf %add3A_627, %broadcast_in_dim3A_662 : vector<128x1xf32>
    %get3A_664 = arith.constant 0 : index
    %get3A_665 = arith.constant 18 : index
    %get3A_666 = arith.constant 0 : index
    %get3A_667 = vector.load %arg1[%get3A_664, %get3A_665, %get3A_666] : memref<128x88x128xf32, #tpu.memory_space<vmem>>, vector<128x1x128xf32>
    %get3A_668 = vector.shape_cast %get3A_667 : vector<128x1x128xf32> to vector<128x128xf32>
    %get3A_669 = arith.constant 0 : index
    %get3A_670 = arith.constant 2304 : index
    %get3A_671 = vector.load %arg3[%get3A_669, %get3A_670] : memref<13x10880xf32, #tpu.memory_space<vmem>>, vector<13x128xf32>
    %dot_general3A_672 = arith.constant dense<0.000000e+00> : vector<128x128xf32>
    %dot_general3A_673 = tpu.matmul %get3A_1, %get3A_671, %dot_general3A_672 {dimension_numbers = #tpu.dot_dimension_numbers<[1], [0], [0], [1], [0, 0, 1, 1], [], []>, transpose_lhs_hint = false} : vector<128x13xf32>, vector<13x128xf32>, vector<128x128xf32> -> vector<128x128xf32>
    %get3A_674 = arith.constant 2304 : index
    %get3A_675 = vector.load %arg4[%get3A_674] : memref<10880xf32, #tpu.memory_space<vmem>>, vector<128xf32>
    %broadcast_in_dim3A_676 = vector.shape_cast %get3A_675 : vector<128xf32> to vector<1x128xf32>
    %add3A_677 = vector.broadcast %broadcast_in_dim3A_676 : vector<1x128xf32> to vector<128x128xf32>
    %add3A_678 = arith.addf %dot_general3A_673, %add3A_677 : vector<128x128xf32>
    %max3A_679 = arith.constant 0.000000e+00 : f32
    %max3A_680 = vector.broadcast %max3A_679 : f32 to vector<128x128xf32>
    %max3A_681 = arith.maximumf %add3A_678, %max3A_680 : vector<128x128xf32>
    %add3A_682 = arith.addf %get3A_668, %max3A_681 : vector<128x128xf32>
    %get3A_683 = arith.constant 0 : index
    %get3A_684 = arith.constant 2304 : index
    %get3A_685 = vector.load %arg5[%get3A_683, %get3A_684] : memref<256x10880xf32, #tpu.memory_space<vmem>>, vector<256x128xf32>
    %dot_general3A_686 = arith.constant dense<0.000000e+00> : vector<128x256xf32>
    %dot_general3A_687 = tpu.matmul %add3A_682, %get3A_685, %dot_general3A_686 {dimension_numbers = #tpu.dot_dimension_numbers<[1], [1], [0], [0], [0, 0, 1, 0], [], []>, transpose_lhs_hint = false} : vector<128x128xf32>, vector<256x128xf32>, vector<128x256xf32> -> vector<128x256xf32>
    %add3A_688 = arith.addf %add3A_652, %dot_general3A_687 : vector<128x256xf32>
    %slice3A_689 = vector.extract_strided_slice %get3A_668 {offsets = [0, 16], sizes = [128, 112], strides = [1, 1]} : vector<128x128xf32> to vector<128x112xf32>
    %slice3A_690 = vector.extract_strided_slice %get3A_668 {offsets = [0, 0], sizes = [128, 16], strides = [1, 1]} : vector<128x128xf32> to vector<128x16xf32>
    %concatenate3A_691 = tpu.concatenate %slice3A_689, %slice3A_690 in 1 : vector<128x112xf32>, vector<128x16xf32> -> vector<128x128xf32>
    %mul3A_692 = arith.mulf %get3A_668, %concatenate3A_691 : vector<128x128xf32>
    %jit3A_693 = arith.constant 0.000000e+00 : f32
    %broadcast_in_dim3A_694 = vector.broadcast %jit3A_693 : f32 to vector<128x128xf32>
    %select_n3A_695 = arith.select %lt3A_18, %mul3A_692, %broadcast_in_dim3A_694 : vector<128x128xi1>, vector<128x128xf32>
    %reduce_sum3A_696 = arith.constant dense<0.000000e+00> : vector<128xf32>
    %reduce_sum3A_697 = vector.multi_reduction <add>, %select_n3A_695, %reduce_sum3A_696 [1] : vector<128x128xf32> to vector<128xf32>
    %broadcast_in_dim3A_698 = vector.shape_cast %reduce_sum3A_697 : vector<128xf32> to vector<128x1xf32>
    %add3A_699 = arith.addf %add3A_663, %broadcast_in_dim3A_698 : vector<128x1xf32>
    %get3A_700 = arith.constant 0 : index
    %get3A_701 = arith.constant 19 : index
    %get3A_702 = arith.constant 0 : index
    %get3A_703 = vector.load %arg1[%get3A_700, %get3A_701, %get3A_702] : memref<128x88x128xf32, #tpu.memory_space<vmem>>, vector<128x1x128xf32>
    %get3A_704 = vector.shape_cast %get3A_703 : vector<128x1x128xf32> to vector<128x128xf32>
    %get3A_705 = arith.constant 0 : index
    %get3A_706 = arith.constant 2432 : index
    %get3A_707 = vector.load %arg3[%get3A_705, %get3A_706] : memref<13x10880xf32, #tpu.memory_space<vmem>>, vector<13x128xf32>
    %dot_general3A_708 = arith.constant dense<0.000000e+00> : vector<128x128xf32>
    %dot_general3A_709 = tpu.matmul %get3A_1, %get3A_707, %dot_general3A_708 {dimension_numbers = #tpu.dot_dimension_numbers<[1], [0], [0], [1], [0, 0, 1, 1], [], []>, transpose_lhs_hint = false} : vector<128x13xf32>, vector<13x128xf32>, vector<128x128xf32> -> vector<128x128xf32>
    %get3A_710 = arith.constant 2432 : index
    %get3A_711 = vector.load %arg4[%get3A_710] : memref<10880xf32, #tpu.memory_space<vmem>>, vector<128xf32>
    %broadcast_in_dim3A_712 = vector.shape_cast %get3A_711 : vector<128xf32> to vector<1x128xf32>
    %add3A_713 = vector.broadcast %broadcast_in_dim3A_712 : vector<1x128xf32> to vector<128x128xf32>
    %add3A_714 = arith.addf %dot_general3A_709, %add3A_713 : vector<128x128xf32>
    %max3A_715 = arith.constant 0.000000e+00 : f32
    %max3A_716 = vector.broadcast %max3A_715 : f32 to vector<128x128xf32>
    %max3A_717 = arith.maximumf %add3A_714, %max3A_716 : vector<128x128xf32>
    %add3A_718 = arith.addf %get3A_704, %max3A_717 : vector<128x128xf32>
    %get3A_719 = arith.constant 0 : index
    %get3A_720 = arith.constant 2432 : index
    %get3A_721 = vector.load %arg5[%get3A_719, %get3A_720] : memref<256x10880xf32, #tpu.memory_space<vmem>>, vector<256x128xf32>
    %dot_general3A_722 = arith.constant dense<0.000000e+00> : vector<128x256xf32>
    %dot_general3A_723 = tpu.matmul %add3A_718, %get3A_721, %dot_general3A_722 {dimension_numbers = #tpu.dot_dimension_numbers<[1], [1], [0], [0], [0, 0, 1, 0], [], []>, transpose_lhs_hint = false} : vector<128x128xf32>, vector<256x128xf32>, vector<128x256xf32> -> vector<128x256xf32>
    %add3A_724 = arith.addf %add3A_688, %dot_general3A_723 : vector<128x256xf32>
    %slice3A_725 = vector.extract_strided_slice %get3A_704 {offsets = [0, 16], sizes = [128, 112], strides = [1, 1]} : vector<128x128xf32> to vector<128x112xf32>
    %slice3A_726 = vector.extract_strided_slice %get3A_704 {offsets = [0, 0], sizes = [128, 16], strides = [1, 1]} : vector<128x128xf32> to vector<128x16xf32>
    %concatenate3A_727 = tpu.concatenate %slice3A_725, %slice3A_726 in 1 : vector<128x112xf32>, vector<128x16xf32> -> vector<128x128xf32>
    %mul3A_728 = arith.mulf %get3A_704, %concatenate3A_727 : vector<128x128xf32>
    %jit3A_729 = arith.constant 0.000000e+00 : f32
    %broadcast_in_dim3A_730 = vector.broadcast %jit3A_729 : f32 to vector<128x128xf32>
    %select_n3A_731 = arith.select %lt3A_18, %mul3A_728, %broadcast_in_dim3A_730 : vector<128x128xi1>, vector<128x128xf32>
    %reduce_sum3A_732 = arith.constant dense<0.000000e+00> : vector<128xf32>
    %reduce_sum3A_733 = vector.multi_reduction <add>, %select_n3A_731, %reduce_sum3A_732 [1] : vector<128x128xf32> to vector<128xf32>
    %broadcast_in_dim3A_734 = vector.shape_cast %reduce_sum3A_733 : vector<128xf32> to vector<128x1xf32>
    %add3A_735 = arith.addf %add3A_699, %broadcast_in_dim3A_734 : vector<128x1xf32>
    %get3A_736 = arith.constant 0 : index
    %get3A_737 = arith.constant 20 : index
    %get3A_738 = arith.constant 0 : index
    %get3A_739 = vector.load %arg1[%get3A_736, %get3A_737, %get3A_738] : memref<128x88x128xf32, #tpu.memory_space<vmem>>, vector<128x1x128xf32>
    %get3A_740 = vector.shape_cast %get3A_739 : vector<128x1x128xf32> to vector<128x128xf32>
    %get3A_741 = arith.constant 0 : index
    %get3A_742 = arith.constant 2560 : index
    %get3A_743 = vector.load %arg3[%get3A_741, %get3A_742] : memref<13x10880xf32, #tpu.memory_space<vmem>>, vector<13x128xf32>
    %dot_general3A_744 = arith.constant dense<0.000000e+00> : vector<128x128xf32>
    %dot_general3A_745 = tpu.matmul %get3A_1, %get3A_743, %dot_general3A_744 {dimension_numbers = #tpu.dot_dimension_numbers<[1], [0], [0], [1], [0, 0, 1, 1], [], []>, transpose_lhs_hint = false} : vector<128x13xf32>, vector<13x128xf32>, vector<128x128xf32> -> vector<128x128xf32>
    %get3A_746 = arith.constant 2560 : index
    %get3A_747 = vector.load %arg4[%get3A_746] : memref<10880xf32, #tpu.memory_space<vmem>>, vector<128xf32>
    %broadcast_in_dim3A_748 = vector.shape_cast %get3A_747 : vector<128xf32> to vector<1x128xf32>
    %add3A_749 = vector.broadcast %broadcast_in_dim3A_748 : vector<1x128xf32> to vector<128x128xf32>
    %add3A_750 = arith.addf %dot_general3A_745, %add3A_749 : vector<128x128xf32>
    %max3A_751 = arith.constant 0.000000e+00 : f32
    %max3A_752 = vector.broadcast %max3A_751 : f32 to vector<128x128xf32>
    %max3A_753 = arith.maximumf %add3A_750, %max3A_752 : vector<128x128xf32>
    %add3A_754 = arith.addf %get3A_740, %max3A_753 : vector<128x128xf32>
    %get3A_755 = arith.constant 0 : index
    %get3A_756 = arith.constant 2560 : index
    %get3A_757 = vector.load %arg5[%get3A_755, %get3A_756] : memref<256x10880xf32, #tpu.memory_space<vmem>>, vector<256x128xf32>
    %dot_general3A_758 = arith.constant dense<0.000000e+00> : vector<128x256xf32>
    %dot_general3A_759 = tpu.matmul %add3A_754, %get3A_757, %dot_general3A_758 {dimension_numbers = #tpu.dot_dimension_numbers<[1], [1], [0], [0], [0, 0, 1, 0], [], []>, transpose_lhs_hint = false} : vector<128x128xf32>, vector<256x128xf32>, vector<128x256xf32> -> vector<128x256xf32>
    %add3A_760 = arith.addf %add3A_724, %dot_general3A_759 : vector<128x256xf32>
    %slice3A_761 = vector.extract_strided_slice %get3A_740 {offsets = [0, 16], sizes = [128, 112], strides = [1, 1]} : vector<128x128xf32> to vector<128x112xf32>
    %slice3A_762 = vector.extract_strided_slice %get3A_740 {offsets = [0, 0], sizes = [128, 16], strides = [1, 1]} : vector<128x128xf32> to vector<128x16xf32>
    %concatenate3A_763 = tpu.concatenate %slice3A_761, %slice3A_762 in 1 : vector<128x112xf32>, vector<128x16xf32> -> vector<128x128xf32>
    %mul3A_764 = arith.mulf %get3A_740, %concatenate3A_763 : vector<128x128xf32>
    %jit3A_765 = arith.constant 0.000000e+00 : f32
    %broadcast_in_dim3A_766 = vector.broadcast %jit3A_765 : f32 to vector<128x128xf32>
    %select_n3A_767 = arith.select %lt3A_18, %mul3A_764, %broadcast_in_dim3A_766 : vector<128x128xi1>, vector<128x128xf32>
    %reduce_sum3A_768 = arith.constant dense<0.000000e+00> : vector<128xf32>
    %reduce_sum3A_769 = vector.multi_reduction <add>, %select_n3A_767, %reduce_sum3A_768 [1] : vector<128x128xf32> to vector<128xf32>
    %broadcast_in_dim3A_770 = vector.shape_cast %reduce_sum3A_769 : vector<128xf32> to vector<128x1xf32>
    %add3A_771 = arith.addf %add3A_735, %broadcast_in_dim3A_770 : vector<128x1xf32>
    %get3A_772 = arith.constant 0 : index
    %get3A_773 = arith.constant 21 : index
    %get3A_774 = arith.constant 0 : index
    %get3A_775 = vector.load %arg1[%get3A_772, %get3A_773, %get3A_774] : memref<128x88x128xf32, #tpu.memory_space<vmem>>, vector<128x1x128xf32>
    %get3A_776 = vector.shape_cast %get3A_775 : vector<128x1x128xf32> to vector<128x128xf32>
    %get3A_777 = arith.constant 0 : index
    %get3A_778 = arith.constant 2688 : index
    %get3A_779 = vector.load %arg3[%get3A_777, %get3A_778] : memref<13x10880xf32, #tpu.memory_space<vmem>>, vector<13x128xf32>
    %dot_general3A_780 = arith.constant dense<0.000000e+00> : vector<128x128xf32>
    %dot_general3A_781 = tpu.matmul %get3A_1, %get3A_779, %dot_general3A_780 {dimension_numbers = #tpu.dot_dimension_numbers<[1], [0], [0], [1], [0, 0, 1, 1], [], []>, transpose_lhs_hint = false} : vector<128x13xf32>, vector<13x128xf32>, vector<128x128xf32> -> vector<128x128xf32>
    %get3A_782 = arith.constant 2688 : index
    %get3A_783 = vector.load %arg4[%get3A_782] : memref<10880xf32, #tpu.memory_space<vmem>>, vector<128xf32>
    %broadcast_in_dim3A_784 = vector.shape_cast %get3A_783 : vector<128xf32> to vector<1x128xf32>
    %add3A_785 = vector.broadcast %broadcast_in_dim3A_784 : vector<1x128xf32> to vector<128x128xf32>
    %add3A_786 = arith.addf %dot_general3A_781, %add3A_785 : vector<128x128xf32>
    %max3A_787 = arith.constant 0.000000e+00 : f32
    %max3A_788 = vector.broadcast %max3A_787 : f32 to vector<128x128xf32>
    %max3A_789 = arith.maximumf %add3A_786, %max3A_788 : vector<128x128xf32>
    %add3A_790 = arith.addf %get3A_776, %max3A_789 : vector<128x128xf32>
    %get3A_791 = arith.constant 0 : index
    %get3A_792 = arith.constant 2688 : index
    %get3A_793 = vector.load %arg5[%get3A_791, %get3A_792] : memref<256x10880xf32, #tpu.memory_space<vmem>>, vector<256x128xf32>
    %dot_general3A_794 = arith.constant dense<0.000000e+00> : vector<128x256xf32>
    %dot_general3A_795 = tpu.matmul %add3A_790, %get3A_793, %dot_general3A_794 {dimension_numbers = #tpu.dot_dimension_numbers<[1], [1], [0], [0], [0, 0, 1, 0], [], []>, transpose_lhs_hint = false} : vector<128x128xf32>, vector<256x128xf32>, vector<128x256xf32> -> vector<128x256xf32>
    %add3A_796 = arith.addf %add3A_760, %dot_general3A_795 : vector<128x256xf32>
    %slice3A_797 = vector.extract_strided_slice %get3A_776 {offsets = [0, 16], sizes = [128, 112], strides = [1, 1]} : vector<128x128xf32> to vector<128x112xf32>
    %slice3A_798 = vector.extract_strided_slice %get3A_776 {offsets = [0, 0], sizes = [128, 16], strides = [1, 1]} : vector<128x128xf32> to vector<128x16xf32>
    %concatenate3A_799 = tpu.concatenate %slice3A_797, %slice3A_798 in 1 : vector<128x112xf32>, vector<128x16xf32> -> vector<128x128xf32>
    %mul3A_800 = arith.mulf %get3A_776, %concatenate3A_799 : vector<128x128xf32>
    %jit3A_801 = arith.constant 0.000000e+00 : f32
    %broadcast_in_dim3A_802 = vector.broadcast %jit3A_801 : f32 to vector<128x128xf32>
    %select_n3A_803 = arith.select %lt3A_18, %mul3A_800, %broadcast_in_dim3A_802 : vector<128x128xi1>, vector<128x128xf32>
    %reduce_sum3A_804 = arith.constant dense<0.000000e+00> : vector<128xf32>
    %reduce_sum3A_805 = vector.multi_reduction <add>, %select_n3A_803, %reduce_sum3A_804 [1] : vector<128x128xf32> to vector<128xf32>
    %broadcast_in_dim3A_806 = vector.shape_cast %reduce_sum3A_805 : vector<128xf32> to vector<128x1xf32>
    %add3A_807 = arith.addf %add3A_771, %broadcast_in_dim3A_806 : vector<128x1xf32>
    %get3A_808 = arith.constant 0 : index
    %get3A_809 = arith.constant 22 : index
    %get3A_810 = arith.constant 0 : index
    %get3A_811 = vector.load %arg1[%get3A_808, %get3A_809, %get3A_810] : memref<128x88x128xf32, #tpu.memory_space<vmem>>, vector<128x1x128xf32>
    %get3A_812 = vector.shape_cast %get3A_811 : vector<128x1x128xf32> to vector<128x128xf32>
    %get3A_813 = arith.constant 0 : index
    %get3A_814 = arith.constant 2816 : index
    %get3A_815 = vector.load %arg3[%get3A_813, %get3A_814] : memref<13x10880xf32, #tpu.memory_space<vmem>>, vector<13x128xf32>
    %dot_general3A_816 = arith.constant dense<0.000000e+00> : vector<128x128xf32>
    %dot_general3A_817 = tpu.matmul %get3A_1, %get3A_815, %dot_general3A_816 {dimension_numbers = #tpu.dot_dimension_numbers<[1], [0], [0], [1], [0, 0, 1, 1], [], []>, transpose_lhs_hint = false} : vector<128x13xf32>, vector<13x128xf32>, vector<128x128xf32> -> vector<128x128xf32>
    %get3A_818 = arith.constant 2816 : index
    %get3A_819 = vector.load %arg4[%get3A_818] : memref<10880xf32, #tpu.memory_space<vmem>>, vector<128xf32>
    %broadcast_in_dim3A_820 = vector.shape_cast %get3A_819 : vector<128xf32> to vector<1x128xf32>
    %add3A_821 = vector.broadcast %broadcast_in_dim3A_820 : vector<1x128xf32> to vector<128x128xf32>
    %add3A_822 = arith.addf %dot_general3A_817, %add3A_821 : vector<128x128xf32>
    %max3A_823 = arith.constant 0.000000e+00 : f32
    %max3A_824 = vector.broadcast %max3A_823 : f32 to vector<128x128xf32>
    %max3A_825 = arith.maximumf %add3A_822, %max3A_824 : vector<128x128xf32>
    %add3A_826 = arith.addf %get3A_812, %max3A_825 : vector<128x128xf32>
    %get3A_827 = arith.constant 0 : index
    %get3A_828 = arith.constant 2816 : index
    %get3A_829 = vector.load %arg5[%get3A_827, %get3A_828] : memref<256x10880xf32, #tpu.memory_space<vmem>>, vector<256x128xf32>
    %dot_general3A_830 = arith.constant dense<0.000000e+00> : vector<128x256xf32>
    %dot_general3A_831 = tpu.matmul %add3A_826, %get3A_829, %dot_general3A_830 {dimension_numbers = #tpu.dot_dimension_numbers<[1], [1], [0], [0], [0, 0, 1, 0], [], []>, transpose_lhs_hint = false} : vector<128x128xf32>, vector<256x128xf32>, vector<128x256xf32> -> vector<128x256xf32>
    %add3A_832 = arith.addf %add3A_796, %dot_general3A_831 : vector<128x256xf32>
    %slice3A_833 = vector.extract_strided_slice %get3A_812 {offsets = [0, 16], sizes = [128, 112], strides = [1, 1]} : vector<128x128xf32> to vector<128x112xf32>
    %slice3A_834 = vector.extract_strided_slice %get3A_812 {offsets = [0, 0], sizes = [128, 16], strides = [1, 1]} : vector<128x128xf32> to vector<128x16xf32>
    %concatenate3A_835 = tpu.concatenate %slice3A_833, %slice3A_834 in 1 : vector<128x112xf32>, vector<128x16xf32> -> vector<128x128xf32>
    %mul3A_836 = arith.mulf %get3A_812, %concatenate3A_835 : vector<128x128xf32>
    %jit3A_837 = arith.constant 0.000000e+00 : f32
    %broadcast_in_dim3A_838 = vector.broadcast %jit3A_837 : f32 to vector<128x128xf32>
    %select_n3A_839 = arith.select %lt3A_18, %mul3A_836, %broadcast_in_dim3A_838 : vector<128x128xi1>, vector<128x128xf32>
    %reduce_sum3A_840 = arith.constant dense<0.000000e+00> : vector<128xf32>
    %reduce_sum3A_841 = vector.multi_reduction <add>, %select_n3A_839, %reduce_sum3A_840 [1] : vector<128x128xf32> to vector<128xf32>
    %broadcast_in_dim3A_842 = vector.shape_cast %reduce_sum3A_841 : vector<128xf32> to vector<128x1xf32>
    %add3A_843 = arith.addf %add3A_807, %broadcast_in_dim3A_842 : vector<128x1xf32>
    %get3A_844 = arith.constant 0 : index
    %get3A_845 = arith.constant 23 : index
    %get3A_846 = arith.constant 0 : index
    %get3A_847 = vector.load %arg1[%get3A_844, %get3A_845, %get3A_846] : memref<128x88x128xf32, #tpu.memory_space<vmem>>, vector<128x1x128xf32>
    %get3A_848 = vector.shape_cast %get3A_847 : vector<128x1x128xf32> to vector<128x128xf32>
    %get3A_849 = arith.constant 0 : index
    %get3A_850 = arith.constant 2944 : index
    %get3A_851 = vector.load %arg3[%get3A_849, %get3A_850] : memref<13x10880xf32, #tpu.memory_space<vmem>>, vector<13x128xf32>
    %dot_general3A_852 = arith.constant dense<0.000000e+00> : vector<128x128xf32>
    %dot_general3A_853 = tpu.matmul %get3A_1, %get3A_851, %dot_general3A_852 {dimension_numbers = #tpu.dot_dimension_numbers<[1], [0], [0], [1], [0, 0, 1, 1], [], []>, transpose_lhs_hint = false} : vector<128x13xf32>, vector<13x128xf32>, vector<128x128xf32> -> vector<128x128xf32>
    %get3A_854 = arith.constant 2944 : index
    %get3A_855 = vector.load %arg4[%get3A_854] : memref<10880xf32, #tpu.memory_space<vmem>>, vector<128xf32>
    %broadcast_in_dim3A_856 = vector.shape_cast %get3A_855 : vector<128xf32> to vector<1x128xf32>
    %add3A_857 = vector.broadcast %broadcast_in_dim3A_856 : vector<1x128xf32> to vector<128x128xf32>
    %add3A_858 = arith.addf %dot_general3A_853, %add3A_857 : vector<128x128xf32>
    %max3A_859 = arith.constant 0.000000e+00 : f32
    %max3A_860 = vector.broadcast %max3A_859 : f32 to vector<128x128xf32>
    %max3A_861 = arith.maximumf %add3A_858, %max3A_860 : vector<128x128xf32>
    %add3A_862 = arith.addf %get3A_848, %max3A_861 : vector<128x128xf32>
    %get3A_863 = arith.constant 0 : index
    %get3A_864 = arith.constant 2944 : index
    %get3A_865 = vector.load %arg5[%get3A_863, %get3A_864] : memref<256x10880xf32, #tpu.memory_space<vmem>>, vector<256x128xf32>
    %dot_general3A_866 = arith.constant dense<0.000000e+00> : vector<128x256xf32>
    %dot_general3A_867 = tpu.matmul %add3A_862, %get3A_865, %dot_general3A_866 {dimension_numbers = #tpu.dot_dimension_numbers<[1], [1], [0], [0], [0, 0, 1, 0], [], []>, transpose_lhs_hint = false} : vector<128x128xf32>, vector<256x128xf32>, vector<128x256xf32> -> vector<128x256xf32>
    %add3A_868 = arith.addf %add3A_832, %dot_general3A_867 : vector<128x256xf32>
    %slice3A_869 = vector.extract_strided_slice %get3A_848 {offsets = [0, 16], sizes = [128, 112], strides = [1, 1]} : vector<128x128xf32> to vector<128x112xf32>
    %slice3A_870 = vector.extract_strided_slice %get3A_848 {offsets = [0, 0], sizes = [128, 16], strides = [1, 1]} : vector<128x128xf32> to vector<128x16xf32>
    %concatenate3A_871 = tpu.concatenate %slice3A_869, %slice3A_870 in 1 : vector<128x112xf32>, vector<128x16xf32> -> vector<128x128xf32>
    %mul3A_872 = arith.mulf %get3A_848, %concatenate3A_871 : vector<128x128xf32>
    %jit3A_873 = arith.constant 0.000000e+00 : f32
    %broadcast_in_dim3A_874 = vector.broadcast %jit3A_873 : f32 to vector<128x128xf32>
    %select_n3A_875 = arith.select %lt3A_18, %mul3A_872, %broadcast_in_dim3A_874 : vector<128x128xi1>, vector<128x128xf32>
    %reduce_sum3A_876 = arith.constant dense<0.000000e+00> : vector<128xf32>
    %reduce_sum3A_877 = vector.multi_reduction <add>, %select_n3A_875, %reduce_sum3A_876 [1] : vector<128x128xf32> to vector<128xf32>
    %broadcast_in_dim3A_878 = vector.shape_cast %reduce_sum3A_877 : vector<128xf32> to vector<128x1xf32>
    %add3A_879 = arith.addf %add3A_843, %broadcast_in_dim3A_878 : vector<128x1xf32>
    %get3A_880 = arith.constant 0 : index
    %get3A_881 = arith.constant 24 : index
    %get3A_882 = arith.constant 0 : index
    %get3A_883 = vector.load %arg1[%get3A_880, %get3A_881, %get3A_882] : memref<128x88x128xf32, #tpu.memory_space<vmem>>, vector<128x1x128xf32>
    %get3A_884 = vector.shape_cast %get3A_883 : vector<128x1x128xf32> to vector<128x128xf32>
    %get3A_885 = arith.constant 0 : index
    %get3A_886 = arith.constant 3072 : index
    %get3A_887 = vector.load %arg3[%get3A_885, %get3A_886] : memref<13x10880xf32, #tpu.memory_space<vmem>>, vector<13x128xf32>
    %dot_general3A_888 = arith.constant dense<0.000000e+00> : vector<128x128xf32>
    %dot_general3A_889 = tpu.matmul %get3A_1, %get3A_887, %dot_general3A_888 {dimension_numbers = #tpu.dot_dimension_numbers<[1], [0], [0], [1], [0, 0, 1, 1], [], []>, transpose_lhs_hint = false} : vector<128x13xf32>, vector<13x128xf32>, vector<128x128xf32> -> vector<128x128xf32>
    %get3A_890 = arith.constant 3072 : index
    %get3A_891 = vector.load %arg4[%get3A_890] : memref<10880xf32, #tpu.memory_space<vmem>>, vector<128xf32>
    %broadcast_in_dim3A_892 = vector.shape_cast %get3A_891 : vector<128xf32> to vector<1x128xf32>
    %add3A_893 = vector.broadcast %broadcast_in_dim3A_892 : vector<1x128xf32> to vector<128x128xf32>
    %add3A_894 = arith.addf %dot_general3A_889, %add3A_893 : vector<128x128xf32>
    %max3A_895 = arith.constant 0.000000e+00 : f32
    %max3A_896 = vector.broadcast %max3A_895 : f32 to vector<128x128xf32>
    %max3A_897 = arith.maximumf %add3A_894, %max3A_896 : vector<128x128xf32>
    %add3A_898 = arith.addf %get3A_884, %max3A_897 : vector<128x128xf32>
    %get3A_899 = arith.constant 0 : index
    %get3A_900 = arith.constant 3072 : index
    %get3A_901 = vector.load %arg5[%get3A_899, %get3A_900] : memref<256x10880xf32, #tpu.memory_space<vmem>>, vector<256x128xf32>
    %dot_general3A_902 = arith.constant dense<0.000000e+00> : vector<128x256xf32>
    %dot_general3A_903 = tpu.matmul %add3A_898, %get3A_901, %dot_general3A_902 {dimension_numbers = #tpu.dot_dimension_numbers<[1], [1], [0], [0], [0, 0, 1, 0], [], []>, transpose_lhs_hint = false} : vector<128x128xf32>, vector<256x128xf32>, vector<128x256xf32> -> vector<128x256xf32>
    %add3A_904 = arith.addf %add3A_868, %dot_general3A_903 : vector<128x256xf32>
    %slice3A_905 = vector.extract_strided_slice %get3A_884 {offsets = [0, 16], sizes = [128, 112], strides = [1, 1]} : vector<128x128xf32> to vector<128x112xf32>
    %slice3A_906 = vector.extract_strided_slice %get3A_884 {offsets = [0, 0], sizes = [128, 16], strides = [1, 1]} : vector<128x128xf32> to vector<128x16xf32>
    %concatenate3A_907 = tpu.concatenate %slice3A_905, %slice3A_906 in 1 : vector<128x112xf32>, vector<128x16xf32> -> vector<128x128xf32>
    %mul3A_908 = arith.mulf %get3A_884, %concatenate3A_907 : vector<128x128xf32>
    %jit3A_909 = arith.constant 0.000000e+00 : f32
    %broadcast_in_dim3A_910 = vector.broadcast %jit3A_909 : f32 to vector<128x128xf32>
    %select_n3A_911 = arith.select %lt3A_18, %mul3A_908, %broadcast_in_dim3A_910 : vector<128x128xi1>, vector<128x128xf32>
    %reduce_sum3A_912 = arith.constant dense<0.000000e+00> : vector<128xf32>
    %reduce_sum3A_913 = vector.multi_reduction <add>, %select_n3A_911, %reduce_sum3A_912 [1] : vector<128x128xf32> to vector<128xf32>
    %broadcast_in_dim3A_914 = vector.shape_cast %reduce_sum3A_913 : vector<128xf32> to vector<128x1xf32>
    %add3A_915 = arith.addf %add3A_879, %broadcast_in_dim3A_914 : vector<128x1xf32>
    %get3A_916 = arith.constant 0 : index
    %get3A_917 = arith.constant 25 : index
    %get3A_918 = arith.constant 0 : index
    %get3A_919 = vector.load %arg1[%get3A_916, %get3A_917, %get3A_918] : memref<128x88x128xf32, #tpu.memory_space<vmem>>, vector<128x1x128xf32>
    %get3A_920 = vector.shape_cast %get3A_919 : vector<128x1x128xf32> to vector<128x128xf32>
    %get3A_921 = arith.constant 0 : index
    %get3A_922 = arith.constant 3200 : index
    %get3A_923 = vector.load %arg3[%get3A_921, %get3A_922] : memref<13x10880xf32, #tpu.memory_space<vmem>>, vector<13x128xf32>
    %dot_general3A_924 = arith.constant dense<0.000000e+00> : vector<128x128xf32>
    %dot_general3A_925 = tpu.matmul %get3A_1, %get3A_923, %dot_general3A_924 {dimension_numbers = #tpu.dot_dimension_numbers<[1], [0], [0], [1], [0, 0, 1, 1], [], []>, transpose_lhs_hint = false} : vector<128x13xf32>, vector<13x128xf32>, vector<128x128xf32> -> vector<128x128xf32>
    %get3A_926 = arith.constant 3200 : index
    %get3A_927 = vector.load %arg4[%get3A_926] : memref<10880xf32, #tpu.memory_space<vmem>>, vector<128xf32>
    %broadcast_in_dim3A_928 = vector.shape_cast %get3A_927 : vector<128xf32> to vector<1x128xf32>
    %add3A_929 = vector.broadcast %broadcast_in_dim3A_928 : vector<1x128xf32> to vector<128x128xf32>
    %add3A_930 = arith.addf %dot_general3A_925, %add3A_929 : vector<128x128xf32>
    %max3A_931 = arith.constant 0.000000e+00 : f32
    %max3A_932 = vector.broadcast %max3A_931 : f32 to vector<128x128xf32>
    %max3A_933 = arith.maximumf %add3A_930, %max3A_932 : vector<128x128xf32>
    %add3A_934 = arith.addf %get3A_920, %max3A_933 : vector<128x128xf32>
    %get3A_935 = arith.constant 0 : index
    %get3A_936 = arith.constant 3200 : index
    %get3A_937 = vector.load %arg5[%get3A_935, %get3A_936] : memref<256x10880xf32, #tpu.memory_space<vmem>>, vector<256x128xf32>
    %dot_general3A_938 = arith.constant dense<0.000000e+00> : vector<128x256xf32>
    %dot_general3A_939 = tpu.matmul %add3A_934, %get3A_937, %dot_general3A_938 {dimension_numbers = #tpu.dot_dimension_numbers<[1], [1], [0], [0], [0, 0, 1, 0], [], []>, transpose_lhs_hint = false} : vector<128x128xf32>, vector<256x128xf32>, vector<128x256xf32> -> vector<128x256xf32>
    %add3A_940 = arith.addf %add3A_904, %dot_general3A_939 : vector<128x256xf32>
    %slice3A_941 = vector.extract_strided_slice %get3A_920 {offsets = [0, 16], sizes = [128, 112], strides = [1, 1]} : vector<128x128xf32> to vector<128x112xf32>
    %slice3A_942 = vector.extract_strided_slice %get3A_920 {offsets = [0, 0], sizes = [128, 16], strides = [1, 1]} : vector<128x128xf32> to vector<128x16xf32>
    %concatenate3A_943 = tpu.concatenate %slice3A_941, %slice3A_942 in 1 : vector<128x112xf32>, vector<128x16xf32> -> vector<128x128xf32>
    %mul3A_944 = arith.mulf %get3A_920, %concatenate3A_943 : vector<128x128xf32>
    %jit3A_945 = arith.constant 0.000000e+00 : f32
    %broadcast_in_dim3A_946 = vector.broadcast %jit3A_945 : f32 to vector<128x128xf32>
    %select_n3A_947 = arith.select %lt3A_18, %mul3A_944, %broadcast_in_dim3A_946 : vector<128x128xi1>, vector<128x128xf32>
    %reduce_sum3A_948 = arith.constant dense<0.000000e+00> : vector<128xf32>
    %reduce_sum3A_949 = vector.multi_reduction <add>, %select_n3A_947, %reduce_sum3A_948 [1] : vector<128x128xf32> to vector<128xf32>
    %broadcast_in_dim3A_950 = vector.shape_cast %reduce_sum3A_949 : vector<128xf32> to vector<128x1xf32>
    %add3A_951 = arith.addf %add3A_915, %broadcast_in_dim3A_950 : vector<128x1xf32>
    %get3A_952 = arith.constant 0 : index
    %get3A_953 = arith.constant 26 : index
    %get3A_954 = arith.constant 0 : index
    %get3A_955 = vector.load %arg1[%get3A_952, %get3A_953, %get3A_954] : memref<128x88x128xf32, #tpu.memory_space<vmem>>, vector<128x1x128xf32>
    %get3A_956 = vector.shape_cast %get3A_955 : vector<128x1x128xf32> to vector<128x128xf32>
    %get3A_957 = arith.constant 0 : index
    %get3A_958 = arith.constant 3328 : index
    %get3A_959 = vector.load %arg3[%get3A_957, %get3A_958] : memref<13x10880xf32, #tpu.memory_space<vmem>>, vector<13x128xf32>
    %dot_general3A_960 = arith.constant dense<0.000000e+00> : vector<128x128xf32>
    %dot_general3A_961 = tpu.matmul %get3A_1, %get3A_959, %dot_general3A_960 {dimension_numbers = #tpu.dot_dimension_numbers<[1], [0], [0], [1], [0, 0, 1, 1], [], []>, transpose_lhs_hint = false} : vector<128x13xf32>, vector<13x128xf32>, vector<128x128xf32> -> vector<128x128xf32>
    %get3A_962 = arith.constant 3328 : index
    %get3A_963 = vector.load %arg4[%get3A_962] : memref<10880xf32, #tpu.memory_space<vmem>>, vector<128xf32>
    %broadcast_in_dim3A_964 = vector.shape_cast %get3A_963 : vector<128xf32> to vector<1x128xf32>
    %add3A_965 = vector.broadcast %broadcast_in_dim3A_964 : vector<1x128xf32> to vector<128x128xf32>
    %add3A_966 = arith.addf %dot_general3A_961, %add3A_965 : vector<128x128xf32>
    %max3A_967 = arith.constant 0.000000e+00 : f32
    %max3A_968 = vector.broadcast %max3A_967 : f32 to vector<128x128xf32>
    %max3A_969 = arith.maximumf %add3A_966, %max3A_968 : vector<128x128xf32>
    %add3A_970 = arith.addf %get3A_956, %max3A_969 : vector<128x128xf32>
    %get3A_971 = arith.constant 0 : index
    %get3A_972 = arith.constant 3328 : index
    %get3A_973 = vector.load %arg5[%get3A_971, %get3A_972] : memref<256x10880xf32, #tpu.memory_space<vmem>>, vector<256x128xf32>
    %dot_general3A_974 = arith.constant dense<0.000000e+00> : vector<128x256xf32>
    %dot_general3A_975 = tpu.matmul %add3A_970, %get3A_973, %dot_general3A_974 {dimension_numbers = #tpu.dot_dimension_numbers<[1], [1], [0], [0], [0, 0, 1, 0], [], []>, transpose_lhs_hint = false} : vector<128x128xf32>, vector<256x128xf32>, vector<128x256xf32> -> vector<128x256xf32>
    %add3A_976 = arith.addf %add3A_940, %dot_general3A_975 : vector<128x256xf32>
    %slice3A_977 = vector.extract_strided_slice %get3A_956 {offsets = [0, 16], sizes = [128, 112], strides = [1, 1]} : vector<128x128xf32> to vector<128x112xf32>
    %slice3A_978 = vector.extract_strided_slice %get3A_956 {offsets = [0, 0], sizes = [128, 16], strides = [1, 1]} : vector<128x128xf32> to vector<128x16xf32>
    %concatenate3A_979 = tpu.concatenate %slice3A_977, %slice3A_978 in 1 : vector<128x112xf32>, vector<128x16xf32> -> vector<128x128xf32>
    %mul3A_980 = arith.mulf %get3A_956, %concatenate3A_979 : vector<128x128xf32>
    %jit3A_981 = arith.constant 0.000000e+00 : f32
    %broadcast_in_dim3A_982 = vector.broadcast %jit3A_981 : f32 to vector<128x128xf32>
    %select_n3A_983 = arith.select %lt3A_18, %mul3A_980, %broadcast_in_dim3A_982 : vector<128x128xi1>, vector<128x128xf32>
    %reduce_sum3A_984 = arith.constant dense<0.000000e+00> : vector<128xf32>
    %reduce_sum3A_985 = vector.multi_reduction <add>, %select_n3A_983, %reduce_sum3A_984 [1] : vector<128x128xf32> to vector<128xf32>
    %broadcast_in_dim3A_986 = vector.shape_cast %reduce_sum3A_985 : vector<128xf32> to vector<128x1xf32>
    %add3A_987 = arith.addf %add3A_951, %broadcast_in_dim3A_986 : vector<128x1xf32>
    %get3A_988 = arith.constant 0 : index
    %get3A_989 = arith.constant 27 : index
    %get3A_990 = arith.constant 0 : index
    %get3A_991 = vector.load %arg1[%get3A_988, %get3A_989, %get3A_990] : memref<128x88x128xf32, #tpu.memory_space<vmem>>, vector<128x1x128xf32>
    %get3A_992 = vector.shape_cast %get3A_991 : vector<128x1x128xf32> to vector<128x128xf32>
    %get3A_993 = arith.constant 0 : index
    %get3A_994 = arith.constant 3456 : index
    %get3A_995 = vector.load %arg3[%get3A_993, %get3A_994] : memref<13x10880xf32, #tpu.memory_space<vmem>>, vector<13x128xf32>
    %dot_general3A_996 = arith.constant dense<0.000000e+00> : vector<128x128xf32>
    %dot_general3A_997 = tpu.matmul %get3A_1, %get3A_995, %dot_general3A_996 {dimension_numbers = #tpu.dot_dimension_numbers<[1], [0], [0], [1], [0, 0, 1, 1], [], []>, transpose_lhs_hint = false} : vector<128x13xf32>, vector<13x128xf32>, vector<128x128xf32> -> vector<128x128xf32>
    %get3A_998 = arith.constant 3456 : index
    %get3A_999 = vector.load %arg4[%get3A_998] : memref<10880xf32, #tpu.memory_space<vmem>>, vector<128xf32>
    %broadcast_in_dim3A_1000 = vector.shape_cast %get3A_999 : vector<128xf32> to vector<1x128xf32>
    %add3A_1001 = vector.broadcast %broadcast_in_dim3A_1000 : vector<1x128xf32> to vector<128x128xf32>
    %add3A_1002 = arith.addf %dot_general3A_997, %add3A_1001 : vector<128x128xf32>
    %max3A_1003 = arith.constant 0.000000e+00 : f32
    %max3A_1004 = vector.broadcast %max3A_1003 : f32 to vector<128x128xf32>
    %max3A_1005 = arith.maximumf %add3A_1002, %max3A_1004 : vector<128x128xf32>
    %add3A_1006 = arith.addf %get3A_992, %max3A_1005 : vector<128x128xf32>
    %get3A_1007 = arith.constant 0 : index
    %get3A_1008 = arith.constant 3456 : index
    %get3A_1009 = vector.load %arg5[%get3A_1007, %get3A_1008] : memref<256x10880xf32, #tpu.memory_space<vmem>>, vector<256x128xf32>
    %dot_general3A_1010 = arith.constant dense<0.000000e+00> : vector<128x256xf32>
    %dot_general3A_1011 = tpu.matmul %add3A_1006, %get3A_1009, %dot_general3A_1010 {dimension_numbers = #tpu.dot_dimension_numbers<[1], [1], [0], [0], [0, 0, 1, 0], [], []>, transpose_lhs_hint = false} : vector<128x128xf32>, vector<256x128xf32>, vector<128x256xf32> -> vector<128x256xf32>
    %add3A_1012 = arith.addf %add3A_976, %dot_general3A_1011 : vector<128x256xf32>
    %slice3A_1013 = vector.extract_strided_slice %get3A_992 {offsets = [0, 16], sizes = [128, 112], strides = [1, 1]} : vector<128x128xf32> to vector<128x112xf32>
    %slice3A_1014 = vector.extract_strided_slice %get3A_992 {offsets = [0, 0], sizes = [128, 16], strides = [1, 1]} : vector<128x128xf32> to vector<128x16xf32>
    %concatenate3A_1015 = tpu.concatenate %slice3A_1013, %slice3A_1014 in 1 : vector<128x112xf32>, vector<128x16xf32> -> vector<128x128xf32>
    %mul3A_1016 = arith.mulf %get3A_992, %concatenate3A_1015 : vector<128x128xf32>
    %jit3A_1017 = arith.constant 0.000000e+00 : f32
    %broadcast_in_dim3A_1018 = vector.broadcast %jit3A_1017 : f32 to vector<128x128xf32>
    %select_n3A_1019 = arith.select %lt3A_18, %mul3A_1016, %broadcast_in_dim3A_1018 : vector<128x128xi1>, vector<128x128xf32>
    %reduce_sum3A_1020 = arith.constant dense<0.000000e+00> : vector<128xf32>
    %reduce_sum3A_1021 = vector.multi_reduction <add>, %select_n3A_1019, %reduce_sum3A_1020 [1] : vector<128x128xf32> to vector<128xf32>
    %broadcast_in_dim3A_1022 = vector.shape_cast %reduce_sum3A_1021 : vector<128xf32> to vector<128x1xf32>
    %add3A_1023 = arith.addf %add3A_987, %broadcast_in_dim3A_1022 : vector<128x1xf32>
    %get3A_1024 = arith.constant 0 : index
    %get3A_1025 = arith.constant 28 : index
    %get3A_1026 = arith.constant 0 : index
    %get3A_1027 = vector.load %arg1[%get3A_1024, %get3A_1025, %get3A_1026] : memref<128x88x128xf32, #tpu.memory_space<vmem>>, vector<128x1x128xf32>
    %get3A_1028 = vector.shape_cast %get3A_1027 : vector<128x1x128xf32> to vector<128x128xf32>
    %get3A_1029 = arith.constant 0 : index
    %get3A_1030 = arith.constant 3584 : index
    %get3A_1031 = vector.load %arg3[%get3A_1029, %get3A_1030] : memref<13x10880xf32, #tpu.memory_space<vmem>>, vector<13x128xf32>
    %dot_general3A_1032 = arith.constant dense<0.000000e+00> : vector<128x128xf32>
    %dot_general3A_1033 = tpu.matmul %get3A_1, %get3A_1031, %dot_general3A_1032 {dimension_numbers = #tpu.dot_dimension_numbers<[1], [0], [0], [1], [0, 0, 1, 1], [], []>, transpose_lhs_hint = false} : vector<128x13xf32>, vector<13x128xf32>, vector<128x128xf32> -> vector<128x128xf32>
    %get3A_1034 = arith.constant 3584 : index
    %get3A_1035 = vector.load %arg4[%get3A_1034] : memref<10880xf32, #tpu.memory_space<vmem>>, vector<128xf32>
    %broadcast_in_dim3A_1036 = vector.shape_cast %get3A_1035 : vector<128xf32> to vector<1x128xf32>
    %add3A_1037 = vector.broadcast %broadcast_in_dim3A_1036 : vector<1x128xf32> to vector<128x128xf32>
    %add3A_1038 = arith.addf %dot_general3A_1033, %add3A_1037 : vector<128x128xf32>
    %max3A_1039 = arith.constant 0.000000e+00 : f32
    %max3A_1040 = vector.broadcast %max3A_1039 : f32 to vector<128x128xf32>
    %max3A_1041 = arith.maximumf %add3A_1038, %max3A_1040 : vector<128x128xf32>
    %add3A_1042 = arith.addf %get3A_1028, %max3A_1041 : vector<128x128xf32>
    %get3A_1043 = arith.constant 0 : index
    %get3A_1044 = arith.constant 3584 : index
    %get3A_1045 = vector.load %arg5[%get3A_1043, %get3A_1044] : memref<256x10880xf32, #tpu.memory_space<vmem>>, vector<256x128xf32>
    %dot_general3A_1046 = arith.constant dense<0.000000e+00> : vector<128x256xf32>
    %dot_general3A_1047 = tpu.matmul %add3A_1042, %get3A_1045, %dot_general3A_1046 {dimension_numbers = #tpu.dot_dimension_numbers<[1], [1], [0], [0], [0, 0, 1, 0], [], []>, transpose_lhs_hint = false} : vector<128x128xf32>, vector<256x128xf32>, vector<128x256xf32> -> vector<128x256xf32>
    %add3A_1048 = arith.addf %add3A_1012, %dot_general3A_1047 : vector<128x256xf32>
    %slice3A_1049 = vector.extract_strided_slice %get3A_1028 {offsets = [0, 16], sizes = [128, 112], strides = [1, 1]} : vector<128x128xf32> to vector<128x112xf32>
    %slice3A_1050 = vector.extract_strided_slice %get3A_1028 {offsets = [0, 0], sizes = [128, 16], strides = [1, 1]} : vector<128x128xf32> to vector<128x16xf32>
    %concatenate3A_1051 = tpu.concatenate %slice3A_1049, %slice3A_1050 in 1 : vector<128x112xf32>, vector<128x16xf32> -> vector<128x128xf32>
    %mul3A_1052 = arith.mulf %get3A_1028, %concatenate3A_1051 : vector<128x128xf32>
    %jit3A_1053 = arith.constant 0.000000e+00 : f32
    %broadcast_in_dim3A_1054 = vector.broadcast %jit3A_1053 : f32 to vector<128x128xf32>
    %select_n3A_1055 = arith.select %lt3A_18, %mul3A_1052, %broadcast_in_dim3A_1054 : vector<128x128xi1>, vector<128x128xf32>
    %reduce_sum3A_1056 = arith.constant dense<0.000000e+00> : vector<128xf32>
    %reduce_sum3A_1057 = vector.multi_reduction <add>, %select_n3A_1055, %reduce_sum3A_1056 [1] : vector<128x128xf32> to vector<128xf32>
    %broadcast_in_dim3A_1058 = vector.shape_cast %reduce_sum3A_1057 : vector<128xf32> to vector<128x1xf32>
    %add3A_1059 = arith.addf %add3A_1023, %broadcast_in_dim3A_1058 : vector<128x1xf32>
    %get3A_1060 = arith.constant 0 : index
    %get3A_1061 = arith.constant 29 : index
    %get3A_1062 = arith.constant 0 : index
    %get3A_1063 = vector.load %arg1[%get3A_1060, %get3A_1061, %get3A_1062] : memref<128x88x128xf32, #tpu.memory_space<vmem>>, vector<128x1x128xf32>
    %get3A_1064 = vector.shape_cast %get3A_1063 : vector<128x1x128xf32> to vector<128x128xf32>
    %get3A_1065 = arith.constant 0 : index
    %get3A_1066 = arith.constant 3712 : index
    %get3A_1067 = vector.load %arg3[%get3A_1065, %get3A_1066] : memref<13x10880xf32, #tpu.memory_space<vmem>>, vector<13x128xf32>
    %dot_general3A_1068 = arith.constant dense<0.000000e+00> : vector<128x128xf32>
    %dot_general3A_1069 = tpu.matmul %get3A_1, %get3A_1067, %dot_general3A_1068 {dimension_numbers = #tpu.dot_dimension_numbers<[1], [0], [0], [1], [0, 0, 1, 1], [], []>, transpose_lhs_hint = false} : vector<128x13xf32>, vector<13x128xf32>, vector<128x128xf32> -> vector<128x128xf32>
    %get3A_1070 = arith.constant 3712 : index
    %get3A_1071 = vector.load %arg4[%get3A_1070] : memref<10880xf32, #tpu.memory_space<vmem>>, vector<128xf32>
    %broadcast_in_dim3A_1072 = vector.shape_cast %get3A_1071 : vector<128xf32> to vector<1x128xf32>
    %add3A_1073 = vector.broadcast %broadcast_in_dim3A_1072 : vector<1x128xf32> to vector<128x128xf32>
    %add3A_1074 = arith.addf %dot_general3A_1069, %add3A_1073 : vector<128x128xf32>
    %max3A_1075 = arith.constant 0.000000e+00 : f32
    %max3A_1076 = vector.broadcast %max3A_1075 : f32 to vector<128x128xf32>
    %max3A_1077 = arith.maximumf %add3A_1074, %max3A_1076 : vector<128x128xf32>
    %add3A_1078 = arith.addf %get3A_1064, %max3A_1077 : vector<128x128xf32>
    %get3A_1079 = arith.constant 0 : index
    %get3A_1080 = arith.constant 3712 : index
    %get3A_1081 = vector.load %arg5[%get3A_1079, %get3A_1080] : memref<256x10880xf32, #tpu.memory_space<vmem>>, vector<256x128xf32>
    %dot_general3A_1082 = arith.constant dense<0.000000e+00> : vector<128x256xf32>
    %dot_general3A_1083 = tpu.matmul %add3A_1078, %get3A_1081, %dot_general3A_1082 {dimension_numbers = #tpu.dot_dimension_numbers<[1], [1], [0], [0], [0, 0, 1, 0], [], []>, transpose_lhs_hint = false} : vector<128x128xf32>, vector<256x128xf32>, vector<128x256xf32> -> vector<128x256xf32>
    %add3A_1084 = arith.addf %add3A_1048, %dot_general3A_1083 : vector<128x256xf32>
    %slice3A_1085 = vector.extract_strided_slice %get3A_1064 {offsets = [0, 16], sizes = [128, 112], strides = [1, 1]} : vector<128x128xf32> to vector<128x112xf32>
    %slice3A_1086 = vector.extract_strided_slice %get3A_1064 {offsets = [0, 0], sizes = [128, 16], strides = [1, 1]} : vector<128x128xf32> to vector<128x16xf32>
    %concatenate3A_1087 = tpu.concatenate %slice3A_1085, %slice3A_1086 in 1 : vector<128x112xf32>, vector<128x16xf32> -> vector<128x128xf32>
    %mul3A_1088 = arith.mulf %get3A_1064, %concatenate3A_1087 : vector<128x128xf32>
    %jit3A_1089 = arith.constant 0.000000e+00 : f32
    %broadcast_in_dim3A_1090 = vector.broadcast %jit3A_1089 : f32 to vector<128x128xf32>
    %select_n3A_1091 = arith.select %lt3A_18, %mul3A_1088, %broadcast_in_dim3A_1090 : vector<128x128xi1>, vector<128x128xf32>
    %reduce_sum3A_1092 = arith.constant dense<0.000000e+00> : vector<128xf32>
    %reduce_sum3A_1093 = vector.multi_reduction <add>, %select_n3A_1091, %reduce_sum3A_1092 [1] : vector<128x128xf32> to vector<128xf32>
    %broadcast_in_dim3A_1094 = vector.shape_cast %reduce_sum3A_1093 : vector<128xf32> to vector<128x1xf32>
    %add3A_1095 = arith.addf %add3A_1059, %broadcast_in_dim3A_1094 : vector<128x1xf32>
    %get3A_1096 = arith.constant 0 : index
    %get3A_1097 = arith.constant 30 : index
    %get3A_1098 = arith.constant 0 : index
    %get3A_1099 = vector.load %arg1[%get3A_1096, %get3A_1097, %get3A_1098] : memref<128x88x128xf32, #tpu.memory_space<vmem>>, vector<128x1x128xf32>
    %get3A_1100 = vector.shape_cast %get3A_1099 : vector<128x1x128xf32> to vector<128x128xf32>
    %get3A_1101 = arith.constant 0 : index
    %get3A_1102 = arith.constant 3840 : index
    %get3A_1103 = vector.load %arg3[%get3A_1101, %get3A_1102] : memref<13x10880xf32, #tpu.memory_space<vmem>>, vector<13x128xf32>
    %dot_general3A_1104 = arith.constant dense<0.000000e+00> : vector<128x128xf32>
    %dot_general3A_1105 = tpu.matmul %get3A_1, %get3A_1103, %dot_general3A_1104 {dimension_numbers = #tpu.dot_dimension_numbers<[1], [0], [0], [1], [0, 0, 1, 1], [], []>, transpose_lhs_hint = false} : vector<128x13xf32>, vector<13x128xf32>, vector<128x128xf32> -> vector<128x128xf32>
    %get3A_1106 = arith.constant 3840 : index
    %get3A_1107 = vector.load %arg4[%get3A_1106] : memref<10880xf32, #tpu.memory_space<vmem>>, vector<128xf32>
    %broadcast_in_dim3A_1108 = vector.shape_cast %get3A_1107 : vector<128xf32> to vector<1x128xf32>
    %add3A_1109 = vector.broadcast %broadcast_in_dim3A_1108 : vector<1x128xf32> to vector<128x128xf32>
    %add3A_1110 = arith.addf %dot_general3A_1105, %add3A_1109 : vector<128x128xf32>
    %max3A_1111 = arith.constant 0.000000e+00 : f32
    %max3A_1112 = vector.broadcast %max3A_1111 : f32 to vector<128x128xf32>
    %max3A_1113 = arith.maximumf %add3A_1110, %max3A_1112 : vector<128x128xf32>
    %add3A_1114 = arith.addf %get3A_1100, %max3A_1113 : vector<128x128xf32>
    %get3A_1115 = arith.constant 0 : index
    %get3A_1116 = arith.constant 3840 : index
    %get3A_1117 = vector.load %arg5[%get3A_1115, %get3A_1116] : memref<256x10880xf32, #tpu.memory_space<vmem>>, vector<256x128xf32>
    %dot_general3A_1118 = arith.constant dense<0.000000e+00> : vector<128x256xf32>
    %dot_general3A_1119 = tpu.matmul %add3A_1114, %get3A_1117, %dot_general3A_1118 {dimension_numbers = #tpu.dot_dimension_numbers<[1], [1], [0], [0], [0, 0, 1, 0], [], []>, transpose_lhs_hint = false} : vector<128x128xf32>, vector<256x128xf32>, vector<128x256xf32> -> vector<128x256xf32>
    %add3A_1120 = arith.addf %add3A_1084, %dot_general3A_1119 : vector<128x256xf32>
    %slice3A_1121 = vector.extract_strided_slice %get3A_1100 {offsets = [0, 16], sizes = [128, 112], strides = [1, 1]} : vector<128x128xf32> to vector<128x112xf32>
    %slice3A_1122 = vector.extract_strided_slice %get3A_1100 {offsets = [0, 0], sizes = [128, 16], strides = [1, 1]} : vector<128x128xf32> to vector<128x16xf32>
    %concatenate3A_1123 = tpu.concatenate %slice3A_1121, %slice3A_1122 in 1 : vector<128x112xf32>, vector<128x16xf32> -> vector<128x128xf32>
    %mul3A_1124 = arith.mulf %get3A_1100, %concatenate3A_1123 : vector<128x128xf32>
    %jit3A_1125 = arith.constant 0.000000e+00 : f32
    %broadcast_in_dim3A_1126 = vector.broadcast %jit3A_1125 : f32 to vector<128x128xf32>
    %select_n3A_1127 = arith.select %lt3A_18, %mul3A_1124, %broadcast_in_dim3A_1126 : vector<128x128xi1>, vector<128x128xf32>
    %reduce_sum3A_1128 = arith.constant dense<0.000000e+00> : vector<128xf32>
    %reduce_sum3A_1129 = vector.multi_reduction <add>, %select_n3A_1127, %reduce_sum3A_1128 [1] : vector<128x128xf32> to vector<128xf32>
    %broadcast_in_dim3A_1130 = vector.shape_cast %reduce_sum3A_1129 : vector<128xf32> to vector<128x1xf32>
    %add3A_1131 = arith.addf %add3A_1095, %broadcast_in_dim3A_1130 : vector<128x1xf32>
    %get3A_1132 = arith.constant 0 : index
    %get3A_1133 = arith.constant 31 : index
    %get3A_1134 = arith.constant 0 : index
    %get3A_1135 = vector.load %arg1[%get3A_1132, %get3A_1133, %get3A_1134] : memref<128x88x128xf32, #tpu.memory_space<vmem>>, vector<128x1x128xf32>
    %get3A_1136 = vector.shape_cast %get3A_1135 : vector<128x1x128xf32> to vector<128x128xf32>
    %get3A_1137 = arith.constant 0 : index
    %get3A_1138 = arith.constant 3968 : index
    %get3A_1139 = vector.load %arg3[%get3A_1137, %get3A_1138] : memref<13x10880xf32, #tpu.memory_space<vmem>>, vector<13x128xf32>
    %dot_general3A_1140 = arith.constant dense<0.000000e+00> : vector<128x128xf32>
    %dot_general3A_1141 = tpu.matmul %get3A_1, %get3A_1139, %dot_general3A_1140 {dimension_numbers = #tpu.dot_dimension_numbers<[1], [0], [0], [1], [0, 0, 1, 1], [], []>, transpose_lhs_hint = false} : vector<128x13xf32>, vector<13x128xf32>, vector<128x128xf32> -> vector<128x128xf32>
    %get3A_1142 = arith.constant 3968 : index
    %get3A_1143 = vector.load %arg4[%get3A_1142] : memref<10880xf32, #tpu.memory_space<vmem>>, vector<128xf32>
    %broadcast_in_dim3A_1144 = vector.shape_cast %get3A_1143 : vector<128xf32> to vector<1x128xf32>
    %add3A_1145 = vector.broadcast %broadcast_in_dim3A_1144 : vector<1x128xf32> to vector<128x128xf32>
    %add3A_1146 = arith.addf %dot_general3A_1141, %add3A_1145 : vector<128x128xf32>
    %max3A_1147 = arith.constant 0.000000e+00 : f32
    %max3A_1148 = vector.broadcast %max3A_1147 : f32 to vector<128x128xf32>
    %max3A_1149 = arith.maximumf %add3A_1146, %max3A_1148 : vector<128x128xf32>
    %add3A_1150 = arith.addf %get3A_1136, %max3A_1149 : vector<128x128xf32>
    %get3A_1151 = arith.constant 0 : index
    %get3A_1152 = arith.constant 3968 : index
    %get3A_1153 = vector.load %arg5[%get3A_1151, %get3A_1152] : memref<256x10880xf32, #tpu.memory_space<vmem>>, vector<256x128xf32>
    %dot_general3A_1154 = arith.constant dense<0.000000e+00> : vector<128x256xf32>
    %dot_general3A_1155 = tpu.matmul %add3A_1150, %get3A_1153, %dot_general3A_1154 {dimension_numbers = #tpu.dot_dimension_numbers<[1], [1], [0], [0], [0, 0, 1, 0], [], []>, transpose_lhs_hint = false} : vector<128x128xf32>, vector<256x128xf32>, vector<128x256xf32> -> vector<128x256xf32>
    %add3A_1156 = arith.addf %add3A_1120, %dot_general3A_1155 : vector<128x256xf32>
    %slice3A_1157 = vector.extract_strided_slice %get3A_1136 {offsets = [0, 16], sizes = [128, 112], strides = [1, 1]} : vector<128x128xf32> to vector<128x112xf32>
    %slice3A_1158 = vector.extract_strided_slice %get3A_1136 {offsets = [0, 0], sizes = [128, 16], strides = [1, 1]} : vector<128x128xf32> to vector<128x16xf32>
    %concatenate3A_1159 = tpu.concatenate %slice3A_1157, %slice3A_1158 in 1 : vector<128x112xf32>, vector<128x16xf32> -> vector<128x128xf32>
    %mul3A_1160 = arith.mulf %get3A_1136, %concatenate3A_1159 : vector<128x128xf32>
    %jit3A_1161 = arith.constant 0.000000e+00 : f32
    %broadcast_in_dim3A_1162 = vector.broadcast %jit3A_1161 : f32 to vector<128x128xf32>
    %select_n3A_1163 = arith.select %lt3A_18, %mul3A_1160, %broadcast_in_dim3A_1162 : vector<128x128xi1>, vector<128x128xf32>
    %reduce_sum3A_1164 = arith.constant dense<0.000000e+00> : vector<128xf32>
    %reduce_sum3A_1165 = vector.multi_reduction <add>, %select_n3A_1163, %reduce_sum3A_1164 [1] : vector<128x128xf32> to vector<128xf32>
    %broadcast_in_dim3A_1166 = vector.shape_cast %reduce_sum3A_1165 : vector<128xf32> to vector<128x1xf32>
    %add3A_1167 = arith.addf %add3A_1131, %broadcast_in_dim3A_1166 : vector<128x1xf32>
    %get3A_1168 = arith.constant 0 : index
    %get3A_1169 = arith.constant 32 : index
    %get3A_1170 = arith.constant 0 : index
    %get3A_1171 = vector.load %arg1[%get3A_1168, %get3A_1169, %get3A_1170] : memref<128x88x128xf32, #tpu.memory_space<vmem>>, vector<128x1x128xf32>
    %get3A_1172 = vector.shape_cast %get3A_1171 : vector<128x1x128xf32> to vector<128x128xf32>
    %get3A_1173 = arith.constant 0 : index
    %get3A_1174 = arith.constant 4096 : index
    %get3A_1175 = vector.load %arg3[%get3A_1173, %get3A_1174] : memref<13x10880xf32, #tpu.memory_space<vmem>>, vector<13x128xf32>
    %dot_general3A_1176 = arith.constant dense<0.000000e+00> : vector<128x128xf32>
    %dot_general3A_1177 = tpu.matmul %get3A_1, %get3A_1175, %dot_general3A_1176 {dimension_numbers = #tpu.dot_dimension_numbers<[1], [0], [0], [1], [0, 0, 1, 1], [], []>, transpose_lhs_hint = false} : vector<128x13xf32>, vector<13x128xf32>, vector<128x128xf32> -> vector<128x128xf32>
    %get3A_1178 = arith.constant 4096 : index
    %get3A_1179 = vector.load %arg4[%get3A_1178] : memref<10880xf32, #tpu.memory_space<vmem>>, vector<128xf32>
    %broadcast_in_dim3A_1180 = vector.shape_cast %get3A_1179 : vector<128xf32> to vector<1x128xf32>
    %add3A_1181 = vector.broadcast %broadcast_in_dim3A_1180 : vector<1x128xf32> to vector<128x128xf32>
    %add3A_1182 = arith.addf %dot_general3A_1177, %add3A_1181 : vector<128x128xf32>
    %max3A_1183 = arith.constant 0.000000e+00 : f32
    %max3A_1184 = vector.broadcast %max3A_1183 : f32 to vector<128x128xf32>
    %max3A_1185 = arith.maximumf %add3A_1182, %max3A_1184 : vector<128x128xf32>
    %add3A_1186 = arith.addf %get3A_1172, %max3A_1185 : vector<128x128xf32>
    %get3A_1187 = arith.constant 0 : index
    %get3A_1188 = arith.constant 4096 : index
    %get3A_1189 = vector.load %arg5[%get3A_1187, %get3A_1188] : memref<256x10880xf32, #tpu.memory_space<vmem>>, vector<256x128xf32>
    %dot_general3A_1190 = arith.constant dense<0.000000e+00> : vector<128x256xf32>
    %dot_general3A_1191 = tpu.matmul %add3A_1186, %get3A_1189, %dot_general3A_1190 {dimension_numbers = #tpu.dot_dimension_numbers<[1], [1], [0], [0], [0, 0, 1, 0], [], []>, transpose_lhs_hint = false} : vector<128x128xf32>, vector<256x128xf32>, vector<128x256xf32> -> vector<128x256xf32>
    %add3A_1192 = arith.addf %add3A_1156, %dot_general3A_1191 : vector<128x256xf32>
    %slice3A_1193 = vector.extract_strided_slice %get3A_1172 {offsets = [0, 16], sizes = [128, 112], strides = [1, 1]} : vector<128x128xf32> to vector<128x112xf32>
    %slice3A_1194 = vector.extract_strided_slice %get3A_1172 {offsets = [0, 0], sizes = [128, 16], strides = [1, 1]} : vector<128x128xf32> to vector<128x16xf32>
    %concatenate3A_1195 = tpu.concatenate %slice3A_1193, %slice3A_1194 in 1 : vector<128x112xf32>, vector<128x16xf32> -> vector<128x128xf32>
    %mul3A_1196 = arith.mulf %get3A_1172, %concatenate3A_1195 : vector<128x128xf32>
    %jit3A_1197 = arith.constant 0.000000e+00 : f32
    %broadcast_in_dim3A_1198 = vector.broadcast %jit3A_1197 : f32 to vector<128x128xf32>
    %select_n3A_1199 = arith.select %lt3A_18, %mul3A_1196, %broadcast_in_dim3A_1198 : vector<128x128xi1>, vector<128x128xf32>
    %reduce_sum3A_1200 = arith.constant dense<0.000000e+00> : vector<128xf32>
    %reduce_sum3A_1201 = vector.multi_reduction <add>, %select_n3A_1199, %reduce_sum3A_1200 [1] : vector<128x128xf32> to vector<128xf32>
    %broadcast_in_dim3A_1202 = vector.shape_cast %reduce_sum3A_1201 : vector<128xf32> to vector<128x1xf32>
    %add3A_1203 = arith.addf %add3A_1167, %broadcast_in_dim3A_1202 : vector<128x1xf32>
    %get3A_1204 = arith.constant 0 : index
    %get3A_1205 = arith.constant 33 : index
    %get3A_1206 = arith.constant 0 : index
    %get3A_1207 = vector.load %arg1[%get3A_1204, %get3A_1205, %get3A_1206] : memref<128x88x128xf32, #tpu.memory_space<vmem>>, vector<128x1x128xf32>
    %get3A_1208 = vector.shape_cast %get3A_1207 : vector<128x1x128xf32> to vector<128x128xf32>
    %get3A_1209 = arith.constant 0 : index
    %get3A_1210 = arith.constant 4224 : index
    %get3A_1211 = vector.load %arg3[%get3A_1209, %get3A_1210] : memref<13x10880xf32, #tpu.memory_space<vmem>>, vector<13x128xf32>
    %dot_general3A_1212 = arith.constant dense<0.000000e+00> : vector<128x128xf32>
    %dot_general3A_1213 = tpu.matmul %get3A_1, %get3A_1211, %dot_general3A_1212 {dimension_numbers = #tpu.dot_dimension_numbers<[1], [0], [0], [1], [0, 0, 1, 1], [], []>, transpose_lhs_hint = false} : vector<128x13xf32>, vector<13x128xf32>, vector<128x128xf32> -> vector<128x128xf32>
    %get3A_1214 = arith.constant 4224 : index
    %get3A_1215 = vector.load %arg4[%get3A_1214] : memref<10880xf32, #tpu.memory_space<vmem>>, vector<128xf32>
    %broadcast_in_dim3A_1216 = vector.shape_cast %get3A_1215 : vector<128xf32> to vector<1x128xf32>
    %add3A_1217 = vector.broadcast %broadcast_in_dim3A_1216 : vector<1x128xf32> to vector<128x128xf32>
    %add3A_1218 = arith.addf %dot_general3A_1213, %add3A_1217 : vector<128x128xf32>
    %max3A_1219 = arith.constant 0.000000e+00 : f32
    %max3A_1220 = vector.broadcast %max3A_1219 : f32 to vector<128x128xf32>
    %max3A_1221 = arith.maximumf %add3A_1218, %max3A_1220 : vector<128x128xf32>
    %add3A_1222 = arith.addf %get3A_1208, %max3A_1221 : vector<128x128xf32>
    %get3A_1223 = arith.constant 0 : index
    %get3A_1224 = arith.constant 4224 : index
    %get3A_1225 = vector.load %arg5[%get3A_1223, %get3A_1224] : memref<256x10880xf32, #tpu.memory_space<vmem>>, vector<256x128xf32>
    %dot_general3A_1226 = arith.constant dense<0.000000e+00> : vector<128x256xf32>
    %dot_general3A_1227 = tpu.matmul %add3A_1222, %get3A_1225, %dot_general3A_1226 {dimension_numbers = #tpu.dot_dimension_numbers<[1], [1], [0], [0], [0, 0, 1, 0], [], []>, transpose_lhs_hint = false} : vector<128x128xf32>, vector<256x128xf32>, vector<128x256xf32> -> vector<128x256xf32>
    %add3A_1228 = arith.addf %add3A_1192, %dot_general3A_1227 : vector<128x256xf32>
    %slice3A_1229 = vector.extract_strided_slice %get3A_1208 {offsets = [0, 16], sizes = [128, 112], strides = [1, 1]} : vector<128x128xf32> to vector<128x112xf32>
    %slice3A_1230 = vector.extract_strided_slice %get3A_1208 {offsets = [0, 0], sizes = [128, 16], strides = [1, 1]} : vector<128x128xf32> to vector<128x16xf32>
    %concatenate3A_1231 = tpu.concatenate %slice3A_1229, %slice3A_1230 in 1 : vector<128x112xf32>, vector<128x16xf32> -> vector<128x128xf32>
    %mul3A_1232 = arith.mulf %get3A_1208, %concatenate3A_1231 : vector<128x128xf32>
    %jit3A_1233 = arith.constant 0.000000e+00 : f32
    %broadcast_in_dim3A_1234 = vector.broadcast %jit3A_1233 : f32 to vector<128x128xf32>
    %select_n3A_1235 = arith.select %lt3A_18, %mul3A_1232, %broadcast_in_dim3A_1234 : vector<128x128xi1>, vector<128x128xf32>
    %reduce_sum3A_1236 = arith.constant dense<0.000000e+00> : vector<128xf32>
    %reduce_sum3A_1237 = vector.multi_reduction <add>, %select_n3A_1235, %reduce_sum3A_1236 [1] : vector<128x128xf32> to vector<128xf32>
    %broadcast_in_dim3A_1238 = vector.shape_cast %reduce_sum3A_1237 : vector<128xf32> to vector<128x1xf32>
    %add3A_1239 = arith.addf %add3A_1203, %broadcast_in_dim3A_1238 : vector<128x1xf32>
    %get3A_1240 = arith.constant 0 : index
    %get3A_1241 = arith.constant 34 : index
    %get3A_1242 = arith.constant 0 : index
    %get3A_1243 = vector.load %arg1[%get3A_1240, %get3A_1241, %get3A_1242] : memref<128x88x128xf32, #tpu.memory_space<vmem>>, vector<128x1x128xf32>
    %get3A_1244 = vector.shape_cast %get3A_1243 : vector<128x1x128xf32> to vector<128x128xf32>
    %get3A_1245 = arith.constant 0 : index
    %get3A_1246 = arith.constant 4352 : index
    %get3A_1247 = vector.load %arg3[%get3A_1245, %get3A_1246] : memref<13x10880xf32, #tpu.memory_space<vmem>>, vector<13x128xf32>
    %dot_general3A_1248 = arith.constant dense<0.000000e+00> : vector<128x128xf32>
    %dot_general3A_1249 = tpu.matmul %get3A_1, %get3A_1247, %dot_general3A_1248 {dimension_numbers = #tpu.dot_dimension_numbers<[1], [0], [0], [1], [0, 0, 1, 1], [], []>, transpose_lhs_hint = false} : vector<128x13xf32>, vector<13x128xf32>, vector<128x128xf32> -> vector<128x128xf32>
    %get3A_1250 = arith.constant 4352 : index
    %get3A_1251 = vector.load %arg4[%get3A_1250] : memref<10880xf32, #tpu.memory_space<vmem>>, vector<128xf32>
    %broadcast_in_dim3A_1252 = vector.shape_cast %get3A_1251 : vector<128xf32> to vector<1x128xf32>
    %add3A_1253 = vector.broadcast %broadcast_in_dim3A_1252 : vector<1x128xf32> to vector<128x128xf32>
    %add3A_1254 = arith.addf %dot_general3A_1249, %add3A_1253 : vector<128x128xf32>
    %max3A_1255 = arith.constant 0.000000e+00 : f32
    %max3A_1256 = vector.broadcast %max3A_1255 : f32 to vector<128x128xf32>
    %max3A_1257 = arith.maximumf %add3A_1254, %max3A_1256 : vector<128x128xf32>
    %add3A_1258 = arith.addf %get3A_1244, %max3A_1257 : vector<128x128xf32>
    %get3A_1259 = arith.constant 0 : index
    %get3A_1260 = arith.constant 4352 : index
    %get3A_1261 = vector.load %arg5[%get3A_1259, %get3A_1260] : memref<256x10880xf32, #tpu.memory_space<vmem>>, vector<256x128xf32>
    %dot_general3A_1262 = arith.constant dense<0.000000e+00> : vector<128x256xf32>
    %dot_general3A_1263 = tpu.matmul %add3A_1258, %get3A_1261, %dot_general3A_1262 {dimension_numbers = #tpu.dot_dimension_numbers<[1], [1], [0], [0], [0, 0, 1, 0], [], []>, transpose_lhs_hint = false} : vector<128x128xf32>, vector<256x128xf32>, vector<128x256xf32> -> vector<128x256xf32>
    %add3A_1264 = arith.addf %add3A_1228, %dot_general3A_1263 : vector<128x256xf32>
    %slice3A_1265 = vector.extract_strided_slice %get3A_1244 {offsets = [0, 16], sizes = [128, 112], strides = [1, 1]} : vector<128x128xf32> to vector<128x112xf32>
    %slice3A_1266 = vector.extract_strided_slice %get3A_1244 {offsets = [0, 0], sizes = [128, 16], strides = [1, 1]} : vector<128x128xf32> to vector<128x16xf32>
    %concatenate3A_1267 = tpu.concatenate %slice3A_1265, %slice3A_1266 in 1 : vector<128x112xf32>, vector<128x16xf32> -> vector<128x128xf32>
    %mul3A_1268 = arith.mulf %get3A_1244, %concatenate3A_1267 : vector<128x128xf32>
    %jit3A_1269 = arith.constant 0.000000e+00 : f32
    %broadcast_in_dim3A_1270 = vector.broadcast %jit3A_1269 : f32 to vector<128x128xf32>
    %select_n3A_1271 = arith.select %lt3A_18, %mul3A_1268, %broadcast_in_dim3A_1270 : vector<128x128xi1>, vector<128x128xf32>
    %reduce_sum3A_1272 = arith.constant dense<0.000000e+00> : vector<128xf32>
    %reduce_sum3A_1273 = vector.multi_reduction <add>, %select_n3A_1271, %reduce_sum3A_1272 [1] : vector<128x128xf32> to vector<128xf32>
    %broadcast_in_dim3A_1274 = vector.shape_cast %reduce_sum3A_1273 : vector<128xf32> to vector<128x1xf32>
    %add3A_1275 = arith.addf %add3A_1239, %broadcast_in_dim3A_1274 : vector<128x1xf32>
    %get3A_1276 = arith.constant 0 : index
    %get3A_1277 = arith.constant 35 : index
    %get3A_1278 = arith.constant 0 : index
    %get3A_1279 = vector.load %arg1[%get3A_1276, %get3A_1277, %get3A_1278] : memref<128x88x128xf32, #tpu.memory_space<vmem>>, vector<128x1x128xf32>
    %get3A_1280 = vector.shape_cast %get3A_1279 : vector<128x1x128xf32> to vector<128x128xf32>
    %get3A_1281 = arith.constant 0 : index
    %get3A_1282 = arith.constant 4480 : index
    %get3A_1283 = vector.load %arg3[%get3A_1281, %get3A_1282] : memref<13x10880xf32, #tpu.memory_space<vmem>>, vector<13x128xf32>
    %dot_general3A_1284 = arith.constant dense<0.000000e+00> : vector<128x128xf32>
    %dot_general3A_1285 = tpu.matmul %get3A_1, %get3A_1283, %dot_general3A_1284 {dimension_numbers = #tpu.dot_dimension_numbers<[1], [0], [0], [1], [0, 0, 1, 1], [], []>, transpose_lhs_hint = false} : vector<128x13xf32>, vector<13x128xf32>, vector<128x128xf32> -> vector<128x128xf32>
    %get3A_1286 = arith.constant 4480 : index
    %get3A_1287 = vector.load %arg4[%get3A_1286] : memref<10880xf32, #tpu.memory_space<vmem>>, vector<128xf32>
    %broadcast_in_dim3A_1288 = vector.shape_cast %get3A_1287 : vector<128xf32> to vector<1x128xf32>
    %add3A_1289 = vector.broadcast %broadcast_in_dim3A_1288 : vector<1x128xf32> to vector<128x128xf32>
    %add3A_1290 = arith.addf %dot_general3A_1285, %add3A_1289 : vector<128x128xf32>
    %max3A_1291 = arith.constant 0.000000e+00 : f32
    %max3A_1292 = vector.broadcast %max3A_1291 : f32 to vector<128x128xf32>
    %max3A_1293 = arith.maximumf %add3A_1290, %max3A_1292 : vector<128x128xf32>
    %add3A_1294 = arith.addf %get3A_1280, %max3A_1293 : vector<128x128xf32>
    %get3A_1295 = arith.constant 0 : index
    %get3A_1296 = arith.constant 4480 : index
    %get3A_1297 = vector.load %arg5[%get3A_1295, %get3A_1296] : memref<256x10880xf32, #tpu.memory_space<vmem>>, vector<256x128xf32>
    %dot_general3A_1298 = arith.constant dense<0.000000e+00> : vector<128x256xf32>
    %dot_general3A_1299 = tpu.matmul %add3A_1294, %get3A_1297, %dot_general3A_1298 {dimension_numbers = #tpu.dot_dimension_numbers<[1], [1], [0], [0], [0, 0, 1, 0], [], []>, transpose_lhs_hint = false} : vector<128x128xf32>, vector<256x128xf32>, vector<128x256xf32> -> vector<128x256xf32>
    %add3A_1300 = arith.addf %add3A_1264, %dot_general3A_1299 : vector<128x256xf32>
    %slice3A_1301 = vector.extract_strided_slice %get3A_1280 {offsets = [0, 16], sizes = [128, 112], strides = [1, 1]} : vector<128x128xf32> to vector<128x112xf32>
    %slice3A_1302 = vector.extract_strided_slice %get3A_1280 {offsets = [0, 0], sizes = [128, 16], strides = [1, 1]} : vector<128x128xf32> to vector<128x16xf32>
    %concatenate3A_1303 = tpu.concatenate %slice3A_1301, %slice3A_1302 in 1 : vector<128x112xf32>, vector<128x16xf32> -> vector<128x128xf32>
    %mul3A_1304 = arith.mulf %get3A_1280, %concatenate3A_1303 : vector<128x128xf32>
    %jit3A_1305 = arith.constant 0.000000e+00 : f32
    %broadcast_in_dim3A_1306 = vector.broadcast %jit3A_1305 : f32 to vector<128x128xf32>
    %select_n3A_1307 = arith.select %lt3A_18, %mul3A_1304, %broadcast_in_dim3A_1306 : vector<128x128xi1>, vector<128x128xf32>
    %reduce_sum3A_1308 = arith.constant dense<0.000000e+00> : vector<128xf32>
    %reduce_sum3A_1309 = vector.multi_reduction <add>, %select_n3A_1307, %reduce_sum3A_1308 [1] : vector<128x128xf32> to vector<128xf32>
    %broadcast_in_dim3A_1310 = vector.shape_cast %reduce_sum3A_1309 : vector<128xf32> to vector<128x1xf32>
    %add3A_1311 = arith.addf %add3A_1275, %broadcast_in_dim3A_1310 : vector<128x1xf32>
    %get3A_1312 = arith.constant 0 : index
    %get3A_1313 = arith.constant 36 : index
    %get3A_1314 = arith.constant 0 : index
    %get3A_1315 = vector.load %arg1[%get3A_1312, %get3A_1313, %get3A_1314] : memref<128x88x128xf32, #tpu.memory_space<vmem>>, vector<128x1x128xf32>
    %get3A_1316 = vector.shape_cast %get3A_1315 : vector<128x1x128xf32> to vector<128x128xf32>
    %get3A_1317 = arith.constant 0 : index
    %get3A_1318 = arith.constant 4608 : index
    %get3A_1319 = vector.load %arg3[%get3A_1317, %get3A_1318] : memref<13x10880xf32, #tpu.memory_space<vmem>>, vector<13x128xf32>
    %dot_general3A_1320 = arith.constant dense<0.000000e+00> : vector<128x128xf32>
    %dot_general3A_1321 = tpu.matmul %get3A_1, %get3A_1319, %dot_general3A_1320 {dimension_numbers = #tpu.dot_dimension_numbers<[1], [0], [0], [1], [0, 0, 1, 1], [], []>, transpose_lhs_hint = false} : vector<128x13xf32>, vector<13x128xf32>, vector<128x128xf32> -> vector<128x128xf32>
    %get3A_1322 = arith.constant 4608 : index
    %get3A_1323 = vector.load %arg4[%get3A_1322] : memref<10880xf32, #tpu.memory_space<vmem>>, vector<128xf32>
    %broadcast_in_dim3A_1324 = vector.shape_cast %get3A_1323 : vector<128xf32> to vector<1x128xf32>
    %add3A_1325 = vector.broadcast %broadcast_in_dim3A_1324 : vector<1x128xf32> to vector<128x128xf32>
    %add3A_1326 = arith.addf %dot_general3A_1321, %add3A_1325 : vector<128x128xf32>
    %max3A_1327 = arith.constant 0.000000e+00 : f32
    %max3A_1328 = vector.broadcast %max3A_1327 : f32 to vector<128x128xf32>
    %max3A_1329 = arith.maximumf %add3A_1326, %max3A_1328 : vector<128x128xf32>
    %add3A_1330 = arith.addf %get3A_1316, %max3A_1329 : vector<128x128xf32>
    %get3A_1331 = arith.constant 0 : index
    %get3A_1332 = arith.constant 4608 : index
    %get3A_1333 = vector.load %arg5[%get3A_1331, %get3A_1332] : memref<256x10880xf32, #tpu.memory_space<vmem>>, vector<256x128xf32>
    %dot_general3A_1334 = arith.constant dense<0.000000e+00> : vector<128x256xf32>
    %dot_general3A_1335 = tpu.matmul %add3A_1330, %get3A_1333, %dot_general3A_1334 {dimension_numbers = #tpu.dot_dimension_numbers<[1], [1], [0], [0], [0, 0, 1, 0], [], []>, transpose_lhs_hint = false} : vector<128x128xf32>, vector<256x128xf32>, vector<128x256xf32> -> vector<128x256xf32>
    %add3A_1336 = arith.addf %add3A_1300, %dot_general3A_1335 : vector<128x256xf32>
    %slice3A_1337 = vector.extract_strided_slice %get3A_1316 {offsets = [0, 16], sizes = [128, 112], strides = [1, 1]} : vector<128x128xf32> to vector<128x112xf32>
    %slice3A_1338 = vector.extract_strided_slice %get3A_1316 {offsets = [0, 0], sizes = [128, 16], strides = [1, 1]} : vector<128x128xf32> to vector<128x16xf32>
    %concatenate3A_1339 = tpu.concatenate %slice3A_1337, %slice3A_1338 in 1 : vector<128x112xf32>, vector<128x16xf32> -> vector<128x128xf32>
    %mul3A_1340 = arith.mulf %get3A_1316, %concatenate3A_1339 : vector<128x128xf32>
    %jit3A_1341 = arith.constant 0.000000e+00 : f32
    %broadcast_in_dim3A_1342 = vector.broadcast %jit3A_1341 : f32 to vector<128x128xf32>
    %select_n3A_1343 = arith.select %lt3A_18, %mul3A_1340, %broadcast_in_dim3A_1342 : vector<128x128xi1>, vector<128x128xf32>
    %reduce_sum3A_1344 = arith.constant dense<0.000000e+00> : vector<128xf32>
    %reduce_sum3A_1345 = vector.multi_reduction <add>, %select_n3A_1343, %reduce_sum3A_1344 [1] : vector<128x128xf32> to vector<128xf32>
    %broadcast_in_dim3A_1346 = vector.shape_cast %reduce_sum3A_1345 : vector<128xf32> to vector<128x1xf32>
    %add3A_1347 = arith.addf %add3A_1311, %broadcast_in_dim3A_1346 : vector<128x1xf32>
    %get3A_1348 = arith.constant 0 : index
    %get3A_1349 = arith.constant 37 : index
    %get3A_1350 = arith.constant 0 : index
    %get3A_1351 = vector.load %arg1[%get3A_1348, %get3A_1349, %get3A_1350] : memref<128x88x128xf32, #tpu.memory_space<vmem>>, vector<128x1x128xf32>
    %get3A_1352 = vector.shape_cast %get3A_1351 : vector<128x1x128xf32> to vector<128x128xf32>
    %get3A_1353 = arith.constant 0 : index
    %get3A_1354 = arith.constant 4736 : index
    %get3A_1355 = vector.load %arg3[%get3A_1353, %get3A_1354] : memref<13x10880xf32, #tpu.memory_space<vmem>>, vector<13x128xf32>
    %dot_general3A_1356 = arith.constant dense<0.000000e+00> : vector<128x128xf32>
    %dot_general3A_1357 = tpu.matmul %get3A_1, %get3A_1355, %dot_general3A_1356 {dimension_numbers = #tpu.dot_dimension_numbers<[1], [0], [0], [1], [0, 0, 1, 1], [], []>, transpose_lhs_hint = false} : vector<128x13xf32>, vector<13x128xf32>, vector<128x128xf32> -> vector<128x128xf32>
    %get3A_1358 = arith.constant 4736 : index
    %get3A_1359 = vector.load %arg4[%get3A_1358] : memref<10880xf32, #tpu.memory_space<vmem>>, vector<128xf32>
    %broadcast_in_dim3A_1360 = vector.shape_cast %get3A_1359 : vector<128xf32> to vector<1x128xf32>
    %add3A_1361 = vector.broadcast %broadcast_in_dim3A_1360 : vector<1x128xf32> to vector<128x128xf32>
    %add3A_1362 = arith.addf %dot_general3A_1357, %add3A_1361 : vector<128x128xf32>
    %max3A_1363 = arith.constant 0.000000e+00 : f32
    %max3A_1364 = vector.broadcast %max3A_1363 : f32 to vector<128x128xf32>
    %max3A_1365 = arith.maximumf %add3A_1362, %max3A_1364 : vector<128x128xf32>
    %add3A_1366 = arith.addf %get3A_1352, %max3A_1365 : vector<128x128xf32>
    %get3A_1367 = arith.constant 0 : index
    %get3A_1368 = arith.constant 4736 : index
    %get3A_1369 = vector.load %arg5[%get3A_1367, %get3A_1368] : memref<256x10880xf32, #tpu.memory_space<vmem>>, vector<256x128xf32>
    %dot_general3A_1370 = arith.constant dense<0.000000e+00> : vector<128x256xf32>
    %dot_general3A_1371 = tpu.matmul %add3A_1366, %get3A_1369, %dot_general3A_1370 {dimension_numbers = #tpu.dot_dimension_numbers<[1], [1], [0], [0], [0, 0, 1, 0], [], []>, transpose_lhs_hint = false} : vector<128x128xf32>, vector<256x128xf32>, vector<128x256xf32> -> vector<128x256xf32>
    %add3A_1372 = arith.addf %add3A_1336, %dot_general3A_1371 : vector<128x256xf32>
    %slice3A_1373 = vector.extract_strided_slice %get3A_1352 {offsets = [0, 16], sizes = [128, 112], strides = [1, 1]} : vector<128x128xf32> to vector<128x112xf32>
    %slice3A_1374 = vector.extract_strided_slice %get3A_1352 {offsets = [0, 0], sizes = [128, 16], strides = [1, 1]} : vector<128x128xf32> to vector<128x16xf32>
    %concatenate3A_1375 = tpu.concatenate %slice3A_1373, %slice3A_1374 in 1 : vector<128x112xf32>, vector<128x16xf32> -> vector<128x128xf32>
    %mul3A_1376 = arith.mulf %get3A_1352, %concatenate3A_1375 : vector<128x128xf32>
    %jit3A_1377 = arith.constant 0.000000e+00 : f32
    %broadcast_in_dim3A_1378 = vector.broadcast %jit3A_1377 : f32 to vector<128x128xf32>
    %select_n3A_1379 = arith.select %lt3A_18, %mul3A_1376, %broadcast_in_dim3A_1378 : vector<128x128xi1>, vector<128x128xf32>
    %reduce_sum3A_1380 = arith.constant dense<0.000000e+00> : vector<128xf32>
    %reduce_sum3A_1381 = vector.multi_reduction <add>, %select_n3A_1379, %reduce_sum3A_1380 [1] : vector<128x128xf32> to vector<128xf32>
    %broadcast_in_dim3A_1382 = vector.shape_cast %reduce_sum3A_1381 : vector<128xf32> to vector<128x1xf32>
    %add3A_1383 = arith.addf %add3A_1347, %broadcast_in_dim3A_1382 : vector<128x1xf32>
    %get3A_1384 = arith.constant 0 : index
    %get3A_1385 = arith.constant 38 : index
    %get3A_1386 = arith.constant 0 : index
    %get3A_1387 = vector.load %arg1[%get3A_1384, %get3A_1385, %get3A_1386] : memref<128x88x128xf32, #tpu.memory_space<vmem>>, vector<128x1x128xf32>
    %get3A_1388 = vector.shape_cast %get3A_1387 : vector<128x1x128xf32> to vector<128x128xf32>
    %get3A_1389 = arith.constant 0 : index
    %get3A_1390 = arith.constant 4864 : index
    %get3A_1391 = vector.load %arg3[%get3A_1389, %get3A_1390] : memref<13x10880xf32, #tpu.memory_space<vmem>>, vector<13x128xf32>
    %dot_general3A_1392 = arith.constant dense<0.000000e+00> : vector<128x128xf32>
    %dot_general3A_1393 = tpu.matmul %get3A_1, %get3A_1391, %dot_general3A_1392 {dimension_numbers = #tpu.dot_dimension_numbers<[1], [0], [0], [1], [0, 0, 1, 1], [], []>, transpose_lhs_hint = false} : vector<128x13xf32>, vector<13x128xf32>, vector<128x128xf32> -> vector<128x128xf32>
    %get3A_1394 = arith.constant 4864 : index
    %get3A_1395 = vector.load %arg4[%get3A_1394] : memref<10880xf32, #tpu.memory_space<vmem>>, vector<128xf32>
    %broadcast_in_dim3A_1396 = vector.shape_cast %get3A_1395 : vector<128xf32> to vector<1x128xf32>
    %add3A_1397 = vector.broadcast %broadcast_in_dim3A_1396 : vector<1x128xf32> to vector<128x128xf32>
    %add3A_1398 = arith.addf %dot_general3A_1393, %add3A_1397 : vector<128x128xf32>
    %max3A_1399 = arith.constant 0.000000e+00 : f32
    %max3A_1400 = vector.broadcast %max3A_1399 : f32 to vector<128x128xf32>
    %max3A_1401 = arith.maximumf %add3A_1398, %max3A_1400 : vector<128x128xf32>
    %add3A_1402 = arith.addf %get3A_1388, %max3A_1401 : vector<128x128xf32>
    %get3A_1403 = arith.constant 0 : index
    %get3A_1404 = arith.constant 4864 : index
    %get3A_1405 = vector.load %arg5[%get3A_1403, %get3A_1404] : memref<256x10880xf32, #tpu.memory_space<vmem>>, vector<256x128xf32>
    %dot_general3A_1406 = arith.constant dense<0.000000e+00> : vector<128x256xf32>
    %dot_general3A_1407 = tpu.matmul %add3A_1402, %get3A_1405, %dot_general3A_1406 {dimension_numbers = #tpu.dot_dimension_numbers<[1], [1], [0], [0], [0, 0, 1, 0], [], []>, transpose_lhs_hint = false} : vector<128x128xf32>, vector<256x128xf32>, vector<128x256xf32> -> vector<128x256xf32>
    %add3A_1408 = arith.addf %add3A_1372, %dot_general3A_1407 : vector<128x256xf32>
    %slice3A_1409 = vector.extract_strided_slice %get3A_1388 {offsets = [0, 16], sizes = [128, 112], strides = [1, 1]} : vector<128x128xf32> to vector<128x112xf32>
    %slice3A_1410 = vector.extract_strided_slice %get3A_1388 {offsets = [0, 0], sizes = [128, 16], strides = [1, 1]} : vector<128x128xf32> to vector<128x16xf32>
    %concatenate3A_1411 = tpu.concatenate %slice3A_1409, %slice3A_1410 in 1 : vector<128x112xf32>, vector<128x16xf32> -> vector<128x128xf32>
    %mul3A_1412 = arith.mulf %get3A_1388, %concatenate3A_1411 : vector<128x128xf32>
    %jit3A_1413 = arith.constant 0.000000e+00 : f32
    %broadcast_in_dim3A_1414 = vector.broadcast %jit3A_1413 : f32 to vector<128x128xf32>
    %select_n3A_1415 = arith.select %lt3A_18, %mul3A_1412, %broadcast_in_dim3A_1414 : vector<128x128xi1>, vector<128x128xf32>
    %reduce_sum3A_1416 = arith.constant dense<0.000000e+00> : vector<128xf32>
    %reduce_sum3A_1417 = vector.multi_reduction <add>, %select_n3A_1415, %reduce_sum3A_1416 [1] : vector<128x128xf32> to vector<128xf32>
    %broadcast_in_dim3A_1418 = vector.shape_cast %reduce_sum3A_1417 : vector<128xf32> to vector<128x1xf32>
    %add3A_1419 = arith.addf %add3A_1383, %broadcast_in_dim3A_1418 : vector<128x1xf32>
    %get3A_1420 = arith.constant 0 : index
    %get3A_1421 = arith.constant 39 : index
    %get3A_1422 = arith.constant 0 : index
    %get3A_1423 = vector.load %arg1[%get3A_1420, %get3A_1421, %get3A_1422] : memref<128x88x128xf32, #tpu.memory_space<vmem>>, vector<128x1x128xf32>
    %get3A_1424 = vector.shape_cast %get3A_1423 : vector<128x1x128xf32> to vector<128x128xf32>
    %get3A_1425 = arith.constant 0 : index
    %get3A_1426 = arith.constant 4992 : index
    %get3A_1427 = vector.load %arg3[%get3A_1425, %get3A_1426] : memref<13x10880xf32, #tpu.memory_space<vmem>>, vector<13x128xf32>
    %dot_general3A_1428 = arith.constant dense<0.000000e+00> : vector<128x128xf32>
    %dot_general3A_1429 = tpu.matmul %get3A_1, %get3A_1427, %dot_general3A_1428 {dimension_numbers = #tpu.dot_dimension_numbers<[1], [0], [0], [1], [0, 0, 1, 1], [], []>, transpose_lhs_hint = false} : vector<128x13xf32>, vector<13x128xf32>, vector<128x128xf32> -> vector<128x128xf32>
    %get3A_1430 = arith.constant 4992 : index
    %get3A_1431 = vector.load %arg4[%get3A_1430] : memref<10880xf32, #tpu.memory_space<vmem>>, vector<128xf32>
    %broadcast_in_dim3A_1432 = vector.shape_cast %get3A_1431 : vector<128xf32> to vector<1x128xf32>
    %add3A_1433 = vector.broadcast %broadcast_in_dim3A_1432 : vector<1x128xf32> to vector<128x128xf32>
    %add3A_1434 = arith.addf %dot_general3A_1429, %add3A_1433 : vector<128x128xf32>
    %max3A_1435 = arith.constant 0.000000e+00 : f32
    %max3A_1436 = vector.broadcast %max3A_1435 : f32 to vector<128x128xf32>
    %max3A_1437 = arith.maximumf %add3A_1434, %max3A_1436 : vector<128x128xf32>
    %add3A_1438 = arith.addf %get3A_1424, %max3A_1437 : vector<128x128xf32>
    %get3A_1439 = arith.constant 0 : index
    %get3A_1440 = arith.constant 4992 : index
    %get3A_1441 = vector.load %arg5[%get3A_1439, %get3A_1440] : memref<256x10880xf32, #tpu.memory_space<vmem>>, vector<256x128xf32>
    %dot_general3A_1442 = arith.constant dense<0.000000e+00> : vector<128x256xf32>
    %dot_general3A_1443 = tpu.matmul %add3A_1438, %get3A_1441, %dot_general3A_1442 {dimension_numbers = #tpu.dot_dimension_numbers<[1], [1], [0], [0], [0, 0, 1, 0], [], []>, transpose_lhs_hint = false} : vector<128x128xf32>, vector<256x128xf32>, vector<128x256xf32> -> vector<128x256xf32>
    %add3A_1444 = arith.addf %add3A_1408, %dot_general3A_1443 : vector<128x256xf32>
    %slice3A_1445 = vector.extract_strided_slice %get3A_1424 {offsets = [0, 16], sizes = [128, 112], strides = [1, 1]} : vector<128x128xf32> to vector<128x112xf32>
    %slice3A_1446 = vector.extract_strided_slice %get3A_1424 {offsets = [0, 0], sizes = [128, 16], strides = [1, 1]} : vector<128x128xf32> to vector<128x16xf32>
    %concatenate3A_1447 = tpu.concatenate %slice3A_1445, %slice3A_1446 in 1 : vector<128x112xf32>, vector<128x16xf32> -> vector<128x128xf32>
    %mul3A_1448 = arith.mulf %get3A_1424, %concatenate3A_1447 : vector<128x128xf32>
    %jit3A_1449 = arith.constant 0.000000e+00 : f32
    %broadcast_in_dim3A_1450 = vector.broadcast %jit3A_1449 : f32 to vector<128x128xf32>
    %select_n3A_1451 = arith.select %lt3A_18, %mul3A_1448, %broadcast_in_dim3A_1450 : vector<128x128xi1>, vector<128x128xf32>
    %reduce_sum3A_1452 = arith.constant dense<0.000000e+00> : vector<128xf32>
    %reduce_sum3A_1453 = vector.multi_reduction <add>, %select_n3A_1451, %reduce_sum3A_1452 [1] : vector<128x128xf32> to vector<128xf32>
    %broadcast_in_dim3A_1454 = vector.shape_cast %reduce_sum3A_1453 : vector<128xf32> to vector<128x1xf32>
    %add3A_1455 = arith.addf %add3A_1419, %broadcast_in_dim3A_1454 : vector<128x1xf32>
    %get3A_1456 = arith.constant 0 : index
    %get3A_1457 = arith.constant 40 : index
    %get3A_1458 = arith.constant 0 : index
    %get3A_1459 = vector.load %arg1[%get3A_1456, %get3A_1457, %get3A_1458] : memref<128x88x128xf32, #tpu.memory_space<vmem>>, vector<128x1x128xf32>
    %get3A_1460 = vector.shape_cast %get3A_1459 : vector<128x1x128xf32> to vector<128x128xf32>
    %get3A_1461 = arith.constant 0 : index
    %get3A_1462 = arith.constant 5120 : index
    %get3A_1463 = vector.load %arg3[%get3A_1461, %get3A_1462] : memref<13x10880xf32, #tpu.memory_space<vmem>>, vector<13x128xf32>
    %dot_general3A_1464 = arith.constant dense<0.000000e+00> : vector<128x128xf32>
    %dot_general3A_1465 = tpu.matmul %get3A_1, %get3A_1463, %dot_general3A_1464 {dimension_numbers = #tpu.dot_dimension_numbers<[1], [0], [0], [1], [0, 0, 1, 1], [], []>, transpose_lhs_hint = false} : vector<128x13xf32>, vector<13x128xf32>, vector<128x128xf32> -> vector<128x128xf32>
    %get3A_1466 = arith.constant 5120 : index
    %get3A_1467 = vector.load %arg4[%get3A_1466] : memref<10880xf32, #tpu.memory_space<vmem>>, vector<128xf32>
    %broadcast_in_dim3A_1468 = vector.shape_cast %get3A_1467 : vector<128xf32> to vector<1x128xf32>
    %add3A_1469 = vector.broadcast %broadcast_in_dim3A_1468 : vector<1x128xf32> to vector<128x128xf32>
    %add3A_1470 = arith.addf %dot_general3A_1465, %add3A_1469 : vector<128x128xf32>
    %max3A_1471 = arith.constant 0.000000e+00 : f32
    %max3A_1472 = vector.broadcast %max3A_1471 : f32 to vector<128x128xf32>
    %max3A_1473 = arith.maximumf %add3A_1470, %max3A_1472 : vector<128x128xf32>
    %add3A_1474 = arith.addf %get3A_1460, %max3A_1473 : vector<128x128xf32>
    %get3A_1475 = arith.constant 0 : index
    %get3A_1476 = arith.constant 5120 : index
    %get3A_1477 = vector.load %arg5[%get3A_1475, %get3A_1476] : memref<256x10880xf32, #tpu.memory_space<vmem>>, vector<256x128xf32>
    %dot_general3A_1478 = arith.constant dense<0.000000e+00> : vector<128x256xf32>
    %dot_general3A_1479 = tpu.matmul %add3A_1474, %get3A_1477, %dot_general3A_1478 {dimension_numbers = #tpu.dot_dimension_numbers<[1], [1], [0], [0], [0, 0, 1, 0], [], []>, transpose_lhs_hint = false} : vector<128x128xf32>, vector<256x128xf32>, vector<128x256xf32> -> vector<128x256xf32>
    %add3A_1480 = arith.addf %add3A_1444, %dot_general3A_1479 : vector<128x256xf32>
    %slice3A_1481 = vector.extract_strided_slice %get3A_1460 {offsets = [0, 16], sizes = [128, 112], strides = [1, 1]} : vector<128x128xf32> to vector<128x112xf32>
    %slice3A_1482 = vector.extract_strided_slice %get3A_1460 {offsets = [0, 0], sizes = [128, 16], strides = [1, 1]} : vector<128x128xf32> to vector<128x16xf32>
    %concatenate3A_1483 = tpu.concatenate %slice3A_1481, %slice3A_1482 in 1 : vector<128x112xf32>, vector<128x16xf32> -> vector<128x128xf32>
    %mul3A_1484 = arith.mulf %get3A_1460, %concatenate3A_1483 : vector<128x128xf32>
    %jit3A_1485 = arith.constant 0.000000e+00 : f32
    %broadcast_in_dim3A_1486 = vector.broadcast %jit3A_1485 : f32 to vector<128x128xf32>
    %select_n3A_1487 = arith.select %lt3A_18, %mul3A_1484, %broadcast_in_dim3A_1486 : vector<128x128xi1>, vector<128x128xf32>
    %reduce_sum3A_1488 = arith.constant dense<0.000000e+00> : vector<128xf32>
    %reduce_sum3A_1489 = vector.multi_reduction <add>, %select_n3A_1487, %reduce_sum3A_1488 [1] : vector<128x128xf32> to vector<128xf32>
    %broadcast_in_dim3A_1490 = vector.shape_cast %reduce_sum3A_1489 : vector<128xf32> to vector<128x1xf32>
    %add3A_1491 = arith.addf %add3A_1455, %broadcast_in_dim3A_1490 : vector<128x1xf32>
    %get3A_1492 = arith.constant 0 : index
    %get3A_1493 = arith.constant 41 : index
    %get3A_1494 = arith.constant 0 : index
    %get3A_1495 = vector.load %arg1[%get3A_1492, %get3A_1493, %get3A_1494] : memref<128x88x128xf32, #tpu.memory_space<vmem>>, vector<128x1x128xf32>
    %get3A_1496 = vector.shape_cast %get3A_1495 : vector<128x1x128xf32> to vector<128x128xf32>
    %get3A_1497 = arith.constant 0 : index
    %get3A_1498 = arith.constant 5248 : index
    %get3A_1499 = vector.load %arg3[%get3A_1497, %get3A_1498] : memref<13x10880xf32, #tpu.memory_space<vmem>>, vector<13x128xf32>
    %dot_general3A_1500 = arith.constant dense<0.000000e+00> : vector<128x128xf32>
    %dot_general3A_1501 = tpu.matmul %get3A_1, %get3A_1499, %dot_general3A_1500 {dimension_numbers = #tpu.dot_dimension_numbers<[1], [0], [0], [1], [0, 0, 1, 1], [], []>, transpose_lhs_hint = false} : vector<128x13xf32>, vector<13x128xf32>, vector<128x128xf32> -> vector<128x128xf32>
    %get3A_1502 = arith.constant 5248 : index
    %get3A_1503 = vector.load %arg4[%get3A_1502] : memref<10880xf32, #tpu.memory_space<vmem>>, vector<128xf32>
    %broadcast_in_dim3A_1504 = vector.shape_cast %get3A_1503 : vector<128xf32> to vector<1x128xf32>
    %add3A_1505 = vector.broadcast %broadcast_in_dim3A_1504 : vector<1x128xf32> to vector<128x128xf32>
    %add3A_1506 = arith.addf %dot_general3A_1501, %add3A_1505 : vector<128x128xf32>
    %max3A_1507 = arith.constant 0.000000e+00 : f32
    %max3A_1508 = vector.broadcast %max3A_1507 : f32 to vector<128x128xf32>
    %max3A_1509 = arith.maximumf %add3A_1506, %max3A_1508 : vector<128x128xf32>
    %add3A_1510 = arith.addf %get3A_1496, %max3A_1509 : vector<128x128xf32>
    %get3A_1511 = arith.constant 0 : index
    %get3A_1512 = arith.constant 5248 : index
    %get3A_1513 = vector.load %arg5[%get3A_1511, %get3A_1512] : memref<256x10880xf32, #tpu.memory_space<vmem>>, vector<256x128xf32>
    %dot_general3A_1514 = arith.constant dense<0.000000e+00> : vector<128x256xf32>
    %dot_general3A_1515 = tpu.matmul %add3A_1510, %get3A_1513, %dot_general3A_1514 {dimension_numbers = #tpu.dot_dimension_numbers<[1], [1], [0], [0], [0, 0, 1, 0], [], []>, transpose_lhs_hint = false} : vector<128x128xf32>, vector<256x128xf32>, vector<128x256xf32> -> vector<128x256xf32>
    %add3A_1516 = arith.addf %add3A_1480, %dot_general3A_1515 : vector<128x256xf32>
    %slice3A_1517 = vector.extract_strided_slice %get3A_1496 {offsets = [0, 16], sizes = [128, 112], strides = [1, 1]} : vector<128x128xf32> to vector<128x112xf32>
    %slice3A_1518 = vector.extract_strided_slice %get3A_1496 {offsets = [0, 0], sizes = [128, 16], strides = [1, 1]} : vector<128x128xf32> to vector<128x16xf32>
    %concatenate3A_1519 = tpu.concatenate %slice3A_1517, %slice3A_1518 in 1 : vector<128x112xf32>, vector<128x16xf32> -> vector<128x128xf32>
    %mul3A_1520 = arith.mulf %get3A_1496, %concatenate3A_1519 : vector<128x128xf32>
    %jit3A_1521 = arith.constant 0.000000e+00 : f32
    %broadcast_in_dim3A_1522 = vector.broadcast %jit3A_1521 : f32 to vector<128x128xf32>
    %select_n3A_1523 = arith.select %lt3A_18, %mul3A_1520, %broadcast_in_dim3A_1522 : vector<128x128xi1>, vector<128x128xf32>
    %reduce_sum3A_1524 = arith.constant dense<0.000000e+00> : vector<128xf32>
    %reduce_sum3A_1525 = vector.multi_reduction <add>, %select_n3A_1523, %reduce_sum3A_1524 [1] : vector<128x128xf32> to vector<128xf32>
    %broadcast_in_dim3A_1526 = vector.shape_cast %reduce_sum3A_1525 : vector<128xf32> to vector<128x1xf32>
    %add3A_1527 = arith.addf %add3A_1491, %broadcast_in_dim3A_1526 : vector<128x1xf32>
    %get3A_1528 = arith.constant 0 : index
    %get3A_1529 = arith.constant 42 : index
    %get3A_1530 = arith.constant 0 : index
    %get3A_1531 = vector.load %arg1[%get3A_1528, %get3A_1529, %get3A_1530] : memref<128x88x128xf32, #tpu.memory_space<vmem>>, vector<128x1x128xf32>
    %get3A_1532 = vector.shape_cast %get3A_1531 : vector<128x1x128xf32> to vector<128x128xf32>
    %get3A_1533 = arith.constant 0 : index
    %get3A_1534 = arith.constant 5376 : index
    %get3A_1535 = vector.load %arg3[%get3A_1533, %get3A_1534] : memref<13x10880xf32, #tpu.memory_space<vmem>>, vector<13x128xf32>
    %dot_general3A_1536 = arith.constant dense<0.000000e+00> : vector<128x128xf32>
    %dot_general3A_1537 = tpu.matmul %get3A_1, %get3A_1535, %dot_general3A_1536 {dimension_numbers = #tpu.dot_dimension_numbers<[1], [0], [0], [1], [0, 0, 1, 1], [], []>, transpose_lhs_hint = false} : vector<128x13xf32>, vector<13x128xf32>, vector<128x128xf32> -> vector<128x128xf32>
    %get3A_1538 = arith.constant 5376 : index
    %get3A_1539 = vector.load %arg4[%get3A_1538] : memref<10880xf32, #tpu.memory_space<vmem>>, vector<128xf32>
    %broadcast_in_dim3A_1540 = vector.shape_cast %get3A_1539 : vector<128xf32> to vector<1x128xf32>
    %add3A_1541 = vector.broadcast %broadcast_in_dim3A_1540 : vector<1x128xf32> to vector<128x128xf32>
    %add3A_1542 = arith.addf %dot_general3A_1537, %add3A_1541 : vector<128x128xf32>
    %max3A_1543 = arith.constant 0.000000e+00 : f32
    %max3A_1544 = vector.broadcast %max3A_1543 : f32 to vector<128x128xf32>
    %max3A_1545 = arith.maximumf %add3A_1542, %max3A_1544 : vector<128x128xf32>
    %add3A_1546 = arith.addf %get3A_1532, %max3A_1545 : vector<128x128xf32>
    %get3A_1547 = arith.constant 0 : index
    %get3A_1548 = arith.constant 5376 : index
    %get3A_1549 = vector.load %arg5[%get3A_1547, %get3A_1548] : memref<256x10880xf32, #tpu.memory_space<vmem>>, vector<256x128xf32>
    %dot_general3A_1550 = arith.constant dense<0.000000e+00> : vector<128x256xf32>
    %dot_general3A_1551 = tpu.matmul %add3A_1546, %get3A_1549, %dot_general3A_1550 {dimension_numbers = #tpu.dot_dimension_numbers<[1], [1], [0], [0], [0, 0, 1, 0], [], []>, transpose_lhs_hint = false} : vector<128x128xf32>, vector<256x128xf32>, vector<128x256xf32> -> vector<128x256xf32>
    %add3A_1552 = arith.addf %add3A_1516, %dot_general3A_1551 : vector<128x256xf32>
    %slice3A_1553 = vector.extract_strided_slice %get3A_1532 {offsets = [0, 16], sizes = [128, 112], strides = [1, 1]} : vector<128x128xf32> to vector<128x112xf32>
    %slice3A_1554 = vector.extract_strided_slice %get3A_1532 {offsets = [0, 0], sizes = [128, 16], strides = [1, 1]} : vector<128x128xf32> to vector<128x16xf32>
    %concatenate3A_1555 = tpu.concatenate %slice3A_1553, %slice3A_1554 in 1 : vector<128x112xf32>, vector<128x16xf32> -> vector<128x128xf32>
    %mul3A_1556 = arith.mulf %get3A_1532, %concatenate3A_1555 : vector<128x128xf32>
    %jit3A_1557 = arith.constant 0.000000e+00 : f32
    %broadcast_in_dim3A_1558 = vector.broadcast %jit3A_1557 : f32 to vector<128x128xf32>
    %select_n3A_1559 = arith.select %lt3A_18, %mul3A_1556, %broadcast_in_dim3A_1558 : vector<128x128xi1>, vector<128x128xf32>
    %reduce_sum3A_1560 = arith.constant dense<0.000000e+00> : vector<128xf32>
    %reduce_sum3A_1561 = vector.multi_reduction <add>, %select_n3A_1559, %reduce_sum3A_1560 [1] : vector<128x128xf32> to vector<128xf32>
    %broadcast_in_dim3A_1562 = vector.shape_cast %reduce_sum3A_1561 : vector<128xf32> to vector<128x1xf32>
    %add3A_1563 = arith.addf %add3A_1527, %broadcast_in_dim3A_1562 : vector<128x1xf32>
    %get3A_1564 = arith.constant 0 : index
    %get3A_1565 = arith.constant 43 : index
    %get3A_1566 = arith.constant 0 : index
    %get3A_1567 = vector.load %arg1[%get3A_1564, %get3A_1565, %get3A_1566] : memref<128x88x128xf32, #tpu.memory_space<vmem>>, vector<128x1x128xf32>
    %get3A_1568 = vector.shape_cast %get3A_1567 : vector<128x1x128xf32> to vector<128x128xf32>
    %get3A_1569 = arith.constant 0 : index
    %get3A_1570 = arith.constant 5504 : index
    %get3A_1571 = vector.load %arg3[%get3A_1569, %get3A_1570] : memref<13x10880xf32, #tpu.memory_space<vmem>>, vector<13x128xf32>
    %dot_general3A_1572 = arith.constant dense<0.000000e+00> : vector<128x128xf32>
    %dot_general3A_1573 = tpu.matmul %get3A_1, %get3A_1571, %dot_general3A_1572 {dimension_numbers = #tpu.dot_dimension_numbers<[1], [0], [0], [1], [0, 0, 1, 1], [], []>, transpose_lhs_hint = false} : vector<128x13xf32>, vector<13x128xf32>, vector<128x128xf32> -> vector<128x128xf32>
    %get3A_1574 = arith.constant 5504 : index
    %get3A_1575 = vector.load %arg4[%get3A_1574] : memref<10880xf32, #tpu.memory_space<vmem>>, vector<128xf32>
    %broadcast_in_dim3A_1576 = vector.shape_cast %get3A_1575 : vector<128xf32> to vector<1x128xf32>
    %add3A_1577 = vector.broadcast %broadcast_in_dim3A_1576 : vector<1x128xf32> to vector<128x128xf32>
    %add3A_1578 = arith.addf %dot_general3A_1573, %add3A_1577 : vector<128x128xf32>
    %max3A_1579 = arith.constant 0.000000e+00 : f32
    %max3A_1580 = vector.broadcast %max3A_1579 : f32 to vector<128x128xf32>
    %max3A_1581 = arith.maximumf %add3A_1578, %max3A_1580 : vector<128x128xf32>
    %add3A_1582 = arith.addf %get3A_1568, %max3A_1581 : vector<128x128xf32>
    %get3A_1583 = arith.constant 0 : index
    %get3A_1584 = arith.constant 5504 : index
    %get3A_1585 = vector.load %arg5[%get3A_1583, %get3A_1584] : memref<256x10880xf32, #tpu.memory_space<vmem>>, vector<256x128xf32>
    %dot_general3A_1586 = arith.constant dense<0.000000e+00> : vector<128x256xf32>
    %dot_general3A_1587 = tpu.matmul %add3A_1582, %get3A_1585, %dot_general3A_1586 {dimension_numbers = #tpu.dot_dimension_numbers<[1], [1], [0], [0], [0, 0, 1, 0], [], []>, transpose_lhs_hint = false} : vector<128x128xf32>, vector<256x128xf32>, vector<128x256xf32> -> vector<128x256xf32>
    %add3A_1588 = arith.addf %add3A_1552, %dot_general3A_1587 : vector<128x256xf32>
    %slice3A_1589 = vector.extract_strided_slice %get3A_1568 {offsets = [0, 16], sizes = [128, 112], strides = [1, 1]} : vector<128x128xf32> to vector<128x112xf32>
    %slice3A_1590 = vector.extract_strided_slice %get3A_1568 {offsets = [0, 0], sizes = [128, 16], strides = [1, 1]} : vector<128x128xf32> to vector<128x16xf32>
    %concatenate3A_1591 = tpu.concatenate %slice3A_1589, %slice3A_1590 in 1 : vector<128x112xf32>, vector<128x16xf32> -> vector<128x128xf32>
    %mul3A_1592 = arith.mulf %get3A_1568, %concatenate3A_1591 : vector<128x128xf32>
    %jit3A_1593 = arith.constant 0.000000e+00 : f32
    %broadcast_in_dim3A_1594 = vector.broadcast %jit3A_1593 : f32 to vector<128x128xf32>
    %select_n3A_1595 = arith.select %lt3A_18, %mul3A_1592, %broadcast_in_dim3A_1594 : vector<128x128xi1>, vector<128x128xf32>
    %reduce_sum3A_1596 = arith.constant dense<0.000000e+00> : vector<128xf32>
    %reduce_sum3A_1597 = vector.multi_reduction <add>, %select_n3A_1595, %reduce_sum3A_1596 [1] : vector<128x128xf32> to vector<128xf32>
    %broadcast_in_dim3A_1598 = vector.shape_cast %reduce_sum3A_1597 : vector<128xf32> to vector<128x1xf32>
    %add3A_1599 = arith.addf %add3A_1563, %broadcast_in_dim3A_1598 : vector<128x1xf32>
    %get3A_1600 = arith.constant 0 : index
    %get3A_1601 = arith.constant 44 : index
    %get3A_1602 = arith.constant 0 : index
    %get3A_1603 = vector.load %arg1[%get3A_1600, %get3A_1601, %get3A_1602] : memref<128x88x128xf32, #tpu.memory_space<vmem>>, vector<128x1x128xf32>
    %get3A_1604 = vector.shape_cast %get3A_1603 : vector<128x1x128xf32> to vector<128x128xf32>
    %get3A_1605 = arith.constant 0 : index
    %get3A_1606 = arith.constant 5632 : index
    %get3A_1607 = vector.load %arg3[%get3A_1605, %get3A_1606] : memref<13x10880xf32, #tpu.memory_space<vmem>>, vector<13x128xf32>
    %dot_general3A_1608 = arith.constant dense<0.000000e+00> : vector<128x128xf32>
    %dot_general3A_1609 = tpu.matmul %get3A_1, %get3A_1607, %dot_general3A_1608 {dimension_numbers = #tpu.dot_dimension_numbers<[1], [0], [0], [1], [0, 0, 1, 1], [], []>, transpose_lhs_hint = false} : vector<128x13xf32>, vector<13x128xf32>, vector<128x128xf32> -> vector<128x128xf32>
    %get3A_1610 = arith.constant 5632 : index
    %get3A_1611 = vector.load %arg4[%get3A_1610] : memref<10880xf32, #tpu.memory_space<vmem>>, vector<128xf32>
    %broadcast_in_dim3A_1612 = vector.shape_cast %get3A_1611 : vector<128xf32> to vector<1x128xf32>
    %add3A_1613 = vector.broadcast %broadcast_in_dim3A_1612 : vector<1x128xf32> to vector<128x128xf32>
    %add3A_1614 = arith.addf %dot_general3A_1609, %add3A_1613 : vector<128x128xf32>
    %max3A_1615 = arith.constant 0.000000e+00 : f32
    %max3A_1616 = vector.broadcast %max3A_1615 : f32 to vector<128x128xf32>
    %max3A_1617 = arith.maximumf %add3A_1614, %max3A_1616 : vector<128x128xf32>
    %add3A_1618 = arith.addf %get3A_1604, %max3A_1617 : vector<128x128xf32>
    %get3A_1619 = arith.constant 0 : index
    %get3A_1620 = arith.constant 5632 : index
    %get3A_1621 = vector.load %arg5[%get3A_1619, %get3A_1620] : memref<256x10880xf32, #tpu.memory_space<vmem>>, vector<256x128xf32>
    %dot_general3A_1622 = arith.constant dense<0.000000e+00> : vector<128x256xf32>
    %dot_general3A_1623 = tpu.matmul %add3A_1618, %get3A_1621, %dot_general3A_1622 {dimension_numbers = #tpu.dot_dimension_numbers<[1], [1], [0], [0], [0, 0, 1, 0], [], []>, transpose_lhs_hint = false} : vector<128x128xf32>, vector<256x128xf32>, vector<128x256xf32> -> vector<128x256xf32>
    %add3A_1624 = arith.addf %add3A_1588, %dot_general3A_1623 : vector<128x256xf32>
    %slice3A_1625 = vector.extract_strided_slice %get3A_1604 {offsets = [0, 16], sizes = [128, 112], strides = [1, 1]} : vector<128x128xf32> to vector<128x112xf32>
    %slice3A_1626 = vector.extract_strided_slice %get3A_1604 {offsets = [0, 0], sizes = [128, 16], strides = [1, 1]} : vector<128x128xf32> to vector<128x16xf32>
    %concatenate3A_1627 = tpu.concatenate %slice3A_1625, %slice3A_1626 in 1 : vector<128x112xf32>, vector<128x16xf32> -> vector<128x128xf32>
    %mul3A_1628 = arith.mulf %get3A_1604, %concatenate3A_1627 : vector<128x128xf32>
    %jit3A_1629 = arith.constant 0.000000e+00 : f32
    %broadcast_in_dim3A_1630 = vector.broadcast %jit3A_1629 : f32 to vector<128x128xf32>
    %select_n3A_1631 = arith.select %lt3A_18, %mul3A_1628, %broadcast_in_dim3A_1630 : vector<128x128xi1>, vector<128x128xf32>
    %reduce_sum3A_1632 = arith.constant dense<0.000000e+00> : vector<128xf32>
    %reduce_sum3A_1633 = vector.multi_reduction <add>, %select_n3A_1631, %reduce_sum3A_1632 [1] : vector<128x128xf32> to vector<128xf32>
    %broadcast_in_dim3A_1634 = vector.shape_cast %reduce_sum3A_1633 : vector<128xf32> to vector<128x1xf32>
    %add3A_1635 = arith.addf %add3A_1599, %broadcast_in_dim3A_1634 : vector<128x1xf32>
    %get3A_1636 = arith.constant 0 : index
    %get3A_1637 = arith.constant 45 : index
    %get3A_1638 = arith.constant 0 : index
    %get3A_1639 = vector.load %arg1[%get3A_1636, %get3A_1637, %get3A_1638] : memref<128x88x128xf32, #tpu.memory_space<vmem>>, vector<128x1x128xf32>
    %get3A_1640 = vector.shape_cast %get3A_1639 : vector<128x1x128xf32> to vector<128x128xf32>
    %get3A_1641 = arith.constant 0 : index
    %get3A_1642 = arith.constant 5760 : index
    %get3A_1643 = vector.load %arg3[%get3A_1641, %get3A_1642] : memref<13x10880xf32, #tpu.memory_space<vmem>>, vector<13x128xf32>
    %dot_general3A_1644 = arith.constant dense<0.000000e+00> : vector<128x128xf32>
    %dot_general3A_1645 = tpu.matmul %get3A_1, %get3A_1643, %dot_general3A_1644 {dimension_numbers = #tpu.dot_dimension_numbers<[1], [0], [0], [1], [0, 0, 1, 1], [], []>, transpose_lhs_hint = false} : vector<128x13xf32>, vector<13x128xf32>, vector<128x128xf32> -> vector<128x128xf32>
    %get3A_1646 = arith.constant 5760 : index
    %get3A_1647 = vector.load %arg4[%get3A_1646] : memref<10880xf32, #tpu.memory_space<vmem>>, vector<128xf32>
    %broadcast_in_dim3A_1648 = vector.shape_cast %get3A_1647 : vector<128xf32> to vector<1x128xf32>
    %add3A_1649 = vector.broadcast %broadcast_in_dim3A_1648 : vector<1x128xf32> to vector<128x128xf32>
    %add3A_1650 = arith.addf %dot_general3A_1645, %add3A_1649 : vector<128x128xf32>
    %max3A_1651 = arith.constant 0.000000e+00 : f32
    %max3A_1652 = vector.broadcast %max3A_1651 : f32 to vector<128x128xf32>
    %max3A_1653 = arith.maximumf %add3A_1650, %max3A_1652 : vector<128x128xf32>
    %add3A_1654 = arith.addf %get3A_1640, %max3A_1653 : vector<128x128xf32>
    %get3A_1655 = arith.constant 0 : index
    %get3A_1656 = arith.constant 5760 : index
    %get3A_1657 = vector.load %arg5[%get3A_1655, %get3A_1656] : memref<256x10880xf32, #tpu.memory_space<vmem>>, vector<256x128xf32>
    %dot_general3A_1658 = arith.constant dense<0.000000e+00> : vector<128x256xf32>
    %dot_general3A_1659 = tpu.matmul %add3A_1654, %get3A_1657, %dot_general3A_1658 {dimension_numbers = #tpu.dot_dimension_numbers<[1], [1], [0], [0], [0, 0, 1, 0], [], []>, transpose_lhs_hint = false} : vector<128x128xf32>, vector<256x128xf32>, vector<128x256xf32> -> vector<128x256xf32>
    %add3A_1660 = arith.addf %add3A_1624, %dot_general3A_1659 : vector<128x256xf32>
    %slice3A_1661 = vector.extract_strided_slice %get3A_1640 {offsets = [0, 16], sizes = [128, 112], strides = [1, 1]} : vector<128x128xf32> to vector<128x112xf32>
    %slice3A_1662 = vector.extract_strided_slice %get3A_1640 {offsets = [0, 0], sizes = [128, 16], strides = [1, 1]} : vector<128x128xf32> to vector<128x16xf32>
    %concatenate3A_1663 = tpu.concatenate %slice3A_1661, %slice3A_1662 in 1 : vector<128x112xf32>, vector<128x16xf32> -> vector<128x128xf32>
    %mul3A_1664 = arith.mulf %get3A_1640, %concatenate3A_1663 : vector<128x128xf32>
    %jit3A_1665 = arith.constant 0.000000e+00 : f32
    %broadcast_in_dim3A_1666 = vector.broadcast %jit3A_1665 : f32 to vector<128x128xf32>
    %select_n3A_1667 = arith.select %lt3A_18, %mul3A_1664, %broadcast_in_dim3A_1666 : vector<128x128xi1>, vector<128x128xf32>
    %reduce_sum3A_1668 = arith.constant dense<0.000000e+00> : vector<128xf32>
    %reduce_sum3A_1669 = vector.multi_reduction <add>, %select_n3A_1667, %reduce_sum3A_1668 [1] : vector<128x128xf32> to vector<128xf32>
    %broadcast_in_dim3A_1670 = vector.shape_cast %reduce_sum3A_1669 : vector<128xf32> to vector<128x1xf32>
    %add3A_1671 = arith.addf %add3A_1635, %broadcast_in_dim3A_1670 : vector<128x1xf32>
    %get3A_1672 = arith.constant 0 : index
    %get3A_1673 = arith.constant 46 : index
    %get3A_1674 = arith.constant 0 : index
    %get3A_1675 = vector.load %arg1[%get3A_1672, %get3A_1673, %get3A_1674] : memref<128x88x128xf32, #tpu.memory_space<vmem>>, vector<128x1x128xf32>
    %get3A_1676 = vector.shape_cast %get3A_1675 : vector<128x1x128xf32> to vector<128x128xf32>
    %get3A_1677 = arith.constant 0 : index
    %get3A_1678 = arith.constant 5888 : index
    %get3A_1679 = vector.load %arg3[%get3A_1677, %get3A_1678] : memref<13x10880xf32, #tpu.memory_space<vmem>>, vector<13x128xf32>
    %dot_general3A_1680 = arith.constant dense<0.000000e+00> : vector<128x128xf32>
    %dot_general3A_1681 = tpu.matmul %get3A_1, %get3A_1679, %dot_general3A_1680 {dimension_numbers = #tpu.dot_dimension_numbers<[1], [0], [0], [1], [0, 0, 1, 1], [], []>, transpose_lhs_hint = false} : vector<128x13xf32>, vector<13x128xf32>, vector<128x128xf32> -> vector<128x128xf32>
    %get3A_1682 = arith.constant 5888 : index
    %get3A_1683 = vector.load %arg4[%get3A_1682] : memref<10880xf32, #tpu.memory_space<vmem>>, vector<128xf32>
    %broadcast_in_dim3A_1684 = vector.shape_cast %get3A_1683 : vector<128xf32> to vector<1x128xf32>
    %add3A_1685 = vector.broadcast %broadcast_in_dim3A_1684 : vector<1x128xf32> to vector<128x128xf32>
    %add3A_1686 = arith.addf %dot_general3A_1681, %add3A_1685 : vector<128x128xf32>
    %max3A_1687 = arith.constant 0.000000e+00 : f32
    %max3A_1688 = vector.broadcast %max3A_1687 : f32 to vector<128x128xf32>
    %max3A_1689 = arith.maximumf %add3A_1686, %max3A_1688 : vector<128x128xf32>
    %add3A_1690 = arith.addf %get3A_1676, %max3A_1689 : vector<128x128xf32>
    %get3A_1691 = arith.constant 0 : index
    %get3A_1692 = arith.constant 5888 : index
    %get3A_1693 = vector.load %arg5[%get3A_1691, %get3A_1692] : memref<256x10880xf32, #tpu.memory_space<vmem>>, vector<256x128xf32>
    %dot_general3A_1694 = arith.constant dense<0.000000e+00> : vector<128x256xf32>
    %dot_general3A_1695 = tpu.matmul %add3A_1690, %get3A_1693, %dot_general3A_1694 {dimension_numbers = #tpu.dot_dimension_numbers<[1], [1], [0], [0], [0, 0, 1, 0], [], []>, transpose_lhs_hint = false} : vector<128x128xf32>, vector<256x128xf32>, vector<128x256xf32> -> vector<128x256xf32>
    %add3A_1696 = arith.addf %add3A_1660, %dot_general3A_1695 : vector<128x256xf32>
    %slice3A_1697 = vector.extract_strided_slice %get3A_1676 {offsets = [0, 16], sizes = [128, 112], strides = [1, 1]} : vector<128x128xf32> to vector<128x112xf32>
    %slice3A_1698 = vector.extract_strided_slice %get3A_1676 {offsets = [0, 0], sizes = [128, 16], strides = [1, 1]} : vector<128x128xf32> to vector<128x16xf32>
    %concatenate3A_1699 = tpu.concatenate %slice3A_1697, %slice3A_1698 in 1 : vector<128x112xf32>, vector<128x16xf32> -> vector<128x128xf32>
    %mul3A_1700 = arith.mulf %get3A_1676, %concatenate3A_1699 : vector<128x128xf32>
    %jit3A_1701 = arith.constant 0.000000e+00 : f32
    %broadcast_in_dim3A_1702 = vector.broadcast %jit3A_1701 : f32 to vector<128x128xf32>
    %select_n3A_1703 = arith.select %lt3A_18, %mul3A_1700, %broadcast_in_dim3A_1702 : vector<128x128xi1>, vector<128x128xf32>
    %reduce_sum3A_1704 = arith.constant dense<0.000000e+00> : vector<128xf32>
    %reduce_sum3A_1705 = vector.multi_reduction <add>, %select_n3A_1703, %reduce_sum3A_1704 [1] : vector<128x128xf32> to vector<128xf32>
    %broadcast_in_dim3A_1706 = vector.shape_cast %reduce_sum3A_1705 : vector<128xf32> to vector<128x1xf32>
    %add3A_1707 = arith.addf %add3A_1671, %broadcast_in_dim3A_1706 : vector<128x1xf32>
    %get3A_1708 = arith.constant 0 : index
    %get3A_1709 = arith.constant 47 : index
    %get3A_1710 = arith.constant 0 : index
    %get3A_1711 = vector.load %arg1[%get3A_1708, %get3A_1709, %get3A_1710] : memref<128x88x128xf32, #tpu.memory_space<vmem>>, vector<128x1x128xf32>
    %get3A_1712 = vector.shape_cast %get3A_1711 : vector<128x1x128xf32> to vector<128x128xf32>
    %get3A_1713 = arith.constant 0 : index
    %get3A_1714 = arith.constant 6016 : index
    %get3A_1715 = vector.load %arg3[%get3A_1713, %get3A_1714] : memref<13x10880xf32, #tpu.memory_space<vmem>>, vector<13x128xf32>
    %dot_general3A_1716 = arith.constant dense<0.000000e+00> : vector<128x128xf32>
    %dot_general3A_1717 = tpu.matmul %get3A_1, %get3A_1715, %dot_general3A_1716 {dimension_numbers = #tpu.dot_dimension_numbers<[1], [0], [0], [1], [0, 0, 1, 1], [], []>, transpose_lhs_hint = false} : vector<128x13xf32>, vector<13x128xf32>, vector<128x128xf32> -> vector<128x128xf32>
    %get3A_1718 = arith.constant 6016 : index
    %get3A_1719 = vector.load %arg4[%get3A_1718] : memref<10880xf32, #tpu.memory_space<vmem>>, vector<128xf32>
    %broadcast_in_dim3A_1720 = vector.shape_cast %get3A_1719 : vector<128xf32> to vector<1x128xf32>
    %add3A_1721 = vector.broadcast %broadcast_in_dim3A_1720 : vector<1x128xf32> to vector<128x128xf32>
    %add3A_1722 = arith.addf %dot_general3A_1717, %add3A_1721 : vector<128x128xf32>
    %max3A_1723 = arith.constant 0.000000e+00 : f32
    %max3A_1724 = vector.broadcast %max3A_1723 : f32 to vector<128x128xf32>
    %max3A_1725 = arith.maximumf %add3A_1722, %max3A_1724 : vector<128x128xf32>
    %add3A_1726 = arith.addf %get3A_1712, %max3A_1725 : vector<128x128xf32>
    %get3A_1727 = arith.constant 0 : index
    %get3A_1728 = arith.constant 6016 : index
    %get3A_1729 = vector.load %arg5[%get3A_1727, %get3A_1728] : memref<256x10880xf32, #tpu.memory_space<vmem>>, vector<256x128xf32>
    %dot_general3A_1730 = arith.constant dense<0.000000e+00> : vector<128x256xf32>
    %dot_general3A_1731 = tpu.matmul %add3A_1726, %get3A_1729, %dot_general3A_1730 {dimension_numbers = #tpu.dot_dimension_numbers<[1], [1], [0], [0], [0, 0, 1, 0], [], []>, transpose_lhs_hint = false} : vector<128x128xf32>, vector<256x128xf32>, vector<128x256xf32> -> vector<128x256xf32>
    %add3A_1732 = arith.addf %add3A_1696, %dot_general3A_1731 : vector<128x256xf32>
    %slice3A_1733 = vector.extract_strided_slice %get3A_1712 {offsets = [0, 16], sizes = [128, 112], strides = [1, 1]} : vector<128x128xf32> to vector<128x112xf32>
    %slice3A_1734 = vector.extract_strided_slice %get3A_1712 {offsets = [0, 0], sizes = [128, 16], strides = [1, 1]} : vector<128x128xf32> to vector<128x16xf32>
    %concatenate3A_1735 = tpu.concatenate %slice3A_1733, %slice3A_1734 in 1 : vector<128x112xf32>, vector<128x16xf32> -> vector<128x128xf32>
    %mul3A_1736 = arith.mulf %get3A_1712, %concatenate3A_1735 : vector<128x128xf32>
    %jit3A_1737 = arith.constant 0.000000e+00 : f32
    %broadcast_in_dim3A_1738 = vector.broadcast %jit3A_1737 : f32 to vector<128x128xf32>
    %select_n3A_1739 = arith.select %lt3A_18, %mul3A_1736, %broadcast_in_dim3A_1738 : vector<128x128xi1>, vector<128x128xf32>
    %reduce_sum3A_1740 = arith.constant dense<0.000000e+00> : vector<128xf32>
    %reduce_sum3A_1741 = vector.multi_reduction <add>, %select_n3A_1739, %reduce_sum3A_1740 [1] : vector<128x128xf32> to vector<128xf32>
    %broadcast_in_dim3A_1742 = vector.shape_cast %reduce_sum3A_1741 : vector<128xf32> to vector<128x1xf32>
    %add3A_1743 = arith.addf %add3A_1707, %broadcast_in_dim3A_1742 : vector<128x1xf32>
    %get3A_1744 = arith.constant 0 : index
    %get3A_1745 = arith.constant 48 : index
    %get3A_1746 = arith.constant 0 : index
    %get3A_1747 = vector.load %arg1[%get3A_1744, %get3A_1745, %get3A_1746] : memref<128x88x128xf32, #tpu.memory_space<vmem>>, vector<128x1x128xf32>
    %get3A_1748 = vector.shape_cast %get3A_1747 : vector<128x1x128xf32> to vector<128x128xf32>
    %get3A_1749 = arith.constant 0 : index
    %get3A_1750 = arith.constant 6144 : index
    %get3A_1751 = vector.load %arg3[%get3A_1749, %get3A_1750] : memref<13x10880xf32, #tpu.memory_space<vmem>>, vector<13x128xf32>
    %dot_general3A_1752 = arith.constant dense<0.000000e+00> : vector<128x128xf32>
    %dot_general3A_1753 = tpu.matmul %get3A_1, %get3A_1751, %dot_general3A_1752 {dimension_numbers = #tpu.dot_dimension_numbers<[1], [0], [0], [1], [0, 0, 1, 1], [], []>, transpose_lhs_hint = false} : vector<128x13xf32>, vector<13x128xf32>, vector<128x128xf32> -> vector<128x128xf32>
    %get3A_1754 = arith.constant 6144 : index
    %get3A_1755 = vector.load %arg4[%get3A_1754] : memref<10880xf32, #tpu.memory_space<vmem>>, vector<128xf32>
    %broadcast_in_dim3A_1756 = vector.shape_cast %get3A_1755 : vector<128xf32> to vector<1x128xf32>
    %add3A_1757 = vector.broadcast %broadcast_in_dim3A_1756 : vector<1x128xf32> to vector<128x128xf32>
    %add3A_1758 = arith.addf %dot_general3A_1753, %add3A_1757 : vector<128x128xf32>
    %max3A_1759 = arith.constant 0.000000e+00 : f32
    %max3A_1760 = vector.broadcast %max3A_1759 : f32 to vector<128x128xf32>
    %max3A_1761 = arith.maximumf %add3A_1758, %max3A_1760 : vector<128x128xf32>
    %add3A_1762 = arith.addf %get3A_1748, %max3A_1761 : vector<128x128xf32>
    %get3A_1763 = arith.constant 0 : index
    %get3A_1764 = arith.constant 6144 : index
    %get3A_1765 = vector.load %arg5[%get3A_1763, %get3A_1764] : memref<256x10880xf32, #tpu.memory_space<vmem>>, vector<256x128xf32>
    %dot_general3A_1766 = arith.constant dense<0.000000e+00> : vector<128x256xf32>
    %dot_general3A_1767 = tpu.matmul %add3A_1762, %get3A_1765, %dot_general3A_1766 {dimension_numbers = #tpu.dot_dimension_numbers<[1], [1], [0], [0], [0, 0, 1, 0], [], []>, transpose_lhs_hint = false} : vector<128x128xf32>, vector<256x128xf32>, vector<128x256xf32> -> vector<128x256xf32>
    %add3A_1768 = arith.addf %add3A_1732, %dot_general3A_1767 : vector<128x256xf32>
    %slice3A_1769 = vector.extract_strided_slice %get3A_1748 {offsets = [0, 16], sizes = [128, 112], strides = [1, 1]} : vector<128x128xf32> to vector<128x112xf32>
    %slice3A_1770 = vector.extract_strided_slice %get3A_1748 {offsets = [0, 0], sizes = [128, 16], strides = [1, 1]} : vector<128x128xf32> to vector<128x16xf32>
    %concatenate3A_1771 = tpu.concatenate %slice3A_1769, %slice3A_1770 in 1 : vector<128x112xf32>, vector<128x16xf32> -> vector<128x128xf32>
    %mul3A_1772 = arith.mulf %get3A_1748, %concatenate3A_1771 : vector<128x128xf32>
    %jit3A_1773 = arith.constant 0.000000e+00 : f32
    %broadcast_in_dim3A_1774 = vector.broadcast %jit3A_1773 : f32 to vector<128x128xf32>
    %select_n3A_1775 = arith.select %lt3A_18, %mul3A_1772, %broadcast_in_dim3A_1774 : vector<128x128xi1>, vector<128x128xf32>
    %reduce_sum3A_1776 = arith.constant dense<0.000000e+00> : vector<128xf32>
    %reduce_sum3A_1777 = vector.multi_reduction <add>, %select_n3A_1775, %reduce_sum3A_1776 [1] : vector<128x128xf32> to vector<128xf32>
    %broadcast_in_dim3A_1778 = vector.shape_cast %reduce_sum3A_1777 : vector<128xf32> to vector<128x1xf32>
    %add3A_1779 = arith.addf %add3A_1743, %broadcast_in_dim3A_1778 : vector<128x1xf32>
    %get3A_1780 = arith.constant 0 : index
    %get3A_1781 = arith.constant 49 : index
    %get3A_1782 = arith.constant 0 : index
    %get3A_1783 = vector.load %arg1[%get3A_1780, %get3A_1781, %get3A_1782] : memref<128x88x128xf32, #tpu.memory_space<vmem>>, vector<128x1x128xf32>
    %get3A_1784 = vector.shape_cast %get3A_1783 : vector<128x1x128xf32> to vector<128x128xf32>
    %get3A_1785 = arith.constant 0 : index
    %get3A_1786 = arith.constant 6272 : index
    %get3A_1787 = vector.load %arg3[%get3A_1785, %get3A_1786] : memref<13x10880xf32, #tpu.memory_space<vmem>>, vector<13x128xf32>
    %dot_general3A_1788 = arith.constant dense<0.000000e+00> : vector<128x128xf32>
    %dot_general3A_1789 = tpu.matmul %get3A_1, %get3A_1787, %dot_general3A_1788 {dimension_numbers = #tpu.dot_dimension_numbers<[1], [0], [0], [1], [0, 0, 1, 1], [], []>, transpose_lhs_hint = false} : vector<128x13xf32>, vector<13x128xf32>, vector<128x128xf32> -> vector<128x128xf32>
    %get3A_1790 = arith.constant 6272 : index
    %get3A_1791 = vector.load %arg4[%get3A_1790] : memref<10880xf32, #tpu.memory_space<vmem>>, vector<128xf32>
    %broadcast_in_dim3A_1792 = vector.shape_cast %get3A_1791 : vector<128xf32> to vector<1x128xf32>
    %add3A_1793 = vector.broadcast %broadcast_in_dim3A_1792 : vector<1x128xf32> to vector<128x128xf32>
    %add3A_1794 = arith.addf %dot_general3A_1789, %add3A_1793 : vector<128x128xf32>
    %max3A_1795 = arith.constant 0.000000e+00 : f32
    %max3A_1796 = vector.broadcast %max3A_1795 : f32 to vector<128x128xf32>
    %max3A_1797 = arith.maximumf %add3A_1794, %max3A_1796 : vector<128x128xf32>
    %add3A_1798 = arith.addf %get3A_1784, %max3A_1797 : vector<128x128xf32>
    %get3A_1799 = arith.constant 0 : index
    %get3A_1800 = arith.constant 6272 : index
    %get3A_1801 = vector.load %arg5[%get3A_1799, %get3A_1800] : memref<256x10880xf32, #tpu.memory_space<vmem>>, vector<256x128xf32>
    %dot_general3A_1802 = arith.constant dense<0.000000e+00> : vector<128x256xf32>
    %dot_general3A_1803 = tpu.matmul %add3A_1798, %get3A_1801, %dot_general3A_1802 {dimension_numbers = #tpu.dot_dimension_numbers<[1], [1], [0], [0], [0, 0, 1, 0], [], []>, transpose_lhs_hint = false} : vector<128x128xf32>, vector<256x128xf32>, vector<128x256xf32> -> vector<128x256xf32>
    %add3A_1804 = arith.addf %add3A_1768, %dot_general3A_1803 : vector<128x256xf32>
    %slice3A_1805 = vector.extract_strided_slice %get3A_1784 {offsets = [0, 16], sizes = [128, 112], strides = [1, 1]} : vector<128x128xf32> to vector<128x112xf32>
    %slice3A_1806 = vector.extract_strided_slice %get3A_1784 {offsets = [0, 0], sizes = [128, 16], strides = [1, 1]} : vector<128x128xf32> to vector<128x16xf32>
    %concatenate3A_1807 = tpu.concatenate %slice3A_1805, %slice3A_1806 in 1 : vector<128x112xf32>, vector<128x16xf32> -> vector<128x128xf32>
    %mul3A_1808 = arith.mulf %get3A_1784, %concatenate3A_1807 : vector<128x128xf32>
    %jit3A_1809 = arith.constant 0.000000e+00 : f32
    %broadcast_in_dim3A_1810 = vector.broadcast %jit3A_1809 : f32 to vector<128x128xf32>
    %select_n3A_1811 = arith.select %lt3A_18, %mul3A_1808, %broadcast_in_dim3A_1810 : vector<128x128xi1>, vector<128x128xf32>
    %reduce_sum3A_1812 = arith.constant dense<0.000000e+00> : vector<128xf32>
    %reduce_sum3A_1813 = vector.multi_reduction <add>, %select_n3A_1811, %reduce_sum3A_1812 [1] : vector<128x128xf32> to vector<128xf32>
    %broadcast_in_dim3A_1814 = vector.shape_cast %reduce_sum3A_1813 : vector<128xf32> to vector<128x1xf32>
    %add3A_1815 = arith.addf %add3A_1779, %broadcast_in_dim3A_1814 : vector<128x1xf32>
    %get3A_1816 = arith.constant 0 : index
    %get3A_1817 = arith.constant 50 : index
    %get3A_1818 = arith.constant 0 : index
    %get3A_1819 = vector.load %arg1[%get3A_1816, %get3A_1817, %get3A_1818] : memref<128x88x128xf32, #tpu.memory_space<vmem>>, vector<128x1x128xf32>
    %get3A_1820 = vector.shape_cast %get3A_1819 : vector<128x1x128xf32> to vector<128x128xf32>
    %get3A_1821 = arith.constant 0 : index
    %get3A_1822 = arith.constant 6400 : index
    %get3A_1823 = vector.load %arg3[%get3A_1821, %get3A_1822] : memref<13x10880xf32, #tpu.memory_space<vmem>>, vector<13x128xf32>
    %dot_general3A_1824 = arith.constant dense<0.000000e+00> : vector<128x128xf32>
    %dot_general3A_1825 = tpu.matmul %get3A_1, %get3A_1823, %dot_general3A_1824 {dimension_numbers = #tpu.dot_dimension_numbers<[1], [0], [0], [1], [0, 0, 1, 1], [], []>, transpose_lhs_hint = false} : vector<128x13xf32>, vector<13x128xf32>, vector<128x128xf32> -> vector<128x128xf32>
    %get3A_1826 = arith.constant 6400 : index
    %get3A_1827 = vector.load %arg4[%get3A_1826] : memref<10880xf32, #tpu.memory_space<vmem>>, vector<128xf32>
    %broadcast_in_dim3A_1828 = vector.shape_cast %get3A_1827 : vector<128xf32> to vector<1x128xf32>
    %add3A_1829 = vector.broadcast %broadcast_in_dim3A_1828 : vector<1x128xf32> to vector<128x128xf32>
    %add3A_1830 = arith.addf %dot_general3A_1825, %add3A_1829 : vector<128x128xf32>
    %max3A_1831 = arith.constant 0.000000e+00 : f32
    %max3A_1832 = vector.broadcast %max3A_1831 : f32 to vector<128x128xf32>
    %max3A_1833 = arith.maximumf %add3A_1830, %max3A_1832 : vector<128x128xf32>
    %add3A_1834 = arith.addf %get3A_1820, %max3A_1833 : vector<128x128xf32>
    %get3A_1835 = arith.constant 0 : index
    %get3A_1836 = arith.constant 6400 : index
    %get3A_1837 = vector.load %arg5[%get3A_1835, %get3A_1836] : memref<256x10880xf32, #tpu.memory_space<vmem>>, vector<256x128xf32>
    %dot_general3A_1838 = arith.constant dense<0.000000e+00> : vector<128x256xf32>
    %dot_general3A_1839 = tpu.matmul %add3A_1834, %get3A_1837, %dot_general3A_1838 {dimension_numbers = #tpu.dot_dimension_numbers<[1], [1], [0], [0], [0, 0, 1, 0], [], []>, transpose_lhs_hint = false} : vector<128x128xf32>, vector<256x128xf32>, vector<128x256xf32> -> vector<128x256xf32>
    %add3A_1840 = arith.addf %add3A_1804, %dot_general3A_1839 : vector<128x256xf32>
    %slice3A_1841 = vector.extract_strided_slice %get3A_1820 {offsets = [0, 16], sizes = [128, 112], strides = [1, 1]} : vector<128x128xf32> to vector<128x112xf32>
    %slice3A_1842 = vector.extract_strided_slice %get3A_1820 {offsets = [0, 0], sizes = [128, 16], strides = [1, 1]} : vector<128x128xf32> to vector<128x16xf32>
    %concatenate3A_1843 = tpu.concatenate %slice3A_1841, %slice3A_1842 in 1 : vector<128x112xf32>, vector<128x16xf32> -> vector<128x128xf32>
    %mul3A_1844 = arith.mulf %get3A_1820, %concatenate3A_1843 : vector<128x128xf32>
    %jit3A_1845 = arith.constant 0.000000e+00 : f32
    %broadcast_in_dim3A_1846 = vector.broadcast %jit3A_1845 : f32 to vector<128x128xf32>
    %select_n3A_1847 = arith.select %lt3A_18, %mul3A_1844, %broadcast_in_dim3A_1846 : vector<128x128xi1>, vector<128x128xf32>
    %reduce_sum3A_1848 = arith.constant dense<0.000000e+00> : vector<128xf32>
    %reduce_sum3A_1849 = vector.multi_reduction <add>, %select_n3A_1847, %reduce_sum3A_1848 [1] : vector<128x128xf32> to vector<128xf32>
    %broadcast_in_dim3A_1850 = vector.shape_cast %reduce_sum3A_1849 : vector<128xf32> to vector<128x1xf32>
    %add3A_1851 = arith.addf %add3A_1815, %broadcast_in_dim3A_1850 : vector<128x1xf32>
    %get3A_1852 = arith.constant 0 : index
    %get3A_1853 = arith.constant 51 : index
    %get3A_1854 = arith.constant 0 : index
    %get3A_1855 = vector.load %arg1[%get3A_1852, %get3A_1853, %get3A_1854] : memref<128x88x128xf32, #tpu.memory_space<vmem>>, vector<128x1x128xf32>
    %get3A_1856 = vector.shape_cast %get3A_1855 : vector<128x1x128xf32> to vector<128x128xf32>
    %get3A_1857 = arith.constant 0 : index
    %get3A_1858 = arith.constant 6528 : index
    %get3A_1859 = vector.load %arg3[%get3A_1857, %get3A_1858] : memref<13x10880xf32, #tpu.memory_space<vmem>>, vector<13x128xf32>
    %dot_general3A_1860 = arith.constant dense<0.000000e+00> : vector<128x128xf32>
    %dot_general3A_1861 = tpu.matmul %get3A_1, %get3A_1859, %dot_general3A_1860 {dimension_numbers = #tpu.dot_dimension_numbers<[1], [0], [0], [1], [0, 0, 1, 1], [], []>, transpose_lhs_hint = false} : vector<128x13xf32>, vector<13x128xf32>, vector<128x128xf32> -> vector<128x128xf32>
    %get3A_1862 = arith.constant 6528 : index
    %get3A_1863 = vector.load %arg4[%get3A_1862] : memref<10880xf32, #tpu.memory_space<vmem>>, vector<128xf32>
    %broadcast_in_dim3A_1864 = vector.shape_cast %get3A_1863 : vector<128xf32> to vector<1x128xf32>
    %add3A_1865 = vector.broadcast %broadcast_in_dim3A_1864 : vector<1x128xf32> to vector<128x128xf32>
    %add3A_1866 = arith.addf %dot_general3A_1861, %add3A_1865 : vector<128x128xf32>
    %max3A_1867 = arith.constant 0.000000e+00 : f32
    %max3A_1868 = vector.broadcast %max3A_1867 : f32 to vector<128x128xf32>
    %max3A_1869 = arith.maximumf %add3A_1866, %max3A_1868 : vector<128x128xf32>
    %add3A_1870 = arith.addf %get3A_1856, %max3A_1869 : vector<128x128xf32>
    %get3A_1871 = arith.constant 0 : index
    %get3A_1872 = arith.constant 6528 : index
    %get3A_1873 = vector.load %arg5[%get3A_1871, %get3A_1872] : memref<256x10880xf32, #tpu.memory_space<vmem>>, vector<256x128xf32>
    %dot_general3A_1874 = arith.constant dense<0.000000e+00> : vector<128x256xf32>
    %dot_general3A_1875 = tpu.matmul %add3A_1870, %get3A_1873, %dot_general3A_1874 {dimension_numbers = #tpu.dot_dimension_numbers<[1], [1], [0], [0], [0, 0, 1, 0], [], []>, transpose_lhs_hint = false} : vector<128x128xf32>, vector<256x128xf32>, vector<128x256xf32> -> vector<128x256xf32>
    %add3A_1876 = arith.addf %add3A_1840, %dot_general3A_1875 : vector<128x256xf32>
    %slice3A_1877 = vector.extract_strided_slice %get3A_1856 {offsets = [0, 16], sizes = [128, 112], strides = [1, 1]} : vector<128x128xf32> to vector<128x112xf32>
    %slice3A_1878 = vector.extract_strided_slice %get3A_1856 {offsets = [0, 0], sizes = [128, 16], strides = [1, 1]} : vector<128x128xf32> to vector<128x16xf32>
    %concatenate3A_1879 = tpu.concatenate %slice3A_1877, %slice3A_1878 in 1 : vector<128x112xf32>, vector<128x16xf32> -> vector<128x128xf32>
    %mul3A_1880 = arith.mulf %get3A_1856, %concatenate3A_1879 : vector<128x128xf32>
    %jit3A_1881 = arith.constant 0.000000e+00 : f32
    %broadcast_in_dim3A_1882 = vector.broadcast %jit3A_1881 : f32 to vector<128x128xf32>
    %select_n3A_1883 = arith.select %lt3A_18, %mul3A_1880, %broadcast_in_dim3A_1882 : vector<128x128xi1>, vector<128x128xf32>
    %reduce_sum3A_1884 = arith.constant dense<0.000000e+00> : vector<128xf32>
    %reduce_sum3A_1885 = vector.multi_reduction <add>, %select_n3A_1883, %reduce_sum3A_1884 [1] : vector<128x128xf32> to vector<128xf32>
    %broadcast_in_dim3A_1886 = vector.shape_cast %reduce_sum3A_1885 : vector<128xf32> to vector<128x1xf32>
    %add3A_1887 = arith.addf %add3A_1851, %broadcast_in_dim3A_1886 : vector<128x1xf32>
    %get3A_1888 = arith.constant 0 : index
    %get3A_1889 = arith.constant 52 : index
    %get3A_1890 = arith.constant 0 : index
    %get3A_1891 = vector.load %arg1[%get3A_1888, %get3A_1889, %get3A_1890] : memref<128x88x128xf32, #tpu.memory_space<vmem>>, vector<128x1x128xf32>
    %get3A_1892 = vector.shape_cast %get3A_1891 : vector<128x1x128xf32> to vector<128x128xf32>
    %get3A_1893 = arith.constant 0 : index
    %get3A_1894 = arith.constant 6656 : index
    %get3A_1895 = vector.load %arg3[%get3A_1893, %get3A_1894] : memref<13x10880xf32, #tpu.memory_space<vmem>>, vector<13x128xf32>
    %dot_general3A_1896 = arith.constant dense<0.000000e+00> : vector<128x128xf32>
    %dot_general3A_1897 = tpu.matmul %get3A_1, %get3A_1895, %dot_general3A_1896 {dimension_numbers = #tpu.dot_dimension_numbers<[1], [0], [0], [1], [0, 0, 1, 1], [], []>, transpose_lhs_hint = false} : vector<128x13xf32>, vector<13x128xf32>, vector<128x128xf32> -> vector<128x128xf32>
    %get3A_1898 = arith.constant 6656 : index
    %get3A_1899 = vector.load %arg4[%get3A_1898] : memref<10880xf32, #tpu.memory_space<vmem>>, vector<128xf32>
    %broadcast_in_dim3A_1900 = vector.shape_cast %get3A_1899 : vector<128xf32> to vector<1x128xf32>
    %add3A_1901 = vector.broadcast %broadcast_in_dim3A_1900 : vector<1x128xf32> to vector<128x128xf32>
    %add3A_1902 = arith.addf %dot_general3A_1897, %add3A_1901 : vector<128x128xf32>
    %max3A_1903 = arith.constant 0.000000e+00 : f32
    %max3A_1904 = vector.broadcast %max3A_1903 : f32 to vector<128x128xf32>
    %max3A_1905 = arith.maximumf %add3A_1902, %max3A_1904 : vector<128x128xf32>
    %add3A_1906 = arith.addf %get3A_1892, %max3A_1905 : vector<128x128xf32>
    %get3A_1907 = arith.constant 0 : index
    %get3A_1908 = arith.constant 6656 : index
    %get3A_1909 = vector.load %arg5[%get3A_1907, %get3A_1908] : memref<256x10880xf32, #tpu.memory_space<vmem>>, vector<256x128xf32>
    %dot_general3A_1910 = arith.constant dense<0.000000e+00> : vector<128x256xf32>
    %dot_general3A_1911 = tpu.matmul %add3A_1906, %get3A_1909, %dot_general3A_1910 {dimension_numbers = #tpu.dot_dimension_numbers<[1], [1], [0], [0], [0, 0, 1, 0], [], []>, transpose_lhs_hint = false} : vector<128x128xf32>, vector<256x128xf32>, vector<128x256xf32> -> vector<128x256xf32>
    %add3A_1912 = arith.addf %add3A_1876, %dot_general3A_1911 : vector<128x256xf32>
    %slice3A_1913 = vector.extract_strided_slice %get3A_1892 {offsets = [0, 16], sizes = [128, 112], strides = [1, 1]} : vector<128x128xf32> to vector<128x112xf32>
    %slice3A_1914 = vector.extract_strided_slice %get3A_1892 {offsets = [0, 0], sizes = [128, 16], strides = [1, 1]} : vector<128x128xf32> to vector<128x16xf32>
    %concatenate3A_1915 = tpu.concatenate %slice3A_1913, %slice3A_1914 in 1 : vector<128x112xf32>, vector<128x16xf32> -> vector<128x128xf32>
    %mul3A_1916 = arith.mulf %get3A_1892, %concatenate3A_1915 : vector<128x128xf32>
    %jit3A_1917 = arith.constant 0.000000e+00 : f32
    %broadcast_in_dim3A_1918 = vector.broadcast %jit3A_1917 : f32 to vector<128x128xf32>
    %select_n3A_1919 = arith.select %lt3A_18, %mul3A_1916, %broadcast_in_dim3A_1918 : vector<128x128xi1>, vector<128x128xf32>
    %reduce_sum3A_1920 = arith.constant dense<0.000000e+00> : vector<128xf32>
    %reduce_sum3A_1921 = vector.multi_reduction <add>, %select_n3A_1919, %reduce_sum3A_1920 [1] : vector<128x128xf32> to vector<128xf32>
    %broadcast_in_dim3A_1922 = vector.shape_cast %reduce_sum3A_1921 : vector<128xf32> to vector<128x1xf32>
    %add3A_1923 = arith.addf %add3A_1887, %broadcast_in_dim3A_1922 : vector<128x1xf32>
    %get3A_1924 = arith.constant 0 : index
    %get3A_1925 = arith.constant 53 : index
    %get3A_1926 = arith.constant 0 : index
    %get3A_1927 = vector.load %arg1[%get3A_1924, %get3A_1925, %get3A_1926] : memref<128x88x128xf32, #tpu.memory_space<vmem>>, vector<128x1x128xf32>
    %get3A_1928 = vector.shape_cast %get3A_1927 : vector<128x1x128xf32> to vector<128x128xf32>
    %get3A_1929 = arith.constant 0 : index
    %get3A_1930 = arith.constant 6784 : index
    %get3A_1931 = vector.load %arg3[%get3A_1929, %get3A_1930] : memref<13x10880xf32, #tpu.memory_space<vmem>>, vector<13x128xf32>
    %dot_general3A_1932 = arith.constant dense<0.000000e+00> : vector<128x128xf32>
    %dot_general3A_1933 = tpu.matmul %get3A_1, %get3A_1931, %dot_general3A_1932 {dimension_numbers = #tpu.dot_dimension_numbers<[1], [0], [0], [1], [0, 0, 1, 1], [], []>, transpose_lhs_hint = false} : vector<128x13xf32>, vector<13x128xf32>, vector<128x128xf32> -> vector<128x128xf32>
    %get3A_1934 = arith.constant 6784 : index
    %get3A_1935 = vector.load %arg4[%get3A_1934] : memref<10880xf32, #tpu.memory_space<vmem>>, vector<128xf32>
    %broadcast_in_dim3A_1936 = vector.shape_cast %get3A_1935 : vector<128xf32> to vector<1x128xf32>
    %add3A_1937 = vector.broadcast %broadcast_in_dim3A_1936 : vector<1x128xf32> to vector<128x128xf32>
    %add3A_1938 = arith.addf %dot_general3A_1933, %add3A_1937 : vector<128x128xf32>
    %max3A_1939 = arith.constant 0.000000e+00 : f32
    %max3A_1940 = vector.broadcast %max3A_1939 : f32 to vector<128x128xf32>
    %max3A_1941 = arith.maximumf %add3A_1938, %max3A_1940 : vector<128x128xf32>
    %add3A_1942 = arith.addf %get3A_1928, %max3A_1941 : vector<128x128xf32>
    %get3A_1943 = arith.constant 0 : index
    %get3A_1944 = arith.constant 6784 : index
    %get3A_1945 = vector.load %arg5[%get3A_1943, %get3A_1944] : memref<256x10880xf32, #tpu.memory_space<vmem>>, vector<256x128xf32>
    %dot_general3A_1946 = arith.constant dense<0.000000e+00> : vector<128x256xf32>
    %dot_general3A_1947 = tpu.matmul %add3A_1942, %get3A_1945, %dot_general3A_1946 {dimension_numbers = #tpu.dot_dimension_numbers<[1], [1], [0], [0], [0, 0, 1, 0], [], []>, transpose_lhs_hint = false} : vector<128x128xf32>, vector<256x128xf32>, vector<128x256xf32> -> vector<128x256xf32>
    %add3A_1948 = arith.addf %add3A_1912, %dot_general3A_1947 : vector<128x256xf32>
    %slice3A_1949 = vector.extract_strided_slice %get3A_1928 {offsets = [0, 16], sizes = [128, 112], strides = [1, 1]} : vector<128x128xf32> to vector<128x112xf32>
    %slice3A_1950 = vector.extract_strided_slice %get3A_1928 {offsets = [0, 0], sizes = [128, 16], strides = [1, 1]} : vector<128x128xf32> to vector<128x16xf32>
    %concatenate3A_1951 = tpu.concatenate %slice3A_1949, %slice3A_1950 in 1 : vector<128x112xf32>, vector<128x16xf32> -> vector<128x128xf32>
    %mul3A_1952 = arith.mulf %get3A_1928, %concatenate3A_1951 : vector<128x128xf32>
    %jit3A_1953 = arith.constant 0.000000e+00 : f32
    %broadcast_in_dim3A_1954 = vector.broadcast %jit3A_1953 : f32 to vector<128x128xf32>
    %select_n3A_1955 = arith.select %lt3A_18, %mul3A_1952, %broadcast_in_dim3A_1954 : vector<128x128xi1>, vector<128x128xf32>
    %reduce_sum3A_1956 = arith.constant dense<0.000000e+00> : vector<128xf32>
    %reduce_sum3A_1957 = vector.multi_reduction <add>, %select_n3A_1955, %reduce_sum3A_1956 [1] : vector<128x128xf32> to vector<128xf32>
    %broadcast_in_dim3A_1958 = vector.shape_cast %reduce_sum3A_1957 : vector<128xf32> to vector<128x1xf32>
    %add3A_1959 = arith.addf %add3A_1923, %broadcast_in_dim3A_1958 : vector<128x1xf32>
    %get3A_1960 = arith.constant 0 : index
    %get3A_1961 = arith.constant 54 : index
    %get3A_1962 = arith.constant 0 : index
    %get3A_1963 = vector.load %arg1[%get3A_1960, %get3A_1961, %get3A_1962] : memref<128x88x128xf32, #tpu.memory_space<vmem>>, vector<128x1x128xf32>
    %get3A_1964 = vector.shape_cast %get3A_1963 : vector<128x1x128xf32> to vector<128x128xf32>
    %get3A_1965 = arith.constant 0 : index
    %get3A_1966 = arith.constant 6912 : index
    %get3A_1967 = vector.load %arg3[%get3A_1965, %get3A_1966] : memref<13x10880xf32, #tpu.memory_space<vmem>>, vector<13x128xf32>
    %dot_general3A_1968 = arith.constant dense<0.000000e+00> : vector<128x128xf32>
    %dot_general3A_1969 = tpu.matmul %get3A_1, %get3A_1967, %dot_general3A_1968 {dimension_numbers = #tpu.dot_dimension_numbers<[1], [0], [0], [1], [0, 0, 1, 1], [], []>, transpose_lhs_hint = false} : vector<128x13xf32>, vector<13x128xf32>, vector<128x128xf32> -> vector<128x128xf32>
    %get3A_1970 = arith.constant 6912 : index
    %get3A_1971 = vector.load %arg4[%get3A_1970] : memref<10880xf32, #tpu.memory_space<vmem>>, vector<128xf32>
    %broadcast_in_dim3A_1972 = vector.shape_cast %get3A_1971 : vector<128xf32> to vector<1x128xf32>
    %add3A_1973 = vector.broadcast %broadcast_in_dim3A_1972 : vector<1x128xf32> to vector<128x128xf32>
    %add3A_1974 = arith.addf %dot_general3A_1969, %add3A_1973 : vector<128x128xf32>
    %max3A_1975 = arith.constant 0.000000e+00 : f32
    %max3A_1976 = vector.broadcast %max3A_1975 : f32 to vector<128x128xf32>
    %max3A_1977 = arith.maximumf %add3A_1974, %max3A_1976 : vector<128x128xf32>
    %add3A_1978 = arith.addf %get3A_1964, %max3A_1977 : vector<128x128xf32>
    %get3A_1979 = arith.constant 0 : index
    %get3A_1980 = arith.constant 6912 : index
    %get3A_1981 = vector.load %arg5[%get3A_1979, %get3A_1980] : memref<256x10880xf32, #tpu.memory_space<vmem>>, vector<256x128xf32>
    %dot_general3A_1982 = arith.constant dense<0.000000e+00> : vector<128x256xf32>
    %dot_general3A_1983 = tpu.matmul %add3A_1978, %get3A_1981, %dot_general3A_1982 {dimension_numbers = #tpu.dot_dimension_numbers<[1], [1], [0], [0], [0, 0, 1, 0], [], []>, transpose_lhs_hint = false} : vector<128x128xf32>, vector<256x128xf32>, vector<128x256xf32> -> vector<128x256xf32>
    %add3A_1984 = arith.addf %add3A_1948, %dot_general3A_1983 : vector<128x256xf32>
    %slice3A_1985 = vector.extract_strided_slice %get3A_1964 {offsets = [0, 16], sizes = [128, 112], strides = [1, 1]} : vector<128x128xf32> to vector<128x112xf32>
    %slice3A_1986 = vector.extract_strided_slice %get3A_1964 {offsets = [0, 0], sizes = [128, 16], strides = [1, 1]} : vector<128x128xf32> to vector<128x16xf32>
    %concatenate3A_1987 = tpu.concatenate %slice3A_1985, %slice3A_1986 in 1 : vector<128x112xf32>, vector<128x16xf32> -> vector<128x128xf32>
    %mul3A_1988 = arith.mulf %get3A_1964, %concatenate3A_1987 : vector<128x128xf32>
    %jit3A_1989 = arith.constant 0.000000e+00 : f32
    %broadcast_in_dim3A_1990 = vector.broadcast %jit3A_1989 : f32 to vector<128x128xf32>
    %select_n3A_1991 = arith.select %lt3A_18, %mul3A_1988, %broadcast_in_dim3A_1990 : vector<128x128xi1>, vector<128x128xf32>
    %reduce_sum3A_1992 = arith.constant dense<0.000000e+00> : vector<128xf32>
    %reduce_sum3A_1993 = vector.multi_reduction <add>, %select_n3A_1991, %reduce_sum3A_1992 [1] : vector<128x128xf32> to vector<128xf32>
    %broadcast_in_dim3A_1994 = vector.shape_cast %reduce_sum3A_1993 : vector<128xf32> to vector<128x1xf32>
    %add3A_1995 = arith.addf %add3A_1959, %broadcast_in_dim3A_1994 : vector<128x1xf32>
    %get3A_1996 = arith.constant 0 : index
    %get3A_1997 = arith.constant 55 : index
    %get3A_1998 = arith.constant 0 : index
    %get3A_1999 = vector.load %arg1[%get3A_1996, %get3A_1997, %get3A_1998] : memref<128x88x128xf32, #tpu.memory_space<vmem>>, vector<128x1x128xf32>
    %get3A_2000 = vector.shape_cast %get3A_1999 : vector<128x1x128xf32> to vector<128x128xf32>
    %get3A_2001 = arith.constant 0 : index
    %get3A_2002 = arith.constant 7040 : index
    %get3A_2003 = vector.load %arg3[%get3A_2001, %get3A_2002] : memref<13x10880xf32, #tpu.memory_space<vmem>>, vector<13x128xf32>
    %dot_general3A_2004 = arith.constant dense<0.000000e+00> : vector<128x128xf32>
    %dot_general3A_2005 = tpu.matmul %get3A_1, %get3A_2003, %dot_general3A_2004 {dimension_numbers = #tpu.dot_dimension_numbers<[1], [0], [0], [1], [0, 0, 1, 1], [], []>, transpose_lhs_hint = false} : vector<128x13xf32>, vector<13x128xf32>, vector<128x128xf32> -> vector<128x128xf32>
    %get3A_2006 = arith.constant 7040 : index
    %get3A_2007 = vector.load %arg4[%get3A_2006] : memref<10880xf32, #tpu.memory_space<vmem>>, vector<128xf32>
    %broadcast_in_dim3A_2008 = vector.shape_cast %get3A_2007 : vector<128xf32> to vector<1x128xf32>
    %add3A_2009 = vector.broadcast %broadcast_in_dim3A_2008 : vector<1x128xf32> to vector<128x128xf32>
    %add3A_2010 = arith.addf %dot_general3A_2005, %add3A_2009 : vector<128x128xf32>
    %max3A_2011 = arith.constant 0.000000e+00 : f32
    %max3A_2012 = vector.broadcast %max3A_2011 : f32 to vector<128x128xf32>
    %max3A_2013 = arith.maximumf %add3A_2010, %max3A_2012 : vector<128x128xf32>
    %add3A_2014 = arith.addf %get3A_2000, %max3A_2013 : vector<128x128xf32>
    %get3A_2015 = arith.constant 0 : index
    %get3A_2016 = arith.constant 7040 : index
    %get3A_2017 = vector.load %arg5[%get3A_2015, %get3A_2016] : memref<256x10880xf32, #tpu.memory_space<vmem>>, vector<256x128xf32>
    %dot_general3A_2018 = arith.constant dense<0.000000e+00> : vector<128x256xf32>
    %dot_general3A_2019 = tpu.matmul %add3A_2014, %get3A_2017, %dot_general3A_2018 {dimension_numbers = #tpu.dot_dimension_numbers<[1], [1], [0], [0], [0, 0, 1, 0], [], []>, transpose_lhs_hint = false} : vector<128x128xf32>, vector<256x128xf32>, vector<128x256xf32> -> vector<128x256xf32>
    %add3A_2020 = arith.addf %add3A_1984, %dot_general3A_2019 : vector<128x256xf32>
    %slice3A_2021 = vector.extract_strided_slice %get3A_2000 {offsets = [0, 16], sizes = [128, 112], strides = [1, 1]} : vector<128x128xf32> to vector<128x112xf32>
    %slice3A_2022 = vector.extract_strided_slice %get3A_2000 {offsets = [0, 0], sizes = [128, 16], strides = [1, 1]} : vector<128x128xf32> to vector<128x16xf32>
    %concatenate3A_2023 = tpu.concatenate %slice3A_2021, %slice3A_2022 in 1 : vector<128x112xf32>, vector<128x16xf32> -> vector<128x128xf32>
    %mul3A_2024 = arith.mulf %get3A_2000, %concatenate3A_2023 : vector<128x128xf32>
    %jit3A_2025 = arith.constant 0.000000e+00 : f32
    %broadcast_in_dim3A_2026 = vector.broadcast %jit3A_2025 : f32 to vector<128x128xf32>
    %select_n3A_2027 = arith.select %lt3A_18, %mul3A_2024, %broadcast_in_dim3A_2026 : vector<128x128xi1>, vector<128x128xf32>
    %reduce_sum3A_2028 = arith.constant dense<0.000000e+00> : vector<128xf32>
    %reduce_sum3A_2029 = vector.multi_reduction <add>, %select_n3A_2027, %reduce_sum3A_2028 [1] : vector<128x128xf32> to vector<128xf32>
    %broadcast_in_dim3A_2030 = vector.shape_cast %reduce_sum3A_2029 : vector<128xf32> to vector<128x1xf32>
    %add3A_2031 = arith.addf %add3A_1995, %broadcast_in_dim3A_2030 : vector<128x1xf32>
    %get3A_2032 = arith.constant 0 : index
    %get3A_2033 = arith.constant 56 : index
    %get3A_2034 = arith.constant 0 : index
    %get3A_2035 = vector.load %arg1[%get3A_2032, %get3A_2033, %get3A_2034] : memref<128x88x128xf32, #tpu.memory_space<vmem>>, vector<128x1x128xf32>
    %get3A_2036 = vector.shape_cast %get3A_2035 : vector<128x1x128xf32> to vector<128x128xf32>
    %get3A_2037 = arith.constant 0 : index
    %get3A_2038 = arith.constant 7168 : index
    %get3A_2039 = vector.load %arg3[%get3A_2037, %get3A_2038] : memref<13x10880xf32, #tpu.memory_space<vmem>>, vector<13x128xf32>
    %dot_general3A_2040 = arith.constant dense<0.000000e+00> : vector<128x128xf32>
    %dot_general3A_2041 = tpu.matmul %get3A_1, %get3A_2039, %dot_general3A_2040 {dimension_numbers = #tpu.dot_dimension_numbers<[1], [0], [0], [1], [0, 0, 1, 1], [], []>, transpose_lhs_hint = false} : vector<128x13xf32>, vector<13x128xf32>, vector<128x128xf32> -> vector<128x128xf32>
    %get3A_2042 = arith.constant 7168 : index
    %get3A_2043 = vector.load %arg4[%get3A_2042] : memref<10880xf32, #tpu.memory_space<vmem>>, vector<128xf32>
    %broadcast_in_dim3A_2044 = vector.shape_cast %get3A_2043 : vector<128xf32> to vector<1x128xf32>
    %add3A_2045 = vector.broadcast %broadcast_in_dim3A_2044 : vector<1x128xf32> to vector<128x128xf32>
    %add3A_2046 = arith.addf %dot_general3A_2041, %add3A_2045 : vector<128x128xf32>
    %max3A_2047 = arith.constant 0.000000e+00 : f32
    %max3A_2048 = vector.broadcast %max3A_2047 : f32 to vector<128x128xf32>
    %max3A_2049 = arith.maximumf %add3A_2046, %max3A_2048 : vector<128x128xf32>
    %add3A_2050 = arith.addf %get3A_2036, %max3A_2049 : vector<128x128xf32>
    %get3A_2051 = arith.constant 0 : index
    %get3A_2052 = arith.constant 7168 : index
    %get3A_2053 = vector.load %arg5[%get3A_2051, %get3A_2052] : memref<256x10880xf32, #tpu.memory_space<vmem>>, vector<256x128xf32>
    %dot_general3A_2054 = arith.constant dense<0.000000e+00> : vector<128x256xf32>
    %dot_general3A_2055 = tpu.matmul %add3A_2050, %get3A_2053, %dot_general3A_2054 {dimension_numbers = #tpu.dot_dimension_numbers<[1], [1], [0], [0], [0, 0, 1, 0], [], []>, transpose_lhs_hint = false} : vector<128x128xf32>, vector<256x128xf32>, vector<128x256xf32> -> vector<128x256xf32>
    %add3A_2056 = arith.addf %add3A_2020, %dot_general3A_2055 : vector<128x256xf32>
    %slice3A_2057 = vector.extract_strided_slice %get3A_2036 {offsets = [0, 16], sizes = [128, 112], strides = [1, 1]} : vector<128x128xf32> to vector<128x112xf32>
    %slice3A_2058 = vector.extract_strided_slice %get3A_2036 {offsets = [0, 0], sizes = [128, 16], strides = [1, 1]} : vector<128x128xf32> to vector<128x16xf32>
    %concatenate3A_2059 = tpu.concatenate %slice3A_2057, %slice3A_2058 in 1 : vector<128x112xf32>, vector<128x16xf32> -> vector<128x128xf32>
    %mul3A_2060 = arith.mulf %get3A_2036, %concatenate3A_2059 : vector<128x128xf32>
    %jit3A_2061 = arith.constant 0.000000e+00 : f32
    %broadcast_in_dim3A_2062 = vector.broadcast %jit3A_2061 : f32 to vector<128x128xf32>
    %select_n3A_2063 = arith.select %lt3A_18, %mul3A_2060, %broadcast_in_dim3A_2062 : vector<128x128xi1>, vector<128x128xf32>
    %reduce_sum3A_2064 = arith.constant dense<0.000000e+00> : vector<128xf32>
    %reduce_sum3A_2065 = vector.multi_reduction <add>, %select_n3A_2063, %reduce_sum3A_2064 [1] : vector<128x128xf32> to vector<128xf32>
    %broadcast_in_dim3A_2066 = vector.shape_cast %reduce_sum3A_2065 : vector<128xf32> to vector<128x1xf32>
    %add3A_2067 = arith.addf %add3A_2031, %broadcast_in_dim3A_2066 : vector<128x1xf32>
    %get3A_2068 = arith.constant 0 : index
    %get3A_2069 = arith.constant 57 : index
    %get3A_2070 = arith.constant 0 : index
    %get3A_2071 = vector.load %arg1[%get3A_2068, %get3A_2069, %get3A_2070] : memref<128x88x128xf32, #tpu.memory_space<vmem>>, vector<128x1x128xf32>
    %get3A_2072 = vector.shape_cast %get3A_2071 : vector<128x1x128xf32> to vector<128x128xf32>
    %get3A_2073 = arith.constant 0 : index
    %get3A_2074 = arith.constant 7296 : index
    %get3A_2075 = vector.load %arg3[%get3A_2073, %get3A_2074] : memref<13x10880xf32, #tpu.memory_space<vmem>>, vector<13x128xf32>
    %dot_general3A_2076 = arith.constant dense<0.000000e+00> : vector<128x128xf32>
    %dot_general3A_2077 = tpu.matmul %get3A_1, %get3A_2075, %dot_general3A_2076 {dimension_numbers = #tpu.dot_dimension_numbers<[1], [0], [0], [1], [0, 0, 1, 1], [], []>, transpose_lhs_hint = false} : vector<128x13xf32>, vector<13x128xf32>, vector<128x128xf32> -> vector<128x128xf32>
    %get3A_2078 = arith.constant 7296 : index
    %get3A_2079 = vector.load %arg4[%get3A_2078] : memref<10880xf32, #tpu.memory_space<vmem>>, vector<128xf32>
    %broadcast_in_dim3A_2080 = vector.shape_cast %get3A_2079 : vector<128xf32> to vector<1x128xf32>
    %add3A_2081 = vector.broadcast %broadcast_in_dim3A_2080 : vector<1x128xf32> to vector<128x128xf32>
    %add3A_2082 = arith.addf %dot_general3A_2077, %add3A_2081 : vector<128x128xf32>
    %max3A_2083 = arith.constant 0.000000e+00 : f32
    %max3A_2084 = vector.broadcast %max3A_2083 : f32 to vector<128x128xf32>
    %max3A_2085 = arith.maximumf %add3A_2082, %max3A_2084 : vector<128x128xf32>
    %add3A_2086 = arith.addf %get3A_2072, %max3A_2085 : vector<128x128xf32>
    %get3A_2087 = arith.constant 0 : index
    %get3A_2088 = arith.constant 7296 : index
    %get3A_2089 = vector.load %arg5[%get3A_2087, %get3A_2088] : memref<256x10880xf32, #tpu.memory_space<vmem>>, vector<256x128xf32>
    %dot_general3A_2090 = arith.constant dense<0.000000e+00> : vector<128x256xf32>
    %dot_general3A_2091 = tpu.matmul %add3A_2086, %get3A_2089, %dot_general3A_2090 {dimension_numbers = #tpu.dot_dimension_numbers<[1], [1], [0], [0], [0, 0, 1, 0], [], []>, transpose_lhs_hint = false} : vector<128x128xf32>, vector<256x128xf32>, vector<128x256xf32> -> vector<128x256xf32>
    %add3A_2092 = arith.addf %add3A_2056, %dot_general3A_2091 : vector<128x256xf32>
    %slice3A_2093 = vector.extract_strided_slice %get3A_2072 {offsets = [0, 16], sizes = [128, 112], strides = [1, 1]} : vector<128x128xf32> to vector<128x112xf32>
    %slice3A_2094 = vector.extract_strided_slice %get3A_2072 {offsets = [0, 0], sizes = [128, 16], strides = [1, 1]} : vector<128x128xf32> to vector<128x16xf32>
    %concatenate3A_2095 = tpu.concatenate %slice3A_2093, %slice3A_2094 in 1 : vector<128x112xf32>, vector<128x16xf32> -> vector<128x128xf32>
    %mul3A_2096 = arith.mulf %get3A_2072, %concatenate3A_2095 : vector<128x128xf32>
    %jit3A_2097 = arith.constant 0.000000e+00 : f32
    %broadcast_in_dim3A_2098 = vector.broadcast %jit3A_2097 : f32 to vector<128x128xf32>
    %select_n3A_2099 = arith.select %lt3A_18, %mul3A_2096, %broadcast_in_dim3A_2098 : vector<128x128xi1>, vector<128x128xf32>
    %reduce_sum3A_2100 = arith.constant dense<0.000000e+00> : vector<128xf32>
    %reduce_sum3A_2101 = vector.multi_reduction <add>, %select_n3A_2099, %reduce_sum3A_2100 [1] : vector<128x128xf32> to vector<128xf32>
    %broadcast_in_dim3A_2102 = vector.shape_cast %reduce_sum3A_2101 : vector<128xf32> to vector<128x1xf32>
    %add3A_2103 = arith.addf %add3A_2067, %broadcast_in_dim3A_2102 : vector<128x1xf32>
    %get3A_2104 = arith.constant 0 : index
    %get3A_2105 = arith.constant 58 : index
    %get3A_2106 = arith.constant 0 : index
    %get3A_2107 = vector.load %arg1[%get3A_2104, %get3A_2105, %get3A_2106] : memref<128x88x128xf32, #tpu.memory_space<vmem>>, vector<128x1x128xf32>
    %get3A_2108 = vector.shape_cast %get3A_2107 : vector<128x1x128xf32> to vector<128x128xf32>
    %get3A_2109 = arith.constant 0 : index
    %get3A_2110 = arith.constant 7424 : index
    %get3A_2111 = vector.load %arg3[%get3A_2109, %get3A_2110] : memref<13x10880xf32, #tpu.memory_space<vmem>>, vector<13x128xf32>
    %dot_general3A_2112 = arith.constant dense<0.000000e+00> : vector<128x128xf32>
    %dot_general3A_2113 = tpu.matmul %get3A_1, %get3A_2111, %dot_general3A_2112 {dimension_numbers = #tpu.dot_dimension_numbers<[1], [0], [0], [1], [0, 0, 1, 1], [], []>, transpose_lhs_hint = false} : vector<128x13xf32>, vector<13x128xf32>, vector<128x128xf32> -> vector<128x128xf32>
    %get3A_2114 = arith.constant 7424 : index
    %get3A_2115 = vector.load %arg4[%get3A_2114] : memref<10880xf32, #tpu.memory_space<vmem>>, vector<128xf32>
    %broadcast_in_dim3A_2116 = vector.shape_cast %get3A_2115 : vector<128xf32> to vector<1x128xf32>
    %add3A_2117 = vector.broadcast %broadcast_in_dim3A_2116 : vector<1x128xf32> to vector<128x128xf32>
    %add3A_2118 = arith.addf %dot_general3A_2113, %add3A_2117 : vector<128x128xf32>
    %max3A_2119 = arith.constant 0.000000e+00 : f32
    %max3A_2120 = vector.broadcast %max3A_2119 : f32 to vector<128x128xf32>
    %max3A_2121 = arith.maximumf %add3A_2118, %max3A_2120 : vector<128x128xf32>
    %add3A_2122 = arith.addf %get3A_2108, %max3A_2121 : vector<128x128xf32>
    %get3A_2123 = arith.constant 0 : index
    %get3A_2124 = arith.constant 7424 : index
    %get3A_2125 = vector.load %arg5[%get3A_2123, %get3A_2124] : memref<256x10880xf32, #tpu.memory_space<vmem>>, vector<256x128xf32>
    %dot_general3A_2126 = arith.constant dense<0.000000e+00> : vector<128x256xf32>
    %dot_general3A_2127 = tpu.matmul %add3A_2122, %get3A_2125, %dot_general3A_2126 {dimension_numbers = #tpu.dot_dimension_numbers<[1], [1], [0], [0], [0, 0, 1, 0], [], []>, transpose_lhs_hint = false} : vector<128x128xf32>, vector<256x128xf32>, vector<128x256xf32> -> vector<128x256xf32>
    %add3A_2128 = arith.addf %add3A_2092, %dot_general3A_2127 : vector<128x256xf32>
    %slice3A_2129 = vector.extract_strided_slice %get3A_2108 {offsets = [0, 16], sizes = [128, 112], strides = [1, 1]} : vector<128x128xf32> to vector<128x112xf32>
    %slice3A_2130 = vector.extract_strided_slice %get3A_2108 {offsets = [0, 0], sizes = [128, 16], strides = [1, 1]} : vector<128x128xf32> to vector<128x16xf32>
    %concatenate3A_2131 = tpu.concatenate %slice3A_2129, %slice3A_2130 in 1 : vector<128x112xf32>, vector<128x16xf32> -> vector<128x128xf32>
    %mul3A_2132 = arith.mulf %get3A_2108, %concatenate3A_2131 : vector<128x128xf32>
    %jit3A_2133 = arith.constant 0.000000e+00 : f32
    %broadcast_in_dim3A_2134 = vector.broadcast %jit3A_2133 : f32 to vector<128x128xf32>
    %select_n3A_2135 = arith.select %lt3A_18, %mul3A_2132, %broadcast_in_dim3A_2134 : vector<128x128xi1>, vector<128x128xf32>
    %reduce_sum3A_2136 = arith.constant dense<0.000000e+00> : vector<128xf32>
    %reduce_sum3A_2137 = vector.multi_reduction <add>, %select_n3A_2135, %reduce_sum3A_2136 [1] : vector<128x128xf32> to vector<128xf32>
    %broadcast_in_dim3A_2138 = vector.shape_cast %reduce_sum3A_2137 : vector<128xf32> to vector<128x1xf32>
    %add3A_2139 = arith.addf %add3A_2103, %broadcast_in_dim3A_2138 : vector<128x1xf32>
    %get3A_2140 = arith.constant 0 : index
    %get3A_2141 = arith.constant 59 : index
    %get3A_2142 = arith.constant 0 : index
    %get3A_2143 = vector.load %arg1[%get3A_2140, %get3A_2141, %get3A_2142] : memref<128x88x128xf32, #tpu.memory_space<vmem>>, vector<128x1x128xf32>
    %get3A_2144 = vector.shape_cast %get3A_2143 : vector<128x1x128xf32> to vector<128x128xf32>
    %get3A_2145 = arith.constant 0 : index
    %get3A_2146 = arith.constant 7552 : index
    %get3A_2147 = vector.load %arg3[%get3A_2145, %get3A_2146] : memref<13x10880xf32, #tpu.memory_space<vmem>>, vector<13x128xf32>
    %dot_general3A_2148 = arith.constant dense<0.000000e+00> : vector<128x128xf32>
    %dot_general3A_2149 = tpu.matmul %get3A_1, %get3A_2147, %dot_general3A_2148 {dimension_numbers = #tpu.dot_dimension_numbers<[1], [0], [0], [1], [0, 0, 1, 1], [], []>, transpose_lhs_hint = false} : vector<128x13xf32>, vector<13x128xf32>, vector<128x128xf32> -> vector<128x128xf32>
    %get3A_2150 = arith.constant 7552 : index
    %get3A_2151 = vector.load %arg4[%get3A_2150] : memref<10880xf32, #tpu.memory_space<vmem>>, vector<128xf32>
    %broadcast_in_dim3A_2152 = vector.shape_cast %get3A_2151 : vector<128xf32> to vector<1x128xf32>
    %add3A_2153 = vector.broadcast %broadcast_in_dim3A_2152 : vector<1x128xf32> to vector<128x128xf32>
    %add3A_2154 = arith.addf %dot_general3A_2149, %add3A_2153 : vector<128x128xf32>
    %max3A_2155 = arith.constant 0.000000e+00 : f32
    %max3A_2156 = vector.broadcast %max3A_2155 : f32 to vector<128x128xf32>
    %max3A_2157 = arith.maximumf %add3A_2154, %max3A_2156 : vector<128x128xf32>
    %add3A_2158 = arith.addf %get3A_2144, %max3A_2157 : vector<128x128xf32>
    %get3A_2159 = arith.constant 0 : index
    %get3A_2160 = arith.constant 7552 : index
    %get3A_2161 = vector.load %arg5[%get3A_2159, %get3A_2160] : memref<256x10880xf32, #tpu.memory_space<vmem>>, vector<256x128xf32>
    %dot_general3A_2162 = arith.constant dense<0.000000e+00> : vector<128x256xf32>
    %dot_general3A_2163 = tpu.matmul %add3A_2158, %get3A_2161, %dot_general3A_2162 {dimension_numbers = #tpu.dot_dimension_numbers<[1], [1], [0], [0], [0, 0, 1, 0], [], []>, transpose_lhs_hint = false} : vector<128x128xf32>, vector<256x128xf32>, vector<128x256xf32> -> vector<128x256xf32>
    %add3A_2164 = arith.addf %add3A_2128, %dot_general3A_2163 : vector<128x256xf32>
    %slice3A_2165 = vector.extract_strided_slice %get3A_2144 {offsets = [0, 16], sizes = [128, 112], strides = [1, 1]} : vector<128x128xf32> to vector<128x112xf32>
    %slice3A_2166 = vector.extract_strided_slice %get3A_2144 {offsets = [0, 0], sizes = [128, 16], strides = [1, 1]} : vector<128x128xf32> to vector<128x16xf32>
    %concatenate3A_2167 = tpu.concatenate %slice3A_2165, %slice3A_2166 in 1 : vector<128x112xf32>, vector<128x16xf32> -> vector<128x128xf32>
    %mul3A_2168 = arith.mulf %get3A_2144, %concatenate3A_2167 : vector<128x128xf32>
    %jit3A_2169 = arith.constant 0.000000e+00 : f32
    %broadcast_in_dim3A_2170 = vector.broadcast %jit3A_2169 : f32 to vector<128x128xf32>
    %select_n3A_2171 = arith.select %lt3A_18, %mul3A_2168, %broadcast_in_dim3A_2170 : vector<128x128xi1>, vector<128x128xf32>
    %reduce_sum3A_2172 = arith.constant dense<0.000000e+00> : vector<128xf32>
    %reduce_sum3A_2173 = vector.multi_reduction <add>, %select_n3A_2171, %reduce_sum3A_2172 [1] : vector<128x128xf32> to vector<128xf32>
    %broadcast_in_dim3A_2174 = vector.shape_cast %reduce_sum3A_2173 : vector<128xf32> to vector<128x1xf32>
    %add3A_2175 = arith.addf %add3A_2139, %broadcast_in_dim3A_2174 : vector<128x1xf32>
    %get3A_2176 = arith.constant 0 : index
    %get3A_2177 = arith.constant 60 : index
    %get3A_2178 = arith.constant 0 : index
    %get3A_2179 = vector.load %arg1[%get3A_2176, %get3A_2177, %get3A_2178] : memref<128x88x128xf32, #tpu.memory_space<vmem>>, vector<128x1x128xf32>
    %get3A_2180 = vector.shape_cast %get3A_2179 : vector<128x1x128xf32> to vector<128x128xf32>
    %get3A_2181 = arith.constant 0 : index
    %get3A_2182 = arith.constant 7680 : index
    %get3A_2183 = vector.load %arg3[%get3A_2181, %get3A_2182] : memref<13x10880xf32, #tpu.memory_space<vmem>>, vector<13x128xf32>
    %dot_general3A_2184 = arith.constant dense<0.000000e+00> : vector<128x128xf32>
    %dot_general3A_2185 = tpu.matmul %get3A_1, %get3A_2183, %dot_general3A_2184 {dimension_numbers = #tpu.dot_dimension_numbers<[1], [0], [0], [1], [0, 0, 1, 1], [], []>, transpose_lhs_hint = false} : vector<128x13xf32>, vector<13x128xf32>, vector<128x128xf32> -> vector<128x128xf32>
    %get3A_2186 = arith.constant 7680 : index
    %get3A_2187 = vector.load %arg4[%get3A_2186] : memref<10880xf32, #tpu.memory_space<vmem>>, vector<128xf32>
    %broadcast_in_dim3A_2188 = vector.shape_cast %get3A_2187 : vector<128xf32> to vector<1x128xf32>
    %add3A_2189 = vector.broadcast %broadcast_in_dim3A_2188 : vector<1x128xf32> to vector<128x128xf32>
    %add3A_2190 = arith.addf %dot_general3A_2185, %add3A_2189 : vector<128x128xf32>
    %max3A_2191 = arith.constant 0.000000e+00 : f32
    %max3A_2192 = vector.broadcast %max3A_2191 : f32 to vector<128x128xf32>
    %max3A_2193 = arith.maximumf %add3A_2190, %max3A_2192 : vector<128x128xf32>
    %add3A_2194 = arith.addf %get3A_2180, %max3A_2193 : vector<128x128xf32>
    %get3A_2195 = arith.constant 0 : index
    %get3A_2196 = arith.constant 7680 : index
    %get3A_2197 = vector.load %arg5[%get3A_2195, %get3A_2196] : memref<256x10880xf32, #tpu.memory_space<vmem>>, vector<256x128xf32>
    %dot_general3A_2198 = arith.constant dense<0.000000e+00> : vector<128x256xf32>
    %dot_general3A_2199 = tpu.matmul %add3A_2194, %get3A_2197, %dot_general3A_2198 {dimension_numbers = #tpu.dot_dimension_numbers<[1], [1], [0], [0], [0, 0, 1, 0], [], []>, transpose_lhs_hint = false} : vector<128x128xf32>, vector<256x128xf32>, vector<128x256xf32> -> vector<128x256xf32>
    %add3A_2200 = arith.addf %add3A_2164, %dot_general3A_2199 : vector<128x256xf32>
    %slice3A_2201 = vector.extract_strided_slice %get3A_2180 {offsets = [0, 16], sizes = [128, 112], strides = [1, 1]} : vector<128x128xf32> to vector<128x112xf32>
    %slice3A_2202 = vector.extract_strided_slice %get3A_2180 {offsets = [0, 0], sizes = [128, 16], strides = [1, 1]} : vector<128x128xf32> to vector<128x16xf32>
    %concatenate3A_2203 = tpu.concatenate %slice3A_2201, %slice3A_2202 in 1 : vector<128x112xf32>, vector<128x16xf32> -> vector<128x128xf32>
    %mul3A_2204 = arith.mulf %get3A_2180, %concatenate3A_2203 : vector<128x128xf32>
    %jit3A_2205 = arith.constant 0.000000e+00 : f32
    %broadcast_in_dim3A_2206 = vector.broadcast %jit3A_2205 : f32 to vector<128x128xf32>
    %select_n3A_2207 = arith.select %lt3A_18, %mul3A_2204, %broadcast_in_dim3A_2206 : vector<128x128xi1>, vector<128x128xf32>
    %reduce_sum3A_2208 = arith.constant dense<0.000000e+00> : vector<128xf32>
    %reduce_sum3A_2209 = vector.multi_reduction <add>, %select_n3A_2207, %reduce_sum3A_2208 [1] : vector<128x128xf32> to vector<128xf32>
    %broadcast_in_dim3A_2210 = vector.shape_cast %reduce_sum3A_2209 : vector<128xf32> to vector<128x1xf32>
    %add3A_2211 = arith.addf %add3A_2175, %broadcast_in_dim3A_2210 : vector<128x1xf32>
    %get3A_2212 = arith.constant 0 : index
    %get3A_2213 = arith.constant 61 : index
    %get3A_2214 = arith.constant 0 : index
    %get3A_2215 = vector.load %arg1[%get3A_2212, %get3A_2213, %get3A_2214] : memref<128x88x128xf32, #tpu.memory_space<vmem>>, vector<128x1x128xf32>
    %get3A_2216 = vector.shape_cast %get3A_2215 : vector<128x1x128xf32> to vector<128x128xf32>
    %get3A_2217 = arith.constant 0 : index
    %get3A_2218 = arith.constant 7808 : index
    %get3A_2219 = vector.load %arg3[%get3A_2217, %get3A_2218] : memref<13x10880xf32, #tpu.memory_space<vmem>>, vector<13x128xf32>
    %dot_general3A_2220 = arith.constant dense<0.000000e+00> : vector<128x128xf32>
    %dot_general3A_2221 = tpu.matmul %get3A_1, %get3A_2219, %dot_general3A_2220 {dimension_numbers = #tpu.dot_dimension_numbers<[1], [0], [0], [1], [0, 0, 1, 1], [], []>, transpose_lhs_hint = false} : vector<128x13xf32>, vector<13x128xf32>, vector<128x128xf32> -> vector<128x128xf32>
    %get3A_2222 = arith.constant 7808 : index
    %get3A_2223 = vector.load %arg4[%get3A_2222] : memref<10880xf32, #tpu.memory_space<vmem>>, vector<128xf32>
    %broadcast_in_dim3A_2224 = vector.shape_cast %get3A_2223 : vector<128xf32> to vector<1x128xf32>
    %add3A_2225 = vector.broadcast %broadcast_in_dim3A_2224 : vector<1x128xf32> to vector<128x128xf32>
    %add3A_2226 = arith.addf %dot_general3A_2221, %add3A_2225 : vector<128x128xf32>
    %max3A_2227 = arith.constant 0.000000e+00 : f32
    %max3A_2228 = vector.broadcast %max3A_2227 : f32 to vector<128x128xf32>
    %max3A_2229 = arith.maximumf %add3A_2226, %max3A_2228 : vector<128x128xf32>
    %add3A_2230 = arith.addf %get3A_2216, %max3A_2229 : vector<128x128xf32>
    %get3A_2231 = arith.constant 0 : index
    %get3A_2232 = arith.constant 7808 : index
    %get3A_2233 = vector.load %arg5[%get3A_2231, %get3A_2232] : memref<256x10880xf32, #tpu.memory_space<vmem>>, vector<256x128xf32>
    %dot_general3A_2234 = arith.constant dense<0.000000e+00> : vector<128x256xf32>
    %dot_general3A_2235 = tpu.matmul %add3A_2230, %get3A_2233, %dot_general3A_2234 {dimension_numbers = #tpu.dot_dimension_numbers<[1], [1], [0], [0], [0, 0, 1, 0], [], []>, transpose_lhs_hint = false} : vector<128x128xf32>, vector<256x128xf32>, vector<128x256xf32> -> vector<128x256xf32>
    %add3A_2236 = arith.addf %add3A_2200, %dot_general3A_2235 : vector<128x256xf32>
    %slice3A_2237 = vector.extract_strided_slice %get3A_2216 {offsets = [0, 16], sizes = [128, 112], strides = [1, 1]} : vector<128x128xf32> to vector<128x112xf32>
    %slice3A_2238 = vector.extract_strided_slice %get3A_2216 {offsets = [0, 0], sizes = [128, 16], strides = [1, 1]} : vector<128x128xf32> to vector<128x16xf32>
    %concatenate3A_2239 = tpu.concatenate %slice3A_2237, %slice3A_2238 in 1 : vector<128x112xf32>, vector<128x16xf32> -> vector<128x128xf32>
    %mul3A_2240 = arith.mulf %get3A_2216, %concatenate3A_2239 : vector<128x128xf32>
    %jit3A_2241 = arith.constant 0.000000e+00 : f32
    %broadcast_in_dim3A_2242 = vector.broadcast %jit3A_2241 : f32 to vector<128x128xf32>
    %select_n3A_2243 = arith.select %lt3A_18, %mul3A_2240, %broadcast_in_dim3A_2242 : vector<128x128xi1>, vector<128x128xf32>
    %reduce_sum3A_2244 = arith.constant dense<0.000000e+00> : vector<128xf32>
    %reduce_sum3A_2245 = vector.multi_reduction <add>, %select_n3A_2243, %reduce_sum3A_2244 [1] : vector<128x128xf32> to vector<128xf32>
    %broadcast_in_dim3A_2246 = vector.shape_cast %reduce_sum3A_2245 : vector<128xf32> to vector<128x1xf32>
    %add3A_2247 = arith.addf %add3A_2211, %broadcast_in_dim3A_2246 : vector<128x1xf32>
    %get3A_2248 = arith.constant 0 : index
    %get3A_2249 = arith.constant 62 : index
    %get3A_2250 = arith.constant 0 : index
    %get3A_2251 = vector.load %arg1[%get3A_2248, %get3A_2249, %get3A_2250] : memref<128x88x128xf32, #tpu.memory_space<vmem>>, vector<128x1x128xf32>
    %get3A_2252 = vector.shape_cast %get3A_2251 : vector<128x1x128xf32> to vector<128x128xf32>
    %get3A_2253 = arith.constant 0 : index
    %get3A_2254 = arith.constant 7936 : index
    %get3A_2255 = vector.load %arg3[%get3A_2253, %get3A_2254] : memref<13x10880xf32, #tpu.memory_space<vmem>>, vector<13x128xf32>
    %dot_general3A_2256 = arith.constant dense<0.000000e+00> : vector<128x128xf32>
    %dot_general3A_2257 = tpu.matmul %get3A_1, %get3A_2255, %dot_general3A_2256 {dimension_numbers = #tpu.dot_dimension_numbers<[1], [0], [0], [1], [0, 0, 1, 1], [], []>, transpose_lhs_hint = false} : vector<128x13xf32>, vector<13x128xf32>, vector<128x128xf32> -> vector<128x128xf32>
    %get3A_2258 = arith.constant 7936 : index
    %get3A_2259 = vector.load %arg4[%get3A_2258] : memref<10880xf32, #tpu.memory_space<vmem>>, vector<128xf32>
    %broadcast_in_dim3A_2260 = vector.shape_cast %get3A_2259 : vector<128xf32> to vector<1x128xf32>
    %add3A_2261 = vector.broadcast %broadcast_in_dim3A_2260 : vector<1x128xf32> to vector<128x128xf32>
    %add3A_2262 = arith.addf %dot_general3A_2257, %add3A_2261 : vector<128x128xf32>
    %max3A_2263 = arith.constant 0.000000e+00 : f32
    %max3A_2264 = vector.broadcast %max3A_2263 : f32 to vector<128x128xf32>
    %max3A_2265 = arith.maximumf %add3A_2262, %max3A_2264 : vector<128x128xf32>
    %add3A_2266 = arith.addf %get3A_2252, %max3A_2265 : vector<128x128xf32>
    %get3A_2267 = arith.constant 0 : index
    %get3A_2268 = arith.constant 7936 : index
    %get3A_2269 = vector.load %arg5[%get3A_2267, %get3A_2268] : memref<256x10880xf32, #tpu.memory_space<vmem>>, vector<256x128xf32>
    %dot_general3A_2270 = arith.constant dense<0.000000e+00> : vector<128x256xf32>
    %dot_general3A_2271 = tpu.matmul %add3A_2266, %get3A_2269, %dot_general3A_2270 {dimension_numbers = #tpu.dot_dimension_numbers<[1], [1], [0], [0], [0, 0, 1, 0], [], []>, transpose_lhs_hint = false} : vector<128x128xf32>, vector<256x128xf32>, vector<128x256xf32> -> vector<128x256xf32>
    %add3A_2272 = arith.addf %add3A_2236, %dot_general3A_2271 : vector<128x256xf32>
    %slice3A_2273 = vector.extract_strided_slice %get3A_2252 {offsets = [0, 16], sizes = [128, 112], strides = [1, 1]} : vector<128x128xf32> to vector<128x112xf32>
    %slice3A_2274 = vector.extract_strided_slice %get3A_2252 {offsets = [0, 0], sizes = [128, 16], strides = [1, 1]} : vector<128x128xf32> to vector<128x16xf32>
    %concatenate3A_2275 = tpu.concatenate %slice3A_2273, %slice3A_2274 in 1 : vector<128x112xf32>, vector<128x16xf32> -> vector<128x128xf32>
    %mul3A_2276 = arith.mulf %get3A_2252, %concatenate3A_2275 : vector<128x128xf32>
    %jit3A_2277 = arith.constant 0.000000e+00 : f32
    %broadcast_in_dim3A_2278 = vector.broadcast %jit3A_2277 : f32 to vector<128x128xf32>
    %select_n3A_2279 = arith.select %lt3A_18, %mul3A_2276, %broadcast_in_dim3A_2278 : vector<128x128xi1>, vector<128x128xf32>
    %reduce_sum3A_2280 = arith.constant dense<0.000000e+00> : vector<128xf32>
    %reduce_sum3A_2281 = vector.multi_reduction <add>, %select_n3A_2279, %reduce_sum3A_2280 [1] : vector<128x128xf32> to vector<128xf32>
    %broadcast_in_dim3A_2282 = vector.shape_cast %reduce_sum3A_2281 : vector<128xf32> to vector<128x1xf32>
    %add3A_2283 = arith.addf %add3A_2247, %broadcast_in_dim3A_2282 : vector<128x1xf32>
    %get3A_2284 = arith.constant 0 : index
    %get3A_2285 = arith.constant 63 : index
    %get3A_2286 = arith.constant 0 : index
    %get3A_2287 = vector.load %arg1[%get3A_2284, %get3A_2285, %get3A_2286] : memref<128x88x128xf32, #tpu.memory_space<vmem>>, vector<128x1x128xf32>
    %get3A_2288 = vector.shape_cast %get3A_2287 : vector<128x1x128xf32> to vector<128x128xf32>
    %get3A_2289 = arith.constant 0 : index
    %get3A_2290 = arith.constant 8064 : index
    %get3A_2291 = vector.load %arg3[%get3A_2289, %get3A_2290] : memref<13x10880xf32, #tpu.memory_space<vmem>>, vector<13x128xf32>
    %dot_general3A_2292 = arith.constant dense<0.000000e+00> : vector<128x128xf32>
    %dot_general3A_2293 = tpu.matmul %get3A_1, %get3A_2291, %dot_general3A_2292 {dimension_numbers = #tpu.dot_dimension_numbers<[1], [0], [0], [1], [0, 0, 1, 1], [], []>, transpose_lhs_hint = false} : vector<128x13xf32>, vector<13x128xf32>, vector<128x128xf32> -> vector<128x128xf32>
    %get3A_2294 = arith.constant 8064 : index
    %get3A_2295 = vector.load %arg4[%get3A_2294] : memref<10880xf32, #tpu.memory_space<vmem>>, vector<128xf32>
    %broadcast_in_dim3A_2296 = vector.shape_cast %get3A_2295 : vector<128xf32> to vector<1x128xf32>
    %add3A_2297 = vector.broadcast %broadcast_in_dim3A_2296 : vector<1x128xf32> to vector<128x128xf32>
    %add3A_2298 = arith.addf %dot_general3A_2293, %add3A_2297 : vector<128x128xf32>
    %max3A_2299 = arith.constant 0.000000e+00 : f32
    %max3A_2300 = vector.broadcast %max3A_2299 : f32 to vector<128x128xf32>
    %max3A_2301 = arith.maximumf %add3A_2298, %max3A_2300 : vector<128x128xf32>
    %add3A_2302 = arith.addf %get3A_2288, %max3A_2301 : vector<128x128xf32>
    %get3A_2303 = arith.constant 0 : index
    %get3A_2304 = arith.constant 8064 : index
    %get3A_2305 = vector.load %arg5[%get3A_2303, %get3A_2304] : memref<256x10880xf32, #tpu.memory_space<vmem>>, vector<256x128xf32>
    %dot_general3A_2306 = arith.constant dense<0.000000e+00> : vector<128x256xf32>
    %dot_general3A_2307 = tpu.matmul %add3A_2302, %get3A_2305, %dot_general3A_2306 {dimension_numbers = #tpu.dot_dimension_numbers<[1], [1], [0], [0], [0, 0, 1, 0], [], []>, transpose_lhs_hint = false} : vector<128x128xf32>, vector<256x128xf32>, vector<128x256xf32> -> vector<128x256xf32>
    %add3A_2308 = arith.addf %add3A_2272, %dot_general3A_2307 : vector<128x256xf32>
    %slice3A_2309 = vector.extract_strided_slice %get3A_2288 {offsets = [0, 16], sizes = [128, 112], strides = [1, 1]} : vector<128x128xf32> to vector<128x112xf32>
    %slice3A_2310 = vector.extract_strided_slice %get3A_2288 {offsets = [0, 0], sizes = [128, 16], strides = [1, 1]} : vector<128x128xf32> to vector<128x16xf32>
    %concatenate3A_2311 = tpu.concatenate %slice3A_2309, %slice3A_2310 in 1 : vector<128x112xf32>, vector<128x16xf32> -> vector<128x128xf32>
    %mul3A_2312 = arith.mulf %get3A_2288, %concatenate3A_2311 : vector<128x128xf32>
    %jit3A_2313 = arith.constant 0.000000e+00 : f32
    %broadcast_in_dim3A_2314 = vector.broadcast %jit3A_2313 : f32 to vector<128x128xf32>
    %select_n3A_2315 = arith.select %lt3A_18, %mul3A_2312, %broadcast_in_dim3A_2314 : vector<128x128xi1>, vector<128x128xf32>
    %reduce_sum3A_2316 = arith.constant dense<0.000000e+00> : vector<128xf32>
    %reduce_sum3A_2317 = vector.multi_reduction <add>, %select_n3A_2315, %reduce_sum3A_2316 [1] : vector<128x128xf32> to vector<128xf32>
    %broadcast_in_dim3A_2318 = vector.shape_cast %reduce_sum3A_2317 : vector<128xf32> to vector<128x1xf32>
    %add3A_2319 = arith.addf %add3A_2283, %broadcast_in_dim3A_2318 : vector<128x1xf32>
    %get3A_2320 = arith.constant 0 : index
    %get3A_2321 = arith.constant 64 : index
    %get3A_2322 = arith.constant 0 : index
    %get3A_2323 = vector.load %arg1[%get3A_2320, %get3A_2321, %get3A_2322] : memref<128x88x128xf32, #tpu.memory_space<vmem>>, vector<128x1x128xf32>
    %get3A_2324 = vector.shape_cast %get3A_2323 : vector<128x1x128xf32> to vector<128x128xf32>
    %get3A_2325 = arith.constant 0 : index
    %get3A_2326 = arith.constant 8192 : index
    %get3A_2327 = vector.load %arg3[%get3A_2325, %get3A_2326] : memref<13x10880xf32, #tpu.memory_space<vmem>>, vector<13x128xf32>
    %dot_general3A_2328 = arith.constant dense<0.000000e+00> : vector<128x128xf32>
    %dot_general3A_2329 = tpu.matmul %get3A_1, %get3A_2327, %dot_general3A_2328 {dimension_numbers = #tpu.dot_dimension_numbers<[1], [0], [0], [1], [0, 0, 1, 1], [], []>, transpose_lhs_hint = false} : vector<128x13xf32>, vector<13x128xf32>, vector<128x128xf32> -> vector<128x128xf32>
    %get3A_2330 = arith.constant 8192 : index
    %get3A_2331 = vector.load %arg4[%get3A_2330] : memref<10880xf32, #tpu.memory_space<vmem>>, vector<128xf32>
    %broadcast_in_dim3A_2332 = vector.shape_cast %get3A_2331 : vector<128xf32> to vector<1x128xf32>
    %add3A_2333 = vector.broadcast %broadcast_in_dim3A_2332 : vector<1x128xf32> to vector<128x128xf32>
    %add3A_2334 = arith.addf %dot_general3A_2329, %add3A_2333 : vector<128x128xf32>
    %max3A_2335 = arith.constant 0.000000e+00 : f32
    %max3A_2336 = vector.broadcast %max3A_2335 : f32 to vector<128x128xf32>
    %max3A_2337 = arith.maximumf %add3A_2334, %max3A_2336 : vector<128x128xf32>
    %add3A_2338 = arith.addf %get3A_2324, %max3A_2337 : vector<128x128xf32>
    %get3A_2339 = arith.constant 0 : index
    %get3A_2340 = arith.constant 8192 : index
    %get3A_2341 = vector.load %arg5[%get3A_2339, %get3A_2340] : memref<256x10880xf32, #tpu.memory_space<vmem>>, vector<256x128xf32>
    %dot_general3A_2342 = arith.constant dense<0.000000e+00> : vector<128x256xf32>
    %dot_general3A_2343 = tpu.matmul %add3A_2338, %get3A_2341, %dot_general3A_2342 {dimension_numbers = #tpu.dot_dimension_numbers<[1], [1], [0], [0], [0, 0, 1, 0], [], []>, transpose_lhs_hint = false} : vector<128x128xf32>, vector<256x128xf32>, vector<128x256xf32> -> vector<128x256xf32>
    %add3A_2344 = arith.addf %add3A_2308, %dot_general3A_2343 : vector<128x256xf32>
    %slice3A_2345 = vector.extract_strided_slice %get3A_2324 {offsets = [0, 16], sizes = [128, 112], strides = [1, 1]} : vector<128x128xf32> to vector<128x112xf32>
    %slice3A_2346 = vector.extract_strided_slice %get3A_2324 {offsets = [0, 0], sizes = [128, 16], strides = [1, 1]} : vector<128x128xf32> to vector<128x16xf32>
    %concatenate3A_2347 = tpu.concatenate %slice3A_2345, %slice3A_2346 in 1 : vector<128x112xf32>, vector<128x16xf32> -> vector<128x128xf32>
    %mul3A_2348 = arith.mulf %get3A_2324, %concatenate3A_2347 : vector<128x128xf32>
    %jit3A_2349 = arith.constant 0.000000e+00 : f32
    %broadcast_in_dim3A_2350 = vector.broadcast %jit3A_2349 : f32 to vector<128x128xf32>
    %select_n3A_2351 = arith.select %lt3A_18, %mul3A_2348, %broadcast_in_dim3A_2350 : vector<128x128xi1>, vector<128x128xf32>
    %reduce_sum3A_2352 = arith.constant dense<0.000000e+00> : vector<128xf32>
    %reduce_sum3A_2353 = vector.multi_reduction <add>, %select_n3A_2351, %reduce_sum3A_2352 [1] : vector<128x128xf32> to vector<128xf32>
    %broadcast_in_dim3A_2354 = vector.shape_cast %reduce_sum3A_2353 : vector<128xf32> to vector<128x1xf32>
    %add3A_2355 = arith.addf %add3A_2319, %broadcast_in_dim3A_2354 : vector<128x1xf32>
    %get3A_2356 = arith.constant 0 : index
    %get3A_2357 = arith.constant 65 : index
    %get3A_2358 = arith.constant 0 : index
    %get3A_2359 = vector.load %arg1[%get3A_2356, %get3A_2357, %get3A_2358] : memref<128x88x128xf32, #tpu.memory_space<vmem>>, vector<128x1x128xf32>
    %get3A_2360 = vector.shape_cast %get3A_2359 : vector<128x1x128xf32> to vector<128x128xf32>
    %get3A_2361 = arith.constant 0 : index
    %get3A_2362 = arith.constant 8320 : index
    %get3A_2363 = vector.load %arg3[%get3A_2361, %get3A_2362] : memref<13x10880xf32, #tpu.memory_space<vmem>>, vector<13x128xf32>
    %dot_general3A_2364 = arith.constant dense<0.000000e+00> : vector<128x128xf32>
    %dot_general3A_2365 = tpu.matmul %get3A_1, %get3A_2363, %dot_general3A_2364 {dimension_numbers = #tpu.dot_dimension_numbers<[1], [0], [0], [1], [0, 0, 1, 1], [], []>, transpose_lhs_hint = false} : vector<128x13xf32>, vector<13x128xf32>, vector<128x128xf32> -> vector<128x128xf32>
    %get3A_2366 = arith.constant 8320 : index
    %get3A_2367 = vector.load %arg4[%get3A_2366] : memref<10880xf32, #tpu.memory_space<vmem>>, vector<128xf32>
    %broadcast_in_dim3A_2368 = vector.shape_cast %get3A_2367 : vector<128xf32> to vector<1x128xf32>
    %add3A_2369 = vector.broadcast %broadcast_in_dim3A_2368 : vector<1x128xf32> to vector<128x128xf32>
    %add3A_2370 = arith.addf %dot_general3A_2365, %add3A_2369 : vector<128x128xf32>
    %max3A_2371 = arith.constant 0.000000e+00 : f32
    %max3A_2372 = vector.broadcast %max3A_2371 : f32 to vector<128x128xf32>
    %max3A_2373 = arith.maximumf %add3A_2370, %max3A_2372 : vector<128x128xf32>
    %add3A_2374 = arith.addf %get3A_2360, %max3A_2373 : vector<128x128xf32>
    %get3A_2375 = arith.constant 0 : index
    %get3A_2376 = arith.constant 8320 : index
    %get3A_2377 = vector.load %arg5[%get3A_2375, %get3A_2376] : memref<256x10880xf32, #tpu.memory_space<vmem>>, vector<256x128xf32>
    %dot_general3A_2378 = arith.constant dense<0.000000e+00> : vector<128x256xf32>
    %dot_general3A_2379 = tpu.matmul %add3A_2374, %get3A_2377, %dot_general3A_2378 {dimension_numbers = #tpu.dot_dimension_numbers<[1], [1], [0], [0], [0, 0, 1, 0], [], []>, transpose_lhs_hint = false} : vector<128x128xf32>, vector<256x128xf32>, vector<128x256xf32> -> vector<128x256xf32>
    %add3A_2380 = arith.addf %add3A_2344, %dot_general3A_2379 : vector<128x256xf32>
    %slice3A_2381 = vector.extract_strided_slice %get3A_2360 {offsets = [0, 16], sizes = [128, 112], strides = [1, 1]} : vector<128x128xf32> to vector<128x112xf32>
    %slice3A_2382 = vector.extract_strided_slice %get3A_2360 {offsets = [0, 0], sizes = [128, 16], strides = [1, 1]} : vector<128x128xf32> to vector<128x16xf32>
    %concatenate3A_2383 = tpu.concatenate %slice3A_2381, %slice3A_2382 in 1 : vector<128x112xf32>, vector<128x16xf32> -> vector<128x128xf32>
    %mul3A_2384 = arith.mulf %get3A_2360, %concatenate3A_2383 : vector<128x128xf32>
    %jit3A_2385 = arith.constant 0.000000e+00 : f32
    %broadcast_in_dim3A_2386 = vector.broadcast %jit3A_2385 : f32 to vector<128x128xf32>
    %select_n3A_2387 = arith.select %lt3A_18, %mul3A_2384, %broadcast_in_dim3A_2386 : vector<128x128xi1>, vector<128x128xf32>
    %reduce_sum3A_2388 = arith.constant dense<0.000000e+00> : vector<128xf32>
    %reduce_sum3A_2389 = vector.multi_reduction <add>, %select_n3A_2387, %reduce_sum3A_2388 [1] : vector<128x128xf32> to vector<128xf32>
    %broadcast_in_dim3A_2390 = vector.shape_cast %reduce_sum3A_2389 : vector<128xf32> to vector<128x1xf32>
    %add3A_2391 = arith.addf %add3A_2355, %broadcast_in_dim3A_2390 : vector<128x1xf32>
    %get3A_2392 = arith.constant 0 : index
    %get3A_2393 = arith.constant 66 : index
    %get3A_2394 = arith.constant 0 : index
    %get3A_2395 = vector.load %arg1[%get3A_2392, %get3A_2393, %get3A_2394] : memref<128x88x128xf32, #tpu.memory_space<vmem>>, vector<128x1x128xf32>
    %get3A_2396 = vector.shape_cast %get3A_2395 : vector<128x1x128xf32> to vector<128x128xf32>
    %get3A_2397 = arith.constant 0 : index
    %get3A_2398 = arith.constant 8448 : index
    %get3A_2399 = vector.load %arg3[%get3A_2397, %get3A_2398] : memref<13x10880xf32, #tpu.memory_space<vmem>>, vector<13x128xf32>
    %dot_general3A_2400 = arith.constant dense<0.000000e+00> : vector<128x128xf32>
    %dot_general3A_2401 = tpu.matmul %get3A_1, %get3A_2399, %dot_general3A_2400 {dimension_numbers = #tpu.dot_dimension_numbers<[1], [0], [0], [1], [0, 0, 1, 1], [], []>, transpose_lhs_hint = false} : vector<128x13xf32>, vector<13x128xf32>, vector<128x128xf32> -> vector<128x128xf32>
    %get3A_2402 = arith.constant 8448 : index
    %get3A_2403 = vector.load %arg4[%get3A_2402] : memref<10880xf32, #tpu.memory_space<vmem>>, vector<128xf32>
    %broadcast_in_dim3A_2404 = vector.shape_cast %get3A_2403 : vector<128xf32> to vector<1x128xf32>
    %add3A_2405 = vector.broadcast %broadcast_in_dim3A_2404 : vector<1x128xf32> to vector<128x128xf32>
    %add3A_2406 = arith.addf %dot_general3A_2401, %add3A_2405 : vector<128x128xf32>
    %max3A_2407 = arith.constant 0.000000e+00 : f32
    %max3A_2408 = vector.broadcast %max3A_2407 : f32 to vector<128x128xf32>
    %max3A_2409 = arith.maximumf %add3A_2406, %max3A_2408 : vector<128x128xf32>
    %add3A_2410 = arith.addf %get3A_2396, %max3A_2409 : vector<128x128xf32>
    %get3A_2411 = arith.constant 0 : index
    %get3A_2412 = arith.constant 8448 : index
    %get3A_2413 = vector.load %arg5[%get3A_2411, %get3A_2412] : memref<256x10880xf32, #tpu.memory_space<vmem>>, vector<256x128xf32>
    %dot_general3A_2414 = arith.constant dense<0.000000e+00> : vector<128x256xf32>
    %dot_general3A_2415 = tpu.matmul %add3A_2410, %get3A_2413, %dot_general3A_2414 {dimension_numbers = #tpu.dot_dimension_numbers<[1], [1], [0], [0], [0, 0, 1, 0], [], []>, transpose_lhs_hint = false} : vector<128x128xf32>, vector<256x128xf32>, vector<128x256xf32> -> vector<128x256xf32>
    %add3A_2416 = arith.addf %add3A_2380, %dot_general3A_2415 : vector<128x256xf32>
    %slice3A_2417 = vector.extract_strided_slice %get3A_2396 {offsets = [0, 16], sizes = [128, 112], strides = [1, 1]} : vector<128x128xf32> to vector<128x112xf32>
    %slice3A_2418 = vector.extract_strided_slice %get3A_2396 {offsets = [0, 0], sizes = [128, 16], strides = [1, 1]} : vector<128x128xf32> to vector<128x16xf32>
    %concatenate3A_2419 = tpu.concatenate %slice3A_2417, %slice3A_2418 in 1 : vector<128x112xf32>, vector<128x16xf32> -> vector<128x128xf32>
    %mul3A_2420 = arith.mulf %get3A_2396, %concatenate3A_2419 : vector<128x128xf32>
    %jit3A_2421 = arith.constant 0.000000e+00 : f32
    %broadcast_in_dim3A_2422 = vector.broadcast %jit3A_2421 : f32 to vector<128x128xf32>
    %select_n3A_2423 = arith.select %lt3A_18, %mul3A_2420, %broadcast_in_dim3A_2422 : vector<128x128xi1>, vector<128x128xf32>
    %reduce_sum3A_2424 = arith.constant dense<0.000000e+00> : vector<128xf32>
    %reduce_sum3A_2425 = vector.multi_reduction <add>, %select_n3A_2423, %reduce_sum3A_2424 [1] : vector<128x128xf32> to vector<128xf32>
    %broadcast_in_dim3A_2426 = vector.shape_cast %reduce_sum3A_2425 : vector<128xf32> to vector<128x1xf32>
    %add3A_2427 = arith.addf %add3A_2391, %broadcast_in_dim3A_2426 : vector<128x1xf32>
    %get3A_2428 = arith.constant 0 : index
    %get3A_2429 = arith.constant 67 : index
    %get3A_2430 = arith.constant 0 : index
    %get3A_2431 = vector.load %arg1[%get3A_2428, %get3A_2429, %get3A_2430] : memref<128x88x128xf32, #tpu.memory_space<vmem>>, vector<128x1x128xf32>
    %get3A_2432 = vector.shape_cast %get3A_2431 : vector<128x1x128xf32> to vector<128x128xf32>
    %get3A_2433 = arith.constant 0 : index
    %get3A_2434 = arith.constant 8576 : index
    %get3A_2435 = vector.load %arg3[%get3A_2433, %get3A_2434] : memref<13x10880xf32, #tpu.memory_space<vmem>>, vector<13x128xf32>
    %dot_general3A_2436 = arith.constant dense<0.000000e+00> : vector<128x128xf32>
    %dot_general3A_2437 = tpu.matmul %get3A_1, %get3A_2435, %dot_general3A_2436 {dimension_numbers = #tpu.dot_dimension_numbers<[1], [0], [0], [1], [0, 0, 1, 1], [], []>, transpose_lhs_hint = false} : vector<128x13xf32>, vector<13x128xf32>, vector<128x128xf32> -> vector<128x128xf32>
    %get3A_2438 = arith.constant 8576 : index
    %get3A_2439 = vector.load %arg4[%get3A_2438] : memref<10880xf32, #tpu.memory_space<vmem>>, vector<128xf32>
    %broadcast_in_dim3A_2440 = vector.shape_cast %get3A_2439 : vector<128xf32> to vector<1x128xf32>
    %add3A_2441 = vector.broadcast %broadcast_in_dim3A_2440 : vector<1x128xf32> to vector<128x128xf32>
    %add3A_2442 = arith.addf %dot_general3A_2437, %add3A_2441 : vector<128x128xf32>
    %max3A_2443 = arith.constant 0.000000e+00 : f32
    %max3A_2444 = vector.broadcast %max3A_2443 : f32 to vector<128x128xf32>
    %max3A_2445 = arith.maximumf %add3A_2442, %max3A_2444 : vector<128x128xf32>
    %add3A_2446 = arith.addf %get3A_2432, %max3A_2445 : vector<128x128xf32>
    %get3A_2447 = arith.constant 0 : index
    %get3A_2448 = arith.constant 8576 : index
    %get3A_2449 = vector.load %arg5[%get3A_2447, %get3A_2448] : memref<256x10880xf32, #tpu.memory_space<vmem>>, vector<256x128xf32>
    %dot_general3A_2450 = arith.constant dense<0.000000e+00> : vector<128x256xf32>
    %dot_general3A_2451 = tpu.matmul %add3A_2446, %get3A_2449, %dot_general3A_2450 {dimension_numbers = #tpu.dot_dimension_numbers<[1], [1], [0], [0], [0, 0, 1, 0], [], []>, transpose_lhs_hint = false} : vector<128x128xf32>, vector<256x128xf32>, vector<128x256xf32> -> vector<128x256xf32>
    %add3A_2452 = arith.addf %add3A_2416, %dot_general3A_2451 : vector<128x256xf32>
    %slice3A_2453 = vector.extract_strided_slice %get3A_2432 {offsets = [0, 16], sizes = [128, 112], strides = [1, 1]} : vector<128x128xf32> to vector<128x112xf32>
    %slice3A_2454 = vector.extract_strided_slice %get3A_2432 {offsets = [0, 0], sizes = [128, 16], strides = [1, 1]} : vector<128x128xf32> to vector<128x16xf32>
    %concatenate3A_2455 = tpu.concatenate %slice3A_2453, %slice3A_2454 in 1 : vector<128x112xf32>, vector<128x16xf32> -> vector<128x128xf32>
    %mul3A_2456 = arith.mulf %get3A_2432, %concatenate3A_2455 : vector<128x128xf32>
    %jit3A_2457 = arith.constant 0.000000e+00 : f32
    %broadcast_in_dim3A_2458 = vector.broadcast %jit3A_2457 : f32 to vector<128x128xf32>
    %select_n3A_2459 = arith.select %lt3A_18, %mul3A_2456, %broadcast_in_dim3A_2458 : vector<128x128xi1>, vector<128x128xf32>
    %reduce_sum3A_2460 = arith.constant dense<0.000000e+00> : vector<128xf32>
    %reduce_sum3A_2461 = vector.multi_reduction <add>, %select_n3A_2459, %reduce_sum3A_2460 [1] : vector<128x128xf32> to vector<128xf32>
    %broadcast_in_dim3A_2462 = vector.shape_cast %reduce_sum3A_2461 : vector<128xf32> to vector<128x1xf32>
    %add3A_2463 = arith.addf %add3A_2427, %broadcast_in_dim3A_2462 : vector<128x1xf32>
    %get3A_2464 = arith.constant 0 : index
    %get3A_2465 = arith.constant 68 : index
    %get3A_2466 = arith.constant 0 : index
    %get3A_2467 = vector.load %arg1[%get3A_2464, %get3A_2465, %get3A_2466] : memref<128x88x128xf32, #tpu.memory_space<vmem>>, vector<128x1x128xf32>
    %get3A_2468 = vector.shape_cast %get3A_2467 : vector<128x1x128xf32> to vector<128x128xf32>
    %get3A_2469 = arith.constant 0 : index
    %get3A_2470 = arith.constant 8704 : index
    %get3A_2471 = vector.load %arg3[%get3A_2469, %get3A_2470] : memref<13x10880xf32, #tpu.memory_space<vmem>>, vector<13x128xf32>
    %dot_general3A_2472 = arith.constant dense<0.000000e+00> : vector<128x128xf32>
    %dot_general3A_2473 = tpu.matmul %get3A_1, %get3A_2471, %dot_general3A_2472 {dimension_numbers = #tpu.dot_dimension_numbers<[1], [0], [0], [1], [0, 0, 1, 1], [], []>, transpose_lhs_hint = false} : vector<128x13xf32>, vector<13x128xf32>, vector<128x128xf32> -> vector<128x128xf32>
    %get3A_2474 = arith.constant 8704 : index
    %get3A_2475 = vector.load %arg4[%get3A_2474] : memref<10880xf32, #tpu.memory_space<vmem>>, vector<128xf32>
    %broadcast_in_dim3A_2476 = vector.shape_cast %get3A_2475 : vector<128xf32> to vector<1x128xf32>
    %add3A_2477 = vector.broadcast %broadcast_in_dim3A_2476 : vector<1x128xf32> to vector<128x128xf32>
    %add3A_2478 = arith.addf %dot_general3A_2473, %add3A_2477 : vector<128x128xf32>
    %max3A_2479 = arith.constant 0.000000e+00 : f32
    %max3A_2480 = vector.broadcast %max3A_2479 : f32 to vector<128x128xf32>
    %max3A_2481 = arith.maximumf %add3A_2478, %max3A_2480 : vector<128x128xf32>
    %add3A_2482 = arith.addf %get3A_2468, %max3A_2481 : vector<128x128xf32>
    %get3A_2483 = arith.constant 0 : index
    %get3A_2484 = arith.constant 8704 : index
    %get3A_2485 = vector.load %arg5[%get3A_2483, %get3A_2484] : memref<256x10880xf32, #tpu.memory_space<vmem>>, vector<256x128xf32>
    %dot_general3A_2486 = arith.constant dense<0.000000e+00> : vector<128x256xf32>
    %dot_general3A_2487 = tpu.matmul %add3A_2482, %get3A_2485, %dot_general3A_2486 {dimension_numbers = #tpu.dot_dimension_numbers<[1], [1], [0], [0], [0, 0, 1, 0], [], []>, transpose_lhs_hint = false} : vector<128x128xf32>, vector<256x128xf32>, vector<128x256xf32> -> vector<128x256xf32>
    %add3A_2488 = arith.addf %add3A_2452, %dot_general3A_2487 : vector<128x256xf32>
    %slice3A_2489 = vector.extract_strided_slice %get3A_2468 {offsets = [0, 16], sizes = [128, 112], strides = [1, 1]} : vector<128x128xf32> to vector<128x112xf32>
    %slice3A_2490 = vector.extract_strided_slice %get3A_2468 {offsets = [0, 0], sizes = [128, 16], strides = [1, 1]} : vector<128x128xf32> to vector<128x16xf32>
    %concatenate3A_2491 = tpu.concatenate %slice3A_2489, %slice3A_2490 in 1 : vector<128x112xf32>, vector<128x16xf32> -> vector<128x128xf32>
    %mul3A_2492 = arith.mulf %get3A_2468, %concatenate3A_2491 : vector<128x128xf32>
    %jit3A_2493 = arith.constant 0.000000e+00 : f32
    %broadcast_in_dim3A_2494 = vector.broadcast %jit3A_2493 : f32 to vector<128x128xf32>
    %select_n3A_2495 = arith.select %lt3A_18, %mul3A_2492, %broadcast_in_dim3A_2494 : vector<128x128xi1>, vector<128x128xf32>
    %reduce_sum3A_2496 = arith.constant dense<0.000000e+00> : vector<128xf32>
    %reduce_sum3A_2497 = vector.multi_reduction <add>, %select_n3A_2495, %reduce_sum3A_2496 [1] : vector<128x128xf32> to vector<128xf32>
    %broadcast_in_dim3A_2498 = vector.shape_cast %reduce_sum3A_2497 : vector<128xf32> to vector<128x1xf32>
    %add3A_2499 = arith.addf %add3A_2463, %broadcast_in_dim3A_2498 : vector<128x1xf32>
    %get3A_2500 = arith.constant 0 : index
    %get3A_2501 = arith.constant 69 : index
    %get3A_2502 = arith.constant 0 : index
    %get3A_2503 = vector.load %arg1[%get3A_2500, %get3A_2501, %get3A_2502] : memref<128x88x128xf32, #tpu.memory_space<vmem>>, vector<128x1x128xf32>
    %get3A_2504 = vector.shape_cast %get3A_2503 : vector<128x1x128xf32> to vector<128x128xf32>
    %get3A_2505 = arith.constant 0 : index
    %get3A_2506 = arith.constant 8832 : index
    %get3A_2507 = vector.load %arg3[%get3A_2505, %get3A_2506] : memref<13x10880xf32, #tpu.memory_space<vmem>>, vector<13x128xf32>
    %dot_general3A_2508 = arith.constant dense<0.000000e+00> : vector<128x128xf32>
    %dot_general3A_2509 = tpu.matmul %get3A_1, %get3A_2507, %dot_general3A_2508 {dimension_numbers = #tpu.dot_dimension_numbers<[1], [0], [0], [1], [0, 0, 1, 1], [], []>, transpose_lhs_hint = false} : vector<128x13xf32>, vector<13x128xf32>, vector<128x128xf32> -> vector<128x128xf32>
    %get3A_2510 = arith.constant 8832 : index
    %get3A_2511 = vector.load %arg4[%get3A_2510] : memref<10880xf32, #tpu.memory_space<vmem>>, vector<128xf32>
    %broadcast_in_dim3A_2512 = vector.shape_cast %get3A_2511 : vector<128xf32> to vector<1x128xf32>
    %add3A_2513 = vector.broadcast %broadcast_in_dim3A_2512 : vector<1x128xf32> to vector<128x128xf32>
    %add3A_2514 = arith.addf %dot_general3A_2509, %add3A_2513 : vector<128x128xf32>
    %max3A_2515 = arith.constant 0.000000e+00 : f32
    %max3A_2516 = vector.broadcast %max3A_2515 : f32 to vector<128x128xf32>
    %max3A_2517 = arith.maximumf %add3A_2514, %max3A_2516 : vector<128x128xf32>
    %add3A_2518 = arith.addf %get3A_2504, %max3A_2517 : vector<128x128xf32>
    %get3A_2519 = arith.constant 0 : index
    %get3A_2520 = arith.constant 8832 : index
    %get3A_2521 = vector.load %arg5[%get3A_2519, %get3A_2520] : memref<256x10880xf32, #tpu.memory_space<vmem>>, vector<256x128xf32>
    %dot_general3A_2522 = arith.constant dense<0.000000e+00> : vector<128x256xf32>
    %dot_general3A_2523 = tpu.matmul %add3A_2518, %get3A_2521, %dot_general3A_2522 {dimension_numbers = #tpu.dot_dimension_numbers<[1], [1], [0], [0], [0, 0, 1, 0], [], []>, transpose_lhs_hint = false} : vector<128x128xf32>, vector<256x128xf32>, vector<128x256xf32> -> vector<128x256xf32>
    %add3A_2524 = arith.addf %add3A_2488, %dot_general3A_2523 : vector<128x256xf32>
    %slice3A_2525 = vector.extract_strided_slice %get3A_2504 {offsets = [0, 16], sizes = [128, 112], strides = [1, 1]} : vector<128x128xf32> to vector<128x112xf32>
    %slice3A_2526 = vector.extract_strided_slice %get3A_2504 {offsets = [0, 0], sizes = [128, 16], strides = [1, 1]} : vector<128x128xf32> to vector<128x16xf32>
    %concatenate3A_2527 = tpu.concatenate %slice3A_2525, %slice3A_2526 in 1 : vector<128x112xf32>, vector<128x16xf32> -> vector<128x128xf32>
    %mul3A_2528 = arith.mulf %get3A_2504, %concatenate3A_2527 : vector<128x128xf32>
    %jit3A_2529 = arith.constant 0.000000e+00 : f32
    %broadcast_in_dim3A_2530 = vector.broadcast %jit3A_2529 : f32 to vector<128x128xf32>
    %select_n3A_2531 = arith.select %lt3A_18, %mul3A_2528, %broadcast_in_dim3A_2530 : vector<128x128xi1>, vector<128x128xf32>
    %reduce_sum3A_2532 = arith.constant dense<0.000000e+00> : vector<128xf32>
    %reduce_sum3A_2533 = vector.multi_reduction <add>, %select_n3A_2531, %reduce_sum3A_2532 [1] : vector<128x128xf32> to vector<128xf32>
    %broadcast_in_dim3A_2534 = vector.shape_cast %reduce_sum3A_2533 : vector<128xf32> to vector<128x1xf32>
    %add3A_2535 = arith.addf %add3A_2499, %broadcast_in_dim3A_2534 : vector<128x1xf32>
    %get3A_2536 = arith.constant 0 : index
    %get3A_2537 = arith.constant 70 : index
    %get3A_2538 = arith.constant 0 : index
    %get3A_2539 = vector.load %arg1[%get3A_2536, %get3A_2537, %get3A_2538] : memref<128x88x128xf32, #tpu.memory_space<vmem>>, vector<128x1x128xf32>
    %get3A_2540 = vector.shape_cast %get3A_2539 : vector<128x1x128xf32> to vector<128x128xf32>
    %get3A_2541 = arith.constant 0 : index
    %get3A_2542 = arith.constant 8960 : index
    %get3A_2543 = vector.load %arg3[%get3A_2541, %get3A_2542] : memref<13x10880xf32, #tpu.memory_space<vmem>>, vector<13x128xf32>
    %dot_general3A_2544 = arith.constant dense<0.000000e+00> : vector<128x128xf32>
    %dot_general3A_2545 = tpu.matmul %get3A_1, %get3A_2543, %dot_general3A_2544 {dimension_numbers = #tpu.dot_dimension_numbers<[1], [0], [0], [1], [0, 0, 1, 1], [], []>, transpose_lhs_hint = false} : vector<128x13xf32>, vector<13x128xf32>, vector<128x128xf32> -> vector<128x128xf32>
    %get3A_2546 = arith.constant 8960 : index
    %get3A_2547 = vector.load %arg4[%get3A_2546] : memref<10880xf32, #tpu.memory_space<vmem>>, vector<128xf32>
    %broadcast_in_dim3A_2548 = vector.shape_cast %get3A_2547 : vector<128xf32> to vector<1x128xf32>
    %add3A_2549 = vector.broadcast %broadcast_in_dim3A_2548 : vector<1x128xf32> to vector<128x128xf32>
    %add3A_2550 = arith.addf %dot_general3A_2545, %add3A_2549 : vector<128x128xf32>
    %max3A_2551 = arith.constant 0.000000e+00 : f32
    %max3A_2552 = vector.broadcast %max3A_2551 : f32 to vector<128x128xf32>
    %max3A_2553 = arith.maximumf %add3A_2550, %max3A_2552 : vector<128x128xf32>
    %add3A_2554 = arith.addf %get3A_2540, %max3A_2553 : vector<128x128xf32>
    %get3A_2555 = arith.constant 0 : index
    %get3A_2556 = arith.constant 8960 : index
    %get3A_2557 = vector.load %arg5[%get3A_2555, %get3A_2556] : memref<256x10880xf32, #tpu.memory_space<vmem>>, vector<256x128xf32>
    %dot_general3A_2558 = arith.constant dense<0.000000e+00> : vector<128x256xf32>
    %dot_general3A_2559 = tpu.matmul %add3A_2554, %get3A_2557, %dot_general3A_2558 {dimension_numbers = #tpu.dot_dimension_numbers<[1], [1], [0], [0], [0, 0, 1, 0], [], []>, transpose_lhs_hint = false} : vector<128x128xf32>, vector<256x128xf32>, vector<128x256xf32> -> vector<128x256xf32>
    %add3A_2560 = arith.addf %add3A_2524, %dot_general3A_2559 : vector<128x256xf32>
    %slice3A_2561 = vector.extract_strided_slice %get3A_2540 {offsets = [0, 16], sizes = [128, 112], strides = [1, 1]} : vector<128x128xf32> to vector<128x112xf32>
    %slice3A_2562 = vector.extract_strided_slice %get3A_2540 {offsets = [0, 0], sizes = [128, 16], strides = [1, 1]} : vector<128x128xf32> to vector<128x16xf32>
    %concatenate3A_2563 = tpu.concatenate %slice3A_2561, %slice3A_2562 in 1 : vector<128x112xf32>, vector<128x16xf32> -> vector<128x128xf32>
    %mul3A_2564 = arith.mulf %get3A_2540, %concatenate3A_2563 : vector<128x128xf32>
    %jit3A_2565 = arith.constant 0.000000e+00 : f32
    %broadcast_in_dim3A_2566 = vector.broadcast %jit3A_2565 : f32 to vector<128x128xf32>
    %select_n3A_2567 = arith.select %lt3A_18, %mul3A_2564, %broadcast_in_dim3A_2566 : vector<128x128xi1>, vector<128x128xf32>
    %reduce_sum3A_2568 = arith.constant dense<0.000000e+00> : vector<128xf32>
    %reduce_sum3A_2569 = vector.multi_reduction <add>, %select_n3A_2567, %reduce_sum3A_2568 [1] : vector<128x128xf32> to vector<128xf32>
    %broadcast_in_dim3A_2570 = vector.shape_cast %reduce_sum3A_2569 : vector<128xf32> to vector<128x1xf32>
    %add3A_2571 = arith.addf %add3A_2535, %broadcast_in_dim3A_2570 : vector<128x1xf32>
    %get3A_2572 = arith.constant 0 : index
    %get3A_2573 = arith.constant 71 : index
    %get3A_2574 = arith.constant 0 : index
    %get3A_2575 = vector.load %arg1[%get3A_2572, %get3A_2573, %get3A_2574] : memref<128x88x128xf32, #tpu.memory_space<vmem>>, vector<128x1x128xf32>
    %get3A_2576 = vector.shape_cast %get3A_2575 : vector<128x1x128xf32> to vector<128x128xf32>
    %get3A_2577 = arith.constant 0 : index
    %get3A_2578 = arith.constant 9088 : index
    %get3A_2579 = vector.load %arg3[%get3A_2577, %get3A_2578] : memref<13x10880xf32, #tpu.memory_space<vmem>>, vector<13x128xf32>
    %dot_general3A_2580 = arith.constant dense<0.000000e+00> : vector<128x128xf32>
    %dot_general3A_2581 = tpu.matmul %get3A_1, %get3A_2579, %dot_general3A_2580 {dimension_numbers = #tpu.dot_dimension_numbers<[1], [0], [0], [1], [0, 0, 1, 1], [], []>, transpose_lhs_hint = false} : vector<128x13xf32>, vector<13x128xf32>, vector<128x128xf32> -> vector<128x128xf32>
    %get3A_2582 = arith.constant 9088 : index
    %get3A_2583 = vector.load %arg4[%get3A_2582] : memref<10880xf32, #tpu.memory_space<vmem>>, vector<128xf32>
    %broadcast_in_dim3A_2584 = vector.shape_cast %get3A_2583 : vector<128xf32> to vector<1x128xf32>
    %add3A_2585 = vector.broadcast %broadcast_in_dim3A_2584 : vector<1x128xf32> to vector<128x128xf32>
    %add3A_2586 = arith.addf %dot_general3A_2581, %add3A_2585 : vector<128x128xf32>
    %max3A_2587 = arith.constant 0.000000e+00 : f32
    %max3A_2588 = vector.broadcast %max3A_2587 : f32 to vector<128x128xf32>
    %max3A_2589 = arith.maximumf %add3A_2586, %max3A_2588 : vector<128x128xf32>
    %add3A_2590 = arith.addf %get3A_2576, %max3A_2589 : vector<128x128xf32>
    %get3A_2591 = arith.constant 0 : index
    %get3A_2592 = arith.constant 9088 : index
    %get3A_2593 = vector.load %arg5[%get3A_2591, %get3A_2592] : memref<256x10880xf32, #tpu.memory_space<vmem>>, vector<256x128xf32>
    %dot_general3A_2594 = arith.constant dense<0.000000e+00> : vector<128x256xf32>
    %dot_general3A_2595 = tpu.matmul %add3A_2590, %get3A_2593, %dot_general3A_2594 {dimension_numbers = #tpu.dot_dimension_numbers<[1], [1], [0], [0], [0, 0, 1, 0], [], []>, transpose_lhs_hint = false} : vector<128x128xf32>, vector<256x128xf32>, vector<128x256xf32> -> vector<128x256xf32>
    %add3A_2596 = arith.addf %add3A_2560, %dot_general3A_2595 : vector<128x256xf32>
    %slice3A_2597 = vector.extract_strided_slice %get3A_2576 {offsets = [0, 16], sizes = [128, 112], strides = [1, 1]} : vector<128x128xf32> to vector<128x112xf32>
    %slice3A_2598 = vector.extract_strided_slice %get3A_2576 {offsets = [0, 0], sizes = [128, 16], strides = [1, 1]} : vector<128x128xf32> to vector<128x16xf32>
    %concatenate3A_2599 = tpu.concatenate %slice3A_2597, %slice3A_2598 in 1 : vector<128x112xf32>, vector<128x16xf32> -> vector<128x128xf32>
    %mul3A_2600 = arith.mulf %get3A_2576, %concatenate3A_2599 : vector<128x128xf32>
    %jit3A_2601 = arith.constant 0.000000e+00 : f32
    %broadcast_in_dim3A_2602 = vector.broadcast %jit3A_2601 : f32 to vector<128x128xf32>
    %select_n3A_2603 = arith.select %lt3A_18, %mul3A_2600, %broadcast_in_dim3A_2602 : vector<128x128xi1>, vector<128x128xf32>
    %reduce_sum3A_2604 = arith.constant dense<0.000000e+00> : vector<128xf32>
    %reduce_sum3A_2605 = vector.multi_reduction <add>, %select_n3A_2603, %reduce_sum3A_2604 [1] : vector<128x128xf32> to vector<128xf32>
    %broadcast_in_dim3A_2606 = vector.shape_cast %reduce_sum3A_2605 : vector<128xf32> to vector<128x1xf32>
    %add3A_2607 = arith.addf %add3A_2571, %broadcast_in_dim3A_2606 : vector<128x1xf32>
    %get3A_2608 = arith.constant 0 : index
    %get3A_2609 = arith.constant 72 : index
    %get3A_2610 = arith.constant 0 : index
    %get3A_2611 = vector.load %arg1[%get3A_2608, %get3A_2609, %get3A_2610] : memref<128x88x128xf32, #tpu.memory_space<vmem>>, vector<128x1x128xf32>
    %get3A_2612 = vector.shape_cast %get3A_2611 : vector<128x1x128xf32> to vector<128x128xf32>
    %get3A_2613 = arith.constant 0 : index
    %get3A_2614 = arith.constant 9216 : index
    %get3A_2615 = vector.load %arg3[%get3A_2613, %get3A_2614] : memref<13x10880xf32, #tpu.memory_space<vmem>>, vector<13x128xf32>
    %dot_general3A_2616 = arith.constant dense<0.000000e+00> : vector<128x128xf32>
    %dot_general3A_2617 = tpu.matmul %get3A_1, %get3A_2615, %dot_general3A_2616 {dimension_numbers = #tpu.dot_dimension_numbers<[1], [0], [0], [1], [0, 0, 1, 1], [], []>, transpose_lhs_hint = false} : vector<128x13xf32>, vector<13x128xf32>, vector<128x128xf32> -> vector<128x128xf32>
    %get3A_2618 = arith.constant 9216 : index
    %get3A_2619 = vector.load %arg4[%get3A_2618] : memref<10880xf32, #tpu.memory_space<vmem>>, vector<128xf32>
    %broadcast_in_dim3A_2620 = vector.shape_cast %get3A_2619 : vector<128xf32> to vector<1x128xf32>
    %add3A_2621 = vector.broadcast %broadcast_in_dim3A_2620 : vector<1x128xf32> to vector<128x128xf32>
    %add3A_2622 = arith.addf %dot_general3A_2617, %add3A_2621 : vector<128x128xf32>
    %max3A_2623 = arith.constant 0.000000e+00 : f32
    %max3A_2624 = vector.broadcast %max3A_2623 : f32 to vector<128x128xf32>
    %max3A_2625 = arith.maximumf %add3A_2622, %max3A_2624 : vector<128x128xf32>
    %add3A_2626 = arith.addf %get3A_2612, %max3A_2625 : vector<128x128xf32>
    %get3A_2627 = arith.constant 0 : index
    %get3A_2628 = arith.constant 9216 : index
    %get3A_2629 = vector.load %arg5[%get3A_2627, %get3A_2628] : memref<256x10880xf32, #tpu.memory_space<vmem>>, vector<256x128xf32>
    %dot_general3A_2630 = arith.constant dense<0.000000e+00> : vector<128x256xf32>
    %dot_general3A_2631 = tpu.matmul %add3A_2626, %get3A_2629, %dot_general3A_2630 {dimension_numbers = #tpu.dot_dimension_numbers<[1], [1], [0], [0], [0, 0, 1, 0], [], []>, transpose_lhs_hint = false} : vector<128x128xf32>, vector<256x128xf32>, vector<128x256xf32> -> vector<128x256xf32>
    %add3A_2632 = arith.addf %add3A_2596, %dot_general3A_2631 : vector<128x256xf32>
    %slice3A_2633 = vector.extract_strided_slice %get3A_2612 {offsets = [0, 16], sizes = [128, 112], strides = [1, 1]} : vector<128x128xf32> to vector<128x112xf32>
    %slice3A_2634 = vector.extract_strided_slice %get3A_2612 {offsets = [0, 0], sizes = [128, 16], strides = [1, 1]} : vector<128x128xf32> to vector<128x16xf32>
    %concatenate3A_2635 = tpu.concatenate %slice3A_2633, %slice3A_2634 in 1 : vector<128x112xf32>, vector<128x16xf32> -> vector<128x128xf32>
    %mul3A_2636 = arith.mulf %get3A_2612, %concatenate3A_2635 : vector<128x128xf32>
    %jit3A_2637 = arith.constant 0.000000e+00 : f32
    %broadcast_in_dim3A_2638 = vector.broadcast %jit3A_2637 : f32 to vector<128x128xf32>
    %select_n3A_2639 = arith.select %lt3A_18, %mul3A_2636, %broadcast_in_dim3A_2638 : vector<128x128xi1>, vector<128x128xf32>
    %reduce_sum3A_2640 = arith.constant dense<0.000000e+00> : vector<128xf32>
    %reduce_sum3A_2641 = vector.multi_reduction <add>, %select_n3A_2639, %reduce_sum3A_2640 [1] : vector<128x128xf32> to vector<128xf32>
    %broadcast_in_dim3A_2642 = vector.shape_cast %reduce_sum3A_2641 : vector<128xf32> to vector<128x1xf32>
    %add3A_2643 = arith.addf %add3A_2607, %broadcast_in_dim3A_2642 : vector<128x1xf32>
    %get3A_2644 = arith.constant 0 : index
    %get3A_2645 = arith.constant 73 : index
    %get3A_2646 = arith.constant 0 : index
    %get3A_2647 = vector.load %arg1[%get3A_2644, %get3A_2645, %get3A_2646] : memref<128x88x128xf32, #tpu.memory_space<vmem>>, vector<128x1x128xf32>
    %get3A_2648 = vector.shape_cast %get3A_2647 : vector<128x1x128xf32> to vector<128x128xf32>
    %get3A_2649 = arith.constant 0 : index
    %get3A_2650 = arith.constant 9344 : index
    %get3A_2651 = vector.load %arg3[%get3A_2649, %get3A_2650] : memref<13x10880xf32, #tpu.memory_space<vmem>>, vector<13x128xf32>
    %dot_general3A_2652 = arith.constant dense<0.000000e+00> : vector<128x128xf32>
    %dot_general3A_2653 = tpu.matmul %get3A_1, %get3A_2651, %dot_general3A_2652 {dimension_numbers = #tpu.dot_dimension_numbers<[1], [0], [0], [1], [0, 0, 1, 1], [], []>, transpose_lhs_hint = false} : vector<128x13xf32>, vector<13x128xf32>, vector<128x128xf32> -> vector<128x128xf32>
    %get3A_2654 = arith.constant 9344 : index
    %get3A_2655 = vector.load %arg4[%get3A_2654] : memref<10880xf32, #tpu.memory_space<vmem>>, vector<128xf32>
    %broadcast_in_dim3A_2656 = vector.shape_cast %get3A_2655 : vector<128xf32> to vector<1x128xf32>
    %add3A_2657 = vector.broadcast %broadcast_in_dim3A_2656 : vector<1x128xf32> to vector<128x128xf32>
    %add3A_2658 = arith.addf %dot_general3A_2653, %add3A_2657 : vector<128x128xf32>
    %max3A_2659 = arith.constant 0.000000e+00 : f32
    %max3A_2660 = vector.broadcast %max3A_2659 : f32 to vector<128x128xf32>
    %max3A_2661 = arith.maximumf %add3A_2658, %max3A_2660 : vector<128x128xf32>
    %add3A_2662 = arith.addf %get3A_2648, %max3A_2661 : vector<128x128xf32>
    %get3A_2663 = arith.constant 0 : index
    %get3A_2664 = arith.constant 9344 : index
    %get3A_2665 = vector.load %arg5[%get3A_2663, %get3A_2664] : memref<256x10880xf32, #tpu.memory_space<vmem>>, vector<256x128xf32>
    %dot_general3A_2666 = arith.constant dense<0.000000e+00> : vector<128x256xf32>
    %dot_general3A_2667 = tpu.matmul %add3A_2662, %get3A_2665, %dot_general3A_2666 {dimension_numbers = #tpu.dot_dimension_numbers<[1], [1], [0], [0], [0, 0, 1, 0], [], []>, transpose_lhs_hint = false} : vector<128x128xf32>, vector<256x128xf32>, vector<128x256xf32> -> vector<128x256xf32>
    %add3A_2668 = arith.addf %add3A_2632, %dot_general3A_2667 : vector<128x256xf32>
    %slice3A_2669 = vector.extract_strided_slice %get3A_2648 {offsets = [0, 16], sizes = [128, 112], strides = [1, 1]} : vector<128x128xf32> to vector<128x112xf32>
    %slice3A_2670 = vector.extract_strided_slice %get3A_2648 {offsets = [0, 0], sizes = [128, 16], strides = [1, 1]} : vector<128x128xf32> to vector<128x16xf32>
    %concatenate3A_2671 = tpu.concatenate %slice3A_2669, %slice3A_2670 in 1 : vector<128x112xf32>, vector<128x16xf32> -> vector<128x128xf32>
    %mul3A_2672 = arith.mulf %get3A_2648, %concatenate3A_2671 : vector<128x128xf32>
    %jit3A_2673 = arith.constant 0.000000e+00 : f32
    %broadcast_in_dim3A_2674 = vector.broadcast %jit3A_2673 : f32 to vector<128x128xf32>
    %select_n3A_2675 = arith.select %lt3A_18, %mul3A_2672, %broadcast_in_dim3A_2674 : vector<128x128xi1>, vector<128x128xf32>
    %reduce_sum3A_2676 = arith.constant dense<0.000000e+00> : vector<128xf32>
    %reduce_sum3A_2677 = vector.multi_reduction <add>, %select_n3A_2675, %reduce_sum3A_2676 [1] : vector<128x128xf32> to vector<128xf32>
    %broadcast_in_dim3A_2678 = vector.shape_cast %reduce_sum3A_2677 : vector<128xf32> to vector<128x1xf32>
    %add3A_2679 = arith.addf %add3A_2643, %broadcast_in_dim3A_2678 : vector<128x1xf32>
    %get3A_2680 = arith.constant 0 : index
    %get3A_2681 = arith.constant 74 : index
    %get3A_2682 = arith.constant 0 : index
    %get3A_2683 = vector.load %arg1[%get3A_2680, %get3A_2681, %get3A_2682] : memref<128x88x128xf32, #tpu.memory_space<vmem>>, vector<128x1x128xf32>
    %get3A_2684 = vector.shape_cast %get3A_2683 : vector<128x1x128xf32> to vector<128x128xf32>
    %get3A_2685 = arith.constant 0 : index
    %get3A_2686 = arith.constant 9472 : index
    %get3A_2687 = vector.load %arg3[%get3A_2685, %get3A_2686] : memref<13x10880xf32, #tpu.memory_space<vmem>>, vector<13x128xf32>
    %dot_general3A_2688 = arith.constant dense<0.000000e+00> : vector<128x128xf32>
    %dot_general3A_2689 = tpu.matmul %get3A_1, %get3A_2687, %dot_general3A_2688 {dimension_numbers = #tpu.dot_dimension_numbers<[1], [0], [0], [1], [0, 0, 1, 1], [], []>, transpose_lhs_hint = false} : vector<128x13xf32>, vector<13x128xf32>, vector<128x128xf32> -> vector<128x128xf32>
    %get3A_2690 = arith.constant 9472 : index
    %get3A_2691 = vector.load %arg4[%get3A_2690] : memref<10880xf32, #tpu.memory_space<vmem>>, vector<128xf32>
    %broadcast_in_dim3A_2692 = vector.shape_cast %get3A_2691 : vector<128xf32> to vector<1x128xf32>
    %add3A_2693 = vector.broadcast %broadcast_in_dim3A_2692 : vector<1x128xf32> to vector<128x128xf32>
    %add3A_2694 = arith.addf %dot_general3A_2689, %add3A_2693 : vector<128x128xf32>
    %max3A_2695 = arith.constant 0.000000e+00 : f32
    %max3A_2696 = vector.broadcast %max3A_2695 : f32 to vector<128x128xf32>
    %max3A_2697 = arith.maximumf %add3A_2694, %max3A_2696 : vector<128x128xf32>
    %add3A_2698 = arith.addf %get3A_2684, %max3A_2697 : vector<128x128xf32>
    %get3A_2699 = arith.constant 0 : index
    %get3A_2700 = arith.constant 9472 : index
    %get3A_2701 = vector.load %arg5[%get3A_2699, %get3A_2700] : memref<256x10880xf32, #tpu.memory_space<vmem>>, vector<256x128xf32>
    %dot_general3A_2702 = arith.constant dense<0.000000e+00> : vector<128x256xf32>
    %dot_general3A_2703 = tpu.matmul %add3A_2698, %get3A_2701, %dot_general3A_2702 {dimension_numbers = #tpu.dot_dimension_numbers<[1], [1], [0], [0], [0, 0, 1, 0], [], []>, transpose_lhs_hint = false} : vector<128x128xf32>, vector<256x128xf32>, vector<128x256xf32> -> vector<128x256xf32>
    %add3A_2704 = arith.addf %add3A_2668, %dot_general3A_2703 : vector<128x256xf32>
    %slice3A_2705 = vector.extract_strided_slice %get3A_2684 {offsets = [0, 16], sizes = [128, 112], strides = [1, 1]} : vector<128x128xf32> to vector<128x112xf32>
    %slice3A_2706 = vector.extract_strided_slice %get3A_2684 {offsets = [0, 0], sizes = [128, 16], strides = [1, 1]} : vector<128x128xf32> to vector<128x16xf32>
    %concatenate3A_2707 = tpu.concatenate %slice3A_2705, %slice3A_2706 in 1 : vector<128x112xf32>, vector<128x16xf32> -> vector<128x128xf32>
    %mul3A_2708 = arith.mulf %get3A_2684, %concatenate3A_2707 : vector<128x128xf32>
    %jit3A_2709 = arith.constant 0.000000e+00 : f32
    %broadcast_in_dim3A_2710 = vector.broadcast %jit3A_2709 : f32 to vector<128x128xf32>
    %select_n3A_2711 = arith.select %lt3A_18, %mul3A_2708, %broadcast_in_dim3A_2710 : vector<128x128xi1>, vector<128x128xf32>
    %reduce_sum3A_2712 = arith.constant dense<0.000000e+00> : vector<128xf32>
    %reduce_sum3A_2713 = vector.multi_reduction <add>, %select_n3A_2711, %reduce_sum3A_2712 [1] : vector<128x128xf32> to vector<128xf32>
    %broadcast_in_dim3A_2714 = vector.shape_cast %reduce_sum3A_2713 : vector<128xf32> to vector<128x1xf32>
    %add3A_2715 = arith.addf %add3A_2679, %broadcast_in_dim3A_2714 : vector<128x1xf32>
    %get3A_2716 = arith.constant 0 : index
    %get3A_2717 = arith.constant 75 : index
    %get3A_2718 = arith.constant 0 : index
    %get3A_2719 = vector.load %arg1[%get3A_2716, %get3A_2717, %get3A_2718] : memref<128x88x128xf32, #tpu.memory_space<vmem>>, vector<128x1x128xf32>
    %get3A_2720 = vector.shape_cast %get3A_2719 : vector<128x1x128xf32> to vector<128x128xf32>
    %get3A_2721 = arith.constant 0 : index
    %get3A_2722 = arith.constant 9600 : index
    %get3A_2723 = vector.load %arg3[%get3A_2721, %get3A_2722] : memref<13x10880xf32, #tpu.memory_space<vmem>>, vector<13x128xf32>
    %dot_general3A_2724 = arith.constant dense<0.000000e+00> : vector<128x128xf32>
    %dot_general3A_2725 = tpu.matmul %get3A_1, %get3A_2723, %dot_general3A_2724 {dimension_numbers = #tpu.dot_dimension_numbers<[1], [0], [0], [1], [0, 0, 1, 1], [], []>, transpose_lhs_hint = false} : vector<128x13xf32>, vector<13x128xf32>, vector<128x128xf32> -> vector<128x128xf32>
    %get3A_2726 = arith.constant 9600 : index
    %get3A_2727 = vector.load %arg4[%get3A_2726] : memref<10880xf32, #tpu.memory_space<vmem>>, vector<128xf32>
    %broadcast_in_dim3A_2728 = vector.shape_cast %get3A_2727 : vector<128xf32> to vector<1x128xf32>
    %add3A_2729 = vector.broadcast %broadcast_in_dim3A_2728 : vector<1x128xf32> to vector<128x128xf32>
    %add3A_2730 = arith.addf %dot_general3A_2725, %add3A_2729 : vector<128x128xf32>
    %max3A_2731 = arith.constant 0.000000e+00 : f32
    %max3A_2732 = vector.broadcast %max3A_2731 : f32 to vector<128x128xf32>
    %max3A_2733 = arith.maximumf %add3A_2730, %max3A_2732 : vector<128x128xf32>
    %add3A_2734 = arith.addf %get3A_2720, %max3A_2733 : vector<128x128xf32>
    %get3A_2735 = arith.constant 0 : index
    %get3A_2736 = arith.constant 9600 : index
    %get3A_2737 = vector.load %arg5[%get3A_2735, %get3A_2736] : memref<256x10880xf32, #tpu.memory_space<vmem>>, vector<256x128xf32>
    %dot_general3A_2738 = arith.constant dense<0.000000e+00> : vector<128x256xf32>
    %dot_general3A_2739 = tpu.matmul %add3A_2734, %get3A_2737, %dot_general3A_2738 {dimension_numbers = #tpu.dot_dimension_numbers<[1], [1], [0], [0], [0, 0, 1, 0], [], []>, transpose_lhs_hint = false} : vector<128x128xf32>, vector<256x128xf32>, vector<128x256xf32> -> vector<128x256xf32>
    %add3A_2740 = arith.addf %add3A_2704, %dot_general3A_2739 : vector<128x256xf32>
    %slice3A_2741 = vector.extract_strided_slice %get3A_2720 {offsets = [0, 16], sizes = [128, 112], strides = [1, 1]} : vector<128x128xf32> to vector<128x112xf32>
    %slice3A_2742 = vector.extract_strided_slice %get3A_2720 {offsets = [0, 0], sizes = [128, 16], strides = [1, 1]} : vector<128x128xf32> to vector<128x16xf32>
    %concatenate3A_2743 = tpu.concatenate %slice3A_2741, %slice3A_2742 in 1 : vector<128x112xf32>, vector<128x16xf32> -> vector<128x128xf32>
    %mul3A_2744 = arith.mulf %get3A_2720, %concatenate3A_2743 : vector<128x128xf32>
    %jit3A_2745 = arith.constant 0.000000e+00 : f32
    %broadcast_in_dim3A_2746 = vector.broadcast %jit3A_2745 : f32 to vector<128x128xf32>
    %select_n3A_2747 = arith.select %lt3A_18, %mul3A_2744, %broadcast_in_dim3A_2746 : vector<128x128xi1>, vector<128x128xf32>
    %reduce_sum3A_2748 = arith.constant dense<0.000000e+00> : vector<128xf32>
    %reduce_sum3A_2749 = vector.multi_reduction <add>, %select_n3A_2747, %reduce_sum3A_2748 [1] : vector<128x128xf32> to vector<128xf32>
    %broadcast_in_dim3A_2750 = vector.shape_cast %reduce_sum3A_2749 : vector<128xf32> to vector<128x1xf32>
    %add3A_2751 = arith.addf %add3A_2715, %broadcast_in_dim3A_2750 : vector<128x1xf32>
    %get3A_2752 = arith.constant 0 : index
    %get3A_2753 = arith.constant 76 : index
    %get3A_2754 = arith.constant 0 : index
    %get3A_2755 = vector.load %arg1[%get3A_2752, %get3A_2753, %get3A_2754] : memref<128x88x128xf32, #tpu.memory_space<vmem>>, vector<128x1x128xf32>
    %get3A_2756 = vector.shape_cast %get3A_2755 : vector<128x1x128xf32> to vector<128x128xf32>
    %get3A_2757 = arith.constant 0 : index
    %get3A_2758 = arith.constant 9728 : index
    %get3A_2759 = vector.load %arg3[%get3A_2757, %get3A_2758] : memref<13x10880xf32, #tpu.memory_space<vmem>>, vector<13x128xf32>
    %dot_general3A_2760 = arith.constant dense<0.000000e+00> : vector<128x128xf32>
    %dot_general3A_2761 = tpu.matmul %get3A_1, %get3A_2759, %dot_general3A_2760 {dimension_numbers = #tpu.dot_dimension_numbers<[1], [0], [0], [1], [0, 0, 1, 1], [], []>, transpose_lhs_hint = false} : vector<128x13xf32>, vector<13x128xf32>, vector<128x128xf32> -> vector<128x128xf32>
    %get3A_2762 = arith.constant 9728 : index
    %get3A_2763 = vector.load %arg4[%get3A_2762] : memref<10880xf32, #tpu.memory_space<vmem>>, vector<128xf32>
    %broadcast_in_dim3A_2764 = vector.shape_cast %get3A_2763 : vector<128xf32> to vector<1x128xf32>
    %add3A_2765 = vector.broadcast %broadcast_in_dim3A_2764 : vector<1x128xf32> to vector<128x128xf32>
    %add3A_2766 = arith.addf %dot_general3A_2761, %add3A_2765 : vector<128x128xf32>
    %max3A_2767 = arith.constant 0.000000e+00 : f32
    %max3A_2768 = vector.broadcast %max3A_2767 : f32 to vector<128x128xf32>
    %max3A_2769 = arith.maximumf %add3A_2766, %max3A_2768 : vector<128x128xf32>
    %add3A_2770 = arith.addf %get3A_2756, %max3A_2769 : vector<128x128xf32>
    %get3A_2771 = arith.constant 0 : index
    %get3A_2772 = arith.constant 9728 : index
    %get3A_2773 = vector.load %arg5[%get3A_2771, %get3A_2772] : memref<256x10880xf32, #tpu.memory_space<vmem>>, vector<256x128xf32>
    %dot_general3A_2774 = arith.constant dense<0.000000e+00> : vector<128x256xf32>
    %dot_general3A_2775 = tpu.matmul %add3A_2770, %get3A_2773, %dot_general3A_2774 {dimension_numbers = #tpu.dot_dimension_numbers<[1], [1], [0], [0], [0, 0, 1, 0], [], []>, transpose_lhs_hint = false} : vector<128x128xf32>, vector<256x128xf32>, vector<128x256xf32> -> vector<128x256xf32>
    %add3A_2776 = arith.addf %add3A_2740, %dot_general3A_2775 : vector<128x256xf32>
    %slice3A_2777 = vector.extract_strided_slice %get3A_2756 {offsets = [0, 16], sizes = [128, 112], strides = [1, 1]} : vector<128x128xf32> to vector<128x112xf32>
    %slice3A_2778 = vector.extract_strided_slice %get3A_2756 {offsets = [0, 0], sizes = [128, 16], strides = [1, 1]} : vector<128x128xf32> to vector<128x16xf32>
    %concatenate3A_2779 = tpu.concatenate %slice3A_2777, %slice3A_2778 in 1 : vector<128x112xf32>, vector<128x16xf32> -> vector<128x128xf32>
    %mul3A_2780 = arith.mulf %get3A_2756, %concatenate3A_2779 : vector<128x128xf32>
    %jit3A_2781 = arith.constant 0.000000e+00 : f32
    %broadcast_in_dim3A_2782 = vector.broadcast %jit3A_2781 : f32 to vector<128x128xf32>
    %select_n3A_2783 = arith.select %lt3A_18, %mul3A_2780, %broadcast_in_dim3A_2782 : vector<128x128xi1>, vector<128x128xf32>
    %reduce_sum3A_2784 = arith.constant dense<0.000000e+00> : vector<128xf32>
    %reduce_sum3A_2785 = vector.multi_reduction <add>, %select_n3A_2783, %reduce_sum3A_2784 [1] : vector<128x128xf32> to vector<128xf32>
    %broadcast_in_dim3A_2786 = vector.shape_cast %reduce_sum3A_2785 : vector<128xf32> to vector<128x1xf32>
    %add3A_2787 = arith.addf %add3A_2751, %broadcast_in_dim3A_2786 : vector<128x1xf32>
    %get3A_2788 = arith.constant 0 : index
    %get3A_2789 = arith.constant 77 : index
    %get3A_2790 = arith.constant 0 : index
    %get3A_2791 = vector.load %arg1[%get3A_2788, %get3A_2789, %get3A_2790] : memref<128x88x128xf32, #tpu.memory_space<vmem>>, vector<128x1x128xf32>
    %get3A_2792 = vector.shape_cast %get3A_2791 : vector<128x1x128xf32> to vector<128x128xf32>
    %get3A_2793 = arith.constant 0 : index
    %get3A_2794 = arith.constant 9856 : index
    %get3A_2795 = vector.load %arg3[%get3A_2793, %get3A_2794] : memref<13x10880xf32, #tpu.memory_space<vmem>>, vector<13x128xf32>
    %dot_general3A_2796 = arith.constant dense<0.000000e+00> : vector<128x128xf32>
    %dot_general3A_2797 = tpu.matmul %get3A_1, %get3A_2795, %dot_general3A_2796 {dimension_numbers = #tpu.dot_dimension_numbers<[1], [0], [0], [1], [0, 0, 1, 1], [], []>, transpose_lhs_hint = false} : vector<128x13xf32>, vector<13x128xf32>, vector<128x128xf32> -> vector<128x128xf32>
    %get3A_2798 = arith.constant 9856 : index
    %get3A_2799 = vector.load %arg4[%get3A_2798] : memref<10880xf32, #tpu.memory_space<vmem>>, vector<128xf32>
    %broadcast_in_dim3A_2800 = vector.shape_cast %get3A_2799 : vector<128xf32> to vector<1x128xf32>
    %add3A_2801 = vector.broadcast %broadcast_in_dim3A_2800 : vector<1x128xf32> to vector<128x128xf32>
    %add3A_2802 = arith.addf %dot_general3A_2797, %add3A_2801 : vector<128x128xf32>
    %max3A_2803 = arith.constant 0.000000e+00 : f32
    %max3A_2804 = vector.broadcast %max3A_2803 : f32 to vector<128x128xf32>
    %max3A_2805 = arith.maximumf %add3A_2802, %max3A_2804 : vector<128x128xf32>
    %add3A_2806 = arith.addf %get3A_2792, %max3A_2805 : vector<128x128xf32>
    %get3A_2807 = arith.constant 0 : index
    %get3A_2808 = arith.constant 9856 : index
    %get3A_2809 = vector.load %arg5[%get3A_2807, %get3A_2808] : memref<256x10880xf32, #tpu.memory_space<vmem>>, vector<256x128xf32>
    %dot_general3A_2810 = arith.constant dense<0.000000e+00> : vector<128x256xf32>
    %dot_general3A_2811 = tpu.matmul %add3A_2806, %get3A_2809, %dot_general3A_2810 {dimension_numbers = #tpu.dot_dimension_numbers<[1], [1], [0], [0], [0, 0, 1, 0], [], []>, transpose_lhs_hint = false} : vector<128x128xf32>, vector<256x128xf32>, vector<128x256xf32> -> vector<128x256xf32>
    %add3A_2812 = arith.addf %add3A_2776, %dot_general3A_2811 : vector<128x256xf32>
    %slice3A_2813 = vector.extract_strided_slice %get3A_2792 {offsets = [0, 16], sizes = [128, 112], strides = [1, 1]} : vector<128x128xf32> to vector<128x112xf32>
    %slice3A_2814 = vector.extract_strided_slice %get3A_2792 {offsets = [0, 0], sizes = [128, 16], strides = [1, 1]} : vector<128x128xf32> to vector<128x16xf32>
    %concatenate3A_2815 = tpu.concatenate %slice3A_2813, %slice3A_2814 in 1 : vector<128x112xf32>, vector<128x16xf32> -> vector<128x128xf32>
    %mul3A_2816 = arith.mulf %get3A_2792, %concatenate3A_2815 : vector<128x128xf32>
    %jit3A_2817 = arith.constant 0.000000e+00 : f32
    %broadcast_in_dim3A_2818 = vector.broadcast %jit3A_2817 : f32 to vector<128x128xf32>
    %select_n3A_2819 = arith.select %lt3A_18, %mul3A_2816, %broadcast_in_dim3A_2818 : vector<128x128xi1>, vector<128x128xf32>
    %reduce_sum3A_2820 = arith.constant dense<0.000000e+00> : vector<128xf32>
    %reduce_sum3A_2821 = vector.multi_reduction <add>, %select_n3A_2819, %reduce_sum3A_2820 [1] : vector<128x128xf32> to vector<128xf32>
    %broadcast_in_dim3A_2822 = vector.shape_cast %reduce_sum3A_2821 : vector<128xf32> to vector<128x1xf32>
    %add3A_2823 = arith.addf %add3A_2787, %broadcast_in_dim3A_2822 : vector<128x1xf32>
    %get3A_2824 = arith.constant 0 : index
    %get3A_2825 = arith.constant 78 : index
    %get3A_2826 = arith.constant 0 : index
    %get3A_2827 = vector.load %arg1[%get3A_2824, %get3A_2825, %get3A_2826] : memref<128x88x128xf32, #tpu.memory_space<vmem>>, vector<128x1x128xf32>
    %get3A_2828 = vector.shape_cast %get3A_2827 : vector<128x1x128xf32> to vector<128x128xf32>
    %get3A_2829 = arith.constant 0 : index
    %get3A_2830 = arith.constant 9984 : index
    %get3A_2831 = vector.load %arg3[%get3A_2829, %get3A_2830] : memref<13x10880xf32, #tpu.memory_space<vmem>>, vector<13x128xf32>
    %dot_general3A_2832 = arith.constant dense<0.000000e+00> : vector<128x128xf32>
    %dot_general3A_2833 = tpu.matmul %get3A_1, %get3A_2831, %dot_general3A_2832 {dimension_numbers = #tpu.dot_dimension_numbers<[1], [0], [0], [1], [0, 0, 1, 1], [], []>, transpose_lhs_hint = false} : vector<128x13xf32>, vector<13x128xf32>, vector<128x128xf32> -> vector<128x128xf32>
    %get3A_2834 = arith.constant 9984 : index
    %get3A_2835 = vector.load %arg4[%get3A_2834] : memref<10880xf32, #tpu.memory_space<vmem>>, vector<128xf32>
    %broadcast_in_dim3A_2836 = vector.shape_cast %get3A_2835 : vector<128xf32> to vector<1x128xf32>
    %add3A_2837 = vector.broadcast %broadcast_in_dim3A_2836 : vector<1x128xf32> to vector<128x128xf32>
    %add3A_2838 = arith.addf %dot_general3A_2833, %add3A_2837 : vector<128x128xf32>
    %max3A_2839 = arith.constant 0.000000e+00 : f32
    %max3A_2840 = vector.broadcast %max3A_2839 : f32 to vector<128x128xf32>
    %max3A_2841 = arith.maximumf %add3A_2838, %max3A_2840 : vector<128x128xf32>
    %add3A_2842 = arith.addf %get3A_2828, %max3A_2841 : vector<128x128xf32>
    %get3A_2843 = arith.constant 0 : index
    %get3A_2844 = arith.constant 9984 : index
    %get3A_2845 = vector.load %arg5[%get3A_2843, %get3A_2844] : memref<256x10880xf32, #tpu.memory_space<vmem>>, vector<256x128xf32>
    %dot_general3A_2846 = arith.constant dense<0.000000e+00> : vector<128x256xf32>
    %dot_general3A_2847 = tpu.matmul %add3A_2842, %get3A_2845, %dot_general3A_2846 {dimension_numbers = #tpu.dot_dimension_numbers<[1], [1], [0], [0], [0, 0, 1, 0], [], []>, transpose_lhs_hint = false} : vector<128x128xf32>, vector<256x128xf32>, vector<128x256xf32> -> vector<128x256xf32>
    %add3A_2848 = arith.addf %add3A_2812, %dot_general3A_2847 : vector<128x256xf32>
    %slice3A_2849 = vector.extract_strided_slice %get3A_2828 {offsets = [0, 16], sizes = [128, 112], strides = [1, 1]} : vector<128x128xf32> to vector<128x112xf32>
    %slice3A_2850 = vector.extract_strided_slice %get3A_2828 {offsets = [0, 0], sizes = [128, 16], strides = [1, 1]} : vector<128x128xf32> to vector<128x16xf32>
    %concatenate3A_2851 = tpu.concatenate %slice3A_2849, %slice3A_2850 in 1 : vector<128x112xf32>, vector<128x16xf32> -> vector<128x128xf32>
    %mul3A_2852 = arith.mulf %get3A_2828, %concatenate3A_2851 : vector<128x128xf32>
    %jit3A_2853 = arith.constant 0.000000e+00 : f32
    %broadcast_in_dim3A_2854 = vector.broadcast %jit3A_2853 : f32 to vector<128x128xf32>
    %select_n3A_2855 = arith.select %lt3A_18, %mul3A_2852, %broadcast_in_dim3A_2854 : vector<128x128xi1>, vector<128x128xf32>
    %reduce_sum3A_2856 = arith.constant dense<0.000000e+00> : vector<128xf32>
    %reduce_sum3A_2857 = vector.multi_reduction <add>, %select_n3A_2855, %reduce_sum3A_2856 [1] : vector<128x128xf32> to vector<128xf32>
    %broadcast_in_dim3A_2858 = vector.shape_cast %reduce_sum3A_2857 : vector<128xf32> to vector<128x1xf32>
    %add3A_2859 = arith.addf %add3A_2823, %broadcast_in_dim3A_2858 : vector<128x1xf32>
    %get3A_2860 = arith.constant 0 : index
    %get3A_2861 = arith.constant 79 : index
    %get3A_2862 = arith.constant 0 : index
    %get3A_2863 = vector.load %arg1[%get3A_2860, %get3A_2861, %get3A_2862] : memref<128x88x128xf32, #tpu.memory_space<vmem>>, vector<128x1x128xf32>
    %get3A_2864 = vector.shape_cast %get3A_2863 : vector<128x1x128xf32> to vector<128x128xf32>
    %get3A_2865 = arith.constant 0 : index
    %get3A_2866 = arith.constant 10112 : index
    %get3A_2867 = vector.load %arg3[%get3A_2865, %get3A_2866] : memref<13x10880xf32, #tpu.memory_space<vmem>>, vector<13x128xf32>
    %dot_general3A_2868 = arith.constant dense<0.000000e+00> : vector<128x128xf32>
    %dot_general3A_2869 = tpu.matmul %get3A_1, %get3A_2867, %dot_general3A_2868 {dimension_numbers = #tpu.dot_dimension_numbers<[1], [0], [0], [1], [0, 0, 1, 1], [], []>, transpose_lhs_hint = false} : vector<128x13xf32>, vector<13x128xf32>, vector<128x128xf32> -> vector<128x128xf32>
    %get3A_2870 = arith.constant 10112 : index
    %get3A_2871 = vector.load %arg4[%get3A_2870] : memref<10880xf32, #tpu.memory_space<vmem>>, vector<128xf32>
    %broadcast_in_dim3A_2872 = vector.shape_cast %get3A_2871 : vector<128xf32> to vector<1x128xf32>
    %add3A_2873 = vector.broadcast %broadcast_in_dim3A_2872 : vector<1x128xf32> to vector<128x128xf32>
    %add3A_2874 = arith.addf %dot_general3A_2869, %add3A_2873 : vector<128x128xf32>
    %max3A_2875 = arith.constant 0.000000e+00 : f32
    %max3A_2876 = vector.broadcast %max3A_2875 : f32 to vector<128x128xf32>
    %max3A_2877 = arith.maximumf %add3A_2874, %max3A_2876 : vector<128x128xf32>
    %add3A_2878 = arith.addf %get3A_2864, %max3A_2877 : vector<128x128xf32>
    %get3A_2879 = arith.constant 0 : index
    %get3A_2880 = arith.constant 10112 : index
    %get3A_2881 = vector.load %arg5[%get3A_2879, %get3A_2880] : memref<256x10880xf32, #tpu.memory_space<vmem>>, vector<256x128xf32>
    %dot_general3A_2882 = arith.constant dense<0.000000e+00> : vector<128x256xf32>
    %dot_general3A_2883 = tpu.matmul %add3A_2878, %get3A_2881, %dot_general3A_2882 {dimension_numbers = #tpu.dot_dimension_numbers<[1], [1], [0], [0], [0, 0, 1, 0], [], []>, transpose_lhs_hint = false} : vector<128x128xf32>, vector<256x128xf32>, vector<128x256xf32> -> vector<128x256xf32>
    %add3A_2884 = arith.addf %add3A_2848, %dot_general3A_2883 : vector<128x256xf32>
    %slice3A_2885 = vector.extract_strided_slice %get3A_2864 {offsets = [0, 16], sizes = [128, 112], strides = [1, 1]} : vector<128x128xf32> to vector<128x112xf32>
    %slice3A_2886 = vector.extract_strided_slice %get3A_2864 {offsets = [0, 0], sizes = [128, 16], strides = [1, 1]} : vector<128x128xf32> to vector<128x16xf32>
    %concatenate3A_2887 = tpu.concatenate %slice3A_2885, %slice3A_2886 in 1 : vector<128x112xf32>, vector<128x16xf32> -> vector<128x128xf32>
    %mul3A_2888 = arith.mulf %get3A_2864, %concatenate3A_2887 : vector<128x128xf32>
    %jit3A_2889 = arith.constant 0.000000e+00 : f32
    %broadcast_in_dim3A_2890 = vector.broadcast %jit3A_2889 : f32 to vector<128x128xf32>
    %select_n3A_2891 = arith.select %lt3A_18, %mul3A_2888, %broadcast_in_dim3A_2890 : vector<128x128xi1>, vector<128x128xf32>
    %reduce_sum3A_2892 = arith.constant dense<0.000000e+00> : vector<128xf32>
    %reduce_sum3A_2893 = vector.multi_reduction <add>, %select_n3A_2891, %reduce_sum3A_2892 [1] : vector<128x128xf32> to vector<128xf32>
    %broadcast_in_dim3A_2894 = vector.shape_cast %reduce_sum3A_2893 : vector<128xf32> to vector<128x1xf32>
    %add3A_2895 = arith.addf %add3A_2859, %broadcast_in_dim3A_2894 : vector<128x1xf32>
    %get3A_2896 = arith.constant 0 : index
    %get3A_2897 = arith.constant 80 : index
    %get3A_2898 = arith.constant 0 : index
    %get3A_2899 = vector.load %arg1[%get3A_2896, %get3A_2897, %get3A_2898] : memref<128x88x128xf32, #tpu.memory_space<vmem>>, vector<128x1x128xf32>
    %get3A_2900 = vector.shape_cast %get3A_2899 : vector<128x1x128xf32> to vector<128x128xf32>
    %get3A_2901 = arith.constant 0 : index
    %get3A_2902 = arith.constant 10240 : index
    %get3A_2903 = vector.load %arg3[%get3A_2901, %get3A_2902] : memref<13x10880xf32, #tpu.memory_space<vmem>>, vector<13x128xf32>
    %dot_general3A_2904 = arith.constant dense<0.000000e+00> : vector<128x128xf32>
    %dot_general3A_2905 = tpu.matmul %get3A_1, %get3A_2903, %dot_general3A_2904 {dimension_numbers = #tpu.dot_dimension_numbers<[1], [0], [0], [1], [0, 0, 1, 1], [], []>, transpose_lhs_hint = false} : vector<128x13xf32>, vector<13x128xf32>, vector<128x128xf32> -> vector<128x128xf32>
    %get3A_2906 = arith.constant 10240 : index
    %get3A_2907 = vector.load %arg4[%get3A_2906] : memref<10880xf32, #tpu.memory_space<vmem>>, vector<128xf32>
    %broadcast_in_dim3A_2908 = vector.shape_cast %get3A_2907 : vector<128xf32> to vector<1x128xf32>
    %add3A_2909 = vector.broadcast %broadcast_in_dim3A_2908 : vector<1x128xf32> to vector<128x128xf32>
    %add3A_2910 = arith.addf %dot_general3A_2905, %add3A_2909 : vector<128x128xf32>
    %max3A_2911 = arith.constant 0.000000e+00 : f32
    %max3A_2912 = vector.broadcast %max3A_2911 : f32 to vector<128x128xf32>
    %max3A_2913 = arith.maximumf %add3A_2910, %max3A_2912 : vector<128x128xf32>
    %add3A_2914 = arith.addf %get3A_2900, %max3A_2913 : vector<128x128xf32>
    %get3A_2915 = arith.constant 0 : index
    %get3A_2916 = arith.constant 10240 : index
    %get3A_2917 = vector.load %arg5[%get3A_2915, %get3A_2916] : memref<256x10880xf32, #tpu.memory_space<vmem>>, vector<256x128xf32>
    %dot_general3A_2918 = arith.constant dense<0.000000e+00> : vector<128x256xf32>
    %dot_general3A_2919 = tpu.matmul %add3A_2914, %get3A_2917, %dot_general3A_2918 {dimension_numbers = #tpu.dot_dimension_numbers<[1], [1], [0], [0], [0, 0, 1, 0], [], []>, transpose_lhs_hint = false} : vector<128x128xf32>, vector<256x128xf32>, vector<128x256xf32> -> vector<128x256xf32>
    %add3A_2920 = arith.addf %add3A_2884, %dot_general3A_2919 : vector<128x256xf32>
    %slice3A_2921 = vector.extract_strided_slice %get3A_2900 {offsets = [0, 16], sizes = [128, 112], strides = [1, 1]} : vector<128x128xf32> to vector<128x112xf32>
    %slice3A_2922 = vector.extract_strided_slice %get3A_2900 {offsets = [0, 0], sizes = [128, 16], strides = [1, 1]} : vector<128x128xf32> to vector<128x16xf32>
    %concatenate3A_2923 = tpu.concatenate %slice3A_2921, %slice3A_2922 in 1 : vector<128x112xf32>, vector<128x16xf32> -> vector<128x128xf32>
    %mul3A_2924 = arith.mulf %get3A_2900, %concatenate3A_2923 : vector<128x128xf32>
    %jit3A_2925 = arith.constant 0.000000e+00 : f32
    %broadcast_in_dim3A_2926 = vector.broadcast %jit3A_2925 : f32 to vector<128x128xf32>
    %select_n3A_2927 = arith.select %lt3A_18, %mul3A_2924, %broadcast_in_dim3A_2926 : vector<128x128xi1>, vector<128x128xf32>
    %reduce_sum3A_2928 = arith.constant dense<0.000000e+00> : vector<128xf32>
    %reduce_sum3A_2929 = vector.multi_reduction <add>, %select_n3A_2927, %reduce_sum3A_2928 [1] : vector<128x128xf32> to vector<128xf32>
    %broadcast_in_dim3A_2930 = vector.shape_cast %reduce_sum3A_2929 : vector<128xf32> to vector<128x1xf32>
    %add3A_2931 = arith.addf %add3A_2895, %broadcast_in_dim3A_2930 : vector<128x1xf32>
    %get3A_2932 = arith.constant 0 : index
    %get3A_2933 = arith.constant 81 : index
    %get3A_2934 = arith.constant 0 : index
    %get3A_2935 = vector.load %arg1[%get3A_2932, %get3A_2933, %get3A_2934] : memref<128x88x128xf32, #tpu.memory_space<vmem>>, vector<128x1x128xf32>
    %get3A_2936 = vector.shape_cast %get3A_2935 : vector<128x1x128xf32> to vector<128x128xf32>
    %get3A_2937 = arith.constant 0 : index
    %get3A_2938 = arith.constant 10368 : index
    %get3A_2939 = vector.load %arg3[%get3A_2937, %get3A_2938] : memref<13x10880xf32, #tpu.memory_space<vmem>>, vector<13x128xf32>
    %dot_general3A_2940 = arith.constant dense<0.000000e+00> : vector<128x128xf32>
    %dot_general3A_2941 = tpu.matmul %get3A_1, %get3A_2939, %dot_general3A_2940 {dimension_numbers = #tpu.dot_dimension_numbers<[1], [0], [0], [1], [0, 0, 1, 1], [], []>, transpose_lhs_hint = false} : vector<128x13xf32>, vector<13x128xf32>, vector<128x128xf32> -> vector<128x128xf32>
    %get3A_2942 = arith.constant 10368 : index
    %get3A_2943 = vector.load %arg4[%get3A_2942] : memref<10880xf32, #tpu.memory_space<vmem>>, vector<128xf32>
    %broadcast_in_dim3A_2944 = vector.shape_cast %get3A_2943 : vector<128xf32> to vector<1x128xf32>
    %add3A_2945 = vector.broadcast %broadcast_in_dim3A_2944 : vector<1x128xf32> to vector<128x128xf32>
    %add3A_2946 = arith.addf %dot_general3A_2941, %add3A_2945 : vector<128x128xf32>
    %max3A_2947 = arith.constant 0.000000e+00 : f32
    %max3A_2948 = vector.broadcast %max3A_2947 : f32 to vector<128x128xf32>
    %max3A_2949 = arith.maximumf %add3A_2946, %max3A_2948 : vector<128x128xf32>
    %add3A_2950 = arith.addf %get3A_2936, %max3A_2949 : vector<128x128xf32>
    %get3A_2951 = arith.constant 0 : index
    %get3A_2952 = arith.constant 10368 : index
    %get3A_2953 = vector.load %arg5[%get3A_2951, %get3A_2952] : memref<256x10880xf32, #tpu.memory_space<vmem>>, vector<256x128xf32>
    %dot_general3A_2954 = arith.constant dense<0.000000e+00> : vector<128x256xf32>
    %dot_general3A_2955 = tpu.matmul %add3A_2950, %get3A_2953, %dot_general3A_2954 {dimension_numbers = #tpu.dot_dimension_numbers<[1], [1], [0], [0], [0, 0, 1, 0], [], []>, transpose_lhs_hint = false} : vector<128x128xf32>, vector<256x128xf32>, vector<128x256xf32> -> vector<128x256xf32>
    %add3A_2956 = arith.addf %add3A_2920, %dot_general3A_2955 : vector<128x256xf32>
    %lt3A_2957 = arith.constant 32 : i32
    %lt3A_2958 = vector.broadcast %lt3A_2957 : i32 to vector<128x128xi32>
    %lt3A_2959 = arith.cmpi slt, %iota3A, %lt3A_2958 : vector<128x128xi32>
    %and3A_2960 = arith.andi %lt3A_18, %lt3A_2959 : vector<128x128xi1>
    %slice3A_2961 = vector.extract_strided_slice %get3A_2936 {offsets = [0, 16], sizes = [128, 112], strides = [1, 1]} : vector<128x128xf32> to vector<128x112xf32>
    %slice3A_2962 = vector.extract_strided_slice %get3A_2936 {offsets = [0, 0], sizes = [128, 16], strides = [1, 1]} : vector<128x128xf32> to vector<128x16xf32>
    %concatenate3A_2963 = tpu.concatenate %slice3A_2961, %slice3A_2962 in 1 : vector<128x112xf32>, vector<128x16xf32> -> vector<128x128xf32>
    %mul3A_2964 = arith.mulf %get3A_2936, %concatenate3A_2963 : vector<128x128xf32>
    %jit3A_2965 = arith.constant 0.000000e+00 : f32
    %broadcast_in_dim3A_2966 = vector.broadcast %jit3A_2965 : f32 to vector<128x128xf32>
    %select_n3A_2967 = arith.select %and3A_2960, %mul3A_2964, %broadcast_in_dim3A_2966 : vector<128x128xi1>, vector<128x128xf32>
    %reduce_sum3A_2968 = arith.constant dense<0.000000e+00> : vector<128xf32>
    %reduce_sum3A_2969 = vector.multi_reduction <add>, %select_n3A_2967, %reduce_sum3A_2968 [1] : vector<128x128xf32> to vector<128xf32>
    %broadcast_in_dim3A_2970 = vector.shape_cast %reduce_sum3A_2969 : vector<128xf32> to vector<128x1xf32>
    %add3A_2971 = arith.addf %add3A_2931, %broadcast_in_dim3A_2970 : vector<128x1xf32>
    %get3A_2972 = arith.constant 0 : index
    %get3A_2973 = arith.constant 82 : index
    %get3A_2974 = arith.constant 0 : index
    %get3A_2975 = vector.load %arg1[%get3A_2972, %get3A_2973, %get3A_2974] : memref<128x88x128xf32, #tpu.memory_space<vmem>>, vector<128x1x128xf32>
    %get3A_2976 = vector.shape_cast %get3A_2975 : vector<128x1x128xf32> to vector<128x128xf32>
    %get3A_2977 = arith.constant 0 : index
    %get3A_2978 = arith.constant 10496 : index
    %get3A_2979 = vector.load %arg3[%get3A_2977, %get3A_2978] : memref<13x10880xf32, #tpu.memory_space<vmem>>, vector<13x128xf32>
    %dot_general3A_2980 = arith.constant dense<0.000000e+00> : vector<128x128xf32>
    %dot_general3A_2981 = tpu.matmul %get3A_1, %get3A_2979, %dot_general3A_2980 {dimension_numbers = #tpu.dot_dimension_numbers<[1], [0], [0], [1], [0, 0, 1, 1], [], []>, transpose_lhs_hint = false} : vector<128x13xf32>, vector<13x128xf32>, vector<128x128xf32> -> vector<128x128xf32>
    %get3A_2982 = arith.constant 10496 : index
    %get3A_2983 = vector.load %arg4[%get3A_2982] : memref<10880xf32, #tpu.memory_space<vmem>>, vector<128xf32>
    %broadcast_in_dim3A_2984 = vector.shape_cast %get3A_2983 : vector<128xf32> to vector<1x128xf32>
    %add3A_2985 = vector.broadcast %broadcast_in_dim3A_2984 : vector<1x128xf32> to vector<128x128xf32>
    %add3A_2986 = arith.addf %dot_general3A_2981, %add3A_2985 : vector<128x128xf32>
    %max3A_2987 = arith.constant 0.000000e+00 : f32
    %max3A_2988 = vector.broadcast %max3A_2987 : f32 to vector<128x128xf32>
    %max3A_2989 = arith.maximumf %add3A_2986, %max3A_2988 : vector<128x128xf32>
    %add3A_2990 = arith.addf %get3A_2976, %max3A_2989 : vector<128x128xf32>
    %get3A_2991 = arith.constant 0 : index
    %get3A_2992 = arith.constant 10496 : index
    %get3A_2993 = vector.load %arg5[%get3A_2991, %get3A_2992] : memref<256x10880xf32, #tpu.memory_space<vmem>>, vector<256x128xf32>
    %dot_general3A_2994 = arith.constant dense<0.000000e+00> : vector<128x256xf32>
    %dot_general3A_2995 = tpu.matmul %add3A_2990, %get3A_2993, %dot_general3A_2994 {dimension_numbers = #tpu.dot_dimension_numbers<[1], [1], [0], [0], [0, 0, 1, 0], [], []>, transpose_lhs_hint = false} : vector<128x128xf32>, vector<256x128xf32>, vector<128x256xf32> -> vector<128x256xf32>
    %add3A_2996 = arith.addf %add3A_2956, %dot_general3A_2995 : vector<128x256xf32>
    %get3A_2997 = arith.constant 0 : index
    %get3A_2998 = arith.constant 83 : index
    %get3A_2999 = arith.constant 0 : index
    %get3A_3000 = vector.load %arg1[%get3A_2997, %get3A_2998, %get3A_2999] : memref<128x88x128xf32, #tpu.memory_space<vmem>>, vector<128x1x128xf32>
    %get3A_3001 = vector.shape_cast %get3A_3000 : vector<128x1x128xf32> to vector<128x128xf32>
    %get3A_3002 = arith.constant 0 : index
    %get3A_3003 = arith.constant 10624 : index
    %get3A_3004 = vector.load %arg3[%get3A_3002, %get3A_3003] : memref<13x10880xf32, #tpu.memory_space<vmem>>, vector<13x128xf32>
    %dot_general3A_3005 = arith.constant dense<0.000000e+00> : vector<128x128xf32>
    %dot_general3A_3006 = tpu.matmul %get3A_1, %get3A_3004, %dot_general3A_3005 {dimension_numbers = #tpu.dot_dimension_numbers<[1], [0], [0], [1], [0, 0, 1, 1], [], []>, transpose_lhs_hint = false} : vector<128x13xf32>, vector<13x128xf32>, vector<128x128xf32> -> vector<128x128xf32>
    %get3A_3007 = arith.constant 10624 : index
    %get3A_3008 = vector.load %arg4[%get3A_3007] : memref<10880xf32, #tpu.memory_space<vmem>>, vector<128xf32>
    %broadcast_in_dim3A_3009 = vector.shape_cast %get3A_3008 : vector<128xf32> to vector<1x128xf32>
    %add3A_3010 = vector.broadcast %broadcast_in_dim3A_3009 : vector<1x128xf32> to vector<128x128xf32>
    %add3A_3011 = arith.addf %dot_general3A_3006, %add3A_3010 : vector<128x128xf32>
    %max3A_3012 = arith.constant 0.000000e+00 : f32
    %max3A_3013 = vector.broadcast %max3A_3012 : f32 to vector<128x128xf32>
    %max3A_3014 = arith.maximumf %add3A_3011, %max3A_3013 : vector<128x128xf32>
    %add3A_3015 = arith.addf %get3A_3001, %max3A_3014 : vector<128x128xf32>
    %get3A_3016 = arith.constant 0 : index
    %get3A_3017 = arith.constant 10624 : index
    %get3A_3018 = vector.load %arg5[%get3A_3016, %get3A_3017] : memref<256x10880xf32, #tpu.memory_space<vmem>>, vector<256x128xf32>
    %dot_general3A_3019 = arith.constant dense<0.000000e+00> : vector<128x256xf32>
    %dot_general3A_3020 = tpu.matmul %add3A_3015, %get3A_3018, %dot_general3A_3019 {dimension_numbers = #tpu.dot_dimension_numbers<[1], [1], [0], [0], [0, 0, 1, 0], [], []>, transpose_lhs_hint = false} : vector<128x128xf32>, vector<256x128xf32>, vector<128x256xf32> -> vector<128x256xf32>
    %add3A_3021 = arith.addf %add3A_2996, %dot_general3A_3020 : vector<128x256xf32>
    %get3A_3022 = arith.constant 0 : index
    %get3A_3023 = arith.constant 84 : index
    %get3A_3024 = arith.constant 0 : index
    %get3A_3025 = vector.load %arg1[%get3A_3022, %get3A_3023, %get3A_3024] : memref<128x88x128xf32, #tpu.memory_space<vmem>>, vector<128x1x128xf32>
    %get3A_3026 = vector.shape_cast %get3A_3025 : vector<128x1x128xf32> to vector<128x128xf32>
    %get3A_3027 = arith.constant 0 : index
    %get3A_3028 = arith.constant 10752 : index
    %get3A_3029 = vector.load %arg3[%get3A_3027, %get3A_3028] : memref<13x10880xf32, #tpu.memory_space<vmem>>, vector<13x128xf32>
    %dot_general3A_3030 = arith.constant dense<0.000000e+00> : vector<128x128xf32>
    %dot_general3A_3031 = tpu.matmul %get3A_1, %get3A_3029, %dot_general3A_3030 {dimension_numbers = #tpu.dot_dimension_numbers<[1], [0], [0], [1], [0, 0, 1, 1], [], []>, transpose_lhs_hint = false} : vector<128x13xf32>, vector<13x128xf32>, vector<128x128xf32> -> vector<128x128xf32>
    %get3A_3032 = arith.constant 10752 : index
    %get3A_3033 = vector.load %arg4[%get3A_3032] : memref<10880xf32, #tpu.memory_space<vmem>>, vector<128xf32>
    %broadcast_in_dim3A_3034 = vector.shape_cast %get3A_3033 : vector<128xf32> to vector<1x128xf32>
    %add3A_3035 = vector.broadcast %broadcast_in_dim3A_3034 : vector<1x128xf32> to vector<128x128xf32>
    %add3A_3036 = arith.addf %dot_general3A_3031, %add3A_3035 : vector<128x128xf32>
    %max3A_3037 = arith.constant 0.000000e+00 : f32
    %max3A_3038 = vector.broadcast %max3A_3037 : f32 to vector<128x128xf32>
    %max3A_3039 = arith.maximumf %add3A_3036, %max3A_3038 : vector<128x128xf32>
    %add3A_3040 = arith.addf %get3A_3026, %max3A_3039 : vector<128x128xf32>
    %lt3A_3041 = arith.constant 64 : i32
    %lt3A_3042 = vector.broadcast %lt3A_3041 : i32 to vector<128x128xi32>
    %lt3A_3043 = arith.cmpi slt, %iota3A, %lt3A_3042 : vector<128x128xi32>
    %jit3A_3044 = arith.constant 0.000000e+00 : f32
    %broadcast_in_dim3A_3045 = vector.broadcast %jit3A_3044 : f32 to vector<128x128xf32>
    %select_n3A_3046 = arith.select %lt3A_3043, %add3A_3040, %broadcast_in_dim3A_3045 : vector<128x128xi1>, vector<128x128xf32>
    %get3A_3047 = arith.constant 0 : index
    %get3A_3048 = arith.constant 10752 : index
    %get3A_3049 = vector.load %arg5[%get3A_3047, %get3A_3048] : memref<256x10880xf32, #tpu.memory_space<vmem>>, vector<256x128xf32>
    %dot_general3A_3050 = arith.constant dense<0.000000e+00> : vector<128x256xf32>
    %dot_general3A_3051 = tpu.matmul %select_n3A_3046, %get3A_3049, %dot_general3A_3050 {dimension_numbers = #tpu.dot_dimension_numbers<[1], [1], [0], [0], [0, 0, 1, 0], [], []>, transpose_lhs_hint = false} : vector<128x128xf32>, vector<256x128xf32>, vector<128x256xf32> -> vector<128x256xf32>
    %add3A_3052 = arith.addf %add3A_3021, %dot_general3A_3051 : vector<128x256xf32>
    %get3A_3053 = arith.constant 0 : index
    %get3A_3054 = vector.load %arg6[%get3A_3053] : memref<256xf32, #tpu.memory_space<vmem>>, vector<256xf32>
    %broadcast_in_dim3A_3055 = vector.shape_cast %get3A_3054 : vector<256xf32> to vector<1x256xf32>
    %add3A_3056 = vector.broadcast %broadcast_in_dim3A_3055 : vector<1x256xf32> to vector<128x256xf32>
    %add3A_3057 = arith.addf %add3A_3052, %add3A_3056 : vector<128x256xf32>
    %swap3A = arith.constant 0 : index
    %swap3A_3058 = arith.constant 0 : index
    %swap3A_3059 = vector.load %arg7[%swap3A, %swap3A_3058] : memref<128x256xf32, #tpu.memory_space<vmem>>, vector<128x256xf32>
    tpu.vector_store %arg7[%swap3A, %swap3A_3058], %add3A_3057 {strides = array<i32>} : memref<128x256xf32, #tpu.memory_space<vmem>>, vector<128x256xf32>,
    %broadcast_in_dim3A_3060 = vector.shape_cast %add3A_2971 : vector<128x1xf32> to vector<128x1xf32>
    %broadcast_in_dim3A_3061 = vector.broadcast %broadcast_in_dim3A_3060 : vector<128x1xf32> to vector<128x128xf32>
    %swap3A_3062 = arith.constant 0 : index
    %swap3A_3063 = arith.constant 0 : index
    %swap3A_3064 = vector.load %arg8[%swap3A_3062, %swap3A_3063] : memref<128x128xf32, #tpu.memory_space<vmem>>, vector<128x128xf32>
    tpu.vector_store %arg8[%swap3A_3062, %swap3A_3063], %broadcast_in_dim3A_3061 {strides = array<i32>} : memref<128x128xf32, #tpu.memory_space<vmem>>, vector<128x128xf32>,
    return
  }
  func.func @transform_0(%arg0: i32) -> (i32, i32, i32) {
    %c0_i32 = arith.constant 0 : i32
    %c0_i32_0 = arith.constant 0 : i32
    %c0_i32_1 = arith.constant 0 : i32
    return %arg0, %c0_i32, %c0_i32_0 : i32, i32, i32
  }
  func.func @transform_1(%arg0: i32) -> (i32, i32) {
    %c0_i32 = arith.constant 0 : i32
    %c0_i32_0 = arith.constant 0 : i32
    return %arg0, %c0_i32 : i32, i32
  }
  func.func @transform_2(%arg0: i32) -> (i32, i32) {
    %c0_i32 = arith.constant 0 : i32
    %c0_i32_0 = arith.constant 0 : i32
    %c0_i32_1 = arith.constant 0 : i32
    return %c0_i32, %c0_i32_0 : i32, i32
  }
  func.func @transform_3(%arg0: i32) -> i32 {
    %c0_i32 = arith.constant 0 : i32
    %c0_i32_0 = arith.constant 0 : i32
    return %c0_i32 : i32
  }
  func.func @transform_4(%arg0: i32) -> (i32, i32) {
    %c0_i32 = arith.constant 0 : i32
    %c0_i32_0 = arith.constant 0 : i32
    %c0_i32_1 = arith.constant 0 : i32
    return %c0_i32, %c0_i32_0 : i32, i32
  }
  func.func @transform_5(%arg0: i32) -> i32 {
    %c0_i32 = arith.constant 0 : i32
    %c0_i32_0 = arith.constant 0 : i32
    return %c0_i32 : i32
  }
  func.func @transform_6(%arg0: i32) -> (i32, i32) {
    %c0_i32 = arith.constant 0 : i32
    %c0_i32_0 = arith.constant 0 : i32
    return %arg0, %c0_i32 : i32, i32
  }
  func.func @transform_7(%arg0: i32) -> (i32, i32) {
    %c0_i32 = arith.constant 0 : i32
    %c0_i32_0 = arith.constant 0 : i32
    return %arg0, %c0_i32 : i32, i32
  }
}

module attributes {stable_mosaic.version = 14 : i64} {
  func.func @_tc2_body(%arg0: memref<1024x256xf32, #tpu.memory_space<vmem>>, %arg1: memref<1024x128xf32, #tpu.memory_space<vmem>>, %arg2: memref<1024x416xf32, #tpu.memory_space<vmem>>, %arg3: memref<1024x13xf32, #tpu.memory_space<vmem>>, %arg4: memref<1x13xf32, #tpu.memory_space<vmem>>, %arg5: memref<1xf32, #tpu.memory_space<vmem>>, %arg6: memref<1xf32, #tpu.memory_space<vmem>>, %arg7: memref<256xf32, #tpu.memory_space<vmem>>, %arg8: memref<256xf32, #tpu.memory_space<vmem>>, %arg9: memref<128x256xf32, #tpu.memory_space<vmem>>, %arg10: memref<128xf32, #tpu.memory_space<vmem>>, %arg11: memref<128xf32, #tpu.memory_space<vmem>>, %arg12: memref<128xf32, #tpu.memory_space<vmem>>, %arg13: memref<1x128xf32, #tpu.memory_space<vmem>>, %arg14: memref<1xf32, #tpu.memory_space<vmem>>, %arg15: memref<1024x1xf32, #tpu.memory_space<vmem>>) attributes {dimension_semantics = [], scalar_prefetch = 0 : i64, scratch_operands = 0 : i64, tpu.core_type = #tpu.core_type<tc>} {
    %get3A = arith.constant 0 : index
    %get3A_0 = arith.constant 0 : index
    %get3A_1 = vector.load %arg0[%get3A, %get3A_0] : memref<1024x256xf32, #tpu.memory_space<vmem>>, vector<1024x256xf32>
    %reduce_sum3A = arith.constant dense<0.000000e+00> : vector<256xf32>
    %reduce_sum3A_2 = vector.multi_reduction <add>, %get3A_1, %reduce_sum3A [0] : vector<1024x256xf32> to vector<256xf32>
    %div3A = arith.constant 1.024000e+03 : f32
    %div3A_3 = vector.broadcast %div3A : f32 to vector<256xf32>
    %div3A_4 = arith.divf %reduce_sum3A_2, %div3A_3 : vector<256xf32>
    %mul3A = arith.mulf %get3A_1, %get3A_1 : vector<1024x256xf32>
    %reduce_sum3A_5 = arith.constant dense<0.000000e+00> : vector<256xf32>
    %reduce_sum3A_6 = vector.multi_reduction <add>, %mul3A, %reduce_sum3A_5 [0] : vector<1024x256xf32> to vector<256xf32>
    %div3A_7 = arith.constant 1.024000e+03 : f32
    %div3A_8 = vector.broadcast %div3A_7 : f32 to vector<256xf32>
    %div3A_9 = arith.divf %reduce_sum3A_6, %div3A_8 : vector<256xf32>
    %mul3A_10 = arith.mulf %div3A_4, %div3A_4 : vector<256xf32>
    %sub3A = arith.subf %div3A_9, %mul3A_10 : vector<256xf32>
    %broadcast_in_dim3A = vector.shape_cast %div3A_4 : vector<256xf32> to vector<1x256xf32>
    %sub3A_11 = vector.broadcast %broadcast_in_dim3A : vector<1x256xf32> to vector<1024x256xf32>
    %sub3A_12 = arith.subf %get3A_1, %sub3A_11 : vector<1024x256xf32>
    %broadcast_in_dim3A_13 = vector.shape_cast %sub3A : vector<256xf32> to vector<1x256xf32>
    %add3A = arith.constant 9.99999974E-6 : f32
    %add3A_14 = vector.broadcast %add3A : f32 to vector<1x256xf32>
    %add3A_15 = arith.addf %broadcast_in_dim3A_13, %add3A_14 : vector<1x256xf32>
    %rsqrt3A = math.rsqrt %add3A_15 : vector<1x256xf32>
    %mul3A_16 = vector.broadcast %rsqrt3A : vector<1x256xf32> to vector<1024x256xf32>
    %mul3A_17 = arith.mulf %sub3A_12, %mul3A_16 : vector<1024x256xf32>
    %get3A_18 = arith.constant 0 : index
    %get3A_19 = vector.load %arg7[%get3A_18] : memref<256xf32, #tpu.memory_space<vmem>>, vector<256xf32>
    %broadcast_in_dim3A_20 = vector.shape_cast %get3A_19 : vector<256xf32> to vector<1x256xf32>
    %mul3A_21 = vector.broadcast %broadcast_in_dim3A_20 : vector<1x256xf32> to vector<1024x256xf32>
    %mul3A_22 = arith.mulf %mul3A_17, %mul3A_21 : vector<1024x256xf32>
    %get3A_23 = arith.constant 0 : index
    %get3A_24 = vector.load %arg8[%get3A_23] : memref<256xf32, #tpu.memory_space<vmem>>, vector<256xf32>
    %broadcast_in_dim3A_25 = vector.shape_cast %get3A_24 : vector<256xf32> to vector<1x256xf32>
    %add3A_26 = vector.broadcast %broadcast_in_dim3A_25 : vector<1x256xf32> to vector<1024x256xf32>
    %add3A_27 = arith.addf %mul3A_22, %add3A_26 : vector<1024x256xf32>
    %max3A = arith.constant 0.000000e+00 : f32
    %max3A_28 = vector.broadcast %max3A : f32 to vector<1024x256xf32>
    %max3A_29 = arith.maximumf %add3A_27, %max3A_28 : vector<1024x256xf32>
    %get3A_30 = arith.constant 0 : index
    %get3A_31 = arith.constant 0 : index
    %get3A_32 = vector.load %arg9[%get3A_30, %get3A_31] : memref<128x256xf32, #tpu.memory_space<vmem>>, vector<128x256xf32>
    %dot_general3A = arith.constant dense<0.000000e+00> : vector<1024x128xf32>
    %dot_general3A_33 = tpu.matmul %max3A_29, %get3A_32, %dot_general3A {dimension_numbers = #tpu.dot_dimension_numbers<[1], [1], [0], [0], [0, 0, 1, 0], [], []>, transpose_lhs_hint = false} : vector<1024x256xf32>, vector<128x256xf32>, vector<1024x128xf32> -> vector<1024x128xf32>
    %get3A_34 = arith.constant 0 : index
    %get3A_35 = vector.load %arg10[%get3A_34] : memref<128xf32, #tpu.memory_space<vmem>>, vector<128xf32>
    %broadcast_in_dim3A_36 = vector.shape_cast %get3A_35 : vector<128xf32> to vector<1x128xf32>
    %add3A_37 = vector.broadcast %broadcast_in_dim3A_36 : vector<1x128xf32> to vector<1024x128xf32>
    %add3A_38 = arith.addf %dot_general3A_33, %add3A_37 : vector<1024x128xf32>
    %reduce_sum3A_39 = arith.constant dense<0.000000e+00> : vector<128xf32>
    %reduce_sum3A_40 = vector.multi_reduction <add>, %add3A_38, %reduce_sum3A_39 [0] : vector<1024x128xf32> to vector<128xf32>
    %div3A_41 = arith.constant 1.024000e+03 : f32
    %div3A_42 = vector.broadcast %div3A_41 : f32 to vector<128xf32>
    %div3A_43 = arith.divf %reduce_sum3A_40, %div3A_42 : vector<128xf32>
    %mul3A_44 = arith.mulf %add3A_38, %add3A_38 : vector<1024x128xf32>
    %reduce_sum3A_45 = arith.constant dense<0.000000e+00> : vector<128xf32>
    %reduce_sum3A_46 = vector.multi_reduction <add>, %mul3A_44, %reduce_sum3A_45 [0] : vector<1024x128xf32> to vector<128xf32>
    %div3A_47 = arith.constant 1.024000e+03 : f32
    %div3A_48 = vector.broadcast %div3A_47 : f32 to vector<128xf32>
    %div3A_49 = arith.divf %reduce_sum3A_46, %div3A_48 : vector<128xf32>
    %mul3A_50 = arith.mulf %div3A_43, %div3A_43 : vector<128xf32>
    %sub3A_51 = arith.subf %div3A_49, %mul3A_50 : vector<128xf32>
    %broadcast_in_dim3A_52 = vector.shape_cast %div3A_43 : vector<128xf32> to vector<1x128xf32>
    %sub3A_53 = vector.broadcast %broadcast_in_dim3A_52 : vector<1x128xf32> to vector<1024x128xf32>
    %sub3A_54 = arith.subf %add3A_38, %sub3A_53 : vector<1024x128xf32>
    %broadcast_in_dim3A_55 = vector.shape_cast %sub3A_51 : vector<128xf32> to vector<1x128xf32>
    %add3A_56 = arith.constant 9.99999974E-6 : f32
    %add3A_57 = vector.broadcast %add3A_56 : f32 to vector<1x128xf32>
    %add3A_58 = arith.addf %broadcast_in_dim3A_55, %add3A_57 : vector<1x128xf32>
    %rsqrt3A_59 = math.rsqrt %add3A_58 : vector<1x128xf32>
    %mul3A_60 = vector.broadcast %rsqrt3A_59 : vector<1x128xf32> to vector<1024x128xf32>
    %mul3A_61 = arith.mulf %sub3A_54, %mul3A_60 : vector<1024x128xf32>
    %get3A_62 = arith.constant 0 : index
    %get3A_63 = vector.load %arg11[%get3A_62] : memref<128xf32, #tpu.memory_space<vmem>>, vector<128xf32>
    %broadcast_in_dim3A_64 = vector.shape_cast %get3A_63 : vector<128xf32> to vector<1x128xf32>
    %mul3A_65 = vector.broadcast %broadcast_in_dim3A_64 : vector<1x128xf32> to vector<1024x128xf32>
    %mul3A_66 = arith.mulf %mul3A_61, %mul3A_65 : vector<1024x128xf32>
    %get3A_67 = arith.constant 0 : index
    %get3A_68 = vector.load %arg12[%get3A_67] : memref<128xf32, #tpu.memory_space<vmem>>, vector<128xf32>
    %broadcast_in_dim3A_69 = vector.shape_cast %get3A_68 : vector<128xf32> to vector<1x128xf32>
    %add3A_70 = vector.broadcast %broadcast_in_dim3A_69 : vector<1x128xf32> to vector<1024x128xf32>
    %add3A_71 = arith.addf %mul3A_66, %add3A_70 : vector<1024x128xf32>
    %max3A_72 = arith.constant 0.000000e+00 : f32
    %max3A_73 = vector.broadcast %max3A_72 : f32 to vector<1024x128xf32>
    %max3A_74 = arith.maximumf %add3A_71, %max3A_73 : vector<1024x128xf32>
    %get3A_75 = arith.constant 0 : index
    %get3A_76 = arith.constant 0 : index
    %get3A_77 = vector.load %arg13[%get3A_75, %get3A_76] : memref<1x128xf32, #tpu.memory_space<vmem>>, vector<1x128xf32>
    %mul3A_78 = vector.broadcast %get3A_77 : vector<1x128xf32> to vector<1024x128xf32>
    %mul3A_79 = arith.mulf %max3A_74, %mul3A_78 : vector<1024x128xf32>
    %reduce_sum3A_80 = arith.constant dense<0.000000e+00> : vector<1024xf32>
    %reduce_sum3A_81 = vector.multi_reduction <add>, %mul3A_79, %reduce_sum3A_80 [1] : vector<1024x128xf32> to vector<1024xf32>
    %broadcast_in_dim3A_82 = vector.shape_cast %reduce_sum3A_81 : vector<1024xf32> to vector<1024x1xf32>
    %get3A_83 = arith.constant 0 : index
    %get3A_84 = vector.load %arg14[%get3A_83] : memref<1xf32, #tpu.memory_space<vmem>>, vector<1xf32>
    %broadcast_in_dim3A_85 = vector.shape_cast %get3A_84 : vector<1xf32> to vector<1x1xf32>
    %add3A_86 = vector.broadcast %broadcast_in_dim3A_85 : vector<1x1xf32> to vector<1024x1xf32>
    %add3A_87 = arith.addf %broadcast_in_dim3A_82, %add3A_86 : vector<1024x1xf32>
    %get3A_88 = arith.constant 0 : index
    %get3A_89 = arith.constant 0 : index
    %get3A_90 = vector.load %arg2[%get3A_88, %get3A_89] : memref<1024x416xf32, #tpu.memory_space<vmem>>, vector<1024x416xf32>
    %reduce_sum3A_91 = arith.constant dense<0.000000e+00> : vector<1024xf32>
    %reduce_sum3A_92 = vector.multi_reduction <add>, %get3A_90, %reduce_sum3A_91 [1] : vector<1024x416xf32> to vector<1024xf32>
    %broadcast_in_dim3A_93 = vector.shape_cast %reduce_sum3A_92 : vector<1024xf32> to vector<1024x1xf32>
    %get3A_94 = arith.constant 0 : index
    %get3A_95 = vector.load %arg6[%get3A_94] : memref<1xf32, #tpu.memory_space<vmem>>, vector<1xf32>
    %broadcast_in_dim3A_96 = vector.shape_cast %get3A_95 : vector<1xf32> to vector<1x1xf32>
    %add3A_97 = vector.broadcast %broadcast_in_dim3A_96 : vector<1x1xf32> to vector<1024x1xf32>
    %add3A_98 = arith.addf %broadcast_in_dim3A_93, %add3A_97 : vector<1024x1xf32>
    %get3A_99 = arith.constant 0 : index
    %get3A_100 = arith.constant 0 : index
    %get3A_101 = vector.load %arg3[%get3A_99, %get3A_100] : memref<1024x13xf32, #tpu.memory_space<vmem>>, vector<1024x13xf32>
    %get3A_102 = arith.constant 0 : index
    %get3A_103 = arith.constant 0 : index
    %get3A_104 = vector.load %arg4[%get3A_102, %get3A_103] : memref<1x13xf32, #tpu.memory_space<vmem>>, vector<1x13xf32>
    %mul3A_105 = vector.broadcast %get3A_104 : vector<1x13xf32> to vector<1024x13xf32>
    %mul3A_106 = arith.mulf %get3A_101, %mul3A_105 : vector<1024x13xf32>
    %reduce_sum3A_107 = arith.constant dense<0.000000e+00> : vector<1024xf32>
    %reduce_sum3A_108 = vector.multi_reduction <add>, %mul3A_106, %reduce_sum3A_107 [1] : vector<1024x13xf32> to vector<1024xf32>
    %broadcast_in_dim3A_109 = vector.shape_cast %reduce_sum3A_108 : vector<1024xf32> to vector<1024x1xf32>
    %add3A_110 = arith.addf %add3A_98, %broadcast_in_dim3A_109 : vector<1024x1xf32>
    %get3A_111 = arith.constant 0 : index
    %get3A_112 = vector.load %arg5[%get3A_111] : memref<1xf32, #tpu.memory_space<vmem>>, vector<1xf32>
    %broadcast_in_dim3A_113 = vector.shape_cast %get3A_112 : vector<1xf32> to vector<1x1xf32>
    %add3A_114 = vector.broadcast %broadcast_in_dim3A_113 : vector<1x1xf32> to vector<1024x1xf32>
    %add3A_115 = arith.addf %add3A_110, %add3A_114 : vector<1024x1xf32>
    %get3A_116 = arith.constant 0 : index
    %get3A_117 = arith.constant 0 : index
    %get3A_118 = vector.load %arg1[%get3A_116, %get3A_117] : memref<1024x128xf32, #tpu.memory_space<vmem>>, vector<1024x1xf32>
    %add3A_119 = arith.addf %add3A_115, %get3A_118 : vector<1024x1xf32>
    %add3A_120 = arith.addf %add3A_119, %add3A_87 : vector<1024x1xf32>
    %logistic3A = arith.negf %add3A_120 : vector<1024x1xf32>
    %logistic3A_121 = math.exp %logistic3A : vector<1024x1xf32>
    %logistic3A_122 = arith.constant 1.000000e+00 : f32
    %logistic3A_123 = vector.broadcast %logistic3A_122 : f32 to vector<1024x1xf32>
    %logistic3A_124 = arith.addf %logistic3A_123, %logistic3A_121 : vector<1024x1xf32>
    %logistic3A_125 = arith.divf %logistic3A_123, %logistic3A_124 : vector<1024x1xf32>
    %swap3A = arith.constant 0 : index
    %swap3A_126 = arith.constant 0 : index
    %swap3A_127 = vector.load %arg15[%swap3A, %swap3A_126] : memref<1024x1xf32, #tpu.memory_space<vmem>>, vector<1024x1xf32>
    tpu.vector_store %arg15[%swap3A, %swap3A_126], %logistic3A_125 {strides = array<i32>} : memref<1024x1xf32, #tpu.memory_space<vmem>>, vector<1024x1xf32>,
    return
  }
}

</mosaic_0001>

<sc_bundles>
// kernel: kernel.6.cloned.1.call-start
scs
__scs_entry_jumppad:
0x0: {  	(pc) =	sbr.rel $0x88, $3  }
0x1: {  	(tag) =	ssettag $0x0;
	lr =	simm.s32 $0x1  }
0x2: {  	[smem:$0x3F8E] =	sst lr;
	_ =	strace $0xD0000000  }
0x3: {  	_ = 	snop  }
0x4: {  	_ = 	snop  }
0x5: {  	_ = 	snop  }
0x6: {  	_ = 	snop  }
0x7: {  	_ = 	snop  }
__scs_overlays_trampoline_lowered:
0x8: {  	[smem:$0x3F9D] =	sst s0  }
0x9: {  	[smem:$0x3F9E] =	sst s1  }
0xa: {  	[smem:$0x3F9F] =	sst s2  }
0xb: {  	[smem:$0x3FA0] =	sst s3  }
0xc: {  	[smem:$0x3FA1] =	sst s4  }
0xd: {  	[smem:$0x3FA2] =	sst s5  }
0xe: {  	[smem:$0x3FA3] =	sst s6  }
0xf: {  	[smem:$0x3FA4] =	sst s7  }
0x10: {  	[smem:$0x3FA5] =	sst s8  }
0x11: {  	[smem:$0x3FA6] =	sst s9;
	s0 =	simm.s32 @!p0 $0x0  }
0x12: {  	s1 =	sld [smem:$0x3F8C];
	s0 =	simm.s32 @p0 $0x1  }
0x13: {  	[smem:$0x3FA7] =	sst s0;
	s0 =	simm.s32 @!p1 $0x0  }
0x14: {  	s2 =	sld [smem:$0x3F8B];
	s0 =	simm.s32 @p1 $0x1  }
0x15: {  	[smem:$0x3FA8] =	sst s0;
	s0 =	simm.s32 @!p2 $0x0  }
0x16: {  	s3 =	sld [smem:$0x3FDB];
	s0 =	simm.s32 @p2 $0x1  }
0x17: {  	s4 =	simm.s32 $0x1BF5;
	[smem:$0x3FAA] =	sst s0  }
0x18: {  	s0 =	sld [smem:$0x3F8D];
	_ =	swait.ge [sflag:s4], $0x0  }
0x19: {  	s7 =	sld [smem:$0x3F8E]  }
0x1a: {  	s8 =	sadd.s32 $0xFFFFE003, lr  }
0x1b: {  	s9 =	sadd.s32 $0xFFFFFEF7, lr;
	s5 =	simm.s32 $0xFFFFFFFF;
	p2 =	slt.u32 s8, $0xFFFFF086  }
0x1c: {  	p1 =	slt.u32 s9, $0xF7A;
	s5 =	simm.s32 @!p2 $0x0  }
0x1d: {  	s5 =	simm.s32 @p1 $0x1;
	p0 =	seq.s32 s7, s2  }
0x1e: {  	s7 =	smul.u32 @!p0 $0xF7A, s2;
	p2 =	seq.s32 @!p0 s5, $0x0  }
0x1f: {  	s9 =	smul.u32 $0xF7A, s1;
	s8 =	simm.s32 @!p0 $0x1BF5;
	p2 =	por !p2, p0  }
0x20: {  	[sflag:s8] =	ssyncset.s32 @!p0 $0xFFFFF086;
	s6 =	sadd.s32 @!p0 s3, s7;
	s7 =	simm.s32 @!p0 $0x108  }
0x21: {  	s3 =	sadd.s32 s3, s9;
	s6 =	sadd.s32 @!p0 $0x88, s6;
	s7 =	simm.s32 @p2 $0x1082  }
0x22: {  	[simem:s7], [sflag:s8] =	dma.local @!p0 [hbm:s6], $0xF7A  }
0x23: {  	s9 =	sor.u32 $0xD0000000, s2;
	s6 =	simm.s32 $0x108;
	_ =	swait.ge @!p0 [sflag:s8], $0x0  }
0x24: {  	s3 =	sadd.s32 $0x88, s3;
	s6 =	simm.s32 @!p1 $0x1082;
	[sflag:s4] =	ssyncset.s32 $0xFFFFF086  }
0x25: {  	[simem:s6], [sflag:s4] =	dma.local [hbm:s3], $0xF7A  }
0x26: {  	[smem:$0x3F8E] =	sst s1;
	(tag) =	ssettag s2;
	_ =	strace s9  }
0x27: {  	s1 =	sld [smem:$0x3F9E]  }
0x28: {  	s2 =	sld [smem:$0x3F9F]  }
0x29: {  	s4 =	sld [smem:$0x3FA1]  }
0x2a: {  	p0 =	seq.s32 s5, $0x0;
	s5 =	sld [smem:$0x3FA2]  }
0x2b: {  	s6 =	sld [smem:$0x3FA3]  }
0x2c: {  	s7 =	sld [smem:$0x3FA4]  }
0x2d: {  	s3 =	simm.s32 $0x108;
	s8 =	sld [smem:$0x3FA5]  }
0x2e: {  	s3 =	simm.s32 @!p0 $0x1082;
	s9 =	sld [smem:$0x3FA6]  }
0x2f: {  	lr =	sadd.s32 s0, s3;
	s0 =	sld [smem:$0x3F9D]  }
0x30: {  	s3 =	sld [smem:$0x3FA0]  }
0x31: {  	[smem:$0x3FA9] =	sst s10  }
0x32: {  	s10 =	sld [smem:$0x3FA7];
	_ =	sdelay $0x3  }
0x33: {  	p0 =	seq.s32 s10, $0x1;
	s10 =	sld [smem:$0x3FA9];
	_ =	sdelay $0x3  }
0x34: {  	[smem:$0x3FA9] =	sst s10  }
0x35: {  	s10 =	sld [smem:$0x3FA8];
	_ =	sdelay $0x3  }
0x36: {  	p1 =	seq.s32 s10, $0x1;
	s10 =	sld [smem:$0x3FA9];
	_ =	sdelay $0x3  }
0x37: {  	[smem:$0x3FA9] =	sst s10  }
0x38: {  	s10 =	sld [smem:$0x3FAA]  }
0x39: {  	_ = 	snop;
	(pc) =	sbr.ind lr, $3  }
0x3a: {  	_ = 	snop  }
0x3b: {  	_ = 	snop  }
0x3c: {  	p2 =	seq.s32 s10, $0x1;
	s10 =	sld [smem:$0x3FA9]  }
0x3d: {  	_ =	shalt  }
0x3e: {  	_ =	shalt  }
0x3f: {  	_ =	shalt  }
0x40: {  	_ =	shalt  }
0x41: {  	_ =	shalt  }
0x42: {  	_ =	shalt  }
0x43: {  	_ =	shalt  }
0x44: {  	_ =	shalt  }
0x45: {  	_ =	shalt  }
0x46: {  	_ =	shalt  }
0x47: {  	_ =	shalt  }
0x48: {  	_ =	shalt  }
0x49: {  	_ =	shalt  }
0x4a: {  	_ =	shalt  }
0x4b: {  	_ =	shalt  }
0x4c: {  	_ =	shalt  }
0x4d: {  	_ =	shalt  }
0x4e: {  	_ =	shalt  }
0x4f: {  	_ =	shalt  }
0x50: {  	_ =	shalt  }
0x51: {  	_ =	shalt  }
0x52: {  	_ =	shalt  }
0x53: {  	_ =	shalt  }
0x54: {  	_ =	shalt  }
0x55: {  	_ =	shalt  }
0x56: {  	_ =	shalt  }
0x57: {  	_ =	shalt  }
0x58: {  	_ =	shalt  }
0x59: {  	_ =	shalt  }
0x5a: {  	_ =	shalt  }
0x5b: {  	_ =	shalt  }
0x5c: {  	_ =	shalt  }
0x5d: {  	_ =	shalt  }
0x5e: {  	_ =	shalt  }
0x5f: {  	_ =	shalt  }
0x60: {  	_ =	shalt  }
0x61: {  	_ =	shalt  }
0x62: {  	_ =	shalt  }
0x63: {  	_ =	shalt  }
0x64: {  	_ =	shalt  }
0x65: {  	_ =	shalt  }
0x66: {  	_ =	shalt  }
0x67: {  	_ =	shalt  }
0x68: {  	_ =	shalt  }
0x69: {  	_ =	shalt  }
0x6a: {  	_ =	shalt  }
0x6b: {  	_ =	shalt  }
0x6c: {  	_ =	shalt  }
0x6d: {  	_ =	shalt  }
0x6e: {  	_ =	shalt  }
0x6f: {  	_ =	shalt  }
0x70: {  	_ =	shalt  }
0x71: {  	_ =	shalt  }
0x72: {  	_ =	shalt  }
0x73: {  	_ =	shalt  }
0x74: {  	_ =	shalt  }
0x75: {  	_ =	shalt  }
0x76: {  	_ =	shalt  }
0x77: {  	_ =	shalt  }
0x78: {  	_ =	shalt  }
0x79: {  	_ =	shalt  }
0x7a: {  	_ =	shalt  }
0x7b: {  	_ =	shalt  }
0x7c: {  	_ =	shalt  }
0x7d: {  	_ =	shalt  }
0x7e: {  	_ =	shalt  }
0x7f: {  	_ =	shalt  }
0x80: {  	_ =	shalt  }
0x81: {  	_ =	shalt  }
0x82: {  	_ =	shalt  }
0x83: {  	_ =	shalt  }
0x84: {  	_ =	shalt  }
0x85: {  	_ =	shalt  }
0x86: {  	_ =	shalt  }
0x87: {  	_ =	shalt  }
.Lfunc_end0:
.L_simem_size_0:
called_computation_lowered:
.L_overlay_start_0:
0x88: {  	s2 =	sld [smem:$0x3FD9]  }
0x89: {  	s3 =	sld [smem:$0x3FFE];
	_ =	sdelay $0x1  }
0x8a: {  	s1 =	srdreg.scid  }
0x8b: {  	s0 =	sand.u32 $0x1, s1  }
0x8c: {  	s16 =	sshll.u32 s0, $0xA;
	s2 =	sadd.s32 s3, s2  }
0x8d: {  	s2 =	sadd.s32 s2, s16  }
0x8e: {  	[smem:$0x3FB5] =	sst s2  }
0x8f: {  	_ = 	snop  }
0x90: {  	(tm) =	ssettm $0x1  }
0x91: {  	s17 =	sld [smem:$0x3FFB];
	_ =	sdelay $0x3  }
0x92: {  	_ =	strace s17  }
0x93: {  	s2 =	sld [smem:$0x3FFC];
	_ =	sdelay $0x3  }
0x94: {  	_ =	strace s2  }
0x95: {  	s2 =	sld [smem:$0x3FFD];
	_ =	sdelay $0x3  }
0x96: {  	_ =	strace s2  }
0x97: {  	_ =	strace $0x8FFFFFFF  }
0x98: {  	s18 =	sld [smem:$0x3FDB];
	_ =	sdelay $0x1  }
0x99: {  	s19 =	simm.s32 $_scs_section_size  }
0x9a: {  	s4 =	simm.s32 $_size__tile_overlayer_lowered;
	s5 =	simm.s32 $_tile_overlayer_lowered  }
0x9b: {  	s22 =	simm.s32 $0x1BFF;
	s21 =	sshll.u32 s5, $0x1;
	s2 =	sadd.s32 s19, s18  }
0x9c: {  	s6 =	simm.s32 $0x0;
	s20 =	sshll.u32 s4, $0x1;
	s4 =	sadd.s32 s21, s2  }
0x9d: {  	[timem:s6], [sflag:s22] =	dma.local [hbm:s4], s20  }
0x9e: {  	_ =	swait.ge [sflag:s22], s20  }
0x9f: {  	s3 =	ssub.s32 $0x0, s20;
	[sflag:s22] =	ssyncset.done $0x0  }
0xa0: {  	[sflag:s22] =	ssyncadd.s32 s3;
	_ =	sdelay $0x1  }
0xa1: {  	s23 =	simm.s32 $0x1B8B  }
0xa2: {  	_ =	swait.ge [sflag:s23], $0x1  }
0xa3: {  	[sflag:s23] =	ssyncset.done $0x0  }
0xa4: {  	s25 =	simm.s32 $0x1B8E;
	s24 =	sld [smem:$0x3FFE];
	[sflag:s23] =	ssyncadd.s32 $0xFFFFFFFF  }
0xa5: {  	s26 =	simm.s32 $execute0_lowered;
	[smem:$0x3FD2] =	sst s25  }
0xa6: {  	s4 =	sshll.u32 s26, $0x1;
	_ =	strace $0x80000046;
	[dreg:$0x1] =	wrdreg $0xFFFFFFFF  }
0xa7: {  	s28 =	simm.s32 $_size_execute0_lowered;
	s2 =	sadd.s32 s2, s4;
	[dreg:$0x0] =	wrdreg $0x0  }
0xa8: {  	s4 =	sshll.u32 s28, $0x1;
	[dreg:$0x2] =	wrdreg s2  }
0xa9: {  	[dreg:$0x3] =	wrdreg s4  }
0xaa: {  	[dreg:$0x4] =	wrdreg $0xC0  }
0xab: {  	_ =	task [dreg:s6], $0x5FFFF  }
0xac: {  	[dreg:$0x1] =	wrdreg $0xFFFFFFFF  }
0xad: {  	[dreg:$0x0] =	wrdreg $0x60  }
0xae: {  	[dreg:$0x2] =	wrdreg s24  }
0xaf: {  	[dreg:$0x3] =	wrdreg $0x9  }
0xb0: {  	_ =	task.clear_ibuf [dreg:s6], $0x4FFFF;
	_ =	strace $0x90000046  }
0xb1: {  	s29 =	simm.s32 $0x9;
	_ =	strace $0x80000048  }
0xb2: {  	_ =	swait.ge [sflag:s29], $0x1  }
0xb3: {  	[sflag:s29] =	ssyncadd.s32 $0xFFFFFFFF  }
0xb4: {  	_ =	strace $0x90000048  }
0xb5: {  	_ =	sfence  }
0xb6: {  	s30 =	sld [smem:$0x0];
	_ =	sdelay $0x2  }
0xb7: {  	s31 =	sshll.u32 s1, $0xD;
	s1 =	sshrl.u32 s1, $0x2  }
0xb8: {  	s3 =	sand.u32 $0x4000, s31;
	s1 =	sadd.s32 s1, s30  }
0xb9: {  	s0 =	sor.u32 s3, s0;
	s1 =	sshll.u32 s1, $0x11  }
0xba: {  	s0 =	sor.u32 s1, s0  }
0xbb: {  	s0 =	sadd.s32 $0x8F2B, s0  }
0xbc: {  	[sflag:s0] =	ssyncadd.remote.s32 $0x1  }
0xbd: {  	_ =	sfence.sel $0xFFFF  }
0xbe: {  	[dreg:$0x0] =	wrdreg $0xFFFFFFFF;
	(pc) =	sbr.abs _section_cstart, $3  }
0xbf: {  	[dreg:$0x1] =	wrdreg $0xFFFFFFFF  }
0xc0: {  	_ =	task.clear_ibuf [dreg:s6], $0x2FFFF;
	_ =	strace $0x9FFFFFFF  }
0xc1: {  	(tm) =	ssettm $0x7FFFFFFF  }
tec
execute0_lowered:
.L_overlay_start_1:
0x0: {  	(tag) =	ssettag $0x1  }
0x1: {  	s0 =	srdreg.scid;
	s12 =	stileid.u32  }
0x2: {  	s5 =	rddreg [dreg:$0x0];
	s0 =	sand.u32 $0x1, s0;
	s1 =	sshll.u32 s12, $0x1  }
0x3: {  	s2 =	simm.s32 $0x0;
	s15 =	smul.u32 $0x16000, s12;
	s1 =	sor.u32 s0, s1  }
0x4: {  	[smem:$0x7FF] =	sst s2;
	s28 =	sadd.s32 $0x18E00, s5;
	s3 =	smul.u32 $0x5800, s1  }
0x5: {  	s9 =	sadd.s32 $0x33800, s5;
	_ =	strace $0x80000047;
	s6 =	smul.u32 $0x68, s1  }
0x6: {  	[dreg:$0x18] =	wrdreg s28;
	s8 =	ssub.s32 $0x2, s0;
	s11 =	smul.u32 $0x3400, s1  }
0x7: {  	s1 =	smul.u32 $0x680, s1;
	s4 =	sshrl.u32 s3, $0x3;
	s3 =	sadd.s32 $0x199200, s5  }
0x8: {  	s6 =	sadd.s32 s6, s5;
	s30 =	sshrl.u32 s11, $0x3;
	s11 =	smul.u32 $0x5800, s0  }
0x9: {  	s0 =	smul.u32 $0xB000, s0;
	s7 =	sadd.s32 s4, s5;
	s6 =	sadd.s32 $0x25A00, s6  }
0xa: {  	s5 =	sadd.s32 $0x26800, s5;
	s7 =	sadd.s32 $0x2E00, s7;
	[dreg:$0x9] =	wrdreg s6  }
0xb: {  	s18 =	sadd.s32 s15, s9;
	s1 =	sadd.s32 s5, s1;
	[dreg:$0x8] =	wrdreg s7  }
0xc: {  	s31 =	sadd.s32 s5, s30;
	s0 =	sadd.s32 s0, s18;
	[dreg:$0xa] =	wrdreg s1  }
0xd: {  	s10 =	sshrl.u32 s8, $0x1;
	s6 =	sadd.s32 $0x80, s31;
	[dreg:$0x2] =	wrdreg s0  }
0xe: {  	s8 =	ssub.s32 s8, s10;
	s10 =	sadd.s32 $0x100, s31;
	[dreg:$0xb] =	wrdreg s6  }
0xf: {  	s13 =	sadd.s32 $0x180, s31;
	[dreg:$0xc] =	wrdreg s10  }
0x10: {  	s14 =	sadd.s32 $0x200, s31;
	[dreg:$0xd] =	wrdreg s13  }
0x11: {  	s29 =	simm.s32 $0x40;
	s16 =	sadd.s32 $0x280, s31;
	[dreg:$0xe] =	wrdreg s14  }
0x12: {  	s15 =	simm.s32 $0x7340;
	s17 =	sadd.s32 $0x300, s31;
	[dreg:$0xf] =	wrdreg s16  }
0x13: {  	s4 =	smul.u32 $0xB000, s12;
	s19 =	sadd.s32 $0x380, s31;
	[dreg:$0x10] =	wrdreg s17  }
0x14: {  	s12 =	simm.s32 $0x5B40;
	s20 =	sadd.s32 $0x400, s31;
	[dreg:$0x11] =	wrdreg s19  }
0x15: {  	s18 =	simm.s32 $0x9340;
	s22 =	sadd.s32 $0x480, s31;
	[dreg:$0x12] =	wrdreg s20  }
0x16: {  	s5 =	sadd.s32 s11, s4;
	s24 =	sadd.s32 $0x500, s31;
	[dreg:$0x13] =	wrdreg s22  }
0x17: {  	s26 =	sadd.s32 $0x580, s31;
	s1 =	sadd.s32 $0x600, s31;
	[dreg:$0x14] =	wrdreg s24  }
0x18: {  	s31 =	smax.u32 s8, $0x1;
	s11 =	simm.s32 $0x80;
	[dreg:$0x15] =	wrdreg s26  }
0x19: {  	s7 =	simm.s32 $0xD340;
	s8 =	simm.s32 $0xD740;
	[dreg:$0x16] =	wrdreg s1  }
0x1a: {  	s5 =	sshll.u32 s5, $0x1;
	[dreg:$0x17] =	wrdreg s31;
	s10 =	simm.s32 $0x2  }
0x1b: {  	s13 =	simm.s32 $0x6340;
	s14 =	simm.s32 $0x6B40;
	s16 =	simm.s32 $0x7B40  }
0x1c: {  	s17 =	simm.s32 $0x8340;
	s22 =	simm.s32 $0x8B40;
	s5 =	sadd.s32 s5, s9  }
0x1d: {  	s24 =	simm.s32 $0x9B40;
	s19 =	simm.s32 $0xA340;
	s21 =	sadd.s32 $0x900, s5  }
0x1e: {  	s26 =	simm.s32 $0xAB40;
	s23 =	sadd.s32 $0x700, s5;
	[dreg:$0x3] =	wrdreg s21  }
0x1f: {  	s1 =	simm.s32 $0x0;
	s25 =	sadd.s32 $0x500, s5;
	[dreg:$0x4] =	wrdreg s23  }
0x20: {  	s6 =	simm.s32 $0xCF40;
	s28 =	sadd.s32 $0x300, s5;
	[dreg:$0x5] =	wrdreg s25  }
0x21: {  	s9 =	simm.s32 $0x1;
	s30 =	sadd.s32 $0x100, s5;
	[dreg:$0x6] =	wrdreg s28  }
0x22: {  	[dreg:$0x7] =	wrdreg s30;
	s21 =	simm.s32 $0xDB40;
	s23 =	simm.s32 $0xDF40  }
.LBB2_1:
0x23: {  	[dreg:$0x19] =	wrdreg s1  }
0x24: {  	s0 =	rddreg [dreg:$0x8];
	s5 =	simm.s32 $0x3  }
0x25: {  	[tilespmem:s2], [sflag:$0x3] =	stream.linear.gather [hbm4b:s0+s2], $0x5800, $0x38;
	[tilespmem:$0xE740] =	vst v63  }
0x26: {  	_ =	swait.ge [sflag:s5], $0x5800  }
0x27: {  	[sflag:s5] =	ssyncset.done $0x0  }
0x28: {  	s4 =	simm.s32 $0x5800;
	s1 =	rddreg [dreg:$0x9];
	[sflag:s5] =	ssyncadd.s32 $0xFFFFA800  }
0x29: {  	[tilespmem:s4], [sflag:$0x3] =	stream.linear.gather [hbm4b:s1+s2], $0x340, $0x38;
	[tilespmem:$0xE740] =	vst v63  }
0x2a: {  	_ =	swait.ge [sflag:s5], $0x340  }
0x2b: {  	[sflag:s5] =	ssyncset.done $0x0  }
0x2c: {  	s20 =	simm.s32 $0xB340;
	s1 =	rddreg [dreg:$0x18];
	[sflag:s5] =	ssyncadd.s32 $0xFFFFFCC0  }
0x2d: {  	[tilespmem:s20], [sflag:$0x1] =	stream.indirect.gather [hbm4b:s1+s29], $0x10, s4, s29, $0xb8;
	[tilespmem:$0xE740] =	vst v63  }
0x2e: {  	s25 =	simm.s32 $0xB740;
	s5 =	simm.s32 $0x5840  }
0x2f: {  	[tilespmem:s25], [sflag:$0x1] =	stream.indirect.gather [hbm4b:s1+s29], $0x10, s5, s29, $0xb8;
	[tilespmem:$0xE740] =	vst v63  }
0x30: {  	s28 =	simm.s32 $0x5880;
	s25 =	simm.s32 $0xBB40  }
0x31: {  	[tilespmem:s25], [sflag:$0x1] =	stream.indirect.gather [hbm4b:s1+s29], $0x10, s28, s29, $0xb8;
	[tilespmem:$0xE740] =	vst v63  }
0x32: {  	s30 =	simm.s32 $0x58C0;
	s28 =	simm.s32 $0xBF40  }
0x33: {  	[tilespmem:s28], [sflag:$0x1] =	stream.indirect.gather [hbm4b:s1+s29], $0x10, s30, s29, $0xb8;
	[tilespmem:$0xE740] =	vst v63  }
0x34: {  	s4 =	simm.s32 $0x5900;
	s30 =	simm.s32 $0xC340  }
0x35: {  	[tilespmem:s30], [sflag:$0x1] =	stream.indirect.gather [hbm4b:s1+s29], $0x10, s4, s29, $0xb8;
	[tilespmem:$0xE740] =	vst v63  }
0x36: {  	s31 =	simm.s32 $0xC740;
	s5 =	simm.s32 $0x5940  }
0x37: {  	[tilespmem:s31], [sflag:$0x1] =	stream.indirect.gather [hbm4b:s1+s29], $0x10, s5, s29, $0xb8;
	[tilespmem:$0xE740] =	vst v63  }
0x38: {  	s4 =	simm.s32 $0x5980;
	s5 =	simm.s32 $0xCB40  }
0x39: {  	[tilespmem:s5], [sflag:$0x1] =	stream.indirect.gather [hbm4b:s1+s29], $0x10, s4, s29, $0xb8;
	[tilespmem:$0xE740] =	vst v63  }
0x3a: {  	s4 =	simm.s32 $0x59C0  }
0x3b: {  	[tilespmem:s6], [sflag:$0x1] =	stream.indirect.gather [hbm4b:s1+s29], $0x10, s4, s29, $0xb8;
	[tilespmem:$0xE740] =	vst v63  }
0x3c: {  	s4 =	simm.s32 $0x5A00  }
0x3d: {  	[tilespmem:s7], [sflag:$0x1] =	stream.indirect.gather [hbm4b:s1+s29], $0x10, s4, s29, $0xb8;
	[tilespmem:$0xE740] =	vst v63  }
0x3e: {  	s4 =	simm.s32 $0x5A40  }
0x3f: {  	[tilespmem:s8], [sflag:$0x1] =	stream.indirect.gather [hbm4b:s1+s29], $0x10, s4, s29, $0xb8;
	[tilespmem:$0xE740] =	vst v63  }
0x40: {  	s4 =	simm.s32 $0x5A80  }
0x41: {  	[tilespmem:s21], [sflag:$0x1] =	stream.indirect.gather [hbm4b:s1+s29], $0x10, s4, s29, $0xb8;
	[tilespmem:$0xE740] =	vst v63  }
0x42: {  	s4 =	simm.s32 $0x5AC0  }
0x43: {  	[tilespmem:s23], [sflag:$0x1] =	stream.indirect.gather [hbm4b:s1+s29], $0x10, s4, s29, $0xb8;
	[tilespmem:$0xE740] =	vst v63  }
0x44: {  	s0 =	simm.s32 $0x5B00;
	s4 =	simm.s32 $0xE340  }
0x45: {  	[tilespmem:s4], [sflag:$0x1] =	stream.indirect.gather [hbm4b:s1+s29], $0x10, s0, s29, $0xb8;
	[tilespmem:$0xE740] =	vst v63  }
0x46: {  	_ =	swait.ge [sflag:s9], $0x400  }
0x47: {  	[sflag:s9] =	ssyncset.done $0x0  }
0x48: {  	[sflag:s9] =	ssyncadd.s32 $0xFFFFFC00  }
0x49: {  	_ =	swait.ge [sflag:s9], $0x400  }
0x4a: {  	[sflag:s9] =	ssyncset.done $0x0  }
0x4b: {  	[sflag:s9] =	ssyncadd.s32 $0xFFFFFC00  }
0x4c: {  	_ =	swait.ge [sflag:s9], $0x400  }
0x4d: {  	[sflag:s9] =	ssyncset.done $0x0  }
0x4e: {  	[sflag:s9] =	ssyncadd.s32 $0xFFFFFC00  }
0x4f: {  	_ =	swait.ge [sflag:s9], $0x400  }
0x50: {  	[sflag:s9] =	ssyncset.done $0x0  }
0x51: {  	[sflag:s9] =	ssyncadd.s32 $0xFFFFFC00  }
0x52: {  	_ =	swait.ge [sflag:s9], $0x400  }
0x53: {  	[sflag:s9] =	ssyncset.done $0x0  }
0x54: {  	[sflag:s9] =	ssyncadd.s32 $0xFFFFFC00  }
0x55: {  	_ =	swait.ge [sflag:s9], $0x400  }
0x56: {  	[sflag:s9] =	ssyncset.done $0x0  }
0x57: {  	[sflag:s9] =	ssyncadd.s32 $0xFFFFFC00  }
0x58: {  	_ =	swait.ge [sflag:s9], $0x400  }
0x59: {  	[sflag:s9] =	ssyncset.done $0x0  }
0x5a: {  	[sflag:s9] =	ssyncadd.s32 $0xFFFFFC00  }
0x5b: {  	_ =	swait.ge [sflag:s9], $0x400  }
0x5c: {  	[sflag:s9] =	ssyncset.done $0x0  }
0x5d: {  	[sflag:s9] =	ssyncadd.s32 $0xFFFFFC00  }
0x5e: {  	_ =	swait.ge [sflag:s9], $0x400  }
0x5f: {  	[sflag:s9] =	ssyncset.done $0x0  }
0x60: {  	[sflag:s9] =	ssyncadd.s32 $0xFFFFFC00  }
0x61: {  	_ =	swait.ge [sflag:s9], $0x400  }
0x62: {  	[sflag:s9] =	ssyncset.done $0x0  }
0x63: {  	[sflag:s9] =	ssyncadd.s32 $0xFFFFFC00  }
0x64: {  	_ =	swait.ge [sflag:s9], $0x400  }
0x65: {  	[sflag:s9] =	ssyncset.done $0x0  }
0x66: {  	[sflag:s9] =	ssyncadd.s32 $0xFFFFFC00  }
0x67: {  	_ =	swait.ge [sflag:s9], $0x400  }
0x68: {  	[sflag:s9] =	ssyncset.done $0x0  }
0x69: {  	[sflag:s9] =	ssyncadd.s32 $0xFFFFFC00  }
0x6a: {  	_ =	swait.ge [sflag:s9], $0x400  }
0x6b: {  	[sflag:s9] =	ssyncset.done $0x0  }
0x6c: {  	s1 =	rddreg [dreg:$0xa];
	[sflag:s9] =	ssyncadd.s32 $0xFFFFFC00  }
0x6d: {  	[hbm4b:s1+s2] =	stream.linear.scatter [tilespmem:s20], [sflag:$0x2], $0x400, $0x38;
	[tilespmem:$0xE740] =	vst v63  }
0x6e: {  	s1 =	rddreg [dreg:$0xb];
	s20 =	simm.s32 $0xB740  }
0x6f: {  	[hbm4b:s1+s2] =	stream.linear.scatter [tilespmem:s20], [sflag:$0x2], $0x400, $0x38;
	[tilespmem:$0xE740] =	vst v63  }
0x70: {  	s20 =	rddreg [dreg:$0xc]  }
0x71: {  	[hbm4b:s20+s2] =	stream.linear.scatter [tilespmem:s25], [sflag:$0x2], $0x400, $0x38;
	[tilespmem:$0xE740] =	vst v63  }
0x72: {  	s25 =	rddreg [dreg:$0xd]  }
0x73: {  	[hbm4b:s25+s2] =	stream.linear.scatter [tilespmem:s28], [sflag:$0x2], $0x400, $0x38;
	[tilespmem:$0xE740] =	vst v63  }
0x74: {  	s28 =	rddreg [dreg:$0xe]  }
0x75: {  	[hbm4b:s28+s2] =	stream.linear.scatter [tilespmem:s30], [sflag:$0x2], $0x400, $0x38;
	[tilespmem:$0xE740] =	vst v63  }
0x76: {  	s1 =	rddreg [dreg:$0xf]  }
0x77: {  	[hbm4b:s1+s2] =	stream.linear.scatter [tilespmem:s31], [sflag:$0x2], $0x400, $0x38;
	[tilespmem:$0xE740] =	vst v63  }
0x78: {  	s20 =	rddreg [dreg:$0x10]  }
0x79: {  	[hbm4b:s20+s2] =	stream.linear.scatter [tilespmem:s5], [sflag:$0x2], $0x400, $0x38;
	[tilespmem:$0xE740] =	vst v63  }
0x7a: {  	s25 =	rddreg [dreg:$0x11]  }
0x7b: {  	[hbm4b:s25+s2] =	stream.linear.scatter [tilespmem:s6], [sflag:$0x2], $0x400, $0x38;
	[tilespmem:$0xE740] =	vst v63  }
0x7c: {  	s28 =	rddreg [dreg:$0x12]  }
0x7d: {  	[hbm4b:s28+s2] =	stream.linear.scatter [tilespmem:s7], [sflag:$0x2], $0x400, $0x38;
	[tilespmem:$0xE740] =	vst v63  }
0x7e: {  	s30 =	rddreg [dreg:$0x13]  }
0x7f: {  	[hbm4b:s30+s2] =	stream.linear.scatter [tilespmem:s8], [sflag:$0x2], $0x400, $0x38;
	[tilespmem:$0xE740] =	vst v63  }
0x80: {  	s1 =	rddreg [dreg:$0x14]  }
0x81: {  	[hbm4b:s1+s2] =	stream.linear.scatter [tilespmem:s21], [sflag:$0x2], $0x400, $0x38;
	[tilespmem:$0xE740] =	vst v63  }
0x82: {  	s5 =	rddreg [dreg:$0x15]  }
0x83: {  	[hbm4b:s5+s2] =	stream.linear.scatter [tilespmem:s23], [sflag:$0x2], $0x400, $0x38;
	[tilespmem:$0xE740] =	vst v63  }
0x84: {  	s20 =	rddreg [dreg:$0x16]  }
0x85: {  	[hbm4b:s20+s2] =	stream.linear.scatter [tilespmem:s4], [sflag:$0x2], $0x400, $0x38;
	[tilespmem:$0xE740] =	vst v63  }
0x86: {  	_ =	swait.ge [sflag:s10], $0x400  }
0x87: {  	[sflag:s10] =	ssyncset.done $0x0  }
0x88: {  	[sflag:s10] =	ssyncadd.s32 $0xFFFFFC00  }
0x89: {  	_ =	swait.ge [sflag:s10], $0x400  }
0x8a: {  	[sflag:s10] =	ssyncset.done $0x0  }
0x8b: {  	[sflag:s10] =	ssyncadd.s32 $0xFFFFFC00  }
0x8c: {  	_ =	swait.ge [sflag:s10], $0x400  }
0x8d: {  	[sflag:s10] =	ssyncset.done $0x0  }
0x8e: {  	[sflag:s10] =	ssyncadd.s32 $0xFFFFFC00  }
0x8f: {  	_ =	swait.ge [sflag:s10], $0x400  }
0x90: {  	[sflag:s10] =	ssyncset.done $0x0  }
0x91: {  	[sflag:s10] =	ssyncadd.s32 $0xFFFFFC00  }
0x92: {  	_ =	swait.ge [sflag:s10], $0x400  }
0x93: {  	[sflag:s10] =	ssyncset.done $0x0  }
0x94: {  	[sflag:s10] =	ssyncadd.s32 $0xFFFFFC00  }
0x95: {  	_ =	swait.ge [sflag:s10], $0x400  }
0x96: {  	[sflag:s10] =	ssyncset.done $0x0  }
0x97: {  	[sflag:s10] =	ssyncadd.s32 $0xFFFFFC00  }
0x98: {  	_ =	swait.ge [sflag:s10], $0x400  }
0x99: {  	[sflag:s10] =	ssyncset.done $0x0  }
0x9a: {  	[sflag:s10] =	ssyncadd.s32 $0xFFFFFC00  }
0x9b: {  	_ =	swait.ge [sflag:s10], $0x400  }
0x9c: {  	[sflag:s10] =	ssyncset.done $0x0  }
0x9d: {  	[sflag:s10] =	ssyncadd.s32 $0xFFFFFC00  }
0x9e: {  	_ =	swait.ge [sflag:s10], $0x400  }
0x9f: {  	[sflag:s10] =	ssyncset.done $0x0  }
0xa0: {  	[sflag:s10] =	ssyncadd.s32 $0xFFFFFC00  }
0xa1: {  	_ =	swait.ge [sflag:s10], $0x400  }
0xa2: {  	[sflag:s10] =	ssyncset.done $0x0  }
0xa3: {  	[sflag:s10] =	ssyncadd.s32 $0xFFFFFC00  }
0xa4: {  	_ =	swait.ge [sflag:s10], $0x400  }
0xa5: {  	[sflag:s10] =	ssyncset.done $0x0  }
0xa6: {  	[sflag:s10] =	ssyncadd.s32 $0xFFFFFC00  }
0xa7: {  	_ =	swait.ge [sflag:s10], $0x400  }
0xa8: {  	[sflag:s10] =	ssyncset.done $0x0  }
0xa9: {  	[sflag:s10] =	ssyncadd.s32 $0xFFFFFC00  }
0xaa: {  	_ =	swait.ge [sflag:s10], $0x400  }
0xab: {  	[sflag:s10] =	ssyncset.done $0x0  }
0xac: {  	s25 =	simm.s32 $0x0;
	[sflag:s10] =	ssyncadd.s32 $0xFFFFFC00  }
0xad: {  	[tilespmem:s12], [sflag:$0x1] =	stream.indirect.gather [hbm4b:s3+s11], $0x10, s25, s11, $0xb8;
	[tilespmem:$0xE740] =	vst v63  }
0xae: {  	s28 =	simm.s32 $0x80  }
0xaf: {  	[tilespmem:s13], [sflag:$0x1] =	stream.indirect.gather [hbm4b:s3+s11], $0x10, s28, s11, $0xb8;
	[tilespmem:$0xE740] =	vst v63  }
0xb0: {  	s30 =	simm.s32 $0x100  }
0xb1: {  	[tilespmem:s14], [sflag:$0x1] =	stream.indirect.gather [hbm4b:s3+s11], $0x10, s30, s11, $0xb8;
	[tilespmem:$0xE740] =	vst v63  }
0xb2: {  	s1 =	simm.s32 $0x180  }
0xb3: {  	[tilespmem:s15], [sflag:$0x1] =	stream.indirect.gather [hbm4b:s3+s11], $0x10, s1, s11, $0xb8;
	[tilespmem:$0xE740] =	vst v63  }
0xb4: {  	s4 =	simm.s32 $0x200  }
0xb5: {  	[tilespmem:s16], [sflag:$0x1] =	stream.indirect.gather [hbm4b:s3+s11], $0x10, s4, s11, $0xb8;
	[tilespmem:$0xE740] =	vst v63  }
0xb6: {  	s5 =	simm.s32 $0x280  }
0xb7: {  	[tilespmem:s17], [sflag:$0x1] =	stream.indirect.gather [hbm4b:s3+s11], $0x10, s5, s11, $0xb8;
	[tilespmem:$0xE740] =	vst v63  }
0xb8: {  	s20 =	simm.s32 $0x300  }
0xb9: {  	[tilespmem:s22], [sflag:$0x1] =	stream.indirect.gather [hbm4b:s3+s11], $0x10, s20, s11, $0xb8;
	[tilespmem:$0xE740] =	vst v63  }
0xba: {  	s25 =	simm.s32 $0x380  }
0xbb: {  	[tilespmem:s18], [sflag:$0x1] =	stream.indirect.gather [hbm4b:s3+s11], $0x10, s25, s11, $0xb8;
	[tilespmem:$0xE740] =	vst v63  }
0xbc: {  	s28 =	simm.s32 $0x400  }
0xbd: {  	[tilespmem:s24], [sflag:$0x1] =	stream.indirect.gather [hbm4b:s3+s11], $0x10, s28, s11, $0xb8;
	[tilespmem:$0xE740] =	vst v63  }
0xbe: {  	s30 =	simm.s32 $0x480  }
0xbf: {  	[tilespmem:s19], [sflag:$0x1] =	stream.indirect.gather [hbm4b:s3+s11], $0x10, s30, s11, $0xb8;
	[tilespmem:$0xE740] =	vst v63  }
0xc0: {  	s1 =	simm.s32 $0x500  }
0xc1: {  	[tilespmem:s26], [sflag:$0x1] =	stream.indirect.gather [hbm4b:s3+s11], $0x10, s1, s11, $0xb8;
	[tilespmem:$0xE740] =	vst v63  }
0xc2: {  	_ =	swait.ge [sflag:s9], $0x800  }
0xc3: {  	[sflag:s9] =	ssyncset.done $0x0  }
0xc4: {  	[sflag:s9] =	ssyncadd.s32 $0xFFFFF800  }
0xc5: {  	_ =	swait.ge [sflag:s9], $0x800  }
0xc6: {  	[sflag:s9] =	ssyncset.done $0x0  }
0xc7: {  	[sflag:s9] =	ssyncadd.s32 $0xFFFFF800  }
0xc8: {  	_ =	swait.ge [sflag:s9], $0x800  }
0xc9: {  	[sflag:s9] =	ssyncset.done $0x0  }
0xca: {  	[sflag:s9] =	ssyncadd.s32 $0xFFFFF800  }
0xcb: {  	_ =	swait.ge [sflag:s9], $0x800  }
0xcc: {  	[sflag:s9] =	ssyncset.done $0x0  }
0xcd: {  	[sflag:s9] =	ssyncadd.s32 $0xFFFFF800  }
0xce: {  	_ =	swait.ge [sflag:s9], $0x800  }
0xcf: {  	[sflag:s9] =	ssyncset.done $0x0  }
0xd0: {  	[sflag:s9] =	ssyncadd.s32 $0xFFFFF800  }
0xd1: {  	_ =	swait.ge [sflag:s9], $0x800  }
0xd2: {  	[sflag:s9] =	ssyncset.done $0x0  }
0xd3: {  	[sflag:s9] =	ssyncadd.s32 $0xFFFFF800  }
0xd4: {  	_ =	swait.ge [sflag:s9], $0x800  }
0xd5: {  	[sflag:s9] =	ssyncset.done $0x0  }
0xd6: {  	[sflag:s9] =	ssyncadd.s32 $0xFFFFF800  }
0xd7: {  	_ =	swait.ge [sflag:s9], $0x800  }
0xd8: {  	[sflag:s9] =	ssyncset.done $0x0  }
0xd9: {  	[sflag:s9] =	ssyncadd.s32 $0xFFFFF800  }
0xda: {  	_ =	swait.ge [sflag:s9], $0x800  }
0xdb: {  	[sflag:s9] =	ssyncset.done $0x0  }
0xdc: {  	[sflag:s9] =	ssyncadd.s32 $0xFFFFF800  }
0xdd: {  	_ =	swait.ge [sflag:s9], $0x800  }
0xde: {  	[sflag:s9] =	ssyncset.done $0x0  }
0xdf: {  	[sflag:s9] =	ssyncadd.s32 $0xFFFFF800  }
0xe0: {  	_ =	swait.ge [sflag:s9], $0x800  }
0xe1: {  	s4 =	rddreg [dreg:$0x2];
	[sflag:s9] =	ssyncset.done $0x0  }
0xe2: {  	s5 =	rddreg [dreg:$0x7];
	[sflag:s9] =	ssyncadd.s32 $0xFFFFF800;
	s0 =	sadd.s32 $0x0, s4  }
0xe3: {  	[hbm4b:s0+s2] =	stream.linear.scatter [tilespmem:s12], [sflag:$0x2], $0x800, $0x38;
	[tilespmem:$0xE740] =	vst v63  }
0xe4: {  	s20 =	sadd.s32 $0x0, s5  }
0xe5: {  	[hbm4b:s20+s2] =	stream.linear.scatter [tilespmem:s13], [sflag:$0x2], $0x800, $0x38;
	[tilespmem:$0xE740] =	vst v63  }
0xe6: {  	s25 =	rddreg [dreg:$0x6];
	s30 =	sadd.s32 $0x200, s0  }
0xe7: {  	[hbm4b:s30+s2] =	stream.linear.scatter [tilespmem:s14], [sflag:$0x2], $0x800, $0x38;
	[tilespmem:$0xE740] =	vst v63  }
0xe8: {  	s1 =	sadd.s32 $0x0, s25  }
0xe9: {  	[hbm4b:s1+s2] =	stream.linear.scatter [tilespmem:s15], [sflag:$0x2], $0x800, $0x38;
	[tilespmem:$0xE740] =	vst v63  }
0xea: {  	s4 =	rddreg [dreg:$0x5];
	s5 =	sadd.s32 $0x400, s0  }
0xeb: {  	[hbm4b:s5+s2] =	stream.linear.scatter [tilespmem:s16], [sflag:$0x2], $0x800, $0x38;
	[tilespmem:$0xE740] =	vst v63  }
0xec: {  	s25 =	sadd.s32 $0x0, s4  }
0xed: {  	[hbm4b:s25+s2] =	stream.linear.scatter [tilespmem:s17], [sflag:$0x2], $0x800, $0x38;
	[tilespmem:$0xE740] =	vst v63  }
0xee: {  	s30 =	rddreg [dreg:$0x4];
	s1 =	sadd.s32 $0x600, s0  }
0xef: {  	[hbm4b:s1+s2] =	stream.linear.scatter [tilespmem:s22], [sflag:$0x2], $0x800, $0x38;
	[tilespmem:$0xE740] =	vst v63  }
0xf0: {  	s4 =	sadd.s32 $0x0, s30  }
0xf1: {  	[hbm4b:s4+s2] =	stream.linear.scatter [tilespmem:s18], [sflag:$0x2], $0x800, $0x38;
	[tilespmem:$0xE740] =	vst v63  }
0xf2: {  	s5 =	rddreg [dreg:$0x3];
	s25 =	sadd.s32 $0x800, s0  }
0xf3: {  	[hbm4b:s25+s2] =	stream.linear.scatter [tilespmem:s24], [sflag:$0x2], $0x800, $0x38;
	[tilespmem:$0xE740] =	vst v63  }
0xf4: {  	s30 =	sadd.s32 $0x0, s5  }
0xf5: {  	[hbm4b:s30+s2] =	stream.linear.scatter [tilespmem:s19], [sflag:$0x2], $0x800, $0x38;
	[tilespmem:$0xE740] =	vst v63  }
0xf6: {  	s0 =	sadd.s32 $0xA00, s0  }
0xf7: {  	[hbm4b:s0+s2] =	stream.linear.scatter [tilespmem:s26], [sflag:$0x2], $0x800, $0x38;
	[tilespmem:$0xE740] =	vst v63  }
0xf8: {  	_ =	swait.ge [sflag:s10], $0x800  }
0xf9: {  	[sflag:s10] =	ssyncset.done $0x0  }
0xfa: {  	[sflag:s10] =	ssyncadd.s32 $0xFFFFF800  }
0xfb: {  	_ =	swait.ge [sflag:s10], $0x800  }
0xfc: {  	[sflag:s10] =	ssyncset.done $0x0  }
0xfd: {  	[sflag:s10] =	ssyncadd.s32 $0xFFFFF800  }
0xfe: {  	_ =	swait.ge [sflag:s10], $0x800  }
0xff: {  	[sflag:s10] =	ssyncset.done $0x0  }
0x100: {  	[sflag:s10] =	ssyncadd.s32 $0xFFFFF800  }
0x101: {  	_ =	swait.ge [sflag:s10], $0x800  }
0x102: {  	[sflag:s10] =	ssyncset.done $0x0  }
0x103: {  	[sflag:s10] =	ssyncadd.s32 $0xFFFFF800  }
0x104: {  	_ =	swait.ge [sflag:s10], $0x800  }
0x105: {  	[sflag:s10] =	ssyncset.done $0x0  }
0x106: {  	[sflag:s10] =	ssyncadd.s32 $0xFFFFF800  }
0x107: {  	_ =	swait.ge [sflag:s10], $0x800  }
0x108: {  	[sflag:s10] =	ssyncset.done $0x0  }
0x109: {  	[sflag:s10] =	ssyncadd.s32 $0xFFFFF800  }
0x10a: {  	_ =	swait.ge [sflag:s10], $0x800  }
0x10b: {  	[sflag:s10] =	ssyncset.done $0x0  }
0x10c: {  	[sflag:s10] =	ssyncadd.s32 $0xFFFFF800  }
0x10d: {  	_ =	swait.ge [sflag:s10], $0x800  }
0x10e: {  	[sflag:s10] =	ssyncset.done $0x0  }
0x10f: {  	[sflag:s10] =	ssyncadd.s32 $0xFFFFF800  }
0x110: {  	_ =	swait.ge [sflag:s10], $0x800  }
0x111: {  	[sflag:s10] =	ssyncset.done $0x0  }
0x112: {  	[sflag:s10] =	ssyncadd.s32 $0xFFFFF800  }
0x113: {  	_ =	swait.ge [sflag:s10], $0x800  }
0x114: {  	[sflag:s10] =	ssyncset.done $0x0  }
0x115: {  	[sflag:s10] =	ssyncadd.s32 $0xFFFFF800  }
0x116: {  	s31 =	simm.s32 $0xA80;
	_ =	swait.ge [sflag:s10], $0x800  }
0x117: {  	s20 =	simm.s32 $0xB00;
	s0 =	simm.s32 $0x1600;
	[sflag:s10] =	ssyncset.done $0x0  }
.LBB2_2:
0x118: {  	s28 =	sadd.s32 $0xFFFFFB00, s31;
	[sflag:s10] =	ssyncadd.s32 $0xFFFFF800  }
0x119: {  	[tilespmem:s12], [sflag:$0x1] =	stream.indirect.gather [hbm4b:s3+s11], $0x10, s28, s11, $0xb8;
	[tilespmem:$0xE740] =	vst v63  }
0x11a: {  	s1 =	sadd.s32 $0xFFFFFB80, s31  }
0x11b: {  	[tilespmem:s13], [sflag:$0x1] =	stream.indirect.gather [hbm4b:s3+s11], $0x10, s1, s11, $0xb8;
	[tilespmem:$0xE740] =	vst v63  }
0x11c: {  	s4 =	sadd.s32 $0xFFFFFC00, s31  }
0x11d: {  	[tilespmem:s14], [sflag:$0x1] =	stream.indirect.gather [hbm4b:s3+s11], $0x10, s4, s11, $0xb8;
	[tilespmem:$0xE740] =	vst v63  }
0x11e: {  	s5 =	sadd.s32 $0xFFFFFC80, s31  }
0x11f: {  	[tilespmem:s15], [sflag:$0x1] =	stream.indirect.gather [hbm4b:s3+s11], $0x10, s5, s11, $0xb8;
	[tilespmem:$0xE740] =	vst v63  }
0x120: {  	s25 =	sadd.s32 $0xFFFFFD00, s31  }
0x121: {  	[tilespmem:s16], [sflag:$0x1] =	stream.indirect.gather [hbm4b:s3+s11], $0x10, s25, s11, $0xb8;
	[tilespmem:$0xE740] =	vst v63  }
0x122: {  	s30 =	sadd.s32 $0xFFFFFD80, s31  }
0x123: {  	[tilespmem:s17], [sflag:$0x1] =	stream.indirect.gather [hbm4b:s3+s11], $0x10, s30, s11, $0xb8;
	[tilespmem:$0xE740] =	vst v63  }
0x124: {  	s4 =	sadd.s32 $0xFFFFFE00, s31  }
0x125: {  	[tilespmem:s22], [sflag:$0x1] =	stream.indirect.gather [hbm4b:s3+s11], $0x10, s4, s11, $0xb8;
	[tilespmem:$0xE740] =	vst v63  }
0x126: {  	s5 =	sadd.s32 $0xFFFFFE80, s31  }
0x127: {  	[tilespmem:s18], [sflag:$0x1] =	stream.indirect.gather [hbm4b:s3+s11], $0x10, s5, s11, $0xb8;
	[tilespmem:$0xE740] =	vst v63  }
0x128: {  	s25 =	sadd.s32 $0xFFFFFF00, s31  }
0x129: {  	[tilespmem:s24], [sflag:$0x1] =	stream.indirect.gather [hbm4b:s3+s11], $0x10, s25, s11, $0xb8;
	[tilespmem:$0xE740] =	vst v63  }
0x12a: {  	s30 =	sadd.s32 $0xFFFFFF80, s31  }
0x12b: {  	[tilespmem:s19], [sflag:$0x1] =	stream.indirect.gather [hbm4b:s3+s11], $0x10, s30, s11, $0xb8;
	[tilespmem:$0xE740] =	vst v63  }
0x12c: {  	_ = 	snop  }
0x12d: {  	[tilespmem:s26], [sflag:$0x1] =	stream.indirect.gather [hbm4b:s3+s11], $0x10, s31, s11, $0xb8;
	[tilespmem:$0xE740] =	vst v63  }
0x12e: {  	_ =	swait.ge [sflag:s9], $0x800  }
0x12f: {  	[sflag:s9] =	ssyncset.done $0x0  }
0x130: {  	[sflag:s9] =	ssyncadd.s32 $0xFFFFF800  }
0x131: {  	_ =	swait.ge [sflag:s9], $0x800  }
0x132: {  	[sflag:s9] =	ssyncset.done $0x0  }
0x133: {  	[sflag:s9] =	ssyncadd.s32 $0xFFFFF800  }
0x134: {  	_ =	swait.ge [sflag:s9], $0x800  }
0x135: {  	[sflag:s9] =	ssyncset.done $0x0  }
0x136: {  	[sflag:s9] =	ssyncadd.s32 $0xFFFFF800  }
0x137: {  	_ =	swait.ge [sflag:s9], $0x800  }
0x138: {  	[sflag:s9] =	ssyncset.done $0x0  }
0x139: {  	[sflag:s9] =	ssyncadd.s32 $0xFFFFF800  }
0x13a: {  	_ =	swait.ge [sflag:s9], $0x800  }
0x13b: {  	[sflag:s9] =	ssyncset.done $0x0  }
0x13c: {  	[sflag:s9] =	ssyncadd.s32 $0xFFFFF800  }
0x13d: {  	_ =	swait.ge [sflag:s9], $0x800  }
0x13e: {  	[sflag:s9] =	ssyncset.done $0x0  }
0x13f: {  	[sflag:s9] =	ssyncadd.s32 $0xFFFFF800  }
0x140: {  	_ =	swait.ge [sflag:s9], $0x800  }
0x141: {  	[sflag:s9] =	ssyncset.done $0x0  }
0x142: {  	[sflag:s9] =	ssyncadd.s32 $0xFFFFF800  }
0x143: {  	_ =	swait.ge [sflag:s9], $0x800  }
0x144: {  	[sflag:s9] =	ssyncset.done $0x0  }
0x145: {  	[sflag:s9] =	ssyncadd.s32 $0xFFFFF800  }
0x146: {  	_ =	swait.ge [sflag:s9], $0x800  }
0x147: {  	[sflag:s9] =	ssyncset.done $0x0  }
0x148: {  	[sflag:s9] =	ssyncadd.s32 $0xFFFFF800  }
0x149: {  	_ =	swait.ge [sflag:s9], $0x800  }
0x14a: {  	[sflag:s9] =	ssyncset.done $0x0  }
0x14b: {  	[sflag:s9] =	ssyncadd.s32 $0xFFFFF800  }
0x14c: {  	_ =	swait.ge [sflag:s9], $0x800  }
0x14d: {  	s4 =	rddreg [dreg:$0x2];
	[sflag:s9] =	ssyncset.done $0x0  }
0x14e: {  	s30 =	rddreg [dreg:$0x7];
	[sflag:s9] =	ssyncadd.s32 $0xFFFFF800;
	s1 =	sadd.s32 s20, s4  }
0x14f: {  	[hbm4b:s1+s2] =	stream.linear.scatter [tilespmem:s12], [sflag:$0x2], $0x800, $0x38;
	[tilespmem:$0xE740] =	vst v63  }
0x150: {  	s30 =	sadd.s32 s20, s30  }
0x151: {  	[hbm4b:s30+s2] =	stream.linear.scatter [tilespmem:s13], [sflag:$0x2], $0x800, $0x38;
	[tilespmem:$0xE740] =	vst v63  }
0x152: {  	s25 =	rddreg [dreg:$0x6];
	s5 =	sadd.s32 $0x200, s1  }
0x153: {  	[hbm4b:s5+s2] =	stream.linear.scatter [tilespmem:s14], [sflag:$0x2], $0x800, $0x38;
	[tilespmem:$0xE740] =	vst v63  }
0x154: {  	s25 =	sadd.s32 s20, s25  }
0x155: {  	[hbm4b:s25+s2] =	stream.linear.scatter [tilespmem:s15], [sflag:$0x2], $0x800, $0x38;
	[tilespmem:$0xE740] =	vst v63  }
0x156: {  	s4 =	rddreg [dreg:$0x5];
	s5 =	sadd.s32 $0x400, s1  }
0x157: {  	[hbm4b:s5+s2] =	stream.linear.scatter [tilespmem:s16], [sflag:$0x2], $0x800, $0x38;
	[tilespmem:$0xE740] =	vst v63  }
0x158: {  	s4 =	sadd.s32 s20, s4  }
0x159: {  	[hbm4b:s4+s2] =	stream.linear.scatter [tilespmem:s17], [sflag:$0x2], $0x800, $0x38;
	[tilespmem:$0xE740] =	vst v63  }
0x15a: {  	s5 =	rddreg [dreg:$0x4];
	s4 =	sadd.s32 $0x600, s1  }
0x15b: {  	[hbm4b:s4+s2] =	stream.linear.scatter [tilespmem:s22], [sflag:$0x2], $0x800, $0x38;
	[tilespmem:$0xE740] =	vst v63  }
0x15c: {  	s5 =	sadd.s32 s20, s5  }
0x15d: {  	[hbm4b:s5+s2] =	stream.linear.scatter [tilespmem:s18], [sflag:$0x2], $0x800, $0x38;
	[tilespmem:$0xE740] =	vst v63  }
0x15e: {  	s4 =	rddreg [dreg:$0x3];
	s5 =	sadd.s32 $0x800, s1  }
0x15f: {  	[hbm4b:s5+s2] =	stream.linear.scatter [tilespmem:s24], [sflag:$0x2], $0x800, $0x38;
	[tilespmem:$0xE740] =	vst v63  }
0x160: {  	s30 =	sadd.s32 s20, s4  }
0x161: {  	[hbm4b:s30+s2] =	stream.linear.scatter [tilespmem:s19], [sflag:$0x2], $0x800, $0x38;
	[tilespmem:$0xE740] =	vst v63  }
0x162: {  	s1 =	sadd.s32 $0xA00, s1  }
0x163: {  	[hbm4b:s1+s2] =	stream.linear.scatter [tilespmem:s26], [sflag:$0x2], $0x800, $0x38;
	[tilespmem:$0xE740] =	vst v63  }
0x164: {  	_ =	swait.ge [sflag:s10], $0x800  }
0x165: {  	[sflag:s10] =	ssyncset.done $0x0  }
0x166: {  	[sflag:s10] =	ssyncadd.s32 $0xFFFFF800  }
0x167: {  	_ =	swait.ge [sflag:s10], $0x800  }
0x168: {  	[sflag:s10] =	ssyncset.done $0x0  }
0x169: {  	[sflag:s10] =	ssyncadd.s32 $0xFFFFF800  }
0x16a: {  	_ =	swait.ge [sflag:s10], $0x800  }
0x16b: {  	[sflag:s10] =	ssyncset.done $0x0  }
0x16c: {  	[sflag:s10] =	ssyncadd.s32 $0xFFFFF800  }
0x16d: {  	_ =	swait.ge [sflag:s10], $0x800  }
0x16e: {  	[sflag:s10] =	ssyncset.done $0x0  }
0x16f: {  	[sflag:s10] =	ssyncadd.s32 $0xFFFFF800  }
0x170: {  	_ =	swait.ge [sflag:s10], $0x800  }
0x171: {  	[sflag:s10] =	ssyncset.done $0x0  }
0x172: {  	[sflag:s10] =	ssyncadd.s32 $0xFFFFF800  }
0x173: {  	_ =	swait.ge [sflag:s10], $0x800  }
0x174: {  	[sflag:s10] =	ssyncset.done $0x0  }
0x175: {  	[sflag:s10] =	ssyncadd.s32 $0xFFFFF800  }
0x176: {  	_ =	swait.ge [sflag:s10], $0x800  }
0x177: {  	[sflag:s10] =	ssyncset.done $0x0  }
0x178: {  	[sflag:s10] =	ssyncadd.s32 $0xFFFFF800  }
0x179: {  	_ =	swait.ge [sflag:s10], $0x800  }
0x17a: {  	[sflag:s10] =	ssyncset.done $0x0  }
0x17b: {  	[sflag:s10] =	ssyncadd.s32 $0xFFFFF800  }
0x17c: {  	_ =	swait.ge [sflag:s10], $0x800  }
0x17d: {  	[sflag:s10] =	ssyncset.done $0x0  }
0x17e: {  	p0 =	sne.s32 s0, $0xA500;
	[sflag:s10] =	ssyncadd.s32 $0xFFFFF800  }
.Ltmp0:
0x17f: {  	_ =	swait.ge [sflag:s10], $0x800;
	(pc) =	sbr.rel @p0 .LBB2_2-.Ltmp0, $4  }
0x180: {  	[sflag:s10] =	ssyncset.done $0x0  }
0x181: {  	[sflag:s10] =	ssyncadd.s32 $0xFFFFF800  }
0x182: {  	s28 =	smov.u32 s0;
	s0 =	sadd.s32 $0xB00, s0;
	_ =	swait.ge [sflag:s10], $0x800  }
0x183: {  	s31 =	sadd.s32 $0x580, s31;
	s20 =	smov.u32 s28;
	[sflag:s10] =	ssyncset.done $0x0  }
0x184: {  	s0 =	sadd.s32 $0xFFFFFB00, s31;
	[sflag:s10] =	ssyncadd.s32 $0xFFFFF800  }
0x185: {  	[tilespmem:s12], [sflag:$0x1] =	stream.indirect.gather [hbm4b:s3+s11], $0x10, s0, s11, $0xb8;
	[tilespmem:$0xE740] =	vst v63  }
0x186: {  	s4 =	sadd.s32 $0xFFFFFB80, s31  }
0x187: {  	[tilespmem:s13], [sflag:$0x1] =	stream.indirect.gather [hbm4b:s3+s11], $0x10, s4, s11, $0xb8;
	[tilespmem:$0xE740] =	vst v63  }
0x188: {  	s5 =	sadd.s32 $0xFFFFFC00, s31  }
0x189: {  	[tilespmem:s14], [sflag:$0x1] =	stream.indirect.gather [hbm4b:s3+s11], $0x10, s5, s11, $0xb8;
	[tilespmem:$0xE740] =	vst v63  }
0x18a: {  	s25 =	sadd.s32 $0xFFFFFC80, s31  }
0x18b: {  	[tilespmem:s15], [sflag:$0x1] =	stream.indirect.gather [hbm4b:s3+s11], $0x10, s25, s11, $0xb8;
	[tilespmem:$0xE740] =	vst v63  }
0x18c: {  	s28 =	sadd.s32 $0xFFFFFD00, s31  }
0x18d: {  	[tilespmem:s16], [sflag:$0x1] =	stream.indirect.gather [hbm4b:s3+s11], $0x10, s28, s11, $0xb8;
	[tilespmem:$0xE740] =	vst v63  }
0x18e: {  	s30 =	sadd.s32 $0xFFFFFD80, s31  }
0x18f: {  	[tilespmem:s17], [sflag:$0x1] =	stream.indirect.gather [hbm4b:s3+s11], $0x10, s30, s11, $0xb8;
	[tilespmem:$0xE740] =	vst v63  }
0x190: {  	s1 =	sadd.s32 $0xFFFFFE00, s31  }
0x191: {  	[tilespmem:s22], [sflag:$0x1] =	stream.indirect.gather [hbm4b:s3+s11], $0x10, s1, s11, $0xb8;
	[tilespmem:$0xE740] =	vst v63  }
0x192: {  	s4 =	sadd.s32 $0xFFFFFE80, s31  }
0x193: {  	[tilespmem:s18], [sflag:$0x1] =	stream.indirect.gather [hbm4b:s3+s11], $0x10, s4, s11, $0xb8;
	[tilespmem:$0xE740] =	vst v63  }
0x194: {  	s5 =	sadd.s32 $0xFFFFFF00, s31  }
0x195: {  	[tilespmem:s24], [sflag:$0x1] =	stream.indirect.gather [hbm4b:s3+s11], $0x10, s5, s11, $0xb8;
	[tilespmem:$0xE740] =	vst v63  }
0x196: {  	s25 =	sadd.s32 $0xFFFFFF80, s31  }
0x197: {  	[tilespmem:s19], [sflag:$0x1] =	stream.indirect.gather [hbm4b:s3+s11], $0x10, s25, s11, $0xb8;
	[tilespmem:$0xE740] =	vst v63  }
0x198: {  	_ = 	snop  }
0x199: {  	[tilespmem:s26], [sflag:$0x1] =	stream.indirect.gather [hbm4b:s3+s11], $0x10, s31, s11, $0xb8;
	[tilespmem:$0xE740] =	vst v63  }
0x19a: {  	_ =	swait.ge [sflag:s9], $0x800  }
0x19b: {  	[sflag:s9] =	ssyncset.done $0x0  }
0x19c: {  	[sflag:s9] =	ssyncadd.s32 $0xFFFFF800  }
0x19d: {  	_ =	swait.ge [sflag:s9], $0x800  }
0x19e: {  	[sflag:s9] =	ssyncset.done $0x0  }
0x19f: {  	[sflag:s9] =	ssyncadd.s32 $0xFFFFF800  }
0x1a0: {  	_ =	swait.ge [sflag:s9], $0x800  }
0x1a1: {  	[sflag:s9] =	ssyncset.done $0x0  }
0x1a2: {  	[sflag:s9] =	ssyncadd.s32 $0xFFFFF800  }
0x1a3: {  	_ =	swait.ge [sflag:s9], $0x800  }
0x1a4: {  	[sflag:s9] =	ssyncset.done $0x0  }
0x1a5: {  	[sflag:s9] =	ssyncadd.s32 $0xFFFFF800  }
0x1a6: {  	_ =	swait.ge [sflag:s9], $0x800  }
0x1a7: {  	[sflag:s9] =	ssyncset.done $0x0  }
0x1a8: {  	[sflag:s9] =	ssyncadd.s32 $0xFFFFF800  }
0x1a9: {  	_ =	swait.ge [sflag:s9], $0x800  }
0x1aa: {  	[sflag:s9] =	ssyncset.done $0x0  }
0x1ab: {  	[sflag:s9] =	ssyncadd.s32 $0xFFFFF800  }
0x1ac: {  	_ =	swait.ge [sflag:s9], $0x800  }
0x1ad: {  	[sflag:s9] =	ssyncset.done $0x0  }
0x1ae: {  	[sflag:s9] =	ssyncadd.s32 $0xFFFFF800  }
0x1af: {  	_ =	swait.ge [sflag:s9], $0x800  }
0x1b0: {  	[sflag:s9] =	ssyncset.done $0x0  }
0x1b1: {  	[sflag:s9] =	ssyncadd.s32 $0xFFFFF800  }
0x1b2: {  	_ =	swait.ge [sflag:s9], $0x800  }
0x1b3: {  	[sflag:s9] =	ssyncset.done $0x0  }
0x1b4: {  	[sflag:s9] =	ssyncadd.s32 $0xFFFFF800  }
0x1b5: {  	_ =	swait.ge [sflag:s9], $0x800  }
0x1b6: {  	[sflag:s9] =	ssyncset.done $0x0  }
0x1b7: {  	[sflag:s9] =	ssyncadd.s32 $0xFFFFF800  }
0x1b8: {  	_ =	swait.ge [sflag:s9], $0x800  }
0x1b9: {  	s28 =	rddreg [dreg:$0x2];
	[sflag:s9] =	ssyncset.done $0x0  }
0x1ba: {  	s1 =	rddreg [dreg:$0x7];
	[sflag:s9] =	ssyncadd.s32 $0xFFFFF800;
	s0 =	sadd.s32 s20, s28  }
0x1bb: {  	[hbm4b:s0+s2] =	stream.linear.scatter [tilespmem:s12], [sflag:$0x2], $0x800, $0x38;
	[tilespmem:$0xE740] =	vst v63  }
0x1bc: {  	s1 =	sadd.s32 s20, s1  }
0x1bd: {  	[hbm4b:s1+s2] =	stream.linear.scatter [tilespmem:s13], [sflag:$0x2], $0x800, $0x38;
	[tilespmem:$0xE740] =	vst v63  }
0x1be: {  	s25 =	rddreg [dreg:$0x6];
	s30 =	sadd.s32 $0x200, s0  }
0x1bf: {  	[hbm4b:s30+s2] =	stream.linear.scatter [tilespmem:s14], [sflag:$0x2], $0x800, $0x38;
	[tilespmem:$0xE740] =	vst v63  }
0x1c0: {  	s31 =	sadd.s32 s20, s25  }
0x1c1: {  	[hbm4b:s31+s2] =	stream.linear.scatter [tilespmem:s15], [sflag:$0x2], $0x800, $0x38;
	[tilespmem:$0xE740] =	vst v63  }
0x1c2: {  	s4 =	rddreg [dreg:$0x5];
	s5 =	sadd.s32 $0x400, s0  }
0x1c3: {  	[hbm4b:s5+s2] =	stream.linear.scatter [tilespmem:s16], [sflag:$0x2], $0x800, $0x38;
	[tilespmem:$0xE740] =	vst v63  }
0x1c4: {  	s25 =	sadd.s32 s20, s4  }
0x1c5: {  	[hbm4b:s25+s2] =	stream.linear.scatter [tilespmem:s17], [sflag:$0x2], $0x800, $0x38;
	[tilespmem:$0xE740] =	vst v63  }
0x1c6: {  	s28 =	rddreg [dreg:$0x4];
	s30 =	sadd.s32 $0x600, s0  }
0x1c7: {  	[hbm4b:s30+s2] =	stream.linear.scatter [tilespmem:s22], [sflag:$0x2], $0x800, $0x38;
	[tilespmem:$0xE740] =	vst v63  }
0x1c8: {  	s31 =	sadd.s32 s20, s28  }
0x1c9: {  	[hbm4b:s31+s2] =	stream.linear.scatter [tilespmem:s18], [sflag:$0x2], $0x800, $0x38;
	[tilespmem:$0xE740] =	vst v63  }
0x1ca: {  	s4 =	rddreg [dreg:$0x3];
	s5 =	sadd.s32 $0x800, s0  }
0x1cb: {  	[hbm4b:s5+s2] =	stream.linear.scatter [tilespmem:s24], [sflag:$0x2], $0x800, $0x38;
	[tilespmem:$0xE740] =	vst v63  }
0x1cc: {  	s28 =	sadd.s32 s20, s4  }
0x1cd: {  	[hbm4b:s28+s2] =	stream.linear.scatter [tilespmem:s19], [sflag:$0x2], $0x800, $0x38;
	[tilespmem:$0xE740] =	vst v63  }
0x1ce: {  	s0 =	sadd.s32 $0xA00, s0  }
0x1cf: {  	[hbm4b:s0+s2] =	stream.linear.scatter [tilespmem:s26], [sflag:$0x2], $0x800, $0x38;
	[tilespmem:$0xE740] =	vst v63  }
0x1d0: {  	_ =	swait.ge [sflag:s10], $0x800  }
0x1d1: {  	[sflag:s10] =	ssyncset.done $0x0  }
0x1d2: {  	[sflag:s10] =	ssyncadd.s32 $0xFFFFF800  }
0x1d3: {  	_ =	swait.ge [sflag:s10], $0x800  }
0x1d4: {  	[sflag:s10] =	ssyncset.done $0x0  }
0x1d5: {  	[sflag:s10] =	ssyncadd.s32 $0xFFFFF800  }
0x1d6: {  	_ =	swait.ge [sflag:s10], $0x800  }
0x1d7: {  	[sflag:s10] =	ssyncset.done $0x0  }
0x1d8: {  	[sflag:s10] =	ssyncadd.s32 $0xFFFFF800  }
0x1d9: {  	_ =	swait.ge [sflag:s10], $0x800  }
0x1da: {  	[sflag:s10] =	ssyncset.done $0x0  }
0x1db: {  	[sflag:s10] =	ssyncadd.s32 $0xFFFFF800  }
0x1dc: {  	_ =	swait.ge [sflag:s10], $0x800  }
0x1dd: {  	[sflag:s10] =	ssyncset.done $0x0  }
0x1de: {  	[sflag:s10] =	ssyncadd.s32 $0xFFFFF800  }
0x1df: {  	_ =	swait.ge [sflag:s10], $0x800  }
0x1e0: {  	[sflag:s10] =	ssyncset.done $0x0  }
0x1e1: {  	[sflag:s10] =	ssyncadd.s32 $0xFFFFF800  }
0x1e2: {  	_ =	swait.ge [sflag:s10], $0x800  }
0x1e3: {  	[sflag:s10] =	ssyncset.done $0x0  }
0x1e4: {  	[sflag:s10] =	ssyncadd.s32 $0xFFFFF800  }
0x1e5: {  	_ =	swait.ge [sflag:s10], $0x800  }
0x1e6: {  	[sflag:s10] =	ssyncset.done $0x0  }
0x1e7: {  	[sflag:s10] =	ssyncadd.s32 $0xFFFFF800  }
0x1e8: {  	_ =	swait.ge [sflag:s10], $0x800  }
0x1e9: {  	[sflag:s10] =	ssyncset.done $0x0  }
0x1ea: {  	[sflag:s10] =	ssyncadd.s32 $0xFFFFF800  }
0x1eb: {  	_ =	swait.ge [sflag:s10], $0x800  }
0x1ec: {  	[sflag:s10] =	ssyncset.done $0x0  }
0x1ed: {  	[sflag:s10] =	ssyncadd.s32 $0xFFFFF800  }
0x1ee: {  	_ =	swait.ge [sflag:s10], $0x800  }
0x1ef: {  	s30 =	rddreg [dreg:$0x19]  }
0x1f0: {  	s31 =	rddreg [dreg:$0x17];
	s1 =	sadd.s32 $0x1, s30  }
0x1f1: {  	p0 =	sne.s32 s1, s31  }
.Ltmp1:
0x1f2: {  	_ = 	snop;
	(pc) =	sbr.rel @p0 .LBB2_1-.Ltmp1, $3  }
0x1f3: {  	_ =	sdelay $0x1  }
0x1f4: {  	[sflag:s10] =	ssyncset.done $0x0  }
0x1f5: {  	[sflag:s10] =	ssyncadd.s32 $0xFFFFF800  }
0x1f6: {  	_ =	sfence.sel $0x180000  }
0x1f7: {  	[bflag:$0x0] =	sbarrier.arrive $0xFFFF  }
0x1f8: {  	_ =	strace $0x90000047  }
0x1f9: {  	s0 =	stileid.u32;
	[bflag:$0x2] =	sbarrier.arrive $0xFFFF  }
0x1fa: {  	p0 =	sne.s32 s0, $0x0;
	s0 =	rddreg [dreg:$0x1]  }
0x1fb: {  	s0 =	sadd.s32 @!p0 $0x100000, s0  }
0x1fc: {  	[sflag:s0] =	ssyncadd.tile.s32 @!p0 $0x1;
	_ =	shalt  }
.Lfunc_end2:
_tile_overlayer_lowered:
.L_overlay_start_2:
0x1fd: {  	(tag) =	ssettag $0x2  }
0x1fe: {  	s0 =	rddreg [dreg:$0x0];
	s2 =	stileid.u32  }
0x1ff: {  	s1 =	rddreg [dreg:$0x1];
	p0 =	sne.s32 s2, $0x0  }
0x200: {  	s3 =	rddreg [dreg:$0x2];
	[bflag:$0x3] =	sbarrier.arrive $0xFFFF;
	s2 =	simm.s32 @!p0 $0x1C03  }
0x201: {  	[timem:s3], [sflag:s2] =	dma.local @!p0 [hbm:s0], s1  }
0x202: {  	s0 =	simm.s32 @!p0 $0x3  }
0x203: {  	_ =	swait.ge @!p0 [sflag:s0], s1  }
0x204: {  	s1 =	ssub.s32 @!p0 $0x0, s1;
	[sflag:s0] =	ssyncset.done @!p0 $0x0  }
0x205: {  	[sflag:s0] =	ssyncadd.s32 @!p0 s1  }
0x206: {  	[bflag:$0x3] =	sbarrier.arrive $0xFFFF  }
0x207: {  	_ =	shalt  }

</sc_bundles>
